<compile_context>
chip_gen: v7x
topology: tpu7x:2x2x1
jax: 0.10.2.dev20260603
libtpu: 0.0.44.dev20260713+nightly
codegen_flags: <defaults>
</compile_context>

<pallas_src>
import numpy as np

import jax
import jax.numpy as jnp
from jax import lax
from jax.experimental import pallas as pl
from jax.experimental.pallas import tpu as pltpu
from jax.experimental.pallas import tpu_sc as plsc

N = 10000
E = 320000
D = 128
DH = D // 2
NC = 2
NS = 16
EPT = E // NS
CH = 80
G = 5
NG = EPT // (CH * G)
NP = NG // 2
RPS = 624
TAIL = N - NS * RPS
ZB = 78

_PERM64 = np.concatenate([np.arange(0, 32, 2), np.arange(1, 32, 2),
                          np.arange(32, 64, 2), np.arange(33, 64, 2)])
_PERM = np.concatenate([_PERM64, DH + _PERM64])


def _scale_rows(st, rows_bf, w_blk, b):
    hi_mask = jnp.full((16,), -65536, jnp.int32)

    @plsc.parallel_loop(0, CH, unroll=8)
    def body(r):
        wb = w_blk[b, r]
        for v in range(DH // 32):
            xb = rows_bf[b, r, pl.ds(v * 32, 32)]
            xi = plsc.bitcast(xb, jnp.int32)
            ev = plsc.bitcast(xi << 16, jnp.float32)
            od = plsc.bitcast(xi & hi_mask, jnp.float32)
            st[b, r, pl.ds(v * 32, 16)] = ev * wb
            st[b, r, pl.ds(v * 32 + 16, 16)] = od * wb


def _spmm_body(x_hbm, src_hbm, dst_hbm, w_hbm, out_hbm,
               srcA, dstA, wA, srcB, dstB, wB, rows_bf, st, zbuf, h_sh, sems):
    c = lax.axis_index("c")
    s = lax.axis_index("s")
    gsems = sems[0:G]
    ssems = sems[G:2 * G]
    iAsw, iAd, iBsw, iBd = sems[2 * G:2 * G + 4]

    def load_sw(g, src_buf, w_buf, sem):
        pltpu.async_copy(src_hbm.at[s, g], src_buf, sem)
        pltpu.async_copy(w_hbm.at[s, g], w_buf, sem)

    def wait_sw(src_buf, w_buf, sem):
        pltpu.make_async_copy(src_hbm.at[s, 0], src_buf, sem).wait()
        pltpu.make_async_copy(w_hbm.at[s, 0], w_buf, sem).wait()

    def load_d(g, dst_buf, sem):
        pltpu.async_copy(dst_hbm.at[s, g], dst_buf, sem)

    def wait_d(dst_buf, sem):
        pltpu.make_async_copy(dst_hbm.at[s, 0], dst_buf, sem).wait()

    def gather(src_blk, b):
        pltpu.async_copy(x_hbm.at[c].at[src_blk.at[b]], rows_bf.at[b],
                         gsems[b])

    def wait_gather(src_blk, b):
        pltpu.make_async_copy(x_hbm.at[c].at[src_blk.at[b]], rows_bf.at[b],
                              gsems[b]).wait()

    def scatter(dst_blk, b):
        pltpu.async_copy(st.at[b], h_sh.at[dst_blk.at[b]], ssems[b], add=True)

    def wait_scatter(b):
        pltpu.make_async_copy(st.at[b], h_sh.at[dstA.at[b]], ssems[b]).wait()

    load_sw(0, srcA, wA, iAsw)
    load_d(0, dstA, iAd)
    wait_sw(srcA, wA, iAsw)
    wait_d(dstA, iAd)
    for b in range(G):
        gather(srcA, b)

    zero16 = jnp.zeros((16,), jnp.float32)

    def _zrow(i, carry):
        for v in range(DH // 16):
            zbuf[i, pl.ds(v * 16, 16)] = zero16
        return carry

    lax.fori_loop(0, ZB, _zrow, 0)
    row0 = s * RPS
    for k in range(RPS // ZB):
        pltpu.sync_copy(zbuf, h_sh.at[pl.ds(row0 + k * ZB, ZB)])

    @pl.when(s == NS - 1)
    def _zero_tail():
        pltpu.sync_copy(zbuf.at[pl.ds(0, TAIL)],
                        h_sh.at[pl.ds(NS * RPS, TAIL)])

    plsc.subcore_barrier()

    def _pair(m, carry):
        g0 = 2 * m
        load_sw(g0 + 1, srcB, wB, iBsw)

        @pl.when(m > 0)
        def _dst_a_ready():
            wait_d(dstA, iAd)

        for b in range(G):
            @pl.when(m > 0)
            def _stg_free():
                wait_scatter(b)
            wait_gather(srcA, b)
            _scale_rows(st, rows_bf, wA, b)
            if b == 0:
                wait_sw(srcB, wB, iBsw)
            gather(srcB, b)
            scatter(dstA, b)

        load_d(g0 + 1, dstB, iBd)

        @pl.when(m < NP - 1)
        def _prefetch_sw_a():
            load_sw(g0 + 2, srcA, wA, iAsw)

        for b in range(G):
            wait_scatter(b)
            wait_gather(srcB, b)
            _scale_rows(st, rows_bf, wB, b)
            if b == 0:
                wait_d(dstB, iBd)

            @pl.when(m < NP - 1)
            def _next_gather():
                if b == 0:
                    wait_sw(srcA, wA, iAsw)
                gather(srcA, b)

            scatter(dstB, b)

        @pl.when(m < NP - 1)
        def _prefetch_d_a():
            load_d(g0 + 2, dstA, iAd)

        return carry

    lax.fori_loop(0, NP, _pair, 0)
    for b in range(G):
        wait_scatter(b)
    plsc.subcore_barrier()

    pltpu.sync_copy(h_sh.at[pl.ds(row0, RPS)],
                    out_hbm.at[c].at[pl.ds(row0, RPS)])

    @pl.when(s == NS - 1)
    def _write_tail():
        pltpu.sync_copy(h_sh.at[pl.ds(NS * RPS, TAIL)],
                        out_hbm.at[c].at[pl.ds(NS * RPS, TAIL)])


def _spmm(x2, src4, dst4, w4):
    mesh = plsc.VectorSubcoreMesh(core_axis_name="c", subcore_axis_name="s")

    def body(x_hbm, src_hbm, dst_hbm, w_hbm, out_hbm, srcA, dstA, wA,
             srcB, dstB, wB, rows_bf, st, zbuf, h_sh, *sems):
        _spmm_body(x_hbm, src_hbm, dst_hbm, w_hbm, out_hbm, srcA, dstA, wA,
                   srcB, dstB, wB, rows_bf, st, zbuf, h_sh, list(sems))

    f = pl.kernel(
        body,
        out_type=jax.ShapeDtypeStruct((NC, N, DH), jnp.float32),
        mesh=mesh,
        scratch_types=[
            pltpu.VMEM((G, CH), jnp.int32),
            pltpu.VMEM((G, CH), jnp.int32),
            pltpu.VMEM((G, CH, 16), jnp.float32),
            pltpu.VMEM((G, CH), jnp.int32),
            pltpu.VMEM((G, CH), jnp.int32),
            pltpu.VMEM((G, CH, 16), jnp.float32),
            pltpu.VMEM((G, CH, DH), jnp.bfloat16),
            pltpu.VMEM((G, CH, DH), jnp.float32),
            pltpu.VMEM((ZB, DH), jnp.float32),
            pltpu.VMEM_SHARED((N, DH), jnp.float32),
        ] + [pltpu.SemaphoreType.DMA] * (2 * G + 4),
        compiler_params=pltpu.CompilerParams(use_tc_tiling_on_sc=False,
                                             needs_layout_passes=False),
    )
    return f(x2, src4, dst4, w4)


def _linear_body(h0_ref, h1_ref, w_ref, b_ref, o_ref):
    h = jnp.concatenate([h0_ref[0], h1_ref[0]], axis=1)
    acc = jnp.dot(h, w_ref[...], preferred_element_type=jnp.float32)
    o_ref[...] = jnp.maximum(acc + b_ref[...], 0.0)


def _linear(h2, Wp, b):
    blk = 1000
    grid = (N // blk,)
    return pl.pallas_call(
        _linear_body,
        grid=grid,
        in_specs=[
            pl.BlockSpec((1, blk, DH), lambda i: (0, i, 0)),
            pl.BlockSpec((1, blk, DH), lambda i: (1, i, 0)),
            pl.BlockSpec((D, D), lambda i: (0, 0)),
            pl.BlockSpec((1, D), lambda i: (0, 0)),
        ],
        out_specs=pl.BlockSpec((blk, D), lambda i: (i, 0)),
        out_shape=jax.ShapeDtypeStruct((N, D), jnp.float32),
    )(h2, h2, Wp, b.reshape(1, D))


def kernel(x, edge_index, edge_weight, W, b):
    x2 = jnp.stack([x[:, :DH], x[:, DH:]]).astype(jnp.bfloat16)
    src4 = edge_index[0].reshape(NS, NG, G, CH)
    dst4 = edge_index[1].reshape(NS, NG, G, CH)
    w4 = jnp.broadcast_to(edge_weight[:, None], (E, 16)).reshape(
        NS, NG, G, CH, 16)
    h2 = _spmm(x2, src4, dst4, w4)
    return _linear(h2, W[_PERM, :], b)

# --- scband reference (transcript-rebuilt; emitter-appended) ---
"""Pipeline reference for scband-gcn-17514876633977 (READ-ONLY COPY).

The authoritative reference and input builder live on the scoring server;
editing this copy changes nothing except your own understanding.
"""

import jax, jax.numpy as jnp
import numpy as np

N = 10000
E = 320000
D = 128
FACTOR = 1.0


def setup_inputs(seed: int = 0) -> dict:
    key = jax.random.key(seed)
    k1, k2, k3, k4, k5 = jax.random.split(key, 5)
    x = jax.random.normal(k1, (N, D), dtype=jnp.float32)
    edge_index = jax.random.randint(k2, (2, E), 0, N, dtype=jnp.int32)
    edge_weight = jax.random.uniform(k3, (E,), dtype=jnp.float32)
    # Learned params for the single Linear layer in nodes=[128,128]
    W = jax.random.normal(k4, (D, D), dtype=jnp.float32) * (1.0 / np.sqrt(D))
    b = jax.random.normal(k5, (D,), dtype=jnp.float32) * 0.01
    return {"x": x, "edge_index": edge_index, "edge_weight": edge_weight, "W": W, "b": b}


def reference(x, edge_index, edge_weight, W, b):
    # GCN.forward with nodes=[128,128]: one chain iteration.
    # _propagate: h = spmm(support * factor, x, repeat=1)
    # support is a sparse [N, N] matrix in COO form (edge_index, edge_weight):
    # row = dst (output node), col = src (input node).
    src = edge_index[0]
    dst = edge_index[1]
    w = edge_weight * FACTOR
    msgs = x[src] * w[:, None]              # gather (memory-bound)
    h = jax.ops.segment_sum(msgs, dst, num_segments=N)  # scatter-add
    # chains.forward_part(h, index=0): Linear + relu (dropout rate 0.0 is identity)
    h = h @ W + b
    h = jax.nn.relu(h)
    return h

if __name__ == "__main__":
    import jax
    _d = setup_inputs()
    print(jax.jit(kernel)(*tuple(_d.values())))

</pallas_src>

<mosaic_0001>
#map = affine_map<(d0, d1) -> (0, 0, 0)>
#map1 = affine_map<(d0, d1) -> (0, 0, 0, 0)>
#map2 = affine_map<(d0, d1) -> (0, 0, 0, 0, 0)>
module attributes {stable_mosaic.version = 14 : i64} {
  func.func @body(%arg0: i32, %arg1: i32, %arg2: memref<2x10000x64xbf16, #tpu.memory_space<hbm>>, %arg3: memref<16x50x5x80xi32, #tpu.memory_space<hbm>>, %arg4: memref<16x50x5x80xi32, #tpu.memory_space<hbm>>, %arg5: memref<16x50x5x80x16xf32, #tpu.memory_space<hbm>>, %arg6: memref<2x10000x64xf32, #tpu.memory_space<hbm>>, %arg7: memref<5x80xi32, #tpu.memory_space<vmem>>, %arg8: memref<5x80xi32, #tpu.memory_space<vmem>>, %arg9: memref<5x80x16xf32, #tpu.memory_space<vmem>>, %arg10: memref<5x80xi32, #tpu.memory_space<vmem>>, %arg11: memref<5x80xi32, #tpu.memory_space<vmem>>, %arg12: memref<5x80x16xf32, #tpu.memory_space<vmem>>, %arg13: memref<5x80x64xbf16, #tpu.memory_space<vmem>>, %arg14: memref<5x80x64xf32, #tpu.memory_space<vmem>>, %arg15: memref<78x64xf32, #tpu.memory_space<vmem>>, %arg16: memref<10000x64xf32, #tpu.memory_space<vmem_shared>>, %arg17: memref<!tpu.dma_semaphore, #tpu.memory_space<semaphore_mem>>, %arg18: memref<!tpu.dma_semaphore, #tpu.memory_space<semaphore_mem>>, %arg19: memref<!tpu.dma_semaphore, #tpu.memory_space<semaphore_mem>>, %arg20: memref<!tpu.dma_semaphore, #tpu.memory_space<semaphore_mem>>, %arg21: memref<!tpu.dma_semaphore, #tpu.memory_space<semaphore_mem>>, %arg22: memref<!tpu.dma_semaphore, #tpu.memory_space<semaphore_mem>>, %arg23: memref<!tpu.dma_semaphore, #tpu.memory_space<semaphore_mem>>, %arg24: memref<!tpu.dma_semaphore, #tpu.memory_space<semaphore_mem>>, %arg25: memref<!tpu.dma_semaphore, #tpu.memory_space<semaphore_mem>>, %arg26: memref<!tpu.dma_semaphore, #tpu.memory_space<semaphore_mem>>, %arg27: memref<!tpu.dma_semaphore, #tpu.memory_space<semaphore_mem>>, %arg28: memref<!tpu.dma_semaphore, #tpu.memory_space<semaphore_mem>>, %arg29: memref<!tpu.dma_semaphore, #tpu.memory_space<semaphore_mem>>, %arg30: memref<!tpu.dma_semaphore, #tpu.memory_space<semaphore_mem>>) attributes {dimension_semantics = [#tpu.dimension_semantics<core_parallel>, #tpu.dimension_semantics<subcore_parallel>], iteration_bounds = array<i64: 2, 16>, scalar_prefetch = 0 : i64, scratch_operands = 24 : i64, tpu.core_type = #tpu.core_type<sc_vector_subcore>, window_params = [{transform_indices = #map}, {transform_indices = #map1}, {transform_indices = #map1}, {transform_indices = #map2}, {transform_indices = #map}]} {
    %dma_start3A = arith.constant 0 : i32
    %dma_start3A_0 = arith.constant 0 : i32
    %dma_start3A_1 = arith.constant 0 : i32
    %dma_start3A_2 = tpu.memref_slice %arg3[%arg1, %dma_start3A, %dma_start3A_0, %dma_start3A_1] : memref<16x50x5x80xi32, #tpu.memory_space<hbm>> -> memref<1x1x5x80xi32, #tpu.memory_space<hbm>>
    %dma_start3A_3 = tpu.memref_squeeze %dma_start3A_2 : memref<1x1x5x80xi32, #tpu.memory_space<hbm>> -> memref<5x80xi32, #tpu.memory_space<hbm>>
    %dma_start3A_4 = arith.constant 0 : i32
    %dma_start3A_5 = arith.constant 0 : i32
    %dma_start3A_6 = tpu.memref_slice %arg3[%arg1, %dma_start3A, %dma_start3A_4, %dma_start3A_5] : memref<16x50x5x80xi32, #tpu.memory_space<hbm>> -> memref<1x1x5x80xi32, #tpu.memory_space<hbm>>
    %dma_start3A_7 = tpu.memref_squeeze %dma_start3A_6 : memref<1x1x5x80xi32, #tpu.memory_space<hbm>> -> memref<5x80xi32, #tpu.memory_space<hbm>>
    tpu.enqueue_dma source(%dma_start3A_7 : memref<5x80xi32, #tpu.memory_space<hbm>>) target(%arg7 : memref<5x80xi32, #tpu.memory_space<vmem>>) target_semaphore(%arg27 : memref<!tpu.dma_semaphore, #tpu.memory_space<semaphore_mem>>)
    %dma_start3A_8 = arith.constant 0 : i32
    %dma_start3A_9 = arith.constant 0 : i32
    %dma_start3A_10 = arith.constant 0 : i32
    %dma_start3A_11 = arith.constant 0 : i32
    %dma_start3A_12 = tpu.memref_slice %arg5[%arg1, %dma_start3A_8, %dma_start3A_9, %dma_start3A_10, %dma_start3A_11] : memref<16x50x5x80x16xf32, #tpu.memory_space<hbm>> -> memref<1x1x5x80x16xf32, #tpu.memory_space<hbm>>
    %dma_start3A_13 = tpu.memref_squeeze %dma_start3A_12 : memref<1x1x5x80x16xf32, #tpu.memory_space<hbm>> -> memref<5x80x16xf32, #tpu.memory_space<hbm>>
    %dma_start3A_14 = arith.constant 0 : i32
    %dma_start3A_15 = arith.constant 0 : i32
    %dma_start3A_16 = arith.constant 0 : i32
    %dma_start3A_17 = tpu.memref_slice %arg5[%arg1, %dma_start3A_8, %dma_start3A_14, %dma_start3A_15, %dma_start3A_16] : memref<16x50x5x80x16xf32, #tpu.memory_space<hbm>> -> memref<1x1x5x80x16xf32, #tpu.memory_space<hbm>>
    %dma_start3A_18 = tpu.memref_squeeze %dma_start3A_17 : memref<1x1x5x80x16xf32, #tpu.memory_space<hbm>> -> memref<5x80x16xf32, #tpu.memory_space<hbm>>
    tpu.enqueue_dma source(%dma_start3A_18 : memref<5x80x16xf32, #tpu.memory_space<hbm>>) target(%arg9 : memref<5x80x16xf32, #tpu.memory_space<vmem>>) target_semaphore(%arg27 : memref<!tpu.dma_semaphore, #tpu.memory_space<semaphore_mem>>)
    %dma_start3A_19 = arith.constant 0 : i32
    %dma_start3A_20 = arith.constant 0 : i32
    %dma_start3A_21 = arith.constant 0 : i32
    %dma_start3A_22 = tpu.memref_slice %arg4[%arg1, %dma_start3A_19, %dma_start3A_20, %dma_start3A_21] : memref<16x50x5x80xi32, #tpu.memory_space<hbm>> -> memref<1x1x5x80xi32, #tpu.memory_space<hbm>>
    %dma_start3A_23 = tpu.memref_squeeze %dma_start3A_22 : memref<1x1x5x80xi32, #tpu.memory_space<hbm>> -> memref<5x80xi32, #tpu.memory_space<hbm>>
    %dma_start3A_24 = arith.constant 0 : i32
    %dma_start3A_25 = arith.constant 0 : i32
    %dma_start3A_26 = tpu.memref_slice %arg4[%arg1, %dma_start3A_19, %dma_start3A_24, %dma_start3A_25] : memref<16x50x5x80xi32, #tpu.memory_space<hbm>> -> memref<1x1x5x80xi32, #tpu.memory_space<hbm>>
    %dma_start3A_27 = tpu.memref_squeeze %dma_start3A_26 : memref<1x1x5x80xi32, #tpu.memory_space<hbm>> -> memref<5x80xi32, #tpu.memory_space<hbm>>
    tpu.enqueue_dma source(%dma_start3A_27 : memref<5x80xi32, #tpu.memory_space<hbm>>) target(%arg8 : memref<5x80xi32, #tpu.memory_space<vmem>>) target_semaphore(%arg28 : memref<!tpu.dma_semaphore, #tpu.memory_space<semaphore_mem>>)
    %dma_wait3A = arith.constant 0 : i32
    %dma_wait3A_28 = arith.constant 0 : i32
    %dma_wait3A_29 = arith.constant 0 : i32
    %dma_wait3A_30 = tpu.memref_slice %arg3[%arg1, %dma_wait3A, %dma_wait3A_28, %dma_wait3A_29] : memref<16x50x5x80xi32, #tpu.memory_space<hbm>> -> memref<1x1x5x80xi32, #tpu.memory_space<hbm>>
    %dma_wait3A_31 = tpu.memref_squeeze %dma_wait3A_30 : memref<1x1x5x80xi32, #tpu.memory_space<hbm>> -> memref<5x80xi32, #tpu.memory_space<hbm>>
    %dma_wait3A_32 = arith.constant 0 : i32
    %dma_wait3A_33 = arith.constant 0 : i32
    %dma_wait3A_34 = tpu.memref_slice %arg3[%arg1, %dma_wait3A, %dma_wait3A_32, %dma_wait3A_33] : memref<16x50x5x80xi32, #tpu.memory_space<hbm>> -> memref<1x1x5x80xi32, #tpu.memory_space<hbm>>
    %dma_wait3A_35 = tpu.memref_squeeze %dma_wait3A_34 : memref<1x1x5x80xi32, #tpu.memory_space<hbm>> -> memref<5x80xi32, #tpu.memory_space<hbm>>
    tpu.wait_dma2 semaphore(%arg27 : memref<!tpu.dma_semaphore, #tpu.memory_space<semaphore_mem>>) src(%dma_wait3A_35 : memref<5x80xi32, #tpu.memory_space<hbm>>) dst(%arg7 : memref<5x80xi32, #tpu.memory_space<vmem>>)
    %dma_wait3A_36 = arith.constant 0 : i32
    %dma_wait3A_37 = arith.constant 0 : i32
    %dma_wait3A_38 = arith.constant 0 : i32
    %dma_wait3A_39 = arith.constant 0 : i32
    %dma_wait3A_40 = tpu.memref_slice %arg5[%arg1, %dma_wait3A_36, %dma_wait3A_37, %dma_wait3A_38, %dma_wait3A_39] : memref<16x50x5x80x16xf32, #tpu.memory_space<hbm>> -> memref<1x1x5x80x16xf32, #tpu.memory_space<hbm>>
    %dma_wait3A_41 = tpu.memref_squeeze %dma_wait3A_40 : memref<1x1x5x80x16xf32, #tpu.memory_space<hbm>> -> memref<5x80x16xf32, #tpu.memory_space<hbm>>
    %dma_wait3A_42 = arith.constant 0 : i32
    %dma_wait3A_43 = arith.constant 0 : i32
    %dma_wait3A_44 = arith.constant 0 : i32
    %dma_wait3A_45 = tpu.memref_slice %arg5[%arg1, %dma_wait3A_36, %dma_wait3A_42, %dma_wait3A_43, %dma_wait3A_44] : memref<16x50x5x80x16xf32, #tpu.memory_space<hbm>> -> memref<1x1x5x80x16xf32, #tpu.memory_space<hbm>>
    %dma_wait3A_46 = tpu.memref_squeeze %dma_wait3A_45 : memref<1x1x5x80x16xf32, #tpu.memory_space<hbm>> -> memref<5x80x16xf32, #tpu.memory_space<hbm>>
    tpu.wait_dma2 semaphore(%arg27 : memref<!tpu.dma_semaphore, #tpu.memory_space<semaphore_mem>>) src(%dma_wait3A_46 : memref<5x80x16xf32, #tpu.memory_space<hbm>>) dst(%arg9 : memref<5x80x16xf32, #tpu.memory_space<vmem>>)
    %dma_wait3A_47 = arith.constant 0 : i32
    %dma_wait3A_48 = arith.constant 0 : i32
    %dma_wait3A_49 = arith.constant 0 : i32
    %dma_wait3A_50 = tpu.memref_slice %arg4[%arg1, %dma_wait3A_47, %dma_wait3A_48, %dma_wait3A_49] : memref<16x50x5x80xi32, #tpu.memory_space<hbm>> -> memref<1x1x5x80xi32, #tpu.memory_space<hbm>>
    %dma_wait3A_51 = tpu.memref_squeeze %dma_wait3A_50 : memref<1x1x5x80xi32, #tpu.memory_space<hbm>> -> memref<5x80xi32, #tpu.memory_space<hbm>>
    %dma_wait3A_52 = arith.constant 0 : i32
    %dma_wait3A_53 = arith.constant 0 : i32
    %dma_wait3A_54 = tpu.memref_slice %arg4[%arg1, %dma_wait3A_47, %dma_wait3A_52, %dma_wait3A_53] : memref<16x50x5x80xi32, #tpu.memory_space<hbm>> -> memref<1x1x5x80xi32, #tpu.memory_space<hbm>>
    %dma_wait3A_55 = tpu.memref_squeeze %dma_wait3A_54 : memref<1x1x5x80xi32, #tpu.memory_space<hbm>> -> memref<5x80xi32, #tpu.memory_space<hbm>>
    tpu.wait_dma2 semaphore(%arg28 : memref<!tpu.dma_semaphore, #tpu.memory_space<semaphore_mem>>) src(%dma_wait3A_55 : memref<5x80xi32, #tpu.memory_space<hbm>>) dst(%arg8 : memref<5x80xi32, #tpu.memory_space<vmem>>)
    %dma_start3A_56 = arith.constant 0 : i32
    %dma_start3A_57 = arith.constant 0 : i32
    %dma_start3A_58 = arith.constant 0 : i32
    %dma_start3A_59 = arith.constant 0 : i32
    %dma_start3A_60 = tpu.memref_slice %arg13[%dma_start3A_57, %dma_start3A_58, %dma_start3A_59] : memref<5x80x64xbf16, #tpu.memory_space<vmem>> -> memref<1x80x64xbf16, #tpu.memory_space<vmem>>
    %dma_start3A_61 = tpu.memref_squeeze %dma_start3A_60 : memref<1x80x64xbf16, #tpu.memory_space<vmem>> -> memref<80x64xbf16, #tpu.memory_space<vmem>>
    %dma_start3A_62 = arith.constant 0 : i32
    %dma_start3A_63 = tpu.memref_slice %arg7[%dma_start3A_56, %dma_start3A_62] : memref<5x80xi32, #tpu.memory_space<vmem>> -> memref<1x80xi32, #tpu.memory_space<vmem>>
    %dma_start3A_64 = tpu.memref_squeeze %dma_start3A_63 : memref<1x80xi32, #tpu.memory_space<vmem>> -> memref<80xi32, #tpu.memory_space<vmem>>
    %dma_start3A_65 = arith.constant 0 : i32
    %dma_start3A_66 = arith.constant 0 : i32
    %dma_start3A_67 = tpu.memref_slice %arg2[%arg0, %dma_start3A_65, %dma_start3A_66] : memref<2x10000x64xbf16, #tpu.memory_space<hbm>> -> memref<1x10000x64xbf16, #tpu.memory_space<hbm>>
    %dma_start3A_68 = tpu.memref_squeeze %dma_start3A_67 : memref<1x10000x64xbf16, #tpu.memory_space<hbm>> -> memref<10000x64xbf16, #tpu.memory_space<hbm>>
    %dma_start3A_69 = arith.constant 0 : i32
    %dma_start3A_70 = arith.constant 0 : i32
    %dma_start3A_71 = tpu.memref_slice %dma_start3A_68[%dma_start3A_69, %dma_start3A_70] : memref<10000x64xbf16, #tpu.memory_space<hbm>> -> memref<10000x64xbf16, #tpu.memory_space<hbm>>
    tpu.enqueue_indirect_dma source(%dma_start3A_71 : memref<10000x64xbf16, #tpu.memory_space<hbm>>) target(%dma_start3A_61 : memref<80x64xbf16, #tpu.memory_space<vmem>>) offsets(%dma_start3A_64 : memref<80xi32, #tpu.memory_space<vmem>>) semaphore(%arg17 : memref<!tpu.dma_semaphore, #tpu.memory_space<semaphore_mem>>)
    %dma_start3A_72 = arith.constant 1 : i32
    %dma_start3A_73 = arith.constant 1 : i32
    %dma_start3A_74 = arith.constant 0 : i32
    %dma_start3A_75 = arith.constant 0 : i32
    %dma_start3A_76 = tpu.memref_slice %arg13[%dma_start3A_73, %dma_start3A_74, %dma_start3A_75] : memref<5x80x64xbf16, #tpu.memory_space<vmem>> -> memref<1x80x64xbf16, #tpu.memory_space<vmem>>
    %dma_start3A_77 = tpu.memref_squeeze %dma_start3A_76 : memref<1x80x64xbf16, #tpu.memory_space<vmem>> -> memref<80x64xbf16, #tpu.memory_space<vmem>>
    %dma_start3A_78 = arith.constant 0 : i32
    %dma_start3A_79 = tpu.memref_slice %arg7[%dma_start3A_72, %dma_start3A_78] : memref<5x80xi32, #tpu.memory_space<vmem>> -> memref<1x80xi32, #tpu.memory_space<vmem>>
    %dma_start3A_80 = tpu.memref_squeeze %dma_start3A_79 : memref<1x80xi32, #tpu.memory_space<vmem>> -> memref<80xi32, #tpu.memory_space<vmem>>
    %dma_start3A_81 = arith.constant 0 : i32
    %dma_start3A_82 = arith.constant 0 : i32
    %dma_start3A_83 = tpu.memref_slice %arg2[%arg0, %dma_start3A_81, %dma_start3A_82] : memref<2x10000x64xbf16, #tpu.memory_space<hbm>> -> memref<1x10000x64xbf16, #tpu.memory_space<hbm>>
    %dma_start3A_84 = tpu.memref_squeeze %dma_start3A_83 : memref<1x10000x64xbf16, #tpu.memory_space<hbm>> -> memref<10000x64xbf16, #tpu.memory_space<hbm>>
    %dma_start3A_85 = arith.constant 0 : i32
    %dma_start3A_86 = arith.constant 0 : i32
    %dma_start3A_87 = tpu.memref_slice %dma_start3A_84[%dma_start3A_85, %dma_start3A_86] : memref<10000x64xbf16, #tpu.memory_space<hbm>> -> memref<10000x64xbf16, #tpu.memory_space<hbm>>
    tpu.enqueue_indirect_dma source(%dma_start3A_87 : memref<10000x64xbf16, #tpu.memory_space<hbm>>) target(%dma_start3A_77 : memref<80x64xbf16, #tpu.memory_space<vmem>>) offsets(%dma_start3A_80 : memref<80xi32, #tpu.memory_space<vmem>>) semaphore(%arg18 : memref<!tpu.dma_semaphore, #tpu.memory_space<semaphore_mem>>)
    %dma_start3A_88 = arith.constant 2 : i32
    %dma_start3A_89 = arith.constant 2 : i32
    %dma_start3A_90 = arith.constant 0 : i32
    %dma_start3A_91 = arith.constant 0 : i32
    %dma_start3A_92 = tpu.memref_slice %arg13[%dma_start3A_89, %dma_start3A_90, %dma_start3A_91] : memref<5x80x64xbf16, #tpu.memory_space<vmem>> -> memref<1x80x64xbf16, #tpu.memory_space<vmem>>
    %dma_start3A_93 = tpu.memref_squeeze %dma_start3A_92 : memref<1x80x64xbf16, #tpu.memory_space<vmem>> -> memref<80x64xbf16, #tpu.memory_space<vmem>>
    %dma_start3A_94 = arith.constant 0 : i32
    %dma_start3A_95 = tpu.memref_slice %arg7[%dma_start3A_88, %dma_start3A_94] : memref<5x80xi32, #tpu.memory_space<vmem>> -> memref<1x80xi32, #tpu.memory_space<vmem>>
    %dma_start3A_96 = tpu.memref_squeeze %dma_start3A_95 : memref<1x80xi32, #tpu.memory_space<vmem>> -> memref<80xi32, #tpu.memory_space<vmem>>
    %dma_start3A_97 = arith.constant 0 : i32
    %dma_start3A_98 = arith.constant 0 : i32
    %dma_start3A_99 = tpu.memref_slice %arg2[%arg0, %dma_start3A_97, %dma_start3A_98] : memref<2x10000x64xbf16, #tpu.memory_space<hbm>> -> memref<1x10000x64xbf16, #tpu.memory_space<hbm>>
    %dma_start3A_100 = tpu.memref_squeeze %dma_start3A_99 : memref<1x10000x64xbf16, #tpu.memory_space<hbm>> -> memref<10000x64xbf16, #tpu.memory_space<hbm>>
    %dma_start3A_101 = arith.constant 0 : i32
    %dma_start3A_102 = arith.constant 0 : i32
    %dma_start3A_103 = tpu.memref_slice %dma_start3A_100[%dma_start3A_101, %dma_start3A_102] : memref<10000x64xbf16, #tpu.memory_space<hbm>> -> memref<10000x64xbf16, #tpu.memory_space<hbm>>
    tpu.enqueue_indirect_dma source(%dma_start3A_103 : memref<10000x64xbf16, #tpu.memory_space<hbm>>) target(%dma_start3A_93 : memref<80x64xbf16, #tpu.memory_space<vmem>>) offsets(%dma_start3A_96 : memref<80xi32, #tpu.memory_space<vmem>>) semaphore(%arg19 : memref<!tpu.dma_semaphore, #tpu.memory_space<semaphore_mem>>)
    %dma_start3A_104 = arith.constant 3 : i32
    %dma_start3A_105 = arith.constant 3 : i32
    %dma_start3A_106 = arith.constant 0 : i32
    %dma_start3A_107 = arith.constant 0 : i32
    %dma_start3A_108 = tpu.memref_slice %arg13[%dma_start3A_105, %dma_start3A_106, %dma_start3A_107] : memref<5x80x64xbf16, #tpu.memory_space<vmem>> -> memref<1x80x64xbf16, #tpu.memory_space<vmem>>
    %dma_start3A_109 = tpu.memref_squeeze %dma_start3A_108 : memref<1x80x64xbf16, #tpu.memory_space<vmem>> -> memref<80x64xbf16, #tpu.memory_space<vmem>>
    %dma_start3A_110 = arith.constant 0 : i32
    %dma_start3A_111 = tpu.memref_slice %arg7[%dma_start3A_104, %dma_start3A_110] : memref<5x80xi32, #tpu.memory_space<vmem>> -> memref<1x80xi32, #tpu.memory_space<vmem>>
    %dma_start3A_112 = tpu.memref_squeeze %dma_start3A_111 : memref<1x80xi32, #tpu.memory_space<vmem>> -> memref<80xi32, #tpu.memory_space<vmem>>
    %dma_start3A_113 = arith.constant 0 : i32
    %dma_start3A_114 = arith.constant 0 : i32
    %dma_start3A_115 = tpu.memref_slice %arg2[%arg0, %dma_start3A_113, %dma_start3A_114] : memref<2x10000x64xbf16, #tpu.memory_space<hbm>> -> memref<1x10000x64xbf16, #tpu.memory_space<hbm>>
    %dma_start3A_116 = tpu.memref_squeeze %dma_start3A_115 : memref<1x10000x64xbf16, #tpu.memory_space<hbm>> -> memref<10000x64xbf16, #tpu.memory_space<hbm>>
    %dma_start3A_117 = arith.constant 0 : i32
    %dma_start3A_118 = arith.constant 0 : i32
    %dma_start3A_119 = tpu.memref_slice %dma_start3A_116[%dma_start3A_117, %dma_start3A_118] : memref<10000x64xbf16, #tpu.memory_space<hbm>> -> memref<10000x64xbf16, #tpu.memory_space<hbm>>
    tpu.enqueue_indirect_dma source(%dma_start3A_119 : memref<10000x64xbf16, #tpu.memory_space<hbm>>) target(%dma_start3A_109 : memref<80x64xbf16, #tpu.memory_space<vmem>>) offsets(%dma_start3A_112 : memref<80xi32, #tpu.memory_space<vmem>>) semaphore(%arg20 : memref<!tpu.dma_semaphore, #tpu.memory_space<semaphore_mem>>)
    %dma_start3A_120 = arith.constant 4 : i32
    %dma_start3A_121 = arith.constant 4 : i32
    %dma_start3A_122 = arith.constant 0 : i32
    %dma_start3A_123 = arith.constant 0 : i32
    %dma_start3A_124 = tpu.memref_slice %arg13[%dma_start3A_121, %dma_start3A_122, %dma_start3A_123] : memref<5x80x64xbf16, #tpu.memory_space<vmem>> -> memref<1x80x64xbf16, #tpu.memory_space<vmem>>
    %dma_start3A_125 = tpu.memref_squeeze %dma_start3A_124 : memref<1x80x64xbf16, #tpu.memory_space<vmem>> -> memref<80x64xbf16, #tpu.memory_space<vmem>>
    %dma_start3A_126 = arith.constant 0 : i32
    %dma_start3A_127 = tpu.memref_slice %arg7[%dma_start3A_120, %dma_start3A_126] : memref<5x80xi32, #tpu.memory_space<vmem>> -> memref<1x80xi32, #tpu.memory_space<vmem>>
    %dma_start3A_128 = tpu.memref_squeeze %dma_start3A_127 : memref<1x80xi32, #tpu.memory_space<vmem>> -> memref<80xi32, #tpu.memory_space<vmem>>
    %dma_start3A_129 = arith.constant 0 : i32
    %dma_start3A_130 = arith.constant 0 : i32
    %dma_start3A_131 = tpu.memref_slice %arg2[%arg0, %dma_start3A_129, %dma_start3A_130] : memref<2x10000x64xbf16, #tpu.memory_space<hbm>> -> memref<1x10000x64xbf16, #tpu.memory_space<hbm>>
    %dma_start3A_132 = tpu.memref_squeeze %dma_start3A_131 : memref<1x10000x64xbf16, #tpu.memory_space<hbm>> -> memref<10000x64xbf16, #tpu.memory_space<hbm>>
    %dma_start3A_133 = arith.constant 0 : i32
    %dma_start3A_134 = arith.constant 0 : i32
    %dma_start3A_135 = tpu.memref_slice %dma_start3A_132[%dma_start3A_133, %dma_start3A_134] : memref<10000x64xbf16, #tpu.memory_space<hbm>> -> memref<10000x64xbf16, #tpu.memory_space<hbm>>
    tpu.enqueue_indirect_dma source(%dma_start3A_135 : memref<10000x64xbf16, #tpu.memory_space<hbm>>) target(%dma_start3A_125 : memref<80x64xbf16, #tpu.memory_space<vmem>>) offsets(%dma_start3A_128 : memref<80xi32, #tpu.memory_space<vmem>>) semaphore(%arg21 : memref<!tpu.dma_semaphore, #tpu.memory_space<semaphore_mem>>)
    %broadcast_in_dim3A = arith.constant 0.000000e+00 : f32
    %broadcast_in_dim3A_136 = vector.broadcast %broadcast_in_dim3A : f32 to vector<16xf32>
    %scan3A = arith.constant 0 : i32
    %scan3A_137 = arith.constant 0 : i32
    %scan3A_138 = arith.constant 78 : i32
    %scan3A_139 = arith.addi %scan3A_137, %scan3A_138 : i32
    %scan3A_140 = arith.constant 1 : i32
    scf.for %scan3A_232 = %scan3A_137 to %scan3A_139 step %scan3A_140  : i32 {
      %swap3A = arith.index_cast %scan3A_232 : i32 to index
      %swap3A_233 = arith.constant 0 : index
      %swap3A_234 = tpu.vector_load %arg15[%swap3A, %swap3A_233] {strides = array<i32>} : memref<78x64xf32, #tpu.memory_space<vmem>>, vector<16xf32>,
      tpu.vector_store %arg15[%swap3A, %swap3A_233], %broadcast_in_dim3A_136 {strides = array<i32>} : memref<78x64xf32, #tpu.memory_space<vmem>>, vector<16xf32>,
      %swap3A_235 = arith.index_cast %scan3A_232 : i32 to index
      %swap3A_236 = arith.constant 16 : index
      %swap3A_237 = tpu.vector_load %arg15[%swap3A_235, %swap3A_236] {strides = array<i32>} : memref<78x64xf32, #tpu.memory_space<vmem>>, vector<16xf32>,
      tpu.vector_store %arg15[%swap3A_235, %swap3A_236], %broadcast_in_dim3A_136 {strides = array<i32>} : memref<78x64xf32, #tpu.memory_space<vmem>>, vector<16xf32>,
      %swap3A_238 = arith.index_cast %scan3A_232 : i32 to index
      %swap3A_239 = arith.constant 32 : index
      %swap3A_240 = tpu.vector_load %arg15[%swap3A_238, %swap3A_239] {strides = array<i32>} : memref<78x64xf32, #tpu.memory_space<vmem>>, vector<16xf32>,
      tpu.vector_store %arg15[%swap3A_238, %swap3A_239], %broadcast_in_dim3A_136 {strides = array<i32>} : memref<78x64xf32, #tpu.memory_space<vmem>>, vector<16xf32>,
      %swap3A_241 = arith.index_cast %scan3A_232 : i32 to index
      %swap3A_242 = arith.constant 48 : index
      %swap3A_243 = tpu.vector_load %arg15[%swap3A_241, %swap3A_242] {strides = array<i32>} : memref<78x64xf32, #tpu.memory_space<vmem>>, vector<16xf32>,
      tpu.vector_store %arg15[%swap3A_241, %swap3A_242], %broadcast_in_dim3A_136 {strides = array<i32>} : memref<78x64xf32, #tpu.memory_space<vmem>>, vector<16xf32>,
    }
    %scan3A_141 = arith.constant 78 : i32
    %mul3A = arith.constant 624 : i32
    %mul3A_142 = arith.muli %arg1, %mul3A : i32
    %add3A = arith.constant 0 : i32
    %add3A_143 = arith.addi %mul3A_142, %add3A : i32
    "tpu.region"() ({
      %run_scoped3A = tpu.sem_alloc : memref<!tpu.dma_semaphore, #tpu.memory_space<semaphore_mem>>
      %dma_start3A_232 = arith.constant 0 : i32
      %dma_start3A_233 = tpu.memref_slice %arg16[%add3A_143, %dma_start3A_232] : memref<10000x64xf32, #tpu.memory_space<vmem_shared>> -> memref<78x64xf32, #tpu.memory_space<vmem_shared>>
      %dma_start3A_234 = arith.constant 0 : i32
      %dma_start3A_235 = tpu.memref_slice %arg16[%add3A_143, %dma_start3A_234] : memref<10000x64xf32, #tpu.memory_space<vmem_shared>> -> memref<78x64xf32, #tpu.memory_space<vmem_shared>>
      tpu.enqueue_dma source(%arg15 : memref<78x64xf32, #tpu.memory_space<vmem>>) target(%dma_start3A_235 : memref<78x64xf32, #tpu.memory_space<vmem_shared>>) target_semaphore(%run_scoped3A : memref<!tpu.dma_semaphore, #tpu.memory_space<semaphore_mem>>)
      %dma_wait3A_236 = arith.constant 0 : i32
      %dma_wait3A_237 = tpu.memref_slice %arg16[%add3A_143, %dma_wait3A_236] : memref<10000x64xf32, #tpu.memory_space<vmem_shared>> -> memref<78x64xf32, #tpu.memory_space<vmem_shared>>
      %dma_wait3A_238 = arith.constant 0 : i32
      %dma_wait3A_239 = tpu.memref_slice %arg16[%add3A_143, %dma_wait3A_238] : memref<10000x64xf32, #tpu.memory_space<vmem_shared>> -> memref<78x64xf32, #tpu.memory_space<vmem_shared>>
      tpu.wait_dma2 semaphore(%run_scoped3A : memref<!tpu.dma_semaphore, #tpu.memory_space<semaphore_mem>>) src(%arg15 : memref<78x64xf32, #tpu.memory_space<vmem>>) dst(%dma_wait3A_239 : memref<78x64xf32, #tpu.memory_space<vmem_shared>>)
      tpu.yield
    }) : () -> ()
    %add3A_144 = arith.constant 78 : i32
    %add3A_145 = arith.addi %mul3A_142, %add3A_144 : i32
    "tpu.region"() ({
      %run_scoped3A = tpu.sem_alloc : memref<!tpu.dma_semaphore, #tpu.memory_space<semaphore_mem>>
      %dma_start3A_232 = arith.constant 0 : i32
      %dma_start3A_233 = tpu.memref_slice %arg16[%add3A_145, %dma_start3A_232] : memref<10000x64xf32, #tpu.memory_space<vmem_shared>> -> memref<78x64xf32, #tpu.memory_space<vmem_shared>>
      %dma_start3A_234 = arith.constant 0 : i32
      %dma_start3A_235 = tpu.memref_slice %arg16[%add3A_145, %dma_start3A_234] : memref<10000x64xf32, #tpu.memory_space<vmem_shared>> -> memref<78x64xf32, #tpu.memory_space<vmem_shared>>
      tpu.enqueue_dma source(%arg15 : memref<78x64xf32, #tpu.memory_space<vmem>>) target(%dma_start3A_235 : memref<78x64xf32, #tpu.memory_space<vmem_shared>>) target_semaphore(%run_scoped3A : memref<!tpu.dma_semaphore, #tpu.memory_space<semaphore_mem>>)
      %dma_wait3A_236 = arith.constant 0 : i32
      %dma_wait3A_237 = tpu.memref_slice %arg16[%add3A_145, %dma_wait3A_236] : memref<10000x64xf32, #tpu.memory_space<vmem_shared>> -> memref<78x64xf32, #tpu.memory_space<vmem_shared>>
      %dma_wait3A_238 = arith.constant 0 : i32
      %dma_wait3A_239 = tpu.memref_slice %arg16[%add3A_145, %dma_wait3A_238] : memref<10000x64xf32, #tpu.memory_space<vmem_shared>> -> memref<78x64xf32, #tpu.memory_space<vmem_shared>>
      tpu.wait_dma2 semaphore(%run_scoped3A : memref<!tpu.dma_semaphore, #tpu.memory_space<semaphore_mem>>) src(%arg15 : memref<78x64xf32, #tpu.memory_space<vmem>>) dst(%dma_wait3A_239 : memref<78x64xf32, #tpu.memory_space<vmem_shared>>)
      tpu.yield
    }) : () -> ()
    %add3A_146 = arith.constant 156 : i32
    %add3A_147 = arith.addi %mul3A_142, %add3A_146 : i32
    "tpu.region"() ({
      %run_scoped3A = tpu.sem_alloc : memref<!tpu.dma_semaphore, #tpu.memory_space<semaphore_mem>>
      %dma_start3A_232 = arith.constant 0 : i32
      %dma_start3A_233 = tpu.memref_slice %arg16[%add3A_147, %dma_start3A_232] : memref<10000x64xf32, #tpu.memory_space<vmem_shared>> -> memref<78x64xf32, #tpu.memory_space<vmem_shared>>
      %dma_start3A_234 = arith.constant 0 : i32
      %dma_start3A_235 = tpu.memref_slice %arg16[%add3A_147, %dma_start3A_234] : memref<10000x64xf32, #tpu.memory_space<vmem_shared>> -> memref<78x64xf32, #tpu.memory_space<vmem_shared>>
      tpu.enqueue_dma source(%arg15 : memref<78x64xf32, #tpu.memory_space<vmem>>) target(%dma_start3A_235 : memref<78x64xf32, #tpu.memory_space<vmem_shared>>) target_semaphore(%run_scoped3A : memref<!tpu.dma_semaphore, #tpu.memory_space<semaphore_mem>>)
      %dma_wait3A_236 = arith.constant 0 : i32
      %dma_wait3A_237 = tpu.memref_slice %arg16[%add3A_147, %dma_wait3A_236] : memref<10000x64xf32, #tpu.memory_space<vmem_shared>> -> memref<78x64xf32, #tpu.memory_space<vmem_shared>>
      %dma_wait3A_238 = arith.constant 0 : i32
      %dma_wait3A_239 = tpu.memref_slice %arg16[%add3A_147, %dma_wait3A_238] : memref<10000x64xf32, #tpu.memory_space<vmem_shared>> -> memref<78x64xf32, #tpu.memory_space<vmem_shared>>
      tpu.wait_dma2 semaphore(%run_scoped3A : memref<!tpu.dma_semaphore, #tpu.memory_space<semaphore_mem>>) src(%arg15 : memref<78x64xf32, #tpu.memory_space<vmem>>) dst(%dma_wait3A_239 : memref<78x64xf32, #tpu.memory_space<vmem_shared>>)
      tpu.yield
    }) : () -> ()
    %add3A_148 = arith.constant 234 : i32
    %add3A_149 = arith.addi %mul3A_142, %add3A_148 : i32
    "tpu.region"() ({
      %run_scoped3A = tpu.sem_alloc : memref<!tpu.dma_semaphore, #tpu.memory_space<semaphore_mem>>
      %dma_start3A_232 = arith.constant 0 : i32
      %dma_start3A_233 = tpu.memref_slice %arg16[%add3A_149, %dma_start3A_232] : memref<10000x64xf32, #tpu.memory_space<vmem_shared>> -> memref<78x64xf32, #tpu.memory_space<vmem_shared>>
      %dma_start3A_234 = arith.constant 0 : i32
      %dma_start3A_235 = tpu.memref_slice %arg16[%add3A_149, %dma_start3A_234] : memref<10000x64xf32, #tpu.memory_space<vmem_shared>> -> memref<78x64xf32, #tpu.memory_space<vmem_shared>>
      tpu.enqueue_dma source(%arg15 : memref<78x64xf32, #tpu.memory_space<vmem>>) target(%dma_start3A_235 : memref<78x64xf32, #tpu.memory_space<vmem_shared>>) target_semaphore(%run_scoped3A : memref<!tpu.dma_semaphore, #tpu.memory_space<semaphore_mem>>)
      %dma_wait3A_236 = arith.constant 0 : i32
      %dma_wait3A_237 = tpu.memref_slice %arg16[%add3A_149, %dma_wait3A_236] : memref<10000x64xf32, #tpu.memory_space<vmem_shared>> -> memref<78x64xf32, #tpu.memory_space<vmem_shared>>
      %dma_wait3A_238 = arith.constant 0 : i32
      %dma_wait3A_239 = tpu.memref_slice %arg16[%add3A_149, %dma_wait3A_238] : memref<10000x64xf32, #tpu.memory_space<vmem_shared>> -> memref<78x64xf32, #tpu.memory_space<vmem_shared>>
      tpu.wait_dma2 semaphore(%run_scoped3A : memref<!tpu.dma_semaphore, #tpu.memory_space<semaphore_mem>>) src(%arg15 : memref<78x64xf32, #tpu.memory_space<vmem>>) dst(%dma_wait3A_239 : memref<78x64xf32, #tpu.memory_space<vmem_shared>>)
      tpu.yield
    }) : () -> ()
    %add3A_150 = arith.constant 312 : i32
    %add3A_151 = arith.addi %mul3A_142, %add3A_150 : i32
    "tpu.region"() ({
      %run_scoped3A = tpu.sem_alloc : memref<!tpu.dma_semaphore, #tpu.memory_space<semaphore_mem>>
      %dma_start3A_232 = arith.constant 0 : i32
      %dma_start3A_233 = tpu.memref_slice %arg16[%add3A_151, %dma_start3A_232] : memref<10000x64xf32, #tpu.memory_space<vmem_shared>> -> memref<78x64xf32, #tpu.memory_space<vmem_shared>>
      %dma_start3A_234 = arith.constant 0 : i32
      %dma_start3A_235 = tpu.memref_slice %arg16[%add3A_151, %dma_start3A_234] : memref<10000x64xf32, #tpu.memory_space<vmem_shared>> -> memref<78x64xf32, #tpu.memory_space<vmem_shared>>
      tpu.enqueue_dma source(%arg15 : memref<78x64xf32, #tpu.memory_space<vmem>>) target(%dma_start3A_235 : memref<78x64xf32, #tpu.memory_space<vmem_shared>>) target_semaphore(%run_scoped3A : memref<!tpu.dma_semaphore, #tpu.memory_space<semaphore_mem>>)
      %dma_wait3A_236 = arith.constant 0 : i32
      %dma_wait3A_237 = tpu.memref_slice %arg16[%add3A_151, %dma_wait3A_236] : memref<10000x64xf32, #tpu.memory_space<vmem_shared>> -> memref<78x64xf32, #tpu.memory_space<vmem_shared>>
      %dma_wait3A_238 = arith.constant 0 : i32
      %dma_wait3A_239 = tpu.memref_slice %arg16[%add3A_151, %dma_wait3A_238] : memref<10000x64xf32, #tpu.memory_space<vmem_shared>> -> memref<78x64xf32, #tpu.memory_space<vmem_shared>>
      tpu.wait_dma2 semaphore(%run_scoped3A : memref<!tpu.dma_semaphore, #tpu.memory_space<semaphore_mem>>) src(%arg15 : memref<78x64xf32, #tpu.memory_space<vmem>>) dst(%dma_wait3A_239 : memref<78x64xf32, #tpu.memory_space<vmem_shared>>)
      tpu.yield
    }) : () -> ()
    %add3A_152 = arith.constant 390 : i32
    %add3A_153 = arith.addi %mul3A_142, %add3A_152 : i32
    "tpu.region"() ({
      %run_scoped3A = tpu.sem_alloc : memref<!tpu.dma_semaphore, #tpu.memory_space<semaphore_mem>>
      %dma_start3A_232 = arith.constant 0 : i32
      %dma_start3A_233 = tpu.memref_slice %arg16[%add3A_153, %dma_start3A_232] : memref<10000x64xf32, #tpu.memory_space<vmem_shared>> -> memref<78x64xf32, #tpu.memory_space<vmem_shared>>
      %dma_start3A_234 = arith.constant 0 : i32
      %dma_start3A_235 = tpu.memref_slice %arg16[%add3A_153, %dma_start3A_234] : memref<10000x64xf32, #tpu.memory_space<vmem_shared>> -> memref<78x64xf32, #tpu.memory_space<vmem_shared>>
      tpu.enqueue_dma source(%arg15 : memref<78x64xf32, #tpu.memory_space<vmem>>) target(%dma_start3A_235 : memref<78x64xf32, #tpu.memory_space<vmem_shared>>) target_semaphore(%run_scoped3A : memref<!tpu.dma_semaphore, #tpu.memory_space<semaphore_mem>>)
      %dma_wait3A_236 = arith.constant 0 : i32
      %dma_wait3A_237 = tpu.memref_slice %arg16[%add3A_153, %dma_wait3A_236] : memref<10000x64xf32, #tpu.memory_space<vmem_shared>> -> memref<78x64xf32, #tpu.memory_space<vmem_shared>>
      %dma_wait3A_238 = arith.constant 0 : i32
      %dma_wait3A_239 = tpu.memref_slice %arg16[%add3A_153, %dma_wait3A_238] : memref<10000x64xf32, #tpu.memory_space<vmem_shared>> -> memref<78x64xf32, #tpu.memory_space<vmem_shared>>
      tpu.wait_dma2 semaphore(%run_scoped3A : memref<!tpu.dma_semaphore, #tpu.memory_space<semaphore_mem>>) src(%arg15 : memref<78x64xf32, #tpu.memory_space<vmem>>) dst(%dma_wait3A_239 : memref<78x64xf32, #tpu.memory_space<vmem_shared>>)
      tpu.yield
    }) : () -> ()
    %add3A_154 = arith.constant 468 : i32
    %add3A_155 = arith.addi %mul3A_142, %add3A_154 : i32
    "tpu.region"() ({
      %run_scoped3A = tpu.sem_alloc : memref<!tpu.dma_semaphore, #tpu.memory_space<semaphore_mem>>
      %dma_start3A_232 = arith.constant 0 : i32
      %dma_start3A_233 = tpu.memref_slice %arg16[%add3A_155, %dma_start3A_232] : memref<10000x64xf32, #tpu.memory_space<vmem_shared>> -> memref<78x64xf32, #tpu.memory_space<vmem_shared>>
      %dma_start3A_234 = arith.constant 0 : i32
      %dma_start3A_235 = tpu.memref_slice %arg16[%add3A_155, %dma_start3A_234] : memref<10000x64xf32, #tpu.memory_space<vmem_shared>> -> memref<78x64xf32, #tpu.memory_space<vmem_shared>>
      tpu.enqueue_dma source(%arg15 : memref<78x64xf32, #tpu.memory_space<vmem>>) target(%dma_start3A_235 : memref<78x64xf32, #tpu.memory_space<vmem_shared>>) target_semaphore(%run_scoped3A : memref<!tpu.dma_semaphore, #tpu.memory_space<semaphore_mem>>)
      %dma_wait3A_236 = arith.constant 0 : i32
      %dma_wait3A_237 = tpu.memref_slice %arg16[%add3A_155, %dma_wait3A_236] : memref<10000x64xf32, #tpu.memory_space<vmem_shared>> -> memref<78x64xf32, #tpu.memory_space<vmem_shared>>
      %dma_wait3A_238 = arith.constant 0 : i32
      %dma_wait3A_239 = tpu.memref_slice %arg16[%add3A_155, %dma_wait3A_238] : memref<10000x64xf32, #tpu.memory_space<vmem_shared>> -> memref<78x64xf32, #tpu.memory_space<vmem_shared>>
      tpu.wait_dma2 semaphore(%run_scoped3A : memref<!tpu.dma_semaphore, #tpu.memory_space<semaphore_mem>>) src(%arg15 : memref<78x64xf32, #tpu.memory_space<vmem>>) dst(%dma_wait3A_239 : memref<78x64xf32, #tpu.memory_space<vmem_shared>>)
      tpu.yield
    }) : () -> ()
    %add3A_156 = arith.constant 546 : i32
    %add3A_157 = arith.addi %mul3A_142, %add3A_156 : i32
    "tpu.region"() ({
      %run_scoped3A = tpu.sem_alloc : memref<!tpu.dma_semaphore, #tpu.memory_space<semaphore_mem>>
      %dma_start3A_232 = arith.constant 0 : i32
      %dma_start3A_233 = tpu.memref_slice %arg16[%add3A_157, %dma_start3A_232] : memref<10000x64xf32, #tpu.memory_space<vmem_shared>> -> memref<78x64xf32, #tpu.memory_space<vmem_shared>>
      %dma_start3A_234 = arith.constant 0 : i32
      %dma_start3A_235 = tpu.memref_slice %arg16[%add3A_157, %dma_start3A_234] : memref<10000x64xf32, #tpu.memory_space<vmem_shared>> -> memref<78x64xf32, #tpu.memory_space<vmem_shared>>
      tpu.enqueue_dma source(%arg15 : memref<78x64xf32, #tpu.memory_space<vmem>>) target(%dma_start3A_235 : memref<78x64xf32, #tpu.memory_space<vmem_shared>>) target_semaphore(%run_scoped3A : memref<!tpu.dma_semaphore, #tpu.memory_space<semaphore_mem>>)
      %dma_wait3A_236 = arith.constant 0 : i32
      %dma_wait3A_237 = tpu.memref_slice %arg16[%add3A_157, %dma_wait3A_236] : memref<10000x64xf32, #tpu.memory_space<vmem_shared>> -> memref<78x64xf32, #tpu.memory_space<vmem_shared>>
      %dma_wait3A_238 = arith.constant 0 : i32
      %dma_wait3A_239 = tpu.memref_slice %arg16[%add3A_157, %dma_wait3A_238] : memref<10000x64xf32, #tpu.memory_space<vmem_shared>> -> memref<78x64xf32, #tpu.memory_space<vmem_shared>>
      tpu.wait_dma2 semaphore(%run_scoped3A : memref<!tpu.dma_semaphore, #tpu.memory_space<semaphore_mem>>) src(%arg15 : memref<78x64xf32, #tpu.memory_space<vmem>>) dst(%dma_wait3A_239 : memref<78x64xf32, #tpu.memory_space<vmem_shared>>)
      tpu.yield
    }) : () -> ()
    %eq3A = arith.constant 15 : i32
    %eq3A_158 = arith.cmpi eq, %arg1, %eq3A : i32
    %convert_element_type3A = arith.extui %eq3A_158 : i1 to i32
    %cond3A = arith.constant 0 : i32
    %cond3A_159 = arith.cmpi ne, %convert_element_type3A, %cond3A : i32
    scf.if %cond3A_159 {
      "tpu.region"() ({
        %run_scoped3A = tpu.sem_alloc : memref<!tpu.dma_semaphore, #tpu.memory_space<semaphore_mem>>
        %dma_start3A_232 = arith.constant 0 : i32
        %dma_start3A_233 = arith.constant 0 : i32
        %dma_start3A_234 = tpu.memref_slice %arg15[%dma_start3A_232, %dma_start3A_233] : memref<78x64xf32, #tpu.memory_space<vmem>> -> memref<16x64xf32, #tpu.memory_space<vmem>>
        %dma_start3A_235 = arith.constant 9984 : i32
        %dma_start3A_236 = arith.constant 0 : i32
        %dma_start3A_237 = tpu.memref_slice %arg16[%dma_start3A_235, %dma_start3A_236] : memref<10000x64xf32, #tpu.memory_space<vmem_shared>> -> memref<16x64xf32, #tpu.memory_space<vmem_shared>>
        %dma_start3A_238 = arith.constant 9984 : i32
        %dma_start3A_239 = arith.constant 0 : i32
        %dma_start3A_240 = tpu.memref_slice %arg16[%dma_start3A_238, %dma_start3A_239] : memref<10000x64xf32, #tpu.memory_space<vmem_shared>> -> memref<16x64xf32, #tpu.memory_space<vmem_shared>>
        %dma_start3A_241 = arith.constant 0 : i32
        %dma_start3A_242 = arith.constant 0 : i32
        %dma_start3A_243 = tpu.memref_slice %arg15[%dma_start3A_241, %dma_start3A_242] : memref<78x64xf32, #tpu.memory_space<vmem>> -> memref<16x64xf32, #tpu.memory_space<vmem>>
        tpu.enqueue_dma source(%dma_start3A_243 : memref<16x64xf32, #tpu.memory_space<vmem>>) target(%dma_start3A_240 : memref<16x64xf32, #tpu.memory_space<vmem_shared>>) target_semaphore(%run_scoped3A : memref<!tpu.dma_semaphore, #tpu.memory_space<semaphore_mem>>)
        %dma_wait3A_244 = arith.constant 0 : i32
        %dma_wait3A_245 = arith.constant 0 : i32
        %dma_wait3A_246 = tpu.memref_slice %arg15[%dma_wait3A_244, %dma_wait3A_245] : memref<78x64xf32, #tpu.memory_space<vmem>> -> memref<16x64xf32, #tpu.memory_space<vmem>>
        %dma_wait3A_247 = arith.constant 9984 : i32
        %dma_wait3A_248 = arith.constant 0 : i32
        %dma_wait3A_249 = tpu.memref_slice %arg16[%dma_wait3A_247, %dma_wait3A_248] : memref<10000x64xf32, #tpu.memory_space<vmem_shared>> -> memref<16x64xf32, #tpu.memory_space<vmem_shared>>
        %dma_wait3A_250 = arith.constant 9984 : i32
        %dma_wait3A_251 = arith.constant 0 : i32
        %dma_wait3A_252 = tpu.memref_slice %arg16[%dma_wait3A_250, %dma_wait3A_251] : memref<10000x64xf32, #tpu.memory_space<vmem_shared>> -> memref<16x64xf32, #tpu.memory_space<vmem_shared>>
        %dma_wait3A_253 = arith.constant 0 : i32
        %dma_wait3A_254 = arith.constant 0 : i32
        %dma_wait3A_255 = tpu.memref_slice %arg15[%dma_wait3A_253, %dma_wait3A_254] : memref<78x64xf32, #tpu.memory_space<vmem>> -> memref<16x64xf32, #tpu.memory_space<vmem>>
        tpu.wait_dma2 semaphore(%run_scoped3A : memref<!tpu.dma_semaphore, #tpu.memory_space<semaphore_mem>>) src(%dma_wait3A_255 : memref<16x64xf32, #tpu.memory_space<vmem>>) dst(%dma_wait3A_252 : memref<16x64xf32, #tpu.memory_space<vmem_shared>>)
        tpu.yield
      }) : () -> ()
    } else {
    }
    %barrier3A = arith.constant 0 : index
    tpu.barrier barrier_id(%barrier3A)
    %scan3A_160 = arith.constant 0 : i32
    %scan3A_161 = arith.constant 0 : i32
    %scan3A_162 = arith.constant 25 : i32
    %scan3A_163 = arith.addi %scan3A_161, %scan3A_162 : i32
    %scan3A_164 = arith.constant 1 : i32
    scf.for %scan3A_232 = %scan3A_161 to %scan3A_163 step %scan3A_164  : i32 {
      %mul3A_233 = arith.constant 2 : i32
      %mul3A_234 = arith.muli %mul3A_233, %scan3A_232 : i32
      %add3A_235 = arith.constant 1 : i32
      %add3A_236 = arith.addi %mul3A_234, %add3A_235 : i32
      %dma_start3A_237 = arith.constant 0 : i32
      %dma_start3A_238 = arith.constant 0 : i32
      %dma_start3A_239 = tpu.memref_slice %arg3[%arg1, %add3A_236, %dma_start3A_237, %dma_start3A_238] : memref<16x50x5x80xi32, #tpu.memory_space<hbm>> -> memref<1x1x5x80xi32, #tpu.memory_space<hbm>>
      %dma_start3A_240 = tpu.memref_squeeze %dma_start3A_239 : memref<1x1x5x80xi32, #tpu.memory_space<hbm>> -> memref<5x80xi32, #tpu.memory_space<hbm>>
      %dma_start3A_241 = arith.constant 0 : i32
      %dma_start3A_242 = arith.constant 0 : i32
      %dma_start3A_243 = tpu.memref_slice %arg3[%arg1, %add3A_236, %dma_start3A_241, %dma_start3A_242] : memref<16x50x5x80xi32, #tpu.memory_space<hbm>> -> memref<1x1x5x80xi32, #tpu.memory_space<hbm>>
      %dma_start3A_244 = tpu.memref_squeeze %dma_start3A_243 : memref<1x1x5x80xi32, #tpu.memory_space<hbm>> -> memref<5x80xi32, #tpu.memory_space<hbm>>
      tpu.enqueue_dma source(%dma_start3A_244 : memref<5x80xi32, #tpu.memory_space<hbm>>) target(%arg10 : memref<5x80xi32, #tpu.memory_space<vmem>>) target_semaphore(%arg29 : memref<!tpu.dma_semaphore, #tpu.memory_space<semaphore_mem>>)
      %dma_start3A_245 = arith.constant 0 : i32
      %dma_start3A_246 = arith.constant 0 : i32
      %dma_start3A_247 = arith.constant 0 : i32
      %dma_start3A_248 = tpu.memref_slice %arg5[%arg1, %add3A_236, %dma_start3A_245, %dma_start3A_246, %dma_start3A_247] : memref<16x50x5x80x16xf32, #tpu.memory_space<hbm>> -> memref<1x1x5x80x16xf32, #tpu.memory_space<hbm>>
      %dma_start3A_249 = tpu.memref_squeeze %dma_start3A_248 : memref<1x1x5x80x16xf32, #tpu.memory_space<hbm>> -> memref<5x80x16xf32, #tpu.memory_space<hbm>>
      %dma_start3A_250 = arith.constant 0 : i32
      %dma_start3A_251 = arith.constant 0 : i32
      %dma_start3A_252 = arith.constant 0 : i32
      %dma_start3A_253 = tpu.memref_slice %arg5[%arg1, %add3A_236, %dma_start3A_250, %dma_start3A_251, %dma_start3A_252] : memref<16x50x5x80x16xf32, #tpu.memory_space<hbm>> -> memref<1x1x5x80x16xf32, #tpu.memory_space<hbm>>
      %dma_start3A_254 = tpu.memref_squeeze %dma_start3A_253 : memref<1x1x5x80x16xf32, #tpu.memory_space<hbm>> -> memref<5x80x16xf32, #tpu.memory_space<hbm>>
      tpu.enqueue_dma source(%dma_start3A_254 : memref<5x80x16xf32, #tpu.memory_space<hbm>>) target(%arg12 : memref<5x80x16xf32, #tpu.memory_space<vmem>>) target_semaphore(%arg29 : memref<!tpu.dma_semaphore, #tpu.memory_space<semaphore_mem>>)
      %gt3A = arith.constant 0 : i32
      %gt3A_255 = arith.cmpi sgt, %scan3A_232, %gt3A : i32
      %convert_element_type3A_256 = arith.extui %gt3A_255 : i1 to i32
      %cond3A_257 = arith.constant 0 : i32
      %cond3A_258 = arith.cmpi ne, %convert_element_type3A_256, %cond3A_257 : i32
      scf.if %cond3A_258 {
        %dma_wait3A_826 = arith.constant 0 : i32
        %dma_wait3A_827 = arith.constant 0 : i32
        %dma_wait3A_828 = arith.constant 0 : i32
        %dma_wait3A_829 = tpu.memref_slice %arg4[%arg1, %dma_wait3A_826, %dma_wait3A_827, %dma_wait3A_828] : memref<16x50x5x80xi32, #tpu.memory_space<hbm>> -> memref<1x1x5x80xi32, #tpu.memory_space<hbm>>
        %dma_wait3A_830 = tpu.memref_squeeze %dma_wait3A_829 : memref<1x1x5x80xi32, #tpu.memory_space<hbm>> -> memref<5x80xi32, #tpu.memory_space<hbm>>
        %dma_wait3A_831 = arith.constant 0 : i32
        %dma_wait3A_832 = arith.constant 0 : i32
        %dma_wait3A_833 = tpu.memref_slice %arg4[%arg1, %dma_wait3A_826, %dma_wait3A_831, %dma_wait3A_832] : memref<16x50x5x80xi32, #tpu.memory_space<hbm>> -> memref<1x1x5x80xi32, #tpu.memory_space<hbm>>
        %dma_wait3A_834 = tpu.memref_squeeze %dma_wait3A_833 : memref<1x1x5x80xi32, #tpu.memory_space<hbm>> -> memref<5x80xi32, #tpu.memory_space<hbm>>
        tpu.wait_dma2 semaphore(%arg28 : memref<!tpu.dma_semaphore, #tpu.memory_space<semaphore_mem>>) src(%dma_wait3A_834 : memref<5x80xi32, #tpu.memory_space<hbm>>) dst(%arg8 : memref<5x80xi32, #tpu.memory_space<vmem>>)
      } else {
      }
      %gt3A_259 = arith.constant 0 : i32
      %gt3A_260 = arith.cmpi sgt, %scan3A_232, %gt3A_259 : i32
      %convert_element_type3A_261 = arith.extui %gt3A_260 : i1 to i32
      %cond3A_262 = arith.constant 0 : i32
      %cond3A_263 = arith.cmpi ne, %convert_element_type3A_261, %cond3A_262 : i32
      scf.if %cond3A_263 {
        %dma_wait3A_826 = arith.constant 0 : i32
        %dma_wait3A_827 = arith.constant 0 : i32
        %dma_wait3A_828 = arith.constant 0 : i32
        %dma_wait3A_829 = arith.constant 0 : i32
        %dma_wait3A_830 = tpu.memref_slice %arg14[%dma_wait3A_826, %dma_wait3A_828, %dma_wait3A_829] : memref<5x80x64xf32, #tpu.memory_space<vmem>> -> memref<1x80x64xf32, #tpu.memory_space<vmem>>
        %dma_wait3A_831 = tpu.memref_squeeze %dma_wait3A_830 : memref<1x80x64xf32, #tpu.memory_space<vmem>> -> memref<80x64xf32, #tpu.memory_space<vmem>>
        %dma_wait3A_832 = arith.constant 0 : i32
        %dma_wait3A_833 = tpu.memref_slice %arg8[%dma_wait3A_827, %dma_wait3A_832] : memref<5x80xi32, #tpu.memory_space<vmem>> -> memref<1x80xi32, #tpu.memory_space<vmem>>
        %dma_wait3A_834 = tpu.memref_squeeze %dma_wait3A_833 : memref<1x80xi32, #tpu.memory_space<vmem>> -> memref<80xi32, #tpu.memory_space<vmem>>
        %dma_wait3A_835 = arith.constant 0 : i32
        %dma_wait3A_836 = arith.constant 0 : i32
        %dma_wait3A_837 = tpu.memref_slice %arg16[%dma_wait3A_835, %dma_wait3A_836] : memref<10000x64xf32, #tpu.memory_space<vmem_shared>> -> memref<10000x64xf32, #tpu.memory_space<vmem_shared>>
        tpu.wait_indirect_dma semaphore(%arg22 : memref<!tpu.dma_semaphore, #tpu.memory_space<semaphore_mem>>) src(%dma_wait3A_831 : memref<80x64xf32, #tpu.memory_space<vmem>>) dst(%dma_wait3A_837 : memref<10000x64xf32, #tpu.memory_space<vmem_shared>>)
      } else {
      }
      %dma_wait3A_264 = arith.constant 0 : i32
      %dma_wait3A_265 = arith.constant 0 : i32
      %dma_wait3A_266 = arith.constant 0 : i32
      %dma_wait3A_267 = arith.constant 0 : i32
      %dma_wait3A_268 = tpu.memref_slice %arg13[%dma_wait3A_265, %dma_wait3A_266, %dma_wait3A_267] : memref<5x80x64xbf16, #tpu.memory_space<vmem>> -> memref<1x80x64xbf16, #tpu.memory_space<vmem>>
      %dma_wait3A_269 = tpu.memref_squeeze %dma_wait3A_268 : memref<1x80x64xbf16, #tpu.memory_space<vmem>> -> memref<80x64xbf16, #tpu.memory_space<vmem>>
      %dma_wait3A_270 = arith.constant 0 : i32
      %dma_wait3A_271 = tpu.memref_slice %arg7[%dma_wait3A_264, %dma_wait3A_270] : memref<5x80xi32, #tpu.memory_space<vmem>> -> memref<1x80xi32, #tpu.memory_space<vmem>>
      %dma_wait3A_272 = tpu.memref_squeeze %dma_wait3A_271 : memref<1x80xi32, #tpu.memory_space<vmem>> -> memref<80xi32, #tpu.memory_space<vmem>>
      %dma_wait3A_273 = arith.constant 0 : i32
      %dma_wait3A_274 = arith.constant 0 : i32
      %dma_wait3A_275 = tpu.memref_slice %arg2[%arg0, %dma_wait3A_273, %dma_wait3A_274] : memref<2x10000x64xbf16, #tpu.memory_space<hbm>> -> memref<1x10000x64xbf16, #tpu.memory_space<hbm>>
      %dma_wait3A_276 = tpu.memref_squeeze %dma_wait3A_275 : memref<1x10000x64xbf16, #tpu.memory_space<hbm>> -> memref<10000x64xbf16, #tpu.memory_space<hbm>>
      %dma_wait3A_277 = arith.constant 0 : i32
      %dma_wait3A_278 = arith.constant 0 : i32
      %dma_wait3A_279 = tpu.memref_slice %dma_wait3A_276[%dma_wait3A_277, %dma_wait3A_278] : memref<10000x64xbf16, #tpu.memory_space<hbm>> -> memref<10000x64xbf16, #tpu.memory_space<hbm>>
      tpu.wait_indirect_dma semaphore(%arg17 : memref<!tpu.dma_semaphore, #tpu.memory_space<semaphore_mem>>) src(%dma_wait3A_279 : memref<10000x64xbf16, #tpu.memory_space<hbm>>) dst(%dma_wait3A_269 : memref<80x64xbf16, #tpu.memory_space<vmem>>)
      %broadcast_in_dim3A_280 = arith.constant -65536 : i32
      %broadcast_in_dim3A_281 = vector.broadcast %broadcast_in_dim3A_280 : i32 to vector<16xi32>
      %parallel_loop3A = arith.constant 0 : i32
      %parallel_loop3A_282 = arith.constant 80 : i32
      %parallel_loop3A_283 = arith.constant 1 : i32
      scf.for %parallel_loop3A_826 = %parallel_loop3A to %parallel_loop3A_282 step %parallel_loop3A_283  : i32 {
        %parallel_loop3A_827 = arith.constant 0 : i32
        %parallel_loop3A_828 = arith.index_cast %parallel_loop3A_827 : i32 to index
        %parallel_loop3A_829 = arith.index_cast %parallel_loop3A_826 : i32 to index
        %parallel_loop3A_830 = arith.constant 0 : index
        %parallel_loop3A_831 = tpu.vector_load %arg9[%parallel_loop3A_828, %parallel_loop3A_829, %parallel_loop3A_830] {strides = array<i32>} : memref<5x80x16xf32, #tpu.memory_space<vmem>>, vector<16xf32>,
        %parallel_loop3A_832 = arith.constant 0 : i32
        %parallel_loop3A_833 = arith.index_cast %parallel_loop3A_832 : i32 to index
        %parallel_loop3A_834 = arith.index_cast %parallel_loop3A_826 : i32 to index
        %parallel_loop3A_835 = arith.constant 0 : index
        %parallel_loop3A_836 = tpu.vector_load %arg13[%parallel_loop3A_833, %parallel_loop3A_834, %parallel_loop3A_835] {strides = array<i32>} : memref<5x80x64xbf16, #tpu.memory_space<vmem>>, vector<32xbf16>,
        %parallel_loop3A_837 = vector.bitcast %parallel_loop3A_836 : vector<32xbf16> to vector<16xi32>
        %parallel_loop3A_838 = arith.constant 16 : i32
        %parallel_loop3A_839 = vector.broadcast %parallel_loop3A_838 : i32 to vector<16xi32>
        %parallel_loop3A_840 = arith.shli %parallel_loop3A_837, %parallel_loop3A_839 : vector<16xi32>
        %parallel_loop3A_841 = vector.bitcast %parallel_loop3A_840 : vector<16xi32> to vector<16xf32>
        %parallel_loop3A_842 = arith.andi %parallel_loop3A_837, %broadcast_in_dim3A_281 : vector<16xi32>
        %parallel_loop3A_843 = vector.bitcast %parallel_loop3A_842 : vector<16xi32> to vector<16xf32>
        %parallel_loop3A_844 = arith.mulf %parallel_loop3A_841, %parallel_loop3A_831 : vector<16xf32>
        %parallel_loop3A_845 = arith.constant 0 : i32
        %parallel_loop3A_846 = arith.index_cast %parallel_loop3A_845 : i32 to index
        %parallel_loop3A_847 = arith.index_cast %parallel_loop3A_826 : i32 to index
        %parallel_loop3A_848 = arith.constant 0 : index
        %parallel_loop3A_849 = tpu.vector_load %arg14[%parallel_loop3A_846, %parallel_loop3A_847, %parallel_loop3A_848] {strides = array<i32>} : memref<5x80x64xf32, #tpu.memory_space<vmem>>, vector<16xf32>,
        tpu.vector_store %arg14[%parallel_loop3A_846, %parallel_loop3A_847, %parallel_loop3A_848], %parallel_loop3A_844 {strides = array<i32>} : memref<5x80x64xf32, #tpu.memory_space<vmem>>, vector<16xf32>,
        %parallel_loop3A_850 = arith.mulf %parallel_loop3A_843, %parallel_loop3A_831 : vector<16xf32>
        %parallel_loop3A_851 = arith.constant 0 : i32
        %parallel_loop3A_852 = arith.index_cast %parallel_loop3A_851 : i32 to index
        %parallel_loop3A_853 = arith.index_cast %parallel_loop3A_826 : i32 to index
        %parallel_loop3A_854 = arith.constant 16 : index
        %parallel_loop3A_855 = tpu.vector_load %arg14[%parallel_loop3A_852, %parallel_loop3A_853, %parallel_loop3A_854] {strides = array<i32>} : memref<5x80x64xf32, #tpu.memory_space<vmem>>, vector<16xf32>,
        tpu.vector_store %arg14[%parallel_loop3A_852, %parallel_loop3A_853, %parallel_loop3A_854], %parallel_loop3A_850 {strides = array<i32>} : memref<5x80x64xf32, #tpu.memory_space<vmem>>, vector<16xf32>,
        %parallel_loop3A_856 = arith.constant 0 : i32
        %parallel_loop3A_857 = arith.index_cast %parallel_loop3A_856 : i32 to index
        %parallel_loop3A_858 = arith.index_cast %parallel_loop3A_826 : i32 to index
        %parallel_loop3A_859 = arith.constant 32 : index
        %parallel_loop3A_860 = tpu.vector_load %arg13[%parallel_loop3A_857, %parallel_loop3A_858, %parallel_loop3A_859] {strides = array<i32>} : memref<5x80x64xbf16, #tpu.memory_space<vmem>>, vector<32xbf16>,
        %parallel_loop3A_861 = vector.bitcast %parallel_loop3A_860 : vector<32xbf16> to vector<16xi32>
        %parallel_loop3A_862 = arith.constant 16 : i32
        %parallel_loop3A_863 = vector.broadcast %parallel_loop3A_862 : i32 to vector<16xi32>
        %parallel_loop3A_864 = arith.shli %parallel_loop3A_861, %parallel_loop3A_863 : vector<16xi32>
        %parallel_loop3A_865 = vector.bitcast %parallel_loop3A_864 : vector<16xi32> to vector<16xf32>
        %parallel_loop3A_866 = arith.andi %parallel_loop3A_861, %broadcast_in_dim3A_281 : vector<16xi32>
        %parallel_loop3A_867 = vector.bitcast %parallel_loop3A_866 : vector<16xi32> to vector<16xf32>
        %parallel_loop3A_868 = arith.mulf %parallel_loop3A_865, %parallel_loop3A_831 : vector<16xf32>
        %parallel_loop3A_869 = arith.constant 0 : i32
        %parallel_loop3A_870 = arith.index_cast %parallel_loop3A_869 : i32 to index
        %parallel_loop3A_871 = arith.index_cast %parallel_loop3A_826 : i32 to index
        %parallel_loop3A_872 = arith.constant 32 : index
        %parallel_loop3A_873 = tpu.vector_load %arg14[%parallel_loop3A_870, %parallel_loop3A_871, %parallel_loop3A_872] {strides = array<i32>} : memref<5x80x64xf32, #tpu.memory_space<vmem>>, vector<16xf32>,
        tpu.vector_store %arg14[%parallel_loop3A_870, %parallel_loop3A_871, %parallel_loop3A_872], %parallel_loop3A_868 {strides = array<i32>} : memref<5x80x64xf32, #tpu.memory_space<vmem>>, vector<16xf32>,
        %parallel_loop3A_874 = arith.mulf %parallel_loop3A_867, %parallel_loop3A_831 : vector<16xf32>
        %parallel_loop3A_875 = arith.constant 0 : i32
        %parallel_loop3A_876 = arith.index_cast %parallel_loop3A_875 : i32 to index
        %parallel_loop3A_877 = arith.index_cast %parallel_loop3A_826 : i32 to index
        %parallel_loop3A_878 = arith.constant 48 : index
        %parallel_loop3A_879 = tpu.vector_load %arg14[%parallel_loop3A_876, %parallel_loop3A_877, %parallel_loop3A_878] {strides = array<i32>} : memref<5x80x64xf32, #tpu.memory_space<vmem>>, vector<16xf32>,
        tpu.vector_store %arg14[%parallel_loop3A_876, %parallel_loop3A_877, %parallel_loop3A_878], %parallel_loop3A_874 {strides = array<i32>} : memref<5x80x64xf32, #tpu.memory_space<vmem>>, vector<16xf32>,
      } {sc.loop_unroll_factor = 8 : i64, sc.parallel_access}
      %dma_wait3A_284 = arith.constant 0 : i32
      %dma_wait3A_285 = arith.constant 0 : i32
      %dma_wait3A_286 = arith.constant 0 : i32
      %dma_wait3A_287 = tpu.memref_slice %arg3[%arg1, %dma_wait3A_284, %dma_wait3A_285, %dma_wait3A_286] : memref<16x50x5x80xi32, #tpu.memory_space<hbm>> -> memref<1x1x5x80xi32, #tpu.memory_space<hbm>>
      %dma_wait3A_288 = tpu.memref_squeeze %dma_wait3A_287 : memref<1x1x5x80xi32, #tpu.memory_space<hbm>> -> memref<5x80xi32, #tpu.memory_space<hbm>>
      %dma_wait3A_289 = arith.constant 0 : i32
      %dma_wait3A_290 = arith.constant 0 : i32
      %dma_wait3A_291 = tpu.memref_slice %arg3[%arg1, %dma_wait3A_284, %dma_wait3A_289, %dma_wait3A_290] : memref<16x50x5x80xi32, #tpu.memory_space<hbm>> -> memref<1x1x5x80xi32, #tpu.memory_space<hbm>>
      %dma_wait3A_292 = tpu.memref_squeeze %dma_wait3A_291 : memref<1x1x5x80xi32, #tpu.memory_space<hbm>> -> memref<5x80xi32, #tpu.memory_space<hbm>>
      tpu.wait_dma2 semaphore(%arg29 : memref<!tpu.dma_semaphore, #tpu.memory_space<semaphore_mem>>) src(%dma_wait3A_292 : memref<5x80xi32, #tpu.memory_space<hbm>>) dst(%arg10 : memref<5x80xi32, #tpu.memory_space<vmem>>)
      %dma_wait3A_293 = arith.constant 0 : i32
      %dma_wait3A_294 = arith.constant 0 : i32
      %dma_wait3A_295 = arith.constant 0 : i32
      %dma_wait3A_296 = arith.constant 0 : i32
      %dma_wait3A_297 = tpu.memref_slice %arg5[%arg1, %dma_wait3A_293, %dma_wait3A_294, %dma_wait3A_295, %dma_wait3A_296] : memref<16x50x5x80x16xf32, #tpu.memory_space<hbm>> -> memref<1x1x5x80x16xf32, #tpu.memory_space<hbm>>
      %dma_wait3A_298 = tpu.memref_squeeze %dma_wait3A_297 : memref<1x1x5x80x16xf32, #tpu.memory_space<hbm>> -> memref<5x80x16xf32, #tpu.memory_space<hbm>>
      %dma_wait3A_299 = arith.constant 0 : i32
      %dma_wait3A_300 = arith.constant 0 : i32
      %dma_wait3A_301 = arith.constant 0 : i32
      %dma_wait3A_302 = tpu.memref_slice %arg5[%arg1, %dma_wait3A_293, %dma_wait3A_299, %dma_wait3A_300, %dma_wait3A_301] : memref<16x50x5x80x16xf32, #tpu.memory_space<hbm>> -> memref<1x1x5x80x16xf32, #tpu.memory_space<hbm>>
      %dma_wait3A_303 = tpu.memref_squeeze %dma_wait3A_302 : memref<1x1x5x80x16xf32, #tpu.memory_space<hbm>> -> memref<5x80x16xf32, #tpu.memory_space<hbm>>
      tpu.wait_dma2 semaphore(%arg29 : memref<!tpu.dma_semaphore, #tpu.memory_space<semaphore_mem>>) src(%dma_wait3A_303 : memref<5x80x16xf32, #tpu.memory_space<hbm>>) dst(%arg12 : memref<5x80x16xf32, #tpu.memory_space<vmem>>)
      %dma_start3A_304 = arith.constant 0 : i32
      %dma_start3A_305 = arith.constant 0 : i32
      %dma_start3A_306 = arith.constant 0 : i32
      %dma_start3A_307 = arith.constant 0 : i32
      %dma_start3A_308 = tpu.memref_slice %arg13[%dma_start3A_305, %dma_start3A_306, %dma_start3A_307] : memref<5x80x64xbf16, #tpu.memory_space<vmem>> -> memref<1x80x64xbf16, #tpu.memory_space<vmem>>
      %dma_start3A_309 = tpu.memref_squeeze %dma_start3A_308 : memref<1x80x64xbf16, #tpu.memory_space<vmem>> -> memref<80x64xbf16, #tpu.memory_space<vmem>>
      %dma_start3A_310 = arith.constant 0 : i32
      %dma_start3A_311 = tpu.memref_slice %arg10[%dma_start3A_304, %dma_start3A_310] : memref<5x80xi32, #tpu.memory_space<vmem>> -> memref<1x80xi32, #tpu.memory_space<vmem>>
      %dma_start3A_312 = tpu.memref_squeeze %dma_start3A_311 : memref<1x80xi32, #tpu.memory_space<vmem>> -> memref<80xi32, #tpu.memory_space<vmem>>
      %dma_start3A_313 = arith.constant 0 : i32
      %dma_start3A_314 = arith.constant 0 : i32
      %dma_start3A_315 = tpu.memref_slice %arg2[%arg0, %dma_start3A_313, %dma_start3A_314] : memref<2x10000x64xbf16, #tpu.memory_space<hbm>> -> memref<1x10000x64xbf16, #tpu.memory_space<hbm>>
      %dma_start3A_316 = tpu.memref_squeeze %dma_start3A_315 : memref<1x10000x64xbf16, #tpu.memory_space<hbm>> -> memref<10000x64xbf16, #tpu.memory_space<hbm>>
      %dma_start3A_317 = arith.constant 0 : i32
      %dma_start3A_318 = arith.constant 0 : i32
      %dma_start3A_319 = tpu.memref_slice %dma_start3A_316[%dma_start3A_317, %dma_start3A_318] : memref<10000x64xbf16, #tpu.memory_space<hbm>> -> memref<10000x64xbf16, #tpu.memory_space<hbm>>
      tpu.enqueue_indirect_dma source(%dma_start3A_319 : memref<10000x64xbf16, #tpu.memory_space<hbm>>) target(%dma_start3A_309 : memref<80x64xbf16, #tpu.memory_space<vmem>>) offsets(%dma_start3A_312 : memref<80xi32, #tpu.memory_space<vmem>>) semaphore(%arg17 : memref<!tpu.dma_semaphore, #tpu.memory_space<semaphore_mem>>)
      %dma_start3A_320 = arith.constant 0 : i32
      %dma_start3A_321 = arith.constant 0 : i32
      %dma_start3A_322 = arith.constant 0 : i32
      %dma_start3A_323 = arith.constant 0 : i32
      %dma_start3A_324 = tpu.memref_slice %arg14[%dma_start3A_320, %dma_start3A_322, %dma_start3A_323] : memref<5x80x64xf32, #tpu.memory_space<vmem>> -> memref<1x80x64xf32, #tpu.memory_space<vmem>>
      %dma_start3A_325 = tpu.memref_squeeze %dma_start3A_324 : memref<1x80x64xf32, #tpu.memory_space<vmem>> -> memref<80x64xf32, #tpu.memory_space<vmem>>
      %dma_start3A_326 = arith.constant 0 : i32
      %dma_start3A_327 = tpu.memref_slice %arg8[%dma_start3A_321, %dma_start3A_326] : memref<5x80xi32, #tpu.memory_space<vmem>> -> memref<1x80xi32, #tpu.memory_space<vmem>>
      %dma_start3A_328 = tpu.memref_squeeze %dma_start3A_327 : memref<1x80xi32, #tpu.memory_space<vmem>> -> memref<80xi32, #tpu.memory_space<vmem>>
      %dma_start3A_329 = arith.constant 0 : i32
      %dma_start3A_330 = arith.constant 0 : i32
      %dma_start3A_331 = tpu.memref_slice %arg16[%dma_start3A_329, %dma_start3A_330] : memref<10000x64xf32, #tpu.memory_space<vmem_shared>> -> memref<10000x64xf32, #tpu.memory_space<vmem_shared>>
      tpu.enqueue_indirect_dma source(%dma_start3A_325 : memref<80x64xf32, #tpu.memory_space<vmem>>) target(%dma_start3A_331 : memref<10000x64xf32, #tpu.memory_space<vmem_shared>>) offsets(%dma_start3A_328 : memref<80xi32, #tpu.memory_space<vmem>>) semaphore(%arg22 : memref<!tpu.dma_semaphore, #tpu.memory_space<semaphore_mem>>) {add = true}
      %gt3A_332 = arith.constant 0 : i32
      %gt3A_333 = arith.cmpi sgt, %scan3A_232, %gt3A_332 : i32
      %convert_element_type3A_334 = arith.extui %gt3A_333 : i1 to i32
      %cond3A_335 = arith.constant 0 : i32
      %cond3A_336 = arith.cmpi ne, %convert_element_type3A_334, %cond3A_335 : i32
      scf.if %cond3A_336 {
        %dma_wait3A_826 = arith.constant 1 : i32
        %dma_wait3A_827 = arith.constant 1 : i32
        %dma_wait3A_828 = arith.constant 0 : i32
        %dma_wait3A_829 = arith.constant 0 : i32
        %dma_wait3A_830 = tpu.memref_slice %arg14[%dma_wait3A_826, %dma_wait3A_828, %dma_wait3A_829] : memref<5x80x64xf32, #tpu.memory_space<vmem>> -> memref<1x80x64xf32, #tpu.memory_space<vmem>>
        %dma_wait3A_831 = tpu.memref_squeeze %dma_wait3A_830 : memref<1x80x64xf32, #tpu.memory_space<vmem>> -> memref<80x64xf32, #tpu.memory_space<vmem>>
        %dma_wait3A_832 = arith.constant 0 : i32
        %dma_wait3A_833 = tpu.memref_slice %arg8[%dma_wait3A_827, %dma_wait3A_832] : memref<5x80xi32, #tpu.memory_space<vmem>> -> memref<1x80xi32, #tpu.memory_space<vmem>>
        %dma_wait3A_834 = tpu.memref_squeeze %dma_wait3A_833 : memref<1x80xi32, #tpu.memory_space<vmem>> -> memref<80xi32, #tpu.memory_space<vmem>>
        %dma_wait3A_835 = arith.constant 0 : i32
        %dma_wait3A_836 = arith.constant 0 : i32
        %dma_wait3A_837 = tpu.memref_slice %arg16[%dma_wait3A_835, %dma_wait3A_836] : memref<10000x64xf32, #tpu.memory_space<vmem_shared>> -> memref<10000x64xf32, #tpu.memory_space<vmem_shared>>
        tpu.wait_indirect_dma semaphore(%arg23 : memref<!tpu.dma_semaphore, #tpu.memory_space<semaphore_mem>>) src(%dma_wait3A_831 : memref<80x64xf32, #tpu.memory_space<vmem>>) dst(%dma_wait3A_837 : memref<10000x64xf32, #tpu.memory_space<vmem_shared>>)
      } else {
      }
      %dma_wait3A_337 = arith.constant 1 : i32
      %dma_wait3A_338 = arith.constant 1 : i32
      %dma_wait3A_339 = arith.constant 0 : i32
      %dma_wait3A_340 = arith.constant 0 : i32
      %dma_wait3A_341 = tpu.memref_slice %arg13[%dma_wait3A_338, %dma_wait3A_339, %dma_wait3A_340] : memref<5x80x64xbf16, #tpu.memory_space<vmem>> -> memref<1x80x64xbf16, #tpu.memory_space<vmem>>
      %dma_wait3A_342 = tpu.memref_squeeze %dma_wait3A_341 : memref<1x80x64xbf16, #tpu.memory_space<vmem>> -> memref<80x64xbf16, #tpu.memory_space<vmem>>
      %dma_wait3A_343 = arith.constant 0 : i32
      %dma_wait3A_344 = tpu.memref_slice %arg7[%dma_wait3A_337, %dma_wait3A_343] : memref<5x80xi32, #tpu.memory_space<vmem>> -> memref<1x80xi32, #tpu.memory_space<vmem>>
      %dma_wait3A_345 = tpu.memref_squeeze %dma_wait3A_344 : memref<1x80xi32, #tpu.memory_space<vmem>> -> memref<80xi32, #tpu.memory_space<vmem>>
      %dma_wait3A_346 = arith.constant 0 : i32
      %dma_wait3A_347 = arith.constant 0 : i32
      %dma_wait3A_348 = tpu.memref_slice %arg2[%arg0, %dma_wait3A_346, %dma_wait3A_347] : memref<2x10000x64xbf16, #tpu.memory_space<hbm>> -> memref<1x10000x64xbf16, #tpu.memory_space<hbm>>
      %dma_wait3A_349 = tpu.memref_squeeze %dma_wait3A_348 : memref<1x10000x64xbf16, #tpu.memory_space<hbm>> -> memref<10000x64xbf16, #tpu.memory_space<hbm>>
      %dma_wait3A_350 = arith.constant 0 : i32
      %dma_wait3A_351 = arith.constant 0 : i32
      %dma_wait3A_352 = tpu.memref_slice %dma_wait3A_349[%dma_wait3A_350, %dma_wait3A_351] : memref<10000x64xbf16, #tpu.memory_space<hbm>> -> memref<10000x64xbf16, #tpu.memory_space<hbm>>
      tpu.wait_indirect_dma semaphore(%arg18 : memref<!tpu.dma_semaphore, #tpu.memory_space<semaphore_mem>>) src(%dma_wait3A_352 : memref<10000x64xbf16, #tpu.memory_space<hbm>>) dst(%dma_wait3A_342 : memref<80x64xbf16, #tpu.memory_space<vmem>>)
      %broadcast_in_dim3A_353 = arith.constant -65536 : i32
      %broadcast_in_dim3A_354 = vector.broadcast %broadcast_in_dim3A_353 : i32 to vector<16xi32>
      %parallel_loop3A_355 = arith.constant 0 : i32
      %parallel_loop3A_356 = arith.constant 80 : i32
      %parallel_loop3A_357 = arith.constant 1 : i32
      scf.for %parallel_loop3A_826 = %parallel_loop3A_355 to %parallel_loop3A_356 step %parallel_loop3A_357  : i32 {
        %parallel_loop3A_827 = arith.constant 1 : i32
        %parallel_loop3A_828 = arith.index_cast %parallel_loop3A_827 : i32 to index
        %parallel_loop3A_829 = arith.index_cast %parallel_loop3A_826 : i32 to index
        %parallel_loop3A_830 = arith.constant 0 : index
        %parallel_loop3A_831 = tpu.vector_load %arg9[%parallel_loop3A_828, %parallel_loop3A_829, %parallel_loop3A_830] {strides = array<i32>} : memref<5x80x16xf32, #tpu.memory_space<vmem>>, vector<16xf32>,
        %parallel_loop3A_832 = arith.constant 1 : i32
        %parallel_loop3A_833 = arith.index_cast %parallel_loop3A_832 : i32 to index
        %parallel_loop3A_834 = arith.index_cast %parallel_loop3A_826 : i32 to index
        %parallel_loop3A_835 = arith.constant 0 : index
        %parallel_loop3A_836 = tpu.vector_load %arg13[%parallel_loop3A_833, %parallel_loop3A_834, %parallel_loop3A_835] {strides = array<i32>} : memref<5x80x64xbf16, #tpu.memory_space<vmem>>, vector<32xbf16>,
        %parallel_loop3A_837 = vector.bitcast %parallel_loop3A_836 : vector<32xbf16> to vector<16xi32>
        %parallel_loop3A_838 = arith.constant 16 : i32
        %parallel_loop3A_839 = vector.broadcast %parallel_loop3A_838 : i32 to vector<16xi32>
        %parallel_loop3A_840 = arith.shli %parallel_loop3A_837, %parallel_loop3A_839 : vector<16xi32>
        %parallel_loop3A_841 = vector.bitcast %parallel_loop3A_840 : vector<16xi32> to vector<16xf32>
        %parallel_loop3A_842 = arith.andi %parallel_loop3A_837, %broadcast_in_dim3A_354 : vector<16xi32>
        %parallel_loop3A_843 = vector.bitcast %parallel_loop3A_842 : vector<16xi32> to vector<16xf32>
        %parallel_loop3A_844 = arith.mulf %parallel_loop3A_841, %parallel_loop3A_831 : vector<16xf32>
        %parallel_loop3A_845 = arith.constant 1 : i32
        %parallel_loop3A_846 = arith.index_cast %parallel_loop3A_845 : i32 to index
        %parallel_loop3A_847 = arith.index_cast %parallel_loop3A_826 : i32 to index
        %parallel_loop3A_848 = arith.constant 0 : index
        %parallel_loop3A_849 = tpu.vector_load %arg14[%parallel_loop3A_846, %parallel_loop3A_847, %parallel_loop3A_848] {strides = array<i32>} : memref<5x80x64xf32, #tpu.memory_space<vmem>>, vector<16xf32>,
        tpu.vector_store %arg14[%parallel_loop3A_846, %parallel_loop3A_847, %parallel_loop3A_848], %parallel_loop3A_844 {strides = array<i32>} : memref<5x80x64xf32, #tpu.memory_space<vmem>>, vector<16xf32>,
        %parallel_loop3A_850 = arith.mulf %parallel_loop3A_843, %parallel_loop3A_831 : vector<16xf32>
        %parallel_loop3A_851 = arith.constant 1 : i32
        %parallel_loop3A_852 = arith.index_cast %parallel_loop3A_851 : i32 to index
        %parallel_loop3A_853 = arith.index_cast %parallel_loop3A_826 : i32 to index
        %parallel_loop3A_854 = arith.constant 16 : index
        %parallel_loop3A_855 = tpu.vector_load %arg14[%parallel_loop3A_852, %parallel_loop3A_853, %parallel_loop3A_854] {strides = array<i32>} : memref<5x80x64xf32, #tpu.memory_space<vmem>>, vector<16xf32>,
        tpu.vector_store %arg14[%parallel_loop3A_852, %parallel_loop3A_853, %parallel_loop3A_854], %parallel_loop3A_850 {strides = array<i32>} : memref<5x80x64xf32, #tpu.memory_space<vmem>>, vector<16xf32>,
        %parallel_loop3A_856 = arith.constant 1 : i32
        %parallel_loop3A_857 = arith.index_cast %parallel_loop3A_856 : i32 to index
        %parallel_loop3A_858 = arith.index_cast %parallel_loop3A_826 : i32 to index
        %parallel_loop3A_859 = arith.constant 32 : index
        %parallel_loop3A_860 = tpu.vector_load %arg13[%parallel_loop3A_857, %parallel_loop3A_858, %parallel_loop3A_859] {strides = array<i32>} : memref<5x80x64xbf16, #tpu.memory_space<vmem>>, vector<32xbf16>,
        %parallel_loop3A_861 = vector.bitcast %parallel_loop3A_860 : vector<32xbf16> to vector<16xi32>
        %parallel_loop3A_862 = arith.constant 16 : i32
        %parallel_loop3A_863 = vector.broadcast %parallel_loop3A_862 : i32 to vector<16xi32>
        %parallel_loop3A_864 = arith.shli %parallel_loop3A_861, %parallel_loop3A_863 : vector<16xi32>
        %parallel_loop3A_865 = vector.bitcast %parallel_loop3A_864 : vector<16xi32> to vector<16xf32>
        %parallel_loop3A_866 = arith.andi %parallel_loop3A_861, %broadcast_in_dim3A_354 : vector<16xi32>
        %parallel_loop3A_867 = vector.bitcast %parallel_loop3A_866 : vector<16xi32> to vector<16xf32>
        %parallel_loop3A_868 = arith.mulf %parallel_loop3A_865, %parallel_loop3A_831 : vector<16xf32>
        %parallel_loop3A_869 = arith.constant 1 : i32
        %parallel_loop3A_870 = arith.index_cast %parallel_loop3A_869 : i32 to index
        %parallel_loop3A_871 = arith.index_cast %parallel_loop3A_826 : i32 to index
        %parallel_loop3A_872 = arith.constant 32 : index
        %parallel_loop3A_873 = tpu.vector_load %arg14[%parallel_loop3A_870, %parallel_loop3A_871, %parallel_loop3A_872] {strides = array<i32>} : memref<5x80x64xf32, #tpu.memory_space<vmem>>, vector<16xf32>,
        tpu.vector_store %arg14[%parallel_loop3A_870, %parallel_loop3A_871, %parallel_loop3A_872], %parallel_loop3A_868 {strides = array<i32>} : memref<5x80x64xf32, #tpu.memory_space<vmem>>, vector<16xf32>,
        %parallel_loop3A_874 = arith.mulf %parallel_loop3A_867, %parallel_loop3A_831 : vector<16xf32>
        %parallel_loop3A_875 = arith.constant 1 : i32
        %parallel_loop3A_876 = arith.index_cast %parallel_loop3A_875 : i32 to index
        %parallel_loop3A_877 = arith.index_cast %parallel_loop3A_826 : i32 to index
        %parallel_loop3A_878 = arith.constant 48 : index
        %parallel_loop3A_879 = tpu.vector_load %arg14[%parallel_loop3A_876, %parallel_loop3A_877, %parallel_loop3A_878] {strides = array<i32>} : memref<5x80x64xf32, #tpu.memory_space<vmem>>, vector<16xf32>,
        tpu.vector_store %arg14[%parallel_loop3A_876, %parallel_loop3A_877, %parallel_loop3A_878], %parallel_loop3A_874 {strides = array<i32>} : memref<5x80x64xf32, #tpu.memory_space<vmem>>, vector<16xf32>,
      } {sc.loop_unroll_factor = 8 : i64, sc.parallel_access}
      %dma_start3A_358 = arith.constant 1 : i32
      %dma_start3A_359 = arith.constant 1 : i32
      %dma_start3A_360 = arith.constant 0 : i32
      %dma_start3A_361 = arith.constant 0 : i32
      %dma_start3A_362 = tpu.memref_slice %arg13[%dma_start3A_359, %dma_start3A_360, %dma_start3A_361] : memref<5x80x64xbf16, #tpu.memory_space<vmem>> -> memref<1x80x64xbf16, #tpu.memory_space<vmem>>
      %dma_start3A_363 = tpu.memref_squeeze %dma_start3A_362 : memref<1x80x64xbf16, #tpu.memory_space<vmem>> -> memref<80x64xbf16, #tpu.memory_space<vmem>>
      %dma_start3A_364 = arith.constant 0 : i32
      %dma_start3A_365 = tpu.memref_slice %arg10[%dma_start3A_358, %dma_start3A_364] : memref<5x80xi32, #tpu.memory_space<vmem>> -> memref<1x80xi32, #tpu.memory_space<vmem>>
      %dma_start3A_366 = tpu.memref_squeeze %dma_start3A_365 : memref<1x80xi32, #tpu.memory_space<vmem>> -> memref<80xi32, #tpu.memory_space<vmem>>
      %dma_start3A_367 = arith.constant 0 : i32
      %dma_start3A_368 = arith.constant 0 : i32
      %dma_start3A_369 = tpu.memref_slice %arg2[%arg0, %dma_start3A_367, %dma_start3A_368] : memref<2x10000x64xbf16, #tpu.memory_space<hbm>> -> memref<1x10000x64xbf16, #tpu.memory_space<hbm>>
      %dma_start3A_370 = tpu.memref_squeeze %dma_start3A_369 : memref<1x10000x64xbf16, #tpu.memory_space<hbm>> -> memref<10000x64xbf16, #tpu.memory_space<hbm>>
      %dma_start3A_371 = arith.constant 0 : i32
      %dma_start3A_372 = arith.constant 0 : i32
      %dma_start3A_373 = tpu.memref_slice %dma_start3A_370[%dma_start3A_371, %dma_start3A_372] : memref<10000x64xbf16, #tpu.memory_space<hbm>> -> memref<10000x64xbf16, #tpu.memory_space<hbm>>
      tpu.enqueue_indirect_dma source(%dma_start3A_373 : memref<10000x64xbf16, #tpu.memory_space<hbm>>) target(%dma_start3A_363 : memref<80x64xbf16, #tpu.memory_space<vmem>>) offsets(%dma_start3A_366 : memref<80xi32, #tpu.memory_space<vmem>>) semaphore(%arg18 : memref<!tpu.dma_semaphore, #tpu.memory_space<semaphore_mem>>)
      %dma_start3A_374 = arith.constant 1 : i32
      %dma_start3A_375 = arith.constant 1 : i32
      %dma_start3A_376 = arith.constant 0 : i32
      %dma_start3A_377 = arith.constant 0 : i32
      %dma_start3A_378 = tpu.memref_slice %arg14[%dma_start3A_374, %dma_start3A_376, %dma_start3A_377] : memref<5x80x64xf32, #tpu.memory_space<vmem>> -> memref<1x80x64xf32, #tpu.memory_space<vmem>>
      %dma_start3A_379 = tpu.memref_squeeze %dma_start3A_378 : memref<1x80x64xf32, #tpu.memory_space<vmem>> -> memref<80x64xf32, #tpu.memory_space<vmem>>
      %dma_start3A_380 = arith.constant 0 : i32
      %dma_start3A_381 = tpu.memref_slice %arg8[%dma_start3A_375, %dma_start3A_380] : memref<5x80xi32, #tpu.memory_space<vmem>> -> memref<1x80xi32, #tpu.memory_space<vmem>>
      %dma_start3A_382 = tpu.memref_squeeze %dma_start3A_381 : memref<1x80xi32, #tpu.memory_space<vmem>> -> memref<80xi32, #tpu.memory_space<vmem>>
      %dma_start3A_383 = arith.constant 0 : i32
      %dma_start3A_384 = arith.constant 0 : i32
      %dma_start3A_385 = tpu.memref_slice %arg16[%dma_start3A_383, %dma_start3A_384] : memref<10000x64xf32, #tpu.memory_space<vmem_shared>> -> memref<10000x64xf32, #tpu.memory_space<vmem_shared>>
      tpu.enqueue_indirect_dma source(%dma_start3A_379 : memref<80x64xf32, #tpu.memory_space<vmem>>) target(%dma_start3A_385 : memref<10000x64xf32, #tpu.memory_space<vmem_shared>>) offsets(%dma_start3A_382 : memref<80xi32, #tpu.memory_space<vmem>>) semaphore(%arg23 : memref<!tpu.dma_semaphore, #tpu.memory_space<semaphore_mem>>) {add = true}
      %gt3A_386 = arith.constant 0 : i32
      %gt3A_387 = arith.cmpi sgt, %scan3A_232, %gt3A_386 : i32
      %convert_element_type3A_388 = arith.extui %gt3A_387 : i1 to i32
      %cond3A_389 = arith.constant 0 : i32
      %cond3A_390 = arith.cmpi ne, %convert_element_type3A_388, %cond3A_389 : i32
      scf.if %cond3A_390 {
        %dma_wait3A_826 = arith.constant 2 : i32
        %dma_wait3A_827 = arith.constant 2 : i32
        %dma_wait3A_828 = arith.constant 0 : i32
        %dma_wait3A_829 = arith.constant 0 : i32
        %dma_wait3A_830 = tpu.memref_slice %arg14[%dma_wait3A_826, %dma_wait3A_828, %dma_wait3A_829] : memref<5x80x64xf32, #tpu.memory_space<vmem>> -> memref<1x80x64xf32, #tpu.memory_space<vmem>>
        %dma_wait3A_831 = tpu.memref_squeeze %dma_wait3A_830 : memref<1x80x64xf32, #tpu.memory_space<vmem>> -> memref<80x64xf32, #tpu.memory_space<vmem>>
        %dma_wait3A_832 = arith.constant 0 : i32
        %dma_wait3A_833 = tpu.memref_slice %arg8[%dma_wait3A_827, %dma_wait3A_832] : memref<5x80xi32, #tpu.memory_space<vmem>> -> memref<1x80xi32, #tpu.memory_space<vmem>>
        %dma_wait3A_834 = tpu.memref_squeeze %dma_wait3A_833 : memref<1x80xi32, #tpu.memory_space<vmem>> -> memref<80xi32, #tpu.memory_space<vmem>>
        %dma_wait3A_835 = arith.constant 0 : i32
        %dma_wait3A_836 = arith.constant 0 : i32
        %dma_wait3A_837 = tpu.memref_slice %arg16[%dma_wait3A_835, %dma_wait3A_836] : memref<10000x64xf32, #tpu.memory_space<vmem_shared>> -> memref<10000x64xf32, #tpu.memory_space<vmem_shared>>
        tpu.wait_indirect_dma semaphore(%arg24 : memref<!tpu.dma_semaphore, #tpu.memory_space<semaphore_mem>>) src(%dma_wait3A_831 : memref<80x64xf32, #tpu.memory_space<vmem>>) dst(%dma_wait3A_837 : memref<10000x64xf32, #tpu.memory_space<vmem_shared>>)
      } else {
      }
      %dma_wait3A_391 = arith.constant 2 : i32
      %dma_wait3A_392 = arith.constant 2 : i32
      %dma_wait3A_393 = arith.constant 0 : i32
      %dma_wait3A_394 = arith.constant 0 : i32
      %dma_wait3A_395 = tpu.memref_slice %arg13[%dma_wait3A_392, %dma_wait3A_393, %dma_wait3A_394] : memref<5x80x64xbf16, #tpu.memory_space<vmem>> -> memref<1x80x64xbf16, #tpu.memory_space<vmem>>
      %dma_wait3A_396 = tpu.memref_squeeze %dma_wait3A_395 : memref<1x80x64xbf16, #tpu.memory_space<vmem>> -> memref<80x64xbf16, #tpu.memory_space<vmem>>
      %dma_wait3A_397 = arith.constant 0 : i32
      %dma_wait3A_398 = tpu.memref_slice %arg7[%dma_wait3A_391, %dma_wait3A_397] : memref<5x80xi32, #tpu.memory_space<vmem>> -> memref<1x80xi32, #tpu.memory_space<vmem>>
      %dma_wait3A_399 = tpu.memref_squeeze %dma_wait3A_398 : memref<1x80xi32, #tpu.memory_space<vmem>> -> memref<80xi32, #tpu.memory_space<vmem>>
      %dma_wait3A_400 = arith.constant 0 : i32
      %dma_wait3A_401 = arith.constant 0 : i32
      %dma_wait3A_402 = tpu.memref_slice %arg2[%arg0, %dma_wait3A_400, %dma_wait3A_401] : memref<2x10000x64xbf16, #tpu.memory_space<hbm>> -> memref<1x10000x64xbf16, #tpu.memory_space<hbm>>
      %dma_wait3A_403 = tpu.memref_squeeze %dma_wait3A_402 : memref<1x10000x64xbf16, #tpu.memory_space<hbm>> -> memref<10000x64xbf16, #tpu.memory_space<hbm>>
      %dma_wait3A_404 = arith.constant 0 : i32
      %dma_wait3A_405 = arith.constant 0 : i32
      %dma_wait3A_406 = tpu.memref_slice %dma_wait3A_403[%dma_wait3A_404, %dma_wait3A_405] : memref<10000x64xbf16, #tpu.memory_space<hbm>> -> memref<10000x64xbf16, #tpu.memory_space<hbm>>
      tpu.wait_indirect_dma semaphore(%arg19 : memref<!tpu.dma_semaphore, #tpu.memory_space<semaphore_mem>>) src(%dma_wait3A_406 : memref<10000x64xbf16, #tpu.memory_space<hbm>>) dst(%dma_wait3A_396 : memref<80x64xbf16, #tpu.memory_space<vmem>>)
      %broadcast_in_dim3A_407 = arith.constant -65536 : i32
      %broadcast_in_dim3A_408 = vector.broadcast %broadcast_in_dim3A_407 : i32 to vector<16xi32>
      %parallel_loop3A_409 = arith.constant 0 : i32
      %parallel_loop3A_410 = arith.constant 80 : i32
      %parallel_loop3A_411 = arith.constant 1 : i32
      scf.for %parallel_loop3A_826 = %parallel_loop3A_409 to %parallel_loop3A_410 step %parallel_loop3A_411  : i32 {
        %parallel_loop3A_827 = arith.constant 2 : i32
        %parallel_loop3A_828 = arith.index_cast %parallel_loop3A_827 : i32 to index
        %parallel_loop3A_829 = arith.index_cast %parallel_loop3A_826 : i32 to index
        %parallel_loop3A_830 = arith.constant 0 : index
        %parallel_loop3A_831 = tpu.vector_load %arg9[%parallel_loop3A_828, %parallel_loop3A_829, %parallel_loop3A_830] {strides = array<i32>} : memref<5x80x16xf32, #tpu.memory_space<vmem>>, vector<16xf32>,
        %parallel_loop3A_832 = arith.constant 2 : i32
        %parallel_loop3A_833 = arith.index_cast %parallel_loop3A_832 : i32 to index
        %parallel_loop3A_834 = arith.index_cast %parallel_loop3A_826 : i32 to index
        %parallel_loop3A_835 = arith.constant 0 : index
        %parallel_loop3A_836 = tpu.vector_load %arg13[%parallel_loop3A_833, %parallel_loop3A_834, %parallel_loop3A_835] {strides = array<i32>} : memref<5x80x64xbf16, #tpu.memory_space<vmem>>, vector<32xbf16>,
        %parallel_loop3A_837 = vector.bitcast %parallel_loop3A_836 : vector<32xbf16> to vector<16xi32>
        %parallel_loop3A_838 = arith.constant 16 : i32
        %parallel_loop3A_839 = vector.broadcast %parallel_loop3A_838 : i32 to vector<16xi32>
        %parallel_loop3A_840 = arith.shli %parallel_loop3A_837, %parallel_loop3A_839 : vector<16xi32>
        %parallel_loop3A_841 = vector.bitcast %parallel_loop3A_840 : vector<16xi32> to vector<16xf32>
        %parallel_loop3A_842 = arith.andi %parallel_loop3A_837, %broadcast_in_dim3A_408 : vector<16xi32>
        %parallel_loop3A_843 = vector.bitcast %parallel_loop3A_842 : vector<16xi32> to vector<16xf32>
        %parallel_loop3A_844 = arith.mulf %parallel_loop3A_841, %parallel_loop3A_831 : vector<16xf32>
        %parallel_loop3A_845 = arith.constant 2 : i32
        %parallel_loop3A_846 = arith.index_cast %parallel_loop3A_845 : i32 to index
        %parallel_loop3A_847 = arith.index_cast %parallel_loop3A_826 : i32 to index
        %parallel_loop3A_848 = arith.constant 0 : index
        %parallel_loop3A_849 = tpu.vector_load %arg14[%parallel_loop3A_846, %parallel_loop3A_847, %parallel_loop3A_848] {strides = array<i32>} : memref<5x80x64xf32, #tpu.memory_space<vmem>>, vector<16xf32>,
        tpu.vector_store %arg14[%parallel_loop3A_846, %parallel_loop3A_847, %parallel_loop3A_848], %parallel_loop3A_844 {strides = array<i32>} : memref<5x80x64xf32, #tpu.memory_space<vmem>>, vector<16xf32>,
        %parallel_loop3A_850 = arith.mulf %parallel_loop3A_843, %parallel_loop3A_831 : vector<16xf32>
        %parallel_loop3A_851 = arith.constant 2 : i32
        %parallel_loop3A_852 = arith.index_cast %parallel_loop3A_851 : i32 to index
        %parallel_loop3A_853 = arith.index_cast %parallel_loop3A_826 : i32 to index
        %parallel_loop3A_854 = arith.constant 16 : index
        %parallel_loop3A_855 = tpu.vector_load %arg14[%parallel_loop3A_852, %parallel_loop3A_853, %parallel_loop3A_854] {strides = array<i32>} : memref<5x80x64xf32, #tpu.memory_space<vmem>>, vector<16xf32>,
        tpu.vector_store %arg14[%parallel_loop3A_852, %parallel_loop3A_853, %parallel_loop3A_854], %parallel_loop3A_850 {strides = array<i32>} : memref<5x80x64xf32, #tpu.memory_space<vmem>>, vector<16xf32>,
        %parallel_loop3A_856 = arith.constant 2 : i32
        %parallel_loop3A_857 = arith.index_cast %parallel_loop3A_856 : i32 to index
        %parallel_loop3A_858 = arith.index_cast %parallel_loop3A_826 : i32 to index
        %parallel_loop3A_859 = arith.constant 32 : index
        %parallel_loop3A_860 = tpu.vector_load %arg13[%parallel_loop3A_857, %parallel_loop3A_858, %parallel_loop3A_859] {strides = array<i32>} : memref<5x80x64xbf16, #tpu.memory_space<vmem>>, vector<32xbf16>,
        %parallel_loop3A_861 = vector.bitcast %parallel_loop3A_860 : vector<32xbf16> to vector<16xi32>
        %parallel_loop3A_862 = arith.constant 16 : i32
        %parallel_loop3A_863 = vector.broadcast %parallel_loop3A_862 : i32 to vector<16xi32>
        %parallel_loop3A_864 = arith.shli %parallel_loop3A_861, %parallel_loop3A_863 : vector<16xi32>
        %parallel_loop3A_865 = vector.bitcast %parallel_loop3A_864 : vector<16xi32> to vector<16xf32>
        %parallel_loop3A_866 = arith.andi %parallel_loop3A_861, %broadcast_in_dim3A_408 : vector<16xi32>
        %parallel_loop3A_867 = vector.bitcast %parallel_loop3A_866 : vector<16xi32> to vector<16xf32>
        %parallel_loop3A_868 = arith.mulf %parallel_loop3A_865, %parallel_loop3A_831 : vector<16xf32>
        %parallel_loop3A_869 = arith.constant 2 : i32
        %parallel_loop3A_870 = arith.index_cast %parallel_loop3A_869 : i32 to index
        %parallel_loop3A_871 = arith.index_cast %parallel_loop3A_826 : i32 to index
        %parallel_loop3A_872 = arith.constant 32 : index
        %parallel_loop3A_873 = tpu.vector_load %arg14[%parallel_loop3A_870, %parallel_loop3A_871, %parallel_loop3A_872] {strides = array<i32>} : memref<5x80x64xf32, #tpu.memory_space<vmem>>, vector<16xf32>,
        tpu.vector_store %arg14[%parallel_loop3A_870, %parallel_loop3A_871, %parallel_loop3A_872], %parallel_loop3A_868 {strides = array<i32>} : memref<5x80x64xf32, #tpu.memory_space<vmem>>, vector<16xf32>,
        %parallel_loop3A_874 = arith.mulf %parallel_loop3A_867, %parallel_loop3A_831 : vector<16xf32>
        %parallel_loop3A_875 = arith.constant 2 : i32
        %parallel_loop3A_876 = arith.index_cast %parallel_loop3A_875 : i32 to index
        %parallel_loop3A_877 = arith.index_cast %parallel_loop3A_826 : i32 to index
        %parallel_loop3A_878 = arith.constant 48 : index
        %parallel_loop3A_879 = tpu.vector_load %arg14[%parallel_loop3A_876, %parallel_loop3A_877, %parallel_loop3A_878] {strides = array<i32>} : memref<5x80x64xf32, #tpu.memory_space<vmem>>, vector<16xf32>,
        tpu.vector_store %arg14[%parallel_loop3A_876, %parallel_loop3A_877, %parallel_loop3A_878], %parallel_loop3A_874 {strides = array<i32>} : memref<5x80x64xf32, #tpu.memory_space<vmem>>, vector<16xf32>,
      } {sc.loop_unroll_factor = 8 : i64, sc.parallel_access}
      %dma_start3A_412 = arith.constant 2 : i32
      %dma_start3A_413 = arith.constant 2 : i32
      %dma_start3A_414 = arith.constant 0 : i32
      %dma_start3A_415 = arith.constant 0 : i32
      %dma_start3A_416 = tpu.memref_slice %arg13[%dma_start3A_413, %dma_start3A_414, %dma_start3A_415] : memref<5x80x64xbf16, #tpu.memory_space<vmem>> -> memref<1x80x64xbf16, #tpu.memory_space<vmem>>
      %dma_start3A_417 = tpu.memref_squeeze %dma_start3A_416 : memref<1x80x64xbf16, #tpu.memory_space<vmem>> -> memref<80x64xbf16, #tpu.memory_space<vmem>>
      %dma_start3A_418 = arith.constant 0 : i32
      %dma_start3A_419 = tpu.memref_slice %arg10[%dma_start3A_412, %dma_start3A_418] : memref<5x80xi32, #tpu.memory_space<vmem>> -> memref<1x80xi32, #tpu.memory_space<vmem>>
      %dma_start3A_420 = tpu.memref_squeeze %dma_start3A_419 : memref<1x80xi32, #tpu.memory_space<vmem>> -> memref<80xi32, #tpu.memory_space<vmem>>
      %dma_start3A_421 = arith.constant 0 : i32
      %dma_start3A_422 = arith.constant 0 : i32
      %dma_start3A_423 = tpu.memref_slice %arg2[%arg0, %dma_start3A_421, %dma_start3A_422] : memref<2x10000x64xbf16, #tpu.memory_space<hbm>> -> memref<1x10000x64xbf16, #tpu.memory_space<hbm>>
      %dma_start3A_424 = tpu.memref_squeeze %dma_start3A_423 : memref<1x10000x64xbf16, #tpu.memory_space<hbm>> -> memref<10000x64xbf16, #tpu.memory_space<hbm>>
      %dma_start3A_425 = arith.constant 0 : i32
      %dma_start3A_426 = arith.constant 0 : i32
      %dma_start3A_427 = tpu.memref_slice %dma_start3A_424[%dma_start3A_425, %dma_start3A_426] : memref<10000x64xbf16, #tpu.memory_space<hbm>> -> memref<10000x64xbf16, #tpu.memory_space<hbm>>
      tpu.enqueue_indirect_dma source(%dma_start3A_427 : memref<10000x64xbf16, #tpu.memory_space<hbm>>) target(%dma_start3A_417 : memref<80x64xbf16, #tpu.memory_space<vmem>>) offsets(%dma_start3A_420 : memref<80xi32, #tpu.memory_space<vmem>>) semaphore(%arg19 : memref<!tpu.dma_semaphore, #tpu.memory_space<semaphore_mem>>)
      %dma_start3A_428 = arith.constant 2 : i32
      %dma_start3A_429 = arith.constant 2 : i32
      %dma_start3A_430 = arith.constant 0 : i32
      %dma_start3A_431 = arith.constant 0 : i32
      %dma_start3A_432 = tpu.memref_slice %arg14[%dma_start3A_428, %dma_start3A_430, %dma_start3A_431] : memref<5x80x64xf32, #tpu.memory_space<vmem>> -> memref<1x80x64xf32, #tpu.memory_space<vmem>>
      %dma_start3A_433 = tpu.memref_squeeze %dma_start3A_432 : memref<1x80x64xf32, #tpu.memory_space<vmem>> -> memref<80x64xf32, #tpu.memory_space<vmem>>
      %dma_start3A_434 = arith.constant 0 : i32
      %dma_start3A_435 = tpu.memref_slice %arg8[%dma_start3A_429, %dma_start3A_434] : memref<5x80xi32, #tpu.memory_space<vmem>> -> memref<1x80xi32, #tpu.memory_space<vmem>>
      %dma_start3A_436 = tpu.memref_squeeze %dma_start3A_435 : memref<1x80xi32, #tpu.memory_space<vmem>> -> memref<80xi32, #tpu.memory_space<vmem>>
      %dma_start3A_437 = arith.constant 0 : i32
      %dma_start3A_438 = arith.constant 0 : i32
      %dma_start3A_439 = tpu.memref_slice %arg16[%dma_start3A_437, %dma_start3A_438] : memref<10000x64xf32, #tpu.memory_space<vmem_shared>> -> memref<10000x64xf32, #tpu.memory_space<vmem_shared>>
      tpu.enqueue_indirect_dma source(%dma_start3A_433 : memref<80x64xf32, #tpu.memory_space<vmem>>) target(%dma_start3A_439 : memref<10000x64xf32, #tpu.memory_space<vmem_shared>>) offsets(%dma_start3A_436 : memref<80xi32, #tpu.memory_space<vmem>>) semaphore(%arg24 : memref<!tpu.dma_semaphore, #tpu.memory_space<semaphore_mem>>) {add = true}
      %gt3A_440 = arith.constant 0 : i32
      %gt3A_441 = arith.cmpi sgt, %scan3A_232, %gt3A_440 : i32
      %convert_element_type3A_442 = arith.extui %gt3A_441 : i1 to i32
      %cond3A_443 = arith.constant 0 : i32
      %cond3A_444 = arith.cmpi ne, %convert_element_type3A_442, %cond3A_443 : i32
      scf.if %cond3A_444 {
        %dma_wait3A_826 = arith.constant 3 : i32
        %dma_wait3A_827 = arith.constant 3 : i32
        %dma_wait3A_828 = arith.constant 0 : i32
        %dma_wait3A_829 = arith.constant 0 : i32
        %dma_wait3A_830 = tpu.memref_slice %arg14[%dma_wait3A_826, %dma_wait3A_828, %dma_wait3A_829] : memref<5x80x64xf32, #tpu.memory_space<vmem>> -> memref<1x80x64xf32, #tpu.memory_space<vmem>>
        %dma_wait3A_831 = tpu.memref_squeeze %dma_wait3A_830 : memref<1x80x64xf32, #tpu.memory_space<vmem>> -> memref<80x64xf32, #tpu.memory_space<vmem>>
        %dma_wait3A_832 = arith.constant 0 : i32
        %dma_wait3A_833 = tpu.memref_slice %arg8[%dma_wait3A_827, %dma_wait3A_832] : memref<5x80xi32, #tpu.memory_space<vmem>> -> memref<1x80xi32, #tpu.memory_space<vmem>>
        %dma_wait3A_834 = tpu.memref_squeeze %dma_wait3A_833 : memref<1x80xi32, #tpu.memory_space<vmem>> -> memref<80xi32, #tpu.memory_space<vmem>>
        %dma_wait3A_835 = arith.constant 0 : i32
        %dma_wait3A_836 = arith.constant 0 : i32
        %dma_wait3A_837 = tpu.memref_slice %arg16[%dma_wait3A_835, %dma_wait3A_836] : memref<10000x64xf32, #tpu.memory_space<vmem_shared>> -> memref<10000x64xf32, #tpu.memory_space<vmem_shared>>
        tpu.wait_indirect_dma semaphore(%arg25 : memref<!tpu.dma_semaphore, #tpu.memory_space<semaphore_mem>>) src(%dma_wait3A_831 : memref<80x64xf32, #tpu.memory_space<vmem>>) dst(%dma_wait3A_837 : memref<10000x64xf32, #tpu.memory_space<vmem_shared>>)
      } else {
      }
      %dma_wait3A_445 = arith.constant 3 : i32
      %dma_wait3A_446 = arith.constant 3 : i32
      %dma_wait3A_447 = arith.constant 0 : i32
      %dma_wait3A_448 = arith.constant 0 : i32
      %dma_wait3A_449 = tpu.memref_slice %arg13[%dma_wait3A_446, %dma_wait3A_447, %dma_wait3A_448] : memref<5x80x64xbf16, #tpu.memory_space<vmem>> -> memref<1x80x64xbf16, #tpu.memory_space<vmem>>
      %dma_wait3A_450 = tpu.memref_squeeze %dma_wait3A_449 : memref<1x80x64xbf16, #tpu.memory_space<vmem>> -> memref<80x64xbf16, #tpu.memory_space<vmem>>
      %dma_wait3A_451 = arith.constant 0 : i32
      %dma_wait3A_452 = tpu.memref_slice %arg7[%dma_wait3A_445, %dma_wait3A_451] : memref<5x80xi32, #tpu.memory_space<vmem>> -> memref<1x80xi32, #tpu.memory_space<vmem>>
      %dma_wait3A_453 = tpu.memref_squeeze %dma_wait3A_452 : memref<1x80xi32, #tpu.memory_space<vmem>> -> memref<80xi32, #tpu.memory_space<vmem>>
      %dma_wait3A_454 = arith.constant 0 : i32
      %dma_wait3A_455 = arith.constant 0 : i32
      %dma_wait3A_456 = tpu.memref_slice %arg2[%arg0, %dma_wait3A_454, %dma_wait3A_455] : memref<2x10000x64xbf16, #tpu.memory_space<hbm>> -> memref<1x10000x64xbf16, #tpu.memory_space<hbm>>
      %dma_wait3A_457 = tpu.memref_squeeze %dma_wait3A_456 : memref<1x10000x64xbf16, #tpu.memory_space<hbm>> -> memref<10000x64xbf16, #tpu.memory_space<hbm>>
      %dma_wait3A_458 = arith.constant 0 : i32
      %dma_wait3A_459 = arith.constant 0 : i32
      %dma_wait3A_460 = tpu.memref_slice %dma_wait3A_457[%dma_wait3A_458, %dma_wait3A_459] : memref<10000x64xbf16, #tpu.memory_space<hbm>> -> memref<10000x64xbf16, #tpu.memory_space<hbm>>
      tpu.wait_indirect_dma semaphore(%arg20 : memref<!tpu.dma_semaphore, #tpu.memory_space<semaphore_mem>>) src(%dma_wait3A_460 : memref<10000x64xbf16, #tpu.memory_space<hbm>>) dst(%dma_wait3A_450 : memref<80x64xbf16, #tpu.memory_space<vmem>>)
      %broadcast_in_dim3A_461 = arith.constant -65536 : i32
      %broadcast_in_dim3A_462 = vector.broadcast %broadcast_in_dim3A_461 : i32 to vector<16xi32>
      %parallel_loop3A_463 = arith.constant 0 : i32
      %parallel_loop3A_464 = arith.constant 80 : i32
      %parallel_loop3A_465 = arith.constant 1 : i32
      scf.for %parallel_loop3A_826 = %parallel_loop3A_463 to %parallel_loop3A_464 step %parallel_loop3A_465  : i32 {
        %parallel_loop3A_827 = arith.constant 3 : i32
        %parallel_loop3A_828 = arith.index_cast %parallel_loop3A_827 : i32 to index
        %parallel_loop3A_829 = arith.index_cast %parallel_loop3A_826 : i32 to index
        %parallel_loop3A_830 = arith.constant 0 : index
        %parallel_loop3A_831 = tpu.vector_load %arg9[%parallel_loop3A_828, %parallel_loop3A_829, %parallel_loop3A_830] {strides = array<i32>} : memref<5x80x16xf32, #tpu.memory_space<vmem>>, vector<16xf32>,
        %parallel_loop3A_832 = arith.constant 3 : i32
        %parallel_loop3A_833 = arith.index_cast %parallel_loop3A_832 : i32 to index
        %parallel_loop3A_834 = arith.index_cast %parallel_loop3A_826 : i32 to index
        %parallel_loop3A_835 = arith.constant 0 : index
        %parallel_loop3A_836 = tpu.vector_load %arg13[%parallel_loop3A_833, %parallel_loop3A_834, %parallel_loop3A_835] {strides = array<i32>} : memref<5x80x64xbf16, #tpu.memory_space<vmem>>, vector<32xbf16>,
        %parallel_loop3A_837 = vector.bitcast %parallel_loop3A_836 : vector<32xbf16> to vector<16xi32>
        %parallel_loop3A_838 = arith.constant 16 : i32
        %parallel_loop3A_839 = vector.broadcast %parallel_loop3A_838 : i32 to vector<16xi32>
        %parallel_loop3A_840 = arith.shli %parallel_loop3A_837, %parallel_loop3A_839 : vector<16xi32>
        %parallel_loop3A_841 = vector.bitcast %parallel_loop3A_840 : vector<16xi32> to vector<16xf32>
        %parallel_loop3A_842 = arith.andi %parallel_loop3A_837, %broadcast_in_dim3A_462 : vector<16xi32>
        %parallel_loop3A_843 = vector.bitcast %parallel_loop3A_842 : vector<16xi32> to vector<16xf32>
        %parallel_loop3A_844 = arith.mulf %parallel_loop3A_841, %parallel_loop3A_831 : vector<16xf32>
        %parallel_loop3A_845 = arith.constant 3 : i32
        %parallel_loop3A_846 = arith.index_cast %parallel_loop3A_845 : i32 to index
        %parallel_loop3A_847 = arith.index_cast %parallel_loop3A_826 : i32 to index
        %parallel_loop3A_848 = arith.constant 0 : index
        %parallel_loop3A_849 = tpu.vector_load %arg14[%parallel_loop3A_846, %parallel_loop3A_847, %parallel_loop3A_848] {strides = array<i32>} : memref<5x80x64xf32, #tpu.memory_space<vmem>>, vector<16xf32>,
        tpu.vector_store %arg14[%parallel_loop3A_846, %parallel_loop3A_847, %parallel_loop3A_848], %parallel_loop3A_844 {strides = array<i32>} : memref<5x80x64xf32, #tpu.memory_space<vmem>>, vector<16xf32>,
        %parallel_loop3A_850 = arith.mulf %parallel_loop3A_843, %parallel_loop3A_831 : vector<16xf32>
        %parallel_loop3A_851 = arith.constant 3 : i32
        %parallel_loop3A_852 = arith.index_cast %parallel_loop3A_851 : i32 to index
        %parallel_loop3A_853 = arith.index_cast %parallel_loop3A_826 : i32 to index
        %parallel_loop3A_854 = arith.constant 16 : index
        %parallel_loop3A_855 = tpu.vector_load %arg14[%parallel_loop3A_852, %parallel_loop3A_853, %parallel_loop3A_854] {strides = array<i32>} : memref<5x80x64xf32, #tpu.memory_space<vmem>>, vector<16xf32>,
        tpu.vector_store %arg14[%parallel_loop3A_852, %parallel_loop3A_853, %parallel_loop3A_854], %parallel_loop3A_850 {strides = array<i32>} : memref<5x80x64xf32, #tpu.memory_space<vmem>>, vector<16xf32>,
        %parallel_loop3A_856 = arith.constant 3 : i32
        %parallel_loop3A_857 = arith.index_cast %parallel_loop3A_856 : i32 to index
        %parallel_loop3A_858 = arith.index_cast %parallel_loop3A_826 : i32 to index
        %parallel_loop3A_859 = arith.constant 32 : index
        %parallel_loop3A_860 = tpu.vector_load %arg13[%parallel_loop3A_857, %parallel_loop3A_858, %parallel_loop3A_859] {strides = array<i32>} : memref<5x80x64xbf16, #tpu.memory_space<vmem>>, vector<32xbf16>,
        %parallel_loop3A_861 = vector.bitcast %parallel_loop3A_860 : vector<32xbf16> to vector<16xi32>
        %parallel_loop3A_862 = arith.constant 16 : i32
        %parallel_loop3A_863 = vector.broadcast %parallel_loop3A_862 : i32 to vector<16xi32>
        %parallel_loop3A_864 = arith.shli %parallel_loop3A_861, %parallel_loop3A_863 : vector<16xi32>
        %parallel_loop3A_865 = vector.bitcast %parallel_loop3A_864 : vector<16xi32> to vector<16xf32>
        %parallel_loop3A_866 = arith.andi %parallel_loop3A_861, %broadcast_in_dim3A_462 : vector<16xi32>
        %parallel_loop3A_867 = vector.bitcast %parallel_loop3A_866 : vector<16xi32> to vector<16xf32>
        %parallel_loop3A_868 = arith.mulf %parallel_loop3A_865, %parallel_loop3A_831 : vector<16xf32>
        %parallel_loop3A_869 = arith.constant 3 : i32
        %parallel_loop3A_870 = arith.index_cast %parallel_loop3A_869 : i32 to index
        %parallel_loop3A_871 = arith.index_cast %parallel_loop3A_826 : i32 to index
        %parallel_loop3A_872 = arith.constant 32 : index
        %parallel_loop3A_873 = tpu.vector_load %arg14[%parallel_loop3A_870, %parallel_loop3A_871, %parallel_loop3A_872] {strides = array<i32>} : memref<5x80x64xf32, #tpu.memory_space<vmem>>, vector<16xf32>,
        tpu.vector_store %arg14[%parallel_loop3A_870, %parallel_loop3A_871, %parallel_loop3A_872], %parallel_loop3A_868 {strides = array<i32>} : memref<5x80x64xf32, #tpu.memory_space<vmem>>, vector<16xf32>,
        %parallel_loop3A_874 = arith.mulf %parallel_loop3A_867, %parallel_loop3A_831 : vector<16xf32>
        %parallel_loop3A_875 = arith.constant 3 : i32
        %parallel_loop3A_876 = arith.index_cast %parallel_loop3A_875 : i32 to index
        %parallel_loop3A_877 = arith.index_cast %parallel_loop3A_826 : i32 to index
        %parallel_loop3A_878 = arith.constant 48 : index
        %parallel_loop3A_879 = tpu.vector_load %arg14[%parallel_loop3A_876, %parallel_loop3A_877, %parallel_loop3A_878] {strides = array<i32>} : memref<5x80x64xf32, #tpu.memory_space<vmem>>, vector<16xf32>,
        tpu.vector_store %arg14[%parallel_loop3A_876, %parallel_loop3A_877, %parallel_loop3A_878], %parallel_loop3A_874 {strides = array<i32>} : memref<5x80x64xf32, #tpu.memory_space<vmem>>, vector<16xf32>,
      } {sc.loop_unroll_factor = 8 : i64, sc.parallel_access}
      %dma_start3A_466 = arith.constant 3 : i32
      %dma_start3A_467 = arith.constant 3 : i32
      %dma_start3A_468 = arith.constant 0 : i32
      %dma_start3A_469 = arith.constant 0 : i32
      %dma_start3A_470 = tpu.memref_slice %arg13[%dma_start3A_467, %dma_start3A_468, %dma_start3A_469] : memref<5x80x64xbf16, #tpu.memory_space<vmem>> -> memref<1x80x64xbf16, #tpu.memory_space<vmem>>
      %dma_start3A_471 = tpu.memref_squeeze %dma_start3A_470 : memref<1x80x64xbf16, #tpu.memory_space<vmem>> -> memref<80x64xbf16, #tpu.memory_space<vmem>>
      %dma_start3A_472 = arith.constant 0 : i32
      %dma_start3A_473 = tpu.memref_slice %arg10[%dma_start3A_466, %dma_start3A_472] : memref<5x80xi32, #tpu.memory_space<vmem>> -> memref<1x80xi32, #tpu.memory_space<vmem>>
      %dma_start3A_474 = tpu.memref_squeeze %dma_start3A_473 : memref<1x80xi32, #tpu.memory_space<vmem>> -> memref<80xi32, #tpu.memory_space<vmem>>
      %dma_start3A_475 = arith.constant 0 : i32
      %dma_start3A_476 = arith.constant 0 : i32
      %dma_start3A_477 = tpu.memref_slice %arg2[%arg0, %dma_start3A_475, %dma_start3A_476] : memref<2x10000x64xbf16, #tpu.memory_space<hbm>> -> memref<1x10000x64xbf16, #tpu.memory_space<hbm>>
      %dma_start3A_478 = tpu.memref_squeeze %dma_start3A_477 : memref<1x10000x64xbf16, #tpu.memory_space<hbm>> -> memref<10000x64xbf16, #tpu.memory_space<hbm>>
      %dma_start3A_479 = arith.constant 0 : i32
      %dma_start3A_480 = arith.constant 0 : i32
      %dma_start3A_481 = tpu.memref_slice %dma_start3A_478[%dma_start3A_479, %dma_start3A_480] : memref<10000x64xbf16, #tpu.memory_space<hbm>> -> memref<10000x64xbf16, #tpu.memory_space<hbm>>
      tpu.enqueue_indirect_dma source(%dma_start3A_481 : memref<10000x64xbf16, #tpu.memory_space<hbm>>) target(%dma_start3A_471 : memref<80x64xbf16, #tpu.memory_space<vmem>>) offsets(%dma_start3A_474 : memref<80xi32, #tpu.memory_space<vmem>>) semaphore(%arg20 : memref<!tpu.dma_semaphore, #tpu.memory_space<semaphore_mem>>)
      %dma_start3A_482 = arith.constant 3 : i32
      %dma_start3A_483 = arith.constant 3 : i32
      %dma_start3A_484 = arith.constant 0 : i32
      %dma_start3A_485 = arith.constant 0 : i32
      %dma_start3A_486 = tpu.memref_slice %arg14[%dma_start3A_482, %dma_start3A_484, %dma_start3A_485] : memref<5x80x64xf32, #tpu.memory_space<vmem>> -> memref<1x80x64xf32, #tpu.memory_space<vmem>>
      %dma_start3A_487 = tpu.memref_squeeze %dma_start3A_486 : memref<1x80x64xf32, #tpu.memory_space<vmem>> -> memref<80x64xf32, #tpu.memory_space<vmem>>
      %dma_start3A_488 = arith.constant 0 : i32
      %dma_start3A_489 = tpu.memref_slice %arg8[%dma_start3A_483, %dma_start3A_488] : memref<5x80xi32, #tpu.memory_space<vmem>> -> memref<1x80xi32, #tpu.memory_space<vmem>>
      %dma_start3A_490 = tpu.memref_squeeze %dma_start3A_489 : memref<1x80xi32, #tpu.memory_space<vmem>> -> memref<80xi32, #tpu.memory_space<vmem>>
      %dma_start3A_491 = arith.constant 0 : i32
      %dma_start3A_492 = arith.constant 0 : i32
      %dma_start3A_493 = tpu.memref_slice %arg16[%dma_start3A_491, %dma_start3A_492] : memref<10000x64xf32, #tpu.memory_space<vmem_shared>> -> memref<10000x64xf32, #tpu.memory_space<vmem_shared>>
      tpu.enqueue_indirect_dma source(%dma_start3A_487 : memref<80x64xf32, #tpu.memory_space<vmem>>) target(%dma_start3A_493 : memref<10000x64xf32, #tpu.memory_space<vmem_shared>>) offsets(%dma_start3A_490 : memref<80xi32, #tpu.memory_space<vmem>>) semaphore(%arg25 : memref<!tpu.dma_semaphore, #tpu.memory_space<semaphore_mem>>) {add = true}
      %gt3A_494 = arith.constant 0 : i32
      %gt3A_495 = arith.cmpi sgt, %scan3A_232, %gt3A_494 : i32
      %convert_element_type3A_496 = arith.extui %gt3A_495 : i1 to i32
      %cond3A_497 = arith.constant 0 : i32
      %cond3A_498 = arith.cmpi ne, %convert_element_type3A_496, %cond3A_497 : i32
      scf.if %cond3A_498 {
        %dma_wait3A_826 = arith.constant 4 : i32
        %dma_wait3A_827 = arith.constant 4 : i32
        %dma_wait3A_828 = arith.constant 0 : i32
        %dma_wait3A_829 = arith.constant 0 : i32
        %dma_wait3A_830 = tpu.memref_slice %arg14[%dma_wait3A_826, %dma_wait3A_828, %dma_wait3A_829] : memref<5x80x64xf32, #tpu.memory_space<vmem>> -> memref<1x80x64xf32, #tpu.memory_space<vmem>>
        %dma_wait3A_831 = tpu.memref_squeeze %dma_wait3A_830 : memref<1x80x64xf32, #tpu.memory_space<vmem>> -> memref<80x64xf32, #tpu.memory_space<vmem>>
        %dma_wait3A_832 = arith.constant 0 : i32
        %dma_wait3A_833 = tpu.memref_slice %arg8[%dma_wait3A_827, %dma_wait3A_832] : memref<5x80xi32, #tpu.memory_space<vmem>> -> memref<1x80xi32, #tpu.memory_space<vmem>>
        %dma_wait3A_834 = tpu.memref_squeeze %dma_wait3A_833 : memref<1x80xi32, #tpu.memory_space<vmem>> -> memref<80xi32, #tpu.memory_space<vmem>>
        %dma_wait3A_835 = arith.constant 0 : i32
        %dma_wait3A_836 = arith.constant 0 : i32
        %dma_wait3A_837 = tpu.memref_slice %arg16[%dma_wait3A_835, %dma_wait3A_836] : memref<10000x64xf32, #tpu.memory_space<vmem_shared>> -> memref<10000x64xf32, #tpu.memory_space<vmem_shared>>
        tpu.wait_indirect_dma semaphore(%arg26 : memref<!tpu.dma_semaphore, #tpu.memory_space<semaphore_mem>>) src(%dma_wait3A_831 : memref<80x64xf32, #tpu.memory_space<vmem>>) dst(%dma_wait3A_837 : memref<10000x64xf32, #tpu.memory_space<vmem_shared>>)
      } else {
      }
      %dma_wait3A_499 = arith.constant 4 : i32
      %dma_wait3A_500 = arith.constant 4 : i32
      %dma_wait3A_501 = arith.constant 0 : i32
      %dma_wait3A_502 = arith.constant 0 : i32
      %dma_wait3A_503 = tpu.memref_slice %arg13[%dma_wait3A_500, %dma_wait3A_501, %dma_wait3A_502] : memref<5x80x64xbf16, #tpu.memory_space<vmem>> -> memref<1x80x64xbf16, #tpu.memory_space<vmem>>
      %dma_wait3A_504 = tpu.memref_squeeze %dma_wait3A_503 : memref<1x80x64xbf16, #tpu.memory_space<vmem>> -> memref<80x64xbf16, #tpu.memory_space<vmem>>
      %dma_wait3A_505 = arith.constant 0 : i32
      %dma_wait3A_506 = tpu.memref_slice %arg7[%dma_wait3A_499, %dma_wait3A_505] : memref<5x80xi32, #tpu.memory_space<vmem>> -> memref<1x80xi32, #tpu.memory_space<vmem>>
      %dma_wait3A_507 = tpu.memref_squeeze %dma_wait3A_506 : memref<1x80xi32, #tpu.memory_space<vmem>> -> memref<80xi32, #tpu.memory_space<vmem>>
      %dma_wait3A_508 = arith.constant 0 : i32
      %dma_wait3A_509 = arith.constant 0 : i32
      %dma_wait3A_510 = tpu.memref_slice %arg2[%arg0, %dma_wait3A_508, %dma_wait3A_509] : memref<2x10000x64xbf16, #tpu.memory_space<hbm>> -> memref<1x10000x64xbf16, #tpu.memory_space<hbm>>
      %dma_wait3A_511 = tpu.memref_squeeze %dma_wait3A_510 : memref<1x10000x64xbf16, #tpu.memory_space<hbm>> -> memref<10000x64xbf16, #tpu.memory_space<hbm>>
      %dma_wait3A_512 = arith.constant 0 : i32
      %dma_wait3A_513 = arith.constant 0 : i32
      %dma_wait3A_514 = tpu.memref_slice %dma_wait3A_511[%dma_wait3A_512, %dma_wait3A_513] : memref<10000x64xbf16, #tpu.memory_space<hbm>> -> memref<10000x64xbf16, #tpu.memory_space<hbm>>
      tpu.wait_indirect_dma semaphore(%arg21 : memref<!tpu.dma_semaphore, #tpu.memory_space<semaphore_mem>>) src(%dma_wait3A_514 : memref<10000x64xbf16, #tpu.memory_space<hbm>>) dst(%dma_wait3A_504 : memref<80x64xbf16, #tpu.memory_space<vmem>>)
      %broadcast_in_dim3A_515 = arith.constant -65536 : i32
      %broadcast_in_dim3A_516 = vector.broadcast %broadcast_in_dim3A_515 : i32 to vector<16xi32>
      %parallel_loop3A_517 = arith.constant 0 : i32
      %parallel_loop3A_518 = arith.constant 80 : i32
      %parallel_loop3A_519 = arith.constant 1 : i32
      scf.for %parallel_loop3A_826 = %parallel_loop3A_517 to %parallel_loop3A_518 step %parallel_loop3A_519  : i32 {
        %parallel_loop3A_827 = arith.constant 4 : i32
        %parallel_loop3A_828 = arith.index_cast %parallel_loop3A_827 : i32 to index
        %parallel_loop3A_829 = arith.index_cast %parallel_loop3A_826 : i32 to index
        %parallel_loop3A_830 = arith.constant 0 : index
        %parallel_loop3A_831 = tpu.vector_load %arg9[%parallel_loop3A_828, %parallel_loop3A_829, %parallel_loop3A_830] {strides = array<i32>} : memref<5x80x16xf32, #tpu.memory_space<vmem>>, vector<16xf32>,
        %parallel_loop3A_832 = arith.constant 4 : i32
        %parallel_loop3A_833 = arith.index_cast %parallel_loop3A_832 : i32 to index
        %parallel_loop3A_834 = arith.index_cast %parallel_loop3A_826 : i32 to index
        %parallel_loop3A_835 = arith.constant 0 : index
        %parallel_loop3A_836 = tpu.vector_load %arg13[%parallel_loop3A_833, %parallel_loop3A_834, %parallel_loop3A_835] {strides = array<i32>} : memref<5x80x64xbf16, #tpu.memory_space<vmem>>, vector<32xbf16>,
        %parallel_loop3A_837 = vector.bitcast %parallel_loop3A_836 : vector<32xbf16> to vector<16xi32>
        %parallel_loop3A_838 = arith.constant 16 : i32
        %parallel_loop3A_839 = vector.broadcast %parallel_loop3A_838 : i32 to vector<16xi32>
        %parallel_loop3A_840 = arith.shli %parallel_loop3A_837, %parallel_loop3A_839 : vector<16xi32>
        %parallel_loop3A_841 = vector.bitcast %parallel_loop3A_840 : vector<16xi32> to vector<16xf32>
        %parallel_loop3A_842 = arith.andi %parallel_loop3A_837, %broadcast_in_dim3A_516 : vector<16xi32>
        %parallel_loop3A_843 = vector.bitcast %parallel_loop3A_842 : vector<16xi32> to vector<16xf32>
        %parallel_loop3A_844 = arith.mulf %parallel_loop3A_841, %parallel_loop3A_831 : vector<16xf32>
        %parallel_loop3A_845 = arith.constant 4 : i32
        %parallel_loop3A_846 = arith.index_cast %parallel_loop3A_845 : i32 to index
        %parallel_loop3A_847 = arith.index_cast %parallel_loop3A_826 : i32 to index
        %parallel_loop3A_848 = arith.constant 0 : index
        %parallel_loop3A_849 = tpu.vector_load %arg14[%parallel_loop3A_846, %parallel_loop3A_847, %parallel_loop3A_848] {strides = array<i32>} : memref<5x80x64xf32, #tpu.memory_space<vmem>>, vector<16xf32>,
        tpu.vector_store %arg14[%parallel_loop3A_846, %parallel_loop3A_847, %parallel_loop3A_848], %parallel_loop3A_844 {strides = array<i32>} : memref<5x80x64xf32, #tpu.memory_space<vmem>>, vector<16xf32>,
        %parallel_loop3A_850 = arith.mulf %parallel_loop3A_843, %parallel_loop3A_831 : vector<16xf32>
        %parallel_loop3A_851 = arith.constant 4 : i32
        %parallel_loop3A_852 = arith.index_cast %parallel_loop3A_851 : i32 to index
        %parallel_loop3A_853 = arith.index_cast %parallel_loop3A_826 : i32 to index
        %parallel_loop3A_854 = arith.constant 16 : index
        %parallel_loop3A_855 = tpu.vector_load %arg14[%parallel_loop3A_852, %parallel_loop3A_853, %parallel_loop3A_854] {strides = array<i32>} : memref<5x80x64xf32, #tpu.memory_space<vmem>>, vector<16xf32>,
        tpu.vector_store %arg14[%parallel_loop3A_852, %parallel_loop3A_853, %parallel_loop3A_854], %parallel_loop3A_850 {strides = array<i32>} : memref<5x80x64xf32, #tpu.memory_space<vmem>>, vector<16xf32>,
        %parallel_loop3A_856 = arith.constant 4 : i32
        %parallel_loop3A_857 = arith.index_cast %parallel_loop3A_856 : i32 to index
        %parallel_loop3A_858 = arith.index_cast %parallel_loop3A_826 : i32 to index
        %parallel_loop3A_859 = arith.constant 32 : index
        %parallel_loop3A_860 = tpu.vector_load %arg13[%parallel_loop3A_857, %parallel_loop3A_858, %parallel_loop3A_859] {strides = array<i32>} : memref<5x80x64xbf16, #tpu.memory_space<vmem>>, vector<32xbf16>,
        %parallel_loop3A_861 = vector.bitcast %parallel_loop3A_860 : vector<32xbf16> to vector<16xi32>
        %parallel_loop3A_862 = arith.constant 16 : i32
        %parallel_loop3A_863 = vector.broadcast %parallel_loop3A_862 : i32 to vector<16xi32>
        %parallel_loop3A_864 = arith.shli %parallel_loop3A_861, %parallel_loop3A_863 : vector<16xi32>
        %parallel_loop3A_865 = vector.bitcast %parallel_loop3A_864 : vector<16xi32> to vector<16xf32>
        %parallel_loop3A_866 = arith.andi %parallel_loop3A_861, %broadcast_in_dim3A_516 : vector<16xi32>
        %parallel_loop3A_867 = vector.bitcast %parallel_loop3A_866 : vector<16xi32> to vector<16xf32>
        %parallel_loop3A_868 = arith.mulf %parallel_loop3A_865, %parallel_loop3A_831 : vector<16xf32>
        %parallel_loop3A_869 = arith.constant 4 : i32
        %parallel_loop3A_870 = arith.index_cast %parallel_loop3A_869 : i32 to index
        %parallel_loop3A_871 = arith.index_cast %parallel_loop3A_826 : i32 to index
        %parallel_loop3A_872 = arith.constant 32 : index
        %parallel_loop3A_873 = tpu.vector_load %arg14[%parallel_loop3A_870, %parallel_loop3A_871, %parallel_loop3A_872] {strides = array<i32>} : memref<5x80x64xf32, #tpu.memory_space<vmem>>, vector<16xf32>,
        tpu.vector_store %arg14[%parallel_loop3A_870, %parallel_loop3A_871, %parallel_loop3A_872], %parallel_loop3A_868 {strides = array<i32>} : memref<5x80x64xf32, #tpu.memory_space<vmem>>, vector<16xf32>,
        %parallel_loop3A_874 = arith.mulf %parallel_loop3A_867, %parallel_loop3A_831 : vector<16xf32>
        %parallel_loop3A_875 = arith.constant 4 : i32
        %parallel_loop3A_876 = arith.index_cast %parallel_loop3A_875 : i32 to index
        %parallel_loop3A_877 = arith.index_cast %parallel_loop3A_826 : i32 to index
        %parallel_loop3A_878 = arith.constant 48 : index
        %parallel_loop3A_879 = tpu.vector_load %arg14[%parallel_loop3A_876, %parallel_loop3A_877, %parallel_loop3A_878] {strides = array<i32>} : memref<5x80x64xf32, #tpu.memory_space<vmem>>, vector<16xf32>,
        tpu.vector_store %arg14[%parallel_loop3A_876, %parallel_loop3A_877, %parallel_loop3A_878], %parallel_loop3A_874 {strides = array<i32>} : memref<5x80x64xf32, #tpu.memory_space<vmem>>, vector<16xf32>,
      } {sc.loop_unroll_factor = 8 : i64, sc.parallel_access}
      %dma_start3A_520 = arith.constant 4 : i32
      %dma_start3A_521 = arith.constant 4 : i32
      %dma_start3A_522 = arith.constant 0 : i32
      %dma_start3A_523 = arith.constant 0 : i32
      %dma_start3A_524 = tpu.memref_slice %arg13[%dma_start3A_521, %dma_start3A_522, %dma_start3A_523] : memref<5x80x64xbf16, #tpu.memory_space<vmem>> -> memref<1x80x64xbf16, #tpu.memory_space<vmem>>
      %dma_start3A_525 = tpu.memref_squeeze %dma_start3A_524 : memref<1x80x64xbf16, #tpu.memory_space<vmem>> -> memref<80x64xbf16, #tpu.memory_space<vmem>>
      %dma_start3A_526 = arith.constant 0 : i32
      %dma_start3A_527 = tpu.memref_slice %arg10[%dma_start3A_520, %dma_start3A_526] : memref<5x80xi32, #tpu.memory_space<vmem>> -> memref<1x80xi32, #tpu.memory_space<vmem>>
      %dma_start3A_528 = tpu.memref_squeeze %dma_start3A_527 : memref<1x80xi32, #tpu.memory_space<vmem>> -> memref<80xi32, #tpu.memory_space<vmem>>
      %dma_start3A_529 = arith.constant 0 : i32
      %dma_start3A_530 = arith.constant 0 : i32
      %dma_start3A_531 = tpu.memref_slice %arg2[%arg0, %dma_start3A_529, %dma_start3A_530] : memref<2x10000x64xbf16, #tpu.memory_space<hbm>> -> memref<1x10000x64xbf16, #tpu.memory_space<hbm>>
      %dma_start3A_532 = tpu.memref_squeeze %dma_start3A_531 : memref<1x10000x64xbf16, #tpu.memory_space<hbm>> -> memref<10000x64xbf16, #tpu.memory_space<hbm>>
      %dma_start3A_533 = arith.constant 0 : i32
      %dma_start3A_534 = arith.constant 0 : i32
      %dma_start3A_535 = tpu.memref_slice %dma_start3A_532[%dma_start3A_533, %dma_start3A_534] : memref<10000x64xbf16, #tpu.memory_space<hbm>> -> memref<10000x64xbf16, #tpu.memory_space<hbm>>
      tpu.enqueue_indirect_dma source(%dma_start3A_535 : memref<10000x64xbf16, #tpu.memory_space<hbm>>) target(%dma_start3A_525 : memref<80x64xbf16, #tpu.memory_space<vmem>>) offsets(%dma_start3A_528 : memref<80xi32, #tpu.memory_space<vmem>>) semaphore(%arg21 : memref<!tpu.dma_semaphore, #tpu.memory_space<semaphore_mem>>)
      %dma_start3A_536 = arith.constant 4 : i32
      %dma_start3A_537 = arith.constant 4 : i32
      %dma_start3A_538 = arith.constant 0 : i32
      %dma_start3A_539 = arith.constant 0 : i32
      %dma_start3A_540 = tpu.memref_slice %arg14[%dma_start3A_536, %dma_start3A_538, %dma_start3A_539] : memref<5x80x64xf32, #tpu.memory_space<vmem>> -> memref<1x80x64xf32, #tpu.memory_space<vmem>>
      %dma_start3A_541 = tpu.memref_squeeze %dma_start3A_540 : memref<1x80x64xf32, #tpu.memory_space<vmem>> -> memref<80x64xf32, #tpu.memory_space<vmem>>
      %dma_start3A_542 = arith.constant 0 : i32
      %dma_start3A_543 = tpu.memref_slice %arg8[%dma_start3A_537, %dma_start3A_542] : memref<5x80xi32, #tpu.memory_space<vmem>> -> memref<1x80xi32, #tpu.memory_space<vmem>>
      %dma_start3A_544 = tpu.memref_squeeze %dma_start3A_543 : memref<1x80xi32, #tpu.memory_space<vmem>> -> memref<80xi32, #tpu.memory_space<vmem>>
      %dma_start3A_545 = arith.constant 0 : i32
      %dma_start3A_546 = arith.constant 0 : i32
      %dma_start3A_547 = tpu.memref_slice %arg16[%dma_start3A_545, %dma_start3A_546] : memref<10000x64xf32, #tpu.memory_space<vmem_shared>> -> memref<10000x64xf32, #tpu.memory_space<vmem_shared>>
      tpu.enqueue_indirect_dma source(%dma_start3A_541 : memref<80x64xf32, #tpu.memory_space<vmem>>) target(%dma_start3A_547 : memref<10000x64xf32, #tpu.memory_space<vmem_shared>>) offsets(%dma_start3A_544 : memref<80xi32, #tpu.memory_space<vmem>>) semaphore(%arg26 : memref<!tpu.dma_semaphore, #tpu.memory_space<semaphore_mem>>) {add = true}
      %add3A_548 = arith.constant 1 : i32
      %add3A_549 = arith.addi %mul3A_234, %add3A_548 : i32
      %dma_start3A_550 = arith.constant 0 : i32
      %dma_start3A_551 = arith.constant 0 : i32
      %dma_start3A_552 = tpu.memref_slice %arg4[%arg1, %add3A_549, %dma_start3A_550, %dma_start3A_551] : memref<16x50x5x80xi32, #tpu.memory_space<hbm>> -> memref<1x1x5x80xi32, #tpu.memory_space<hbm>>
      %dma_start3A_553 = tpu.memref_squeeze %dma_start3A_552 : memref<1x1x5x80xi32, #tpu.memory_space<hbm>> -> memref<5x80xi32, #tpu.memory_space<hbm>>
      %dma_start3A_554 = arith.constant 0 : i32
      %dma_start3A_555 = arith.constant 0 : i32
      %dma_start3A_556 = tpu.memref_slice %arg4[%arg1, %add3A_549, %dma_start3A_554, %dma_start3A_555] : memref<16x50x5x80xi32, #tpu.memory_space<hbm>> -> memref<1x1x5x80xi32, #tpu.memory_space<hbm>>
      %dma_start3A_557 = tpu.memref_squeeze %dma_start3A_556 : memref<1x1x5x80xi32, #tpu.memory_space<hbm>> -> memref<5x80xi32, #tpu.memory_space<hbm>>
      tpu.enqueue_dma source(%dma_start3A_557 : memref<5x80xi32, #tpu.memory_space<hbm>>) target(%arg11 : memref<5x80xi32, #tpu.memory_space<vmem>>) target_semaphore(%arg30 : memref<!tpu.dma_semaphore, #tpu.memory_space<semaphore_mem>>)
      %lt3A = arith.constant 24 : i32
      %lt3A_558 = arith.cmpi slt, %scan3A_232, %lt3A : i32
      %convert_element_type3A_559 = arith.extui %lt3A_558 : i1 to i32
      %cond3A_560 = arith.constant 0 : i32
      %cond3A_561 = arith.cmpi ne, %convert_element_type3A_559, %cond3A_560 : i32
      scf.if %cond3A_561 {
        %add3A_826 = arith.constant 2 : i32
        %add3A_827 = arith.addi %mul3A_234, %add3A_826 : i32
        %dma_start3A_828 = arith.constant 0 : i32
        %dma_start3A_829 = arith.constant 0 : i32
        %dma_start3A_830 = tpu.memref_slice %arg3[%arg1, %add3A_827, %dma_start3A_828, %dma_start3A_829] : memref<16x50x5x80xi32, #tpu.memory_space<hbm>> -> memref<1x1x5x80xi32, #tpu.memory_space<hbm>>
        %dma_start3A_831 = tpu.memref_squeeze %dma_start3A_830 : memref<1x1x5x80xi32, #tpu.memory_space<hbm>> -> memref<5x80xi32, #tpu.memory_space<hbm>>
        %dma_start3A_832 = arith.constant 0 : i32
        %dma_start3A_833 = arith.constant 0 : i32
        %dma_start3A_834 = tpu.memref_slice %arg3[%arg1, %add3A_827, %dma_start3A_832, %dma_start3A_833] : memref<16x50x5x80xi32, #tpu.memory_space<hbm>> -> memref<1x1x5x80xi32, #tpu.memory_space<hbm>>
        %dma_start3A_835 = tpu.memref_squeeze %dma_start3A_834 : memref<1x1x5x80xi32, #tpu.memory_space<hbm>> -> memref<5x80xi32, #tpu.memory_space<hbm>>
        tpu.enqueue_dma source(%dma_start3A_835 : memref<5x80xi32, #tpu.memory_space<hbm>>) target(%arg7 : memref<5x80xi32, #tpu.memory_space<vmem>>) target_semaphore(%arg27 : memref<!tpu.dma_semaphore, #tpu.memory_space<semaphore_mem>>)
        %dma_start3A_836 = arith.constant 0 : i32
        %dma_start3A_837 = arith.constant 0 : i32
        %dma_start3A_838 = arith.constant 0 : i32
        %dma_start3A_839 = tpu.memref_slice %arg5[%arg1, %add3A_827, %dma_start3A_836, %dma_start3A_837, %dma_start3A_838] : memref<16x50x5x80x16xf32, #tpu.memory_space<hbm>> -> memref<1x1x5x80x16xf32, #tpu.memory_space<hbm>>
        %dma_start3A_840 = tpu.memref_squeeze %dma_start3A_839 : memref<1x1x5x80x16xf32, #tpu.memory_space<hbm>> -> memref<5x80x16xf32, #tpu.memory_space<hbm>>
        %dma_start3A_841 = arith.constant 0 : i32
        %dma_start3A_842 = arith.constant 0 : i32
        %dma_start3A_843 = arith.constant 0 : i32
        %dma_start3A_844 = tpu.memref_slice %arg5[%arg1, %add3A_827, %dma_start3A_841, %dma_start3A_842, %dma_start3A_843] : memref<16x50x5x80x16xf32, #tpu.memory_space<hbm>> -> memref<1x1x5x80x16xf32, #tpu.memory_space<hbm>>
        %dma_start3A_845 = tpu.memref_squeeze %dma_start3A_844 : memref<1x1x5x80x16xf32, #tpu.memory_space<hbm>> -> memref<5x80x16xf32, #tpu.memory_space<hbm>>
        tpu.enqueue_dma source(%dma_start3A_845 : memref<5x80x16xf32, #tpu.memory_space<hbm>>) target(%arg9 : memref<5x80x16xf32, #tpu.memory_space<vmem>>) target_semaphore(%arg27 : memref<!tpu.dma_semaphore, #tpu.memory_space<semaphore_mem>>)
      } else {
      }
      %dma_wait3A_562 = arith.constant 0 : i32
      %dma_wait3A_563 = arith.constant 0 : i32
      %dma_wait3A_564 = arith.constant 0 : i32
      %dma_wait3A_565 = arith.constant 0 : i32
      %dma_wait3A_566 = tpu.memref_slice %arg14[%dma_wait3A_562, %dma_wait3A_564, %dma_wait3A_565] : memref<5x80x64xf32, #tpu.memory_space<vmem>> -> memref<1x80x64xf32, #tpu.memory_space<vmem>>
      %dma_wait3A_567 = tpu.memref_squeeze %dma_wait3A_566 : memref<1x80x64xf32, #tpu.memory_space<vmem>> -> memref<80x64xf32, #tpu.memory_space<vmem>>
      %dma_wait3A_568 = arith.constant 0 : i32
      %dma_wait3A_569 = tpu.memref_slice %arg8[%dma_wait3A_563, %dma_wait3A_568] : memref<5x80xi32, #tpu.memory_space<vmem>> -> memref<1x80xi32, #tpu.memory_space<vmem>>
      %dma_wait3A_570 = tpu.memref_squeeze %dma_wait3A_569 : memref<1x80xi32, #tpu.memory_space<vmem>> -> memref<80xi32, #tpu.memory_space<vmem>>
      %dma_wait3A_571 = arith.constant 0 : i32
      %dma_wait3A_572 = arith.constant 0 : i32
      %dma_wait3A_573 = tpu.memref_slice %arg16[%dma_wait3A_571, %dma_wait3A_572] : memref<10000x64xf32, #tpu.memory_space<vmem_shared>> -> memref<10000x64xf32, #tpu.memory_space<vmem_shared>>
      tpu.wait_indirect_dma semaphore(%arg22 : memref<!tpu.dma_semaphore, #tpu.memory_space<semaphore_mem>>) src(%dma_wait3A_567 : memref<80x64xf32, #tpu.memory_space<vmem>>) dst(%dma_wait3A_573 : memref<10000x64xf32, #tpu.memory_space<vmem_shared>>)
      %dma_wait3A_574 = arith.constant 0 : i32
      %dma_wait3A_575 = arith.constant 0 : i32
      %dma_wait3A_576 = arith.constant 0 : i32
      %dma_wait3A_577 = arith.constant 0 : i32
      %dma_wait3A_578 = tpu.memref_slice %arg13[%dma_wait3A_575, %dma_wait3A_576, %dma_wait3A_577] : memref<5x80x64xbf16, #tpu.memory_space<vmem>> -> memref<1x80x64xbf16, #tpu.memory_space<vmem>>
      %dma_wait3A_579 = tpu.memref_squeeze %dma_wait3A_578 : memref<1x80x64xbf16, #tpu.memory_space<vmem>> -> memref<80x64xbf16, #tpu.memory_space<vmem>>
      %dma_wait3A_580 = arith.constant 0 : i32
      %dma_wait3A_581 = tpu.memref_slice %arg10[%dma_wait3A_574, %dma_wait3A_580] : memref<5x80xi32, #tpu.memory_space<vmem>> -> memref<1x80xi32, #tpu.memory_space<vmem>>
      %dma_wait3A_582 = tpu.memref_squeeze %dma_wait3A_581 : memref<1x80xi32, #tpu.memory_space<vmem>> -> memref<80xi32, #tpu.memory_space<vmem>>
      %dma_wait3A_583 = arith.constant 0 : i32
      %dma_wait3A_584 = arith.constant 0 : i32
      %dma_wait3A_585 = tpu.memref_slice %arg2[%arg0, %dma_wait3A_583, %dma_wait3A_584] : memref<2x10000x64xbf16, #tpu.memory_space<hbm>> -> memref<1x10000x64xbf16, #tpu.memory_space<hbm>>
      %dma_wait3A_586 = tpu.memref_squeeze %dma_wait3A_585 : memref<1x10000x64xbf16, #tpu.memory_space<hbm>> -> memref<10000x64xbf16, #tpu.memory_space<hbm>>
      %dma_wait3A_587 = arith.constant 0 : i32
      %dma_wait3A_588 = arith.constant 0 : i32
      %dma_wait3A_589 = tpu.memref_slice %dma_wait3A_586[%dma_wait3A_587, %dma_wait3A_588] : memref<10000x64xbf16, #tpu.memory_space<hbm>> -> memref<10000x64xbf16, #tpu.memory_space<hbm>>
      tpu.wait_indirect_dma semaphore(%arg17 : memref<!tpu.dma_semaphore, #tpu.memory_space<semaphore_mem>>) src(%dma_wait3A_589 : memref<10000x64xbf16, #tpu.memory_space<hbm>>) dst(%dma_wait3A_579 : memref<80x64xbf16, #tpu.memory_space<vmem>>)
      %broadcast_in_dim3A_590 = arith.constant -65536 : i32
      %broadcast_in_dim3A_591 = vector.broadcast %broadcast_in_dim3A_590 : i32 to vector<16xi32>
      %parallel_loop3A_592 = arith.constant 0 : i32
      %parallel_loop3A_593 = arith.constant 80 : i32
      %parallel_loop3A_594 = arith.constant 1 : i32
      scf.for %parallel_loop3A_826 = %parallel_loop3A_592 to %parallel_loop3A_593 step %parallel_loop3A_594  : i32 {
        %parallel_loop3A_827 = arith.constant 0 : i32
        %parallel_loop3A_828 = arith.index_cast %parallel_loop3A_827 : i32 to index
        %parallel_loop3A_829 = arith.index_cast %parallel_loop3A_826 : i32 to index
        %parallel_loop3A_830 = arith.constant 0 : index
        %parallel_loop3A_831 = tpu.vector_load %arg12[%parallel_loop3A_828, %parallel_loop3A_829, %parallel_loop3A_830] {strides = array<i32>} : memref<5x80x16xf32, #tpu.memory_space<vmem>>, vector<16xf32>,
        %parallel_loop3A_832 = arith.constant 0 : i32
        %parallel_loop3A_833 = arith.index_cast %parallel_loop3A_832 : i32 to index
        %parallel_loop3A_834 = arith.index_cast %parallel_loop3A_826 : i32 to index
        %parallel_loop3A_835 = arith.constant 0 : index
        %parallel_loop3A_836 = tpu.vector_load %arg13[%parallel_loop3A_833, %parallel_loop3A_834, %parallel_loop3A_835] {strides = array<i32>} : memref<5x80x64xbf16, #tpu.memory_space<vmem>>, vector<32xbf16>,
        %parallel_loop3A_837 = vector.bitcast %parallel_loop3A_836 : vector<32xbf16> to vector<16xi32>
        %parallel_loop3A_838 = arith.constant 16 : i32
        %parallel_loop3A_839 = vector.broadcast %parallel_loop3A_838 : i32 to vector<16xi32>
        %parallel_loop3A_840 = arith.shli %parallel_loop3A_837, %parallel_loop3A_839 : vector<16xi32>
        %parallel_loop3A_841 = vector.bitcast %parallel_loop3A_840 : vector<16xi32> to vector<16xf32>
        %parallel_loop3A_842 = arith.andi %parallel_loop3A_837, %broadcast_in_dim3A_591 : vector<16xi32>
        %parallel_loop3A_843 = vector.bitcast %parallel_loop3A_842 : vector<16xi32> to vector<16xf32>
        %parallel_loop3A_844 = arith.mulf %parallel_loop3A_841, %parallel_loop3A_831 : vector<16xf32>
        %parallel_loop3A_845 = arith.constant 0 : i32
        %parallel_loop3A_846 = arith.index_cast %parallel_loop3A_845 : i32 to index
        %parallel_loop3A_847 = arith.index_cast %parallel_loop3A_826 : i32 to index
        %parallel_loop3A_848 = arith.constant 0 : index
        %parallel_loop3A_849 = tpu.vector_load %arg14[%parallel_loop3A_846, %parallel_loop3A_847, %parallel_loop3A_848] {strides = array<i32>} : memref<5x80x64xf32, #tpu.memory_space<vmem>>, vector<16xf32>,
        tpu.vector_store %arg14[%parallel_loop3A_846, %parallel_loop3A_847, %parallel_loop3A_848], %parallel_loop3A_844 {strides = array<i32>} : memref<5x80x64xf32, #tpu.memory_space<vmem>>, vector<16xf32>,
        %parallel_loop3A_850 = arith.mulf %parallel_loop3A_843, %parallel_loop3A_831 : vector<16xf32>
        %parallel_loop3A_851 = arith.constant 0 : i32
        %parallel_loop3A_852 = arith.index_cast %parallel_loop3A_851 : i32 to index
        %parallel_loop3A_853 = arith.index_cast %parallel_loop3A_826 : i32 to index
        %parallel_loop3A_854 = arith.constant 16 : index
        %parallel_loop3A_855 = tpu.vector_load %arg14[%parallel_loop3A_852, %parallel_loop3A_853, %parallel_loop3A_854] {strides = array<i32>} : memref<5x80x64xf32, #tpu.memory_space<vmem>>, vector<16xf32>,
        tpu.vector_store %arg14[%parallel_loop3A_852, %parallel_loop3A_853, %parallel_loop3A_854], %parallel_loop3A_850 {strides = array<i32>} : memref<5x80x64xf32, #tpu.memory_space<vmem>>, vector<16xf32>,
        %parallel_loop3A_856 = arith.constant 0 : i32
        %parallel_loop3A_857 = arith.index_cast %parallel_loop3A_856 : i32 to index
        %parallel_loop3A_858 = arith.index_cast %parallel_loop3A_826 : i32 to index
        %parallel_loop3A_859 = arith.constant 32 : index
        %parallel_loop3A_860 = tpu.vector_load %arg13[%parallel_loop3A_857, %parallel_loop3A_858, %parallel_loop3A_859] {strides = array<i32>} : memref<5x80x64xbf16, #tpu.memory_space<vmem>>, vector<32xbf16>,
        %parallel_loop3A_861 = vector.bitcast %parallel_loop3A_860 : vector<32xbf16> to vector<16xi32>
        %parallel_loop3A_862 = arith.constant 16 : i32
        %parallel_loop3A_863 = vector.broadcast %parallel_loop3A_862 : i32 to vector<16xi32>
        %parallel_loop3A_864 = arith.shli %parallel_loop3A_861, %parallel_loop3A_863 : vector<16xi32>
        %parallel_loop3A_865 = vector.bitcast %parallel_loop3A_864 : vector<16xi32> to vector<16xf32>
        %parallel_loop3A_866 = arith.andi %parallel_loop3A_861, %broadcast_in_dim3A_591 : vector<16xi32>
        %parallel_loop3A_867 = vector.bitcast %parallel_loop3A_866 : vector<16xi32> to vector<16xf32>
        %parallel_loop3A_868 = arith.mulf %parallel_loop3A_865, %parallel_loop3A_831 : vector<16xf32>
        %parallel_loop3A_869 = arith.constant 0 : i32
        %parallel_loop3A_870 = arith.index_cast %parallel_loop3A_869 : i32 to index
        %parallel_loop3A_871 = arith.index_cast %parallel_loop3A_826 : i32 to index
        %parallel_loop3A_872 = arith.constant 32 : index
        %parallel_loop3A_873 = tpu.vector_load %arg14[%parallel_loop3A_870, %parallel_loop3A_871, %parallel_loop3A_872] {strides = array<i32>} : memref<5x80x64xf32, #tpu.memory_space<vmem>>, vector<16xf32>,
        tpu.vector_store %arg14[%parallel_loop3A_870, %parallel_loop3A_871, %parallel_loop3A_872], %parallel_loop3A_868 {strides = array<i32>} : memref<5x80x64xf32, #tpu.memory_space<vmem>>, vector<16xf32>,
        %parallel_loop3A_874 = arith.mulf %parallel_loop3A_867, %parallel_loop3A_831 : vector<16xf32>
        %parallel_loop3A_875 = arith.constant 0 : i32
        %parallel_loop3A_876 = arith.index_cast %parallel_loop3A_875 : i32 to index
        %parallel_loop3A_877 = arith.index_cast %parallel_loop3A_826 : i32 to index
        %parallel_loop3A_878 = arith.constant 48 : index
        %parallel_loop3A_879 = tpu.vector_load %arg14[%parallel_loop3A_876, %parallel_loop3A_877, %parallel_loop3A_878] {strides = array<i32>} : memref<5x80x64xf32, #tpu.memory_space<vmem>>, vector<16xf32>,
        tpu.vector_store %arg14[%parallel_loop3A_876, %parallel_loop3A_877, %parallel_loop3A_878], %parallel_loop3A_874 {strides = array<i32>} : memref<5x80x64xf32, #tpu.memory_space<vmem>>, vector<16xf32>,
      } {sc.loop_unroll_factor = 8 : i64, sc.parallel_access}
      %dma_wait3A_595 = arith.constant 0 : i32
      %dma_wait3A_596 = arith.constant 0 : i32
      %dma_wait3A_597 = arith.constant 0 : i32
      %dma_wait3A_598 = tpu.memref_slice %arg4[%arg1, %dma_wait3A_595, %dma_wait3A_596, %dma_wait3A_597] : memref<16x50x5x80xi32, #tpu.memory_space<hbm>> -> memref<1x1x5x80xi32, #tpu.memory_space<hbm>>
      %dma_wait3A_599 = tpu.memref_squeeze %dma_wait3A_598 : memref<1x1x5x80xi32, #tpu.memory_space<hbm>> -> memref<5x80xi32, #tpu.memory_space<hbm>>
      %dma_wait3A_600 = arith.constant 0 : i32
      %dma_wait3A_601 = arith.constant 0 : i32
      %dma_wait3A_602 = tpu.memref_slice %arg4[%arg1, %dma_wait3A_595, %dma_wait3A_600, %dma_wait3A_601] : memref<16x50x5x80xi32, #tpu.memory_space<hbm>> -> memref<1x1x5x80xi32, #tpu.memory_space<hbm>>
      %dma_wait3A_603 = tpu.memref_squeeze %dma_wait3A_602 : memref<1x1x5x80xi32, #tpu.memory_space<hbm>> -> memref<5x80xi32, #tpu.memory_space<hbm>>
      tpu.wait_dma2 semaphore(%arg30 : memref<!tpu.dma_semaphore, #tpu.memory_space<semaphore_mem>>) src(%dma_wait3A_603 : memref<5x80xi32, #tpu.memory_space<hbm>>) dst(%arg11 : memref<5x80xi32, #tpu.memory_space<vmem>>)
      %lt3A_604 = arith.constant 24 : i32
      %lt3A_605 = arith.cmpi slt, %scan3A_232, %lt3A_604 : i32
      %convert_element_type3A_606 = arith.extui %lt3A_605 : i1 to i32
      %cond3A_607 = arith.constant 0 : i32
      %cond3A_608 = arith.cmpi ne, %convert_element_type3A_606, %cond3A_607 : i32
      scf.if %cond3A_608 {
        %dma_wait3A_826 = arith.constant 0 : i32
        %dma_wait3A_827 = arith.constant 0 : i32
        %dma_wait3A_828 = arith.constant 0 : i32
        %dma_wait3A_829 = tpu.memref_slice %arg3[%arg1, %dma_wait3A_826, %dma_wait3A_827, %dma_wait3A_828] : memref<16x50x5x80xi32, #tpu.memory_space<hbm>> -> memref<1x1x5x80xi32, #tpu.memory_space<hbm>>
        %dma_wait3A_830 = tpu.memref_squeeze %dma_wait3A_829 : memref<1x1x5x80xi32, #tpu.memory_space<hbm>> -> memref<5x80xi32, #tpu.memory_space<hbm>>
        %dma_wait3A_831 = arith.constant 0 : i32
        %dma_wait3A_832 = arith.constant 0 : i32
        %dma_wait3A_833 = tpu.memref_slice %arg3[%arg1, %dma_wait3A_826, %dma_wait3A_831, %dma_wait3A_832] : memref<16x50x5x80xi32, #tpu.memory_space<hbm>> -> memref<1x1x5x80xi32, #tpu.memory_space<hbm>>
        %dma_wait3A_834 = tpu.memref_squeeze %dma_wait3A_833 : memref<1x1x5x80xi32, #tpu.memory_space<hbm>> -> memref<5x80xi32, #tpu.memory_space<hbm>>
        tpu.wait_dma2 semaphore(%arg27 : memref<!tpu.dma_semaphore, #tpu.memory_space<semaphore_mem>>) src(%dma_wait3A_834 : memref<5x80xi32, #tpu.memory_space<hbm>>) dst(%arg7 : memref<5x80xi32, #tpu.memory_space<vmem>>)
        %dma_wait3A_835 = arith.constant 0 : i32
        %dma_wait3A_836 = arith.constant 0 : i32
        %dma_wait3A_837 = arith.constant 0 : i32
        %dma_wait3A_838 = arith.constant 0 : i32
        %dma_wait3A_839 = tpu.memref_slice %arg5[%arg1, %dma_wait3A_835, %dma_wait3A_836, %dma_wait3A_837, %dma_wait3A_838] : memref<16x50x5x80x16xf32, #tpu.memory_space<hbm>> -> memref<1x1x5x80x16xf32, #tpu.memory_space<hbm>>
        %dma_wait3A_840 = tpu.memref_squeeze %dma_wait3A_839 : memref<1x1x5x80x16xf32, #tpu.memory_space<hbm>> -> memref<5x80x16xf32, #tpu.memory_space<hbm>>
        %dma_wait3A_841 = arith.constant 0 : i32
        %dma_wait3A_842 = arith.constant 0 : i32
        %dma_wait3A_843 = arith.constant 0 : i32
        %dma_wait3A_844 = tpu.memref_slice %arg5[%arg1, %dma_wait3A_835, %dma_wait3A_841, %dma_wait3A_842, %dma_wait3A_843] : memref<16x50x5x80x16xf32, #tpu.memory_space<hbm>> -> memref<1x1x5x80x16xf32, #tpu.memory_space<hbm>>
        %dma_wait3A_845 = tpu.memref_squeeze %dma_wait3A_844 : memref<1x1x5x80x16xf32, #tpu.memory_space<hbm>> -> memref<5x80x16xf32, #tpu.memory_space<hbm>>
        tpu.wait_dma2 semaphore(%arg27 : memref<!tpu.dma_semaphore, #tpu.memory_space<semaphore_mem>>) src(%dma_wait3A_845 : memref<5x80x16xf32, #tpu.memory_space<hbm>>) dst(%arg9 : memref<5x80x16xf32, #tpu.memory_space<vmem>>)
        %dma_start3A_846 = arith.constant 0 : i32
        %dma_start3A_847 = arith.constant 0 : i32
        %dma_start3A_848 = arith.constant 0 : i32
        %dma_start3A_849 = arith.constant 0 : i32
        %dma_start3A_850 = tpu.memref_slice %arg13[%dma_start3A_847, %dma_start3A_848, %dma_start3A_849] : memref<5x80x64xbf16, #tpu.memory_space<vmem>> -> memref<1x80x64xbf16, #tpu.memory_space<vmem>>
        %dma_start3A_851 = tpu.memref_squeeze %dma_start3A_850 : memref<1x80x64xbf16, #tpu.memory_space<vmem>> -> memref<80x64xbf16, #tpu.memory_space<vmem>>
        %dma_start3A_852 = arith.constant 0 : i32
        %dma_start3A_853 = tpu.memref_slice %arg7[%dma_start3A_846, %dma_start3A_852] : memref<5x80xi32, #tpu.memory_space<vmem>> -> memref<1x80xi32, #tpu.memory_space<vmem>>
        %dma_start3A_854 = tpu.memref_squeeze %dma_start3A_853 : memref<1x80xi32, #tpu.memory_space<vmem>> -> memref<80xi32, #tpu.memory_space<vmem>>
        %dma_start3A_855 = arith.constant 0 : i32
        %dma_start3A_856 = arith.constant 0 : i32
        %dma_start3A_857 = tpu.memref_slice %arg2[%arg0, %dma_start3A_855, %dma_start3A_856] : memref<2x10000x64xbf16, #tpu.memory_space<hbm>> -> memref<1x10000x64xbf16, #tpu.memory_space<hbm>>
        %dma_start3A_858 = tpu.memref_squeeze %dma_start3A_857 : memref<1x10000x64xbf16, #tpu.memory_space<hbm>> -> memref<10000x64xbf16, #tpu.memory_space<hbm>>
        %dma_start3A_859 = arith.constant 0 : i32
        %dma_start3A_860 = arith.constant 0 : i32
        %dma_start3A_861 = tpu.memref_slice %dma_start3A_858[%dma_start3A_859, %dma_start3A_860] : memref<10000x64xbf16, #tpu.memory_space<hbm>> -> memref<10000x64xbf16, #tpu.memory_space<hbm>>
        tpu.enqueue_indirect_dma source(%dma_start3A_861 : memref<10000x64xbf16, #tpu.memory_space<hbm>>) target(%dma_start3A_851 : memref<80x64xbf16, #tpu.memory_space<vmem>>) offsets(%dma_start3A_854 : memref<80xi32, #tpu.memory_space<vmem>>) semaphore(%arg17 : memref<!tpu.dma_semaphore, #tpu.memory_space<semaphore_mem>>)
      } else {
      }
      %dma_start3A_609 = arith.constant 0 : i32
      %dma_start3A_610 = arith.constant 0 : i32
      %dma_start3A_611 = arith.constant 0 : i32
      %dma_start3A_612 = arith.constant 0 : i32
      %dma_start3A_613 = tpu.memref_slice %arg14[%dma_start3A_609, %dma_start3A_611, %dma_start3A_612] : memref<5x80x64xf32, #tpu.memory_space<vmem>> -> memref<1x80x64xf32, #tpu.memory_space<vmem>>
      %dma_start3A_614 = tpu.memref_squeeze %dma_start3A_613 : memref<1x80x64xf32, #tpu.memory_space<vmem>> -> memref<80x64xf32, #tpu.memory_space<vmem>>
      %dma_start3A_615 = arith.constant 0 : i32
      %dma_start3A_616 = tpu.memref_slice %arg11[%dma_start3A_610, %dma_start3A_615] : memref<5x80xi32, #tpu.memory_space<vmem>> -> memref<1x80xi32, #tpu.memory_space<vmem>>
      %dma_start3A_617 = tpu.memref_squeeze %dma_start3A_616 : memref<1x80xi32, #tpu.memory_space<vmem>> -> memref<80xi32, #tpu.memory_space<vmem>>
      %dma_start3A_618 = arith.constant 0 : i32
      %dma_start3A_619 = arith.constant 0 : i32
      %dma_start3A_620 = tpu.memref_slice %arg16[%dma_start3A_618, %dma_start3A_619] : memref<10000x64xf32, #tpu.memory_space<vmem_shared>> -> memref<10000x64xf32, #tpu.memory_space<vmem_shared>>
      tpu.enqueue_indirect_dma source(%dma_start3A_614 : memref<80x64xf32, #tpu.memory_space<vmem>>) target(%dma_start3A_620 : memref<10000x64xf32, #tpu.memory_space<vmem_shared>>) offsets(%dma_start3A_617 : memref<80xi32, #tpu.memory_space<vmem>>) semaphore(%arg22 : memref<!tpu.dma_semaphore, #tpu.memory_space<semaphore_mem>>) {add = true}
      %dma_wait3A_621 = arith.constant 1 : i32
      %dma_wait3A_622 = arith.constant 1 : i32
      %dma_wait3A_623 = arith.constant 0 : i32
      %dma_wait3A_624 = arith.constant 0 : i32
      %dma_wait3A_625 = tpu.memref_slice %arg14[%dma_wait3A_621, %dma_wait3A_623, %dma_wait3A_624] : memref<5x80x64xf32, #tpu.memory_space<vmem>> -> memref<1x80x64xf32, #tpu.memory_space<vmem>>
      %dma_wait3A_626 = tpu.memref_squeeze %dma_wait3A_625 : memref<1x80x64xf32, #tpu.memory_space<vmem>> -> memref<80x64xf32, #tpu.memory_space<vmem>>
      %dma_wait3A_627 = arith.constant 0 : i32
      %dma_wait3A_628 = tpu.memref_slice %arg8[%dma_wait3A_622, %dma_wait3A_627] : memref<5x80xi32, #tpu.memory_space<vmem>> -> memref<1x80xi32, #tpu.memory_space<vmem>>
      %dma_wait3A_629 = tpu.memref_squeeze %dma_wait3A_628 : memref<1x80xi32, #tpu.memory_space<vmem>> -> memref<80xi32, #tpu.memory_space<vmem>>
      %dma_wait3A_630 = arith.constant 0 : i32
      %dma_wait3A_631 = arith.constant 0 : i32
      %dma_wait3A_632 = tpu.memref_slice %arg16[%dma_wait3A_630, %dma_wait3A_631] : memref<10000x64xf32, #tpu.memory_space<vmem_shared>> -> memref<10000x64xf32, #tpu.memory_space<vmem_shared>>
      tpu.wait_indirect_dma semaphore(%arg23 : memref<!tpu.dma_semaphore, #tpu.memory_space<semaphore_mem>>) src(%dma_wait3A_626 : memref<80x64xf32, #tpu.memory_space<vmem>>) dst(%dma_wait3A_632 : memref<10000x64xf32, #tpu.memory_space<vmem_shared>>)
      %dma_wait3A_633 = arith.constant 1 : i32
      %dma_wait3A_634 = arith.constant 1 : i32
      %dma_wait3A_635 = arith.constant 0 : i32
      %dma_wait3A_636 = arith.constant 0 : i32
      %dma_wait3A_637 = tpu.memref_slice %arg13[%dma_wait3A_634, %dma_wait3A_635, %dma_wait3A_636] : memref<5x80x64xbf16, #tpu.memory_space<vmem>> -> memref<1x80x64xbf16, #tpu.memory_space<vmem>>
      %dma_wait3A_638 = tpu.memref_squeeze %dma_wait3A_637 : memref<1x80x64xbf16, #tpu.memory_space<vmem>> -> memref<80x64xbf16, #tpu.memory_space<vmem>>
      %dma_wait3A_639 = arith.constant 0 : i32
      %dma_wait3A_640 = tpu.memref_slice %arg10[%dma_wait3A_633, %dma_wait3A_639] : memref<5x80xi32, #tpu.memory_space<vmem>> -> memref<1x80xi32, #tpu.memory_space<vmem>>
      %dma_wait3A_641 = tpu.memref_squeeze %dma_wait3A_640 : memref<1x80xi32, #tpu.memory_space<vmem>> -> memref<80xi32, #tpu.memory_space<vmem>>
      %dma_wait3A_642 = arith.constant 0 : i32
      %dma_wait3A_643 = arith.constant 0 : i32
      %dma_wait3A_644 = tpu.memref_slice %arg2[%arg0, %dma_wait3A_642, %dma_wait3A_643] : memref<2x10000x64xbf16, #tpu.memory_space<hbm>> -> memref<1x10000x64xbf16, #tpu.memory_space<hbm>>
      %dma_wait3A_645 = tpu.memref_squeeze %dma_wait3A_644 : memref<1x10000x64xbf16, #tpu.memory_space<hbm>> -> memref<10000x64xbf16, #tpu.memory_space<hbm>>
      %dma_wait3A_646 = arith.constant 0 : i32
      %dma_wait3A_647 = arith.constant 0 : i32
      %dma_wait3A_648 = tpu.memref_slice %dma_wait3A_645[%dma_wait3A_646, %dma_wait3A_647] : memref<10000x64xbf16, #tpu.memory_space<hbm>> -> memref<10000x64xbf16, #tpu.memory_space<hbm>>
      tpu.wait_indirect_dma semaphore(%arg18 : memref<!tpu.dma_semaphore, #tpu.memory_space<semaphore_mem>>) src(%dma_wait3A_648 : memref<10000x64xbf16, #tpu.memory_space<hbm>>) dst(%dma_wait3A_638 : memref<80x64xbf16, #tpu.memory_space<vmem>>)
      %broadcast_in_dim3A_649 = arith.constant -65536 : i32
      %broadcast_in_dim3A_650 = vector.broadcast %broadcast_in_dim3A_649 : i32 to vector<16xi32>
      %parallel_loop3A_651 = arith.constant 0 : i32
      %parallel_loop3A_652 = arith.constant 80 : i32
      %parallel_loop3A_653 = arith.constant 1 : i32
      scf.for %parallel_loop3A_826 = %parallel_loop3A_651 to %parallel_loop3A_652 step %parallel_loop3A_653  : i32 {
        %parallel_loop3A_827 = arith.constant 1 : i32
        %parallel_loop3A_828 = arith.index_cast %parallel_loop3A_827 : i32 to index
        %parallel_loop3A_829 = arith.index_cast %parallel_loop3A_826 : i32 to index
        %parallel_loop3A_830 = arith.constant 0 : index
        %parallel_loop3A_831 = tpu.vector_load %arg12[%parallel_loop3A_828, %parallel_loop3A_829, %parallel_loop3A_830] {strides = array<i32>} : memref<5x80x16xf32, #tpu.memory_space<vmem>>, vector<16xf32>,
        %parallel_loop3A_832 = arith.constant 1 : i32
        %parallel_loop3A_833 = arith.index_cast %parallel_loop3A_832 : i32 to index
        %parallel_loop3A_834 = arith.index_cast %parallel_loop3A_826 : i32 to index
        %parallel_loop3A_835 = arith.constant 0 : index
        %parallel_loop3A_836 = tpu.vector_load %arg13[%parallel_loop3A_833, %parallel_loop3A_834, %parallel_loop3A_835] {strides = array<i32>} : memref<5x80x64xbf16, #tpu.memory_space<vmem>>, vector<32xbf16>,
        %parallel_loop3A_837 = vector.bitcast %parallel_loop3A_836 : vector<32xbf16> to vector<16xi32>
        %parallel_loop3A_838 = arith.constant 16 : i32
        %parallel_loop3A_839 = vector.broadcast %parallel_loop3A_838 : i32 to vector<16xi32>
        %parallel_loop3A_840 = arith.shli %parallel_loop3A_837, %parallel_loop3A_839 : vector<16xi32>
        %parallel_loop3A_841 = vector.bitcast %parallel_loop3A_840 : vector<16xi32> to vector<16xf32>
        %parallel_loop3A_842 = arith.andi %parallel_loop3A_837, %broadcast_in_dim3A_650 : vector<16xi32>
        %parallel_loop3A_843 = vector.bitcast %parallel_loop3A_842 : vector<16xi32> to vector<16xf32>
        %parallel_loop3A_844 = arith.mulf %parallel_loop3A_841, %parallel_loop3A_831 : vector<16xf32>
        %parallel_loop3A_845 = arith.constant 1 : i32
        %parallel_loop3A_846 = arith.index_cast %parallel_loop3A_845 : i32 to index
        %parallel_loop3A_847 = arith.index_cast %parallel_loop3A_826 : i32 to index
        %parallel_loop3A_848 = arith.constant 0 : index
        %parallel_loop3A_849 = tpu.vector_load %arg14[%parallel_loop3A_846, %parallel_loop3A_847, %parallel_loop3A_848] {strides = array<i32>} : memref<5x80x64xf32, #tpu.memory_space<vmem>>, vector<16xf32>,
        tpu.vector_store %arg14[%parallel_loop3A_846, %parallel_loop3A_847, %parallel_loop3A_848], %parallel_loop3A_844 {strides = array<i32>} : memref<5x80x64xf32, #tpu.memory_space<vmem>>, vector<16xf32>,
        %parallel_loop3A_850 = arith.mulf %parallel_loop3A_843, %parallel_loop3A_831 : vector<16xf32>
        %parallel_loop3A_851 = arith.constant 1 : i32
        %parallel_loop3A_852 = arith.index_cast %parallel_loop3A_851 : i32 to index
        %parallel_loop3A_853 = arith.index_cast %parallel_loop3A_826 : i32 to index
        %parallel_loop3A_854 = arith.constant 16 : index
        %parallel_loop3A_855 = tpu.vector_load %arg14[%parallel_loop3A_852, %parallel_loop3A_853, %parallel_loop3A_854] {strides = array<i32>} : memref<5x80x64xf32, #tpu.memory_space<vmem>>, vector<16xf32>,
        tpu.vector_store %arg14[%parallel_loop3A_852, %parallel_loop3A_853, %parallel_loop3A_854], %parallel_loop3A_850 {strides = array<i32>} : memref<5x80x64xf32, #tpu.memory_space<vmem>>, vector<16xf32>,
        %parallel_loop3A_856 = arith.constant 1 : i32
        %parallel_loop3A_857 = arith.index_cast %parallel_loop3A_856 : i32 to index
        %parallel_loop3A_858 = arith.index_cast %parallel_loop3A_826 : i32 to index
        %parallel_loop3A_859 = arith.constant 32 : index
        %parallel_loop3A_860 = tpu.vector_load %arg13[%parallel_loop3A_857, %parallel_loop3A_858, %parallel_loop3A_859] {strides = array<i32>} : memref<5x80x64xbf16, #tpu.memory_space<vmem>>, vector<32xbf16>,
        %parallel_loop3A_861 = vector.bitcast %parallel_loop3A_860 : vector<32xbf16> to vector<16xi32>
        %parallel_loop3A_862 = arith.constant 16 : i32
        %parallel_loop3A_863 = vector.broadcast %parallel_loop3A_862 : i32 to vector<16xi32>
        %parallel_loop3A_864 = arith.shli %parallel_loop3A_861, %parallel_loop3A_863 : vector<16xi32>
        %parallel_loop3A_865 = vector.bitcast %parallel_loop3A_864 : vector<16xi32> to vector<16xf32>
        %parallel_loop3A_866 = arith.andi %parallel_loop3A_861, %broadcast_in_dim3A_650 : vector<16xi32>
        %parallel_loop3A_867 = vector.bitcast %parallel_loop3A_866 : vector<16xi32> to vector<16xf32>
        %parallel_loop3A_868 = arith.mulf %parallel_loop3A_865, %parallel_loop3A_831 : vector<16xf32>
        %parallel_loop3A_869 = arith.constant 1 : i32
        %parallel_loop3A_870 = arith.index_cast %parallel_loop3A_869 : i32 to index
        %parallel_loop3A_871 = arith.index_cast %parallel_loop3A_826 : i32 to index
        %parallel_loop3A_872 = arith.constant 32 : index
        %parallel_loop3A_873 = tpu.vector_load %arg14[%parallel_loop3A_870, %parallel_loop3A_871, %parallel_loop3A_872] {strides = array<i32>} : memref<5x80x64xf32, #tpu.memory_space<vmem>>, vector<16xf32>,
        tpu.vector_store %arg14[%parallel_loop3A_870, %parallel_loop3A_871, %parallel_loop3A_872], %parallel_loop3A_868 {strides = array<i32>} : memref<5x80x64xf32, #tpu.memory_space<vmem>>, vector<16xf32>,
        %parallel_loop3A_874 = arith.mulf %parallel_loop3A_867, %parallel_loop3A_831 : vector<16xf32>
        %parallel_loop3A_875 = arith.constant 1 : i32
        %parallel_loop3A_876 = arith.index_cast %parallel_loop3A_875 : i32 to index
        %parallel_loop3A_877 = arith.index_cast %parallel_loop3A_826 : i32 to index
        %parallel_loop3A_878 = arith.constant 48 : index
        %parallel_loop3A_879 = tpu.vector_load %arg14[%parallel_loop3A_876, %parallel_loop3A_877, %parallel_loop3A_878] {strides = array<i32>} : memref<5x80x64xf32, #tpu.memory_space<vmem>>, vector<16xf32>,
        tpu.vector_store %arg14[%parallel_loop3A_876, %parallel_loop3A_877, %parallel_loop3A_878], %parallel_loop3A_874 {strides = array<i32>} : memref<5x80x64xf32, #tpu.memory_space<vmem>>, vector<16xf32>,
      } {sc.loop_unroll_factor = 8 : i64, sc.parallel_access}
      %lt3A_654 = arith.constant 24 : i32
      %lt3A_655 = arith.cmpi slt, %scan3A_232, %lt3A_654 : i32
      %convert_element_type3A_656 = arith.extui %lt3A_655 : i1 to i32
      %cond3A_657 = arith.constant 0 : i32
      %cond3A_658 = arith.cmpi ne, %convert_element_type3A_656, %cond3A_657 : i32
      scf.if %cond3A_658 {
        %dma_start3A_826 = arith.constant 1 : i32
        %dma_start3A_827 = arith.constant 1 : i32
        %dma_start3A_828 = arith.constant 0 : i32
        %dma_start3A_829 = arith.constant 0 : i32
        %dma_start3A_830 = tpu.memref_slice %arg13[%dma_start3A_827, %dma_start3A_828, %dma_start3A_829] : memref<5x80x64xbf16, #tpu.memory_space<vmem>> -> memref<1x80x64xbf16, #tpu.memory_space<vmem>>
        %dma_start3A_831 = tpu.memref_squeeze %dma_start3A_830 : memref<1x80x64xbf16, #tpu.memory_space<vmem>> -> memref<80x64xbf16, #tpu.memory_space<vmem>>
        %dma_start3A_832 = arith.constant 0 : i32
        %dma_start3A_833 = tpu.memref_slice %arg7[%dma_start3A_826, %dma_start3A_832] : memref<5x80xi32, #tpu.memory_space<vmem>> -> memref<1x80xi32, #tpu.memory_space<vmem>>
        %dma_start3A_834 = tpu.memref_squeeze %dma_start3A_833 : memref<1x80xi32, #tpu.memory_space<vmem>> -> memref<80xi32, #tpu.memory_space<vmem>>
        %dma_start3A_835 = arith.constant 0 : i32
        %dma_start3A_836 = arith.constant 0 : i32
        %dma_start3A_837 = tpu.memref_slice %arg2[%arg0, %dma_start3A_835, %dma_start3A_836] : memref<2x10000x64xbf16, #tpu.memory_space<hbm>> -> memref<1x10000x64xbf16, #tpu.memory_space<hbm>>
        %dma_start3A_838 = tpu.memref_squeeze %dma_start3A_837 : memref<1x10000x64xbf16, #tpu.memory_space<hbm>> -> memref<10000x64xbf16, #tpu.memory_space<hbm>>
        %dma_start3A_839 = arith.constant 0 : i32
        %dma_start3A_840 = arith.constant 0 : i32
        %dma_start3A_841 = tpu.memref_slice %dma_start3A_838[%dma_start3A_839, %dma_start3A_840] : memref<10000x64xbf16, #tpu.memory_space<hbm>> -> memref<10000x64xbf16, #tpu.memory_space<hbm>>
        tpu.enqueue_indirect_dma source(%dma_start3A_841 : memref<10000x64xbf16, #tpu.memory_space<hbm>>) target(%dma_start3A_831 : memref<80x64xbf16, #tpu.memory_space<vmem>>) offsets(%dma_start3A_834 : memref<80xi32, #tpu.memory_space<vmem>>) semaphore(%arg18 : memref<!tpu.dma_semaphore, #tpu.memory_space<semaphore_mem>>)
      } else {
      }
      %dma_start3A_659 = arith.constant 1 : i32
      %dma_start3A_660 = arith.constant 1 : i32
      %dma_start3A_661 = arith.constant 0 : i32
      %dma_start3A_662 = arith.constant 0 : i32
      %dma_start3A_663 = tpu.memref_slice %arg14[%dma_start3A_659, %dma_start3A_661, %dma_start3A_662] : memref<5x80x64xf32, #tpu.memory_space<vmem>> -> memref<1x80x64xf32, #tpu.memory_space<vmem>>
      %dma_start3A_664 = tpu.memref_squeeze %dma_start3A_663 : memref<1x80x64xf32, #tpu.memory_space<vmem>> -> memref<80x64xf32, #tpu.memory_space<vmem>>
      %dma_start3A_665 = arith.constant 0 : i32
      %dma_start3A_666 = tpu.memref_slice %arg11[%dma_start3A_660, %dma_start3A_665] : memref<5x80xi32, #tpu.memory_space<vmem>> -> memref<1x80xi32, #tpu.memory_space<vmem>>
      %dma_start3A_667 = tpu.memref_squeeze %dma_start3A_666 : memref<1x80xi32, #tpu.memory_space<vmem>> -> memref<80xi32, #tpu.memory_space<vmem>>
      %dma_start3A_668 = arith.constant 0 : i32
      %dma_start3A_669 = arith.constant 0 : i32
      %dma_start3A_670 = tpu.memref_slice %arg16[%dma_start3A_668, %dma_start3A_669] : memref<10000x64xf32, #tpu.memory_space<vmem_shared>> -> memref<10000x64xf32, #tpu.memory_space<vmem_shared>>
      tpu.enqueue_indirect_dma source(%dma_start3A_664 : memref<80x64xf32, #tpu.memory_space<vmem>>) target(%dma_start3A_670 : memref<10000x64xf32, #tpu.memory_space<vmem_shared>>) offsets(%dma_start3A_667 : memref<80xi32, #tpu.memory_space<vmem>>) semaphore(%arg23 : memref<!tpu.dma_semaphore, #tpu.memory_space<semaphore_mem>>) {add = true}
      %dma_wait3A_671 = arith.constant 2 : i32
      %dma_wait3A_672 = arith.constant 2 : i32
      %dma_wait3A_673 = arith.constant 0 : i32
      %dma_wait3A_674 = arith.constant 0 : i32
      %dma_wait3A_675 = tpu.memref_slice %arg14[%dma_wait3A_671, %dma_wait3A_673, %dma_wait3A_674] : memref<5x80x64xf32, #tpu.memory_space<vmem>> -> memref<1x80x64xf32, #tpu.memory_space<vmem>>
      %dma_wait3A_676 = tpu.memref_squeeze %dma_wait3A_675 : memref<1x80x64xf32, #tpu.memory_space<vmem>> -> memref<80x64xf32, #tpu.memory_space<vmem>>
      %dma_wait3A_677 = arith.constant 0 : i32
      %dma_wait3A_678 = tpu.memref_slice %arg8[%dma_wait3A_672, %dma_wait3A_677] : memref<5x80xi32, #tpu.memory_space<vmem>> -> memref<1x80xi32, #tpu.memory_space<vmem>>
      %dma_wait3A_679 = tpu.memref_squeeze %dma_wait3A_678 : memref<1x80xi32, #tpu.memory_space<vmem>> -> memref<80xi32, #tpu.memory_space<vmem>>
      %dma_wait3A_680 = arith.constant 0 : i32
      %dma_wait3A_681 = arith.constant 0 : i32
      %dma_wait3A_682 = tpu.memref_slice %arg16[%dma_wait3A_680, %dma_wait3A_681] : memref<10000x64xf32, #tpu.memory_space<vmem_shared>> -> memref<10000x64xf32, #tpu.memory_space<vmem_shared>>
      tpu.wait_indirect_dma semaphore(%arg24 : memref<!tpu.dma_semaphore, #tpu.memory_space<semaphore_mem>>) src(%dma_wait3A_676 : memref<80x64xf32, #tpu.memory_space<vmem>>) dst(%dma_wait3A_682 : memref<10000x64xf32, #tpu.memory_space<vmem_shared>>)
      %dma_wait3A_683 = arith.constant 2 : i32
      %dma_wait3A_684 = arith.constant 2 : i32
      %dma_wait3A_685 = arith.constant 0 : i32
      %dma_wait3A_686 = arith.constant 0 : i32
      %dma_wait3A_687 = tpu.memref_slice %arg13[%dma_wait3A_684, %dma_wait3A_685, %dma_wait3A_686] : memref<5x80x64xbf16, #tpu.memory_space<vmem>> -> memref<1x80x64xbf16, #tpu.memory_space<vmem>>
      %dma_wait3A_688 = tpu.memref_squeeze %dma_wait3A_687 : memref<1x80x64xbf16, #tpu.memory_space<vmem>> -> memref<80x64xbf16, #tpu.memory_space<vmem>>
      %dma_wait3A_689 = arith.constant 0 : i32
      %dma_wait3A_690 = tpu.memref_slice %arg10[%dma_wait3A_683, %dma_wait3A_689] : memref<5x80xi32, #tpu.memory_space<vmem>> -> memref<1x80xi32, #tpu.memory_space<vmem>>
      %dma_wait3A_691 = tpu.memref_squeeze %dma_wait3A_690 : memref<1x80xi32, #tpu.memory_space<vmem>> -> memref<80xi32, #tpu.memory_space<vmem>>
      %dma_wait3A_692 = arith.constant 0 : i32
      %dma_wait3A_693 = arith.constant 0 : i32
      %dma_wait3A_694 = tpu.memref_slice %arg2[%arg0, %dma_wait3A_692, %dma_wait3A_693] : memref<2x10000x64xbf16, #tpu.memory_space<hbm>> -> memref<1x10000x64xbf16, #tpu.memory_space<hbm>>
      %dma_wait3A_695 = tpu.memref_squeeze %dma_wait3A_694 : memref<1x10000x64xbf16, #tpu.memory_space<hbm>> -> memref<10000x64xbf16, #tpu.memory_space<hbm>>
      %dma_wait3A_696 = arith.constant 0 : i32
      %dma_wait3A_697 = arith.constant 0 : i32
      %dma_wait3A_698 = tpu.memref_slice %dma_wait3A_695[%dma_wait3A_696, %dma_wait3A_697] : memref<10000x64xbf16, #tpu.memory_space<hbm>> -> memref<10000x64xbf16, #tpu.memory_space<hbm>>
      tpu.wait_indirect_dma semaphore(%arg19 : memref<!tpu.dma_semaphore, #tpu.memory_space<semaphore_mem>>) src(%dma_wait3A_698 : memref<10000x64xbf16, #tpu.memory_space<hbm>>) dst(%dma_wait3A_688 : memref<80x64xbf16, #tpu.memory_space<vmem>>)
      %broadcast_in_dim3A_699 = arith.constant -65536 : i32
      %broadcast_in_dim3A_700 = vector.broadcast %broadcast_in_dim3A_699 : i32 to vector<16xi32>
      %parallel_loop3A_701 = arith.constant 0 : i32
      %parallel_loop3A_702 = arith.constant 80 : i32
      %parallel_loop3A_703 = arith.constant 1 : i32
      scf.for %parallel_loop3A_826 = %parallel_loop3A_701 to %parallel_loop3A_702 step %parallel_loop3A_703  : i32 {
        %parallel_loop3A_827 = arith.constant 2 : i32
        %parallel_loop3A_828 = arith.index_cast %parallel_loop3A_827 : i32 to index
        %parallel_loop3A_829 = arith.index_cast %parallel_loop3A_826 : i32 to index
        %parallel_loop3A_830 = arith.constant 0 : index
        %parallel_loop3A_831 = tpu.vector_load %arg12[%parallel_loop3A_828, %parallel_loop3A_829, %parallel_loop3A_830] {strides = array<i32>} : memref<5x80x16xf32, #tpu.memory_space<vmem>>, vector<16xf32>,
        %parallel_loop3A_832 = arith.constant 2 : i32
        %parallel_loop3A_833 = arith.index_cast %parallel_loop3A_832 : i32 to index
        %parallel_loop3A_834 = arith.index_cast %parallel_loop3A_826 : i32 to index
        %parallel_loop3A_835 = arith.constant 0 : index
        %parallel_loop3A_836 = tpu.vector_load %arg13[%parallel_loop3A_833, %parallel_loop3A_834, %parallel_loop3A_835] {strides = array<i32>} : memref<5x80x64xbf16, #tpu.memory_space<vmem>>, vector<32xbf16>,
        %parallel_loop3A_837 = vector.bitcast %parallel_loop3A_836 : vector<32xbf16> to vector<16xi32>
        %parallel_loop3A_838 = arith.constant 16 : i32
        %parallel_loop3A_839 = vector.broadcast %parallel_loop3A_838 : i32 to vector<16xi32>
        %parallel_loop3A_840 = arith.shli %parallel_loop3A_837, %parallel_loop3A_839 : vector<16xi32>
        %parallel_loop3A_841 = vector.bitcast %parallel_loop3A_840 : vector<16xi32> to vector<16xf32>
        %parallel_loop3A_842 = arith.andi %parallel_loop3A_837, %broadcast_in_dim3A_700 : vector<16xi32>
        %parallel_loop3A_843 = vector.bitcast %parallel_loop3A_842 : vector<16xi32> to vector<16xf32>
        %parallel_loop3A_844 = arith.mulf %parallel_loop3A_841, %parallel_loop3A_831 : vector<16xf32>
        %parallel_loop3A_845 = arith.constant 2 : i32
        %parallel_loop3A_846 = arith.index_cast %parallel_loop3A_845 : i32 to index
        %parallel_loop3A_847 = arith.index_cast %parallel_loop3A_826 : i32 to index
        %parallel_loop3A_848 = arith.constant 0 : index
        %parallel_loop3A_849 = tpu.vector_load %arg14[%parallel_loop3A_846, %parallel_loop3A_847, %parallel_loop3A_848] {strides = array<i32>} : memref<5x80x64xf32, #tpu.memory_space<vmem>>, vector<16xf32>,
        tpu.vector_store %arg14[%parallel_loop3A_846, %parallel_loop3A_847, %parallel_loop3A_848], %parallel_loop3A_844 {strides = array<i32>} : memref<5x80x64xf32, #tpu.memory_space<vmem>>, vector<16xf32>,
        %parallel_loop3A_850 = arith.mulf %parallel_loop3A_843, %parallel_loop3A_831 : vector<16xf32>
        %parallel_loop3A_851 = arith.constant 2 : i32
        %parallel_loop3A_852 = arith.index_cast %parallel_loop3A_851 : i32 to index
        %parallel_loop3A_853 = arith.index_cast %parallel_loop3A_826 : i32 to index
        %parallel_loop3A_854 = arith.constant 16 : index
        %parallel_loop3A_855 = tpu.vector_load %arg14[%parallel_loop3A_852, %parallel_loop3A_853, %parallel_loop3A_854] {strides = array<i32>} : memref<5x80x64xf32, #tpu.memory_space<vmem>>, vector<16xf32>,
        tpu.vector_store %arg14[%parallel_loop3A_852, %parallel_loop3A_853, %parallel_loop3A_854], %parallel_loop3A_850 {strides = array<i32>} : memref<5x80x64xf32, #tpu.memory_space<vmem>>, vector<16xf32>,
        %parallel_loop3A_856 = arith.constant 2 : i32
        %parallel_loop3A_857 = arith.index_cast %parallel_loop3A_856 : i32 to index
        %parallel_loop3A_858 = arith.index_cast %parallel_loop3A_826 : i32 to index
        %parallel_loop3A_859 = arith.constant 32 : index
        %parallel_loop3A_860 = tpu.vector_load %arg13[%parallel_loop3A_857, %parallel_loop3A_858, %parallel_loop3A_859] {strides = array<i32>} : memref<5x80x64xbf16, #tpu.memory_space<vmem>>, vector<32xbf16>,
        %parallel_loop3A_861 = vector.bitcast %parallel_loop3A_860 : vector<32xbf16> to vector<16xi32>
        %parallel_loop3A_862 = arith.constant 16 : i32
        %parallel_loop3A_863 = vector.broadcast %parallel_loop3A_862 : i32 to vector<16xi32>
        %parallel_loop3A_864 = arith.shli %parallel_loop3A_861, %parallel_loop3A_863 : vector<16xi32>
        %parallel_loop3A_865 = vector.bitcast %parallel_loop3A_864 : vector<16xi32> to vector<16xf32>
        %parallel_loop3A_866 = arith.andi %parallel_loop3A_861, %broadcast_in_dim3A_700 : vector<16xi32>
        %parallel_loop3A_867 = vector.bitcast %parallel_loop3A_866 : vector<16xi32> to vector<16xf32>
        %parallel_loop3A_868 = arith.mulf %parallel_loop3A_865, %parallel_loop3A_831 : vector<16xf32>
        %parallel_loop3A_869 = arith.constant 2 : i32
        %parallel_loop3A_870 = arith.index_cast %parallel_loop3A_869 : i32 to index
        %parallel_loop3A_871 = arith.index_cast %parallel_loop3A_826 : i32 to index
        %parallel_loop3A_872 = arith.constant 32 : index
        %parallel_loop3A_873 = tpu.vector_load %arg14[%parallel_loop3A_870, %parallel_loop3A_871, %parallel_loop3A_872] {strides = array<i32>} : memref<5x80x64xf32, #tpu.memory_space<vmem>>, vector<16xf32>,
        tpu.vector_store %arg14[%parallel_loop3A_870, %parallel_loop3A_871, %parallel_loop3A_872], %parallel_loop3A_868 {strides = array<i32>} : memref<5x80x64xf32, #tpu.memory_space<vmem>>, vector<16xf32>,
        %parallel_loop3A_874 = arith.mulf %parallel_loop3A_867, %parallel_loop3A_831 : vector<16xf32>
        %parallel_loop3A_875 = arith.constant 2 : i32
        %parallel_loop3A_876 = arith.index_cast %parallel_loop3A_875 : i32 to index
        %parallel_loop3A_877 = arith.index_cast %parallel_loop3A_826 : i32 to index
        %parallel_loop3A_878 = arith.constant 48 : index
        %parallel_loop3A_879 = tpu.vector_load %arg14[%parallel_loop3A_876, %parallel_loop3A_877, %parallel_loop3A_878] {strides = array<i32>} : memref<5x80x64xf32, #tpu.memory_space<vmem>>, vector<16xf32>,
        tpu.vector_store %arg14[%parallel_loop3A_876, %parallel_loop3A_877, %parallel_loop3A_878], %parallel_loop3A_874 {strides = array<i32>} : memref<5x80x64xf32, #tpu.memory_space<vmem>>, vector<16xf32>,
      } {sc.loop_unroll_factor = 8 : i64, sc.parallel_access}
      %lt3A_704 = arith.constant 24 : i32
      %lt3A_705 = arith.cmpi slt, %scan3A_232, %lt3A_704 : i32
      %convert_element_type3A_706 = arith.extui %lt3A_705 : i1 to i32
      %cond3A_707 = arith.constant 0 : i32
      %cond3A_708 = arith.cmpi ne, %convert_element_type3A_706, %cond3A_707 : i32
      scf.if %cond3A_708 {
        %dma_start3A_826 = arith.constant 2 : i32
        %dma_start3A_827 = arith.constant 2 : i32
        %dma_start3A_828 = arith.constant 0 : i32
        %dma_start3A_829 = arith.constant 0 : i32
        %dma_start3A_830 = tpu.memref_slice %arg13[%dma_start3A_827, %dma_start3A_828, %dma_start3A_829] : memref<5x80x64xbf16, #tpu.memory_space<vmem>> -> memref<1x80x64xbf16, #tpu.memory_space<vmem>>
        %dma_start3A_831 = tpu.memref_squeeze %dma_start3A_830 : memref<1x80x64xbf16, #tpu.memory_space<vmem>> -> memref<80x64xbf16, #tpu.memory_space<vmem>>
        %dma_start3A_832 = arith.constant 0 : i32
        %dma_start3A_833 = tpu.memref_slice %arg7[%dma_start3A_826, %dma_start3A_832] : memref<5x80xi32, #tpu.memory_space<vmem>> -> memref<1x80xi32, #tpu.memory_space<vmem>>
        %dma_start3A_834 = tpu.memref_squeeze %dma_start3A_833 : memref<1x80xi32, #tpu.memory_space<vmem>> -> memref<80xi32, #tpu.memory_space<vmem>>
        %dma_start3A_835 = arith.constant 0 : i32
        %dma_start3A_836 = arith.constant 0 : i32
        %dma_start3A_837 = tpu.memref_slice %arg2[%arg0, %dma_start3A_835, %dma_start3A_836] : memref<2x10000x64xbf16, #tpu.memory_space<hbm>> -> memref<1x10000x64xbf16, #tpu.memory_space<hbm>>
        %dma_start3A_838 = tpu.memref_squeeze %dma_start3A_837 : memref<1x10000x64xbf16, #tpu.memory_space<hbm>> -> memref<10000x64xbf16, #tpu.memory_space<hbm>>
        %dma_start3A_839 = arith.constant 0 : i32
        %dma_start3A_840 = arith.constant 0 : i32
        %dma_start3A_841 = tpu.memref_slice %dma_start3A_838[%dma_start3A_839, %dma_start3A_840] : memref<10000x64xbf16, #tpu.memory_space<hbm>> -> memref<10000x64xbf16, #tpu.memory_space<hbm>>
        tpu.enqueue_indirect_dma source(%dma_start3A_841 : memref<10000x64xbf16, #tpu.memory_space<hbm>>) target(%dma_start3A_831 : memref<80x64xbf16, #tpu.memory_space<vmem>>) offsets(%dma_start3A_834 : memref<80xi32, #tpu.memory_space<vmem>>) semaphore(%arg19 : memref<!tpu.dma_semaphore, #tpu.memory_space<semaphore_mem>>)
      } else {
      }
      %dma_start3A_709 = arith.constant 2 : i32
      %dma_start3A_710 = arith.constant 2 : i32
      %dma_start3A_711 = arith.constant 0 : i32
      %dma_start3A_712 = arith.constant 0 : i32
      %dma_start3A_713 = tpu.memref_slice %arg14[%dma_start3A_709, %dma_start3A_711, %dma_start3A_712] : memref<5x80x64xf32, #tpu.memory_space<vmem>> -> memref<1x80x64xf32, #tpu.memory_space<vmem>>
      %dma_start3A_714 = tpu.memref_squeeze %dma_start3A_713 : memref<1x80x64xf32, #tpu.memory_space<vmem>> -> memref<80x64xf32, #tpu.memory_space<vmem>>
      %dma_start3A_715 = arith.constant 0 : i32
      %dma_start3A_716 = tpu.memref_slice %arg11[%dma_start3A_710, %dma_start3A_715] : memref<5x80xi32, #tpu.memory_space<vmem>> -> memref<1x80xi32, #tpu.memory_space<vmem>>
      %dma_start3A_717 = tpu.memref_squeeze %dma_start3A_716 : memref<1x80xi32, #tpu.memory_space<vmem>> -> memref<80xi32, #tpu.memory_space<vmem>>
      %dma_start3A_718 = arith.constant 0 : i32
      %dma_start3A_719 = arith.constant 0 : i32
      %dma_start3A_720 = tpu.memref_slice %arg16[%dma_start3A_718, %dma_start3A_719] : memref<10000x64xf32, #tpu.memory_space<vmem_shared>> -> memref<10000x64xf32, #tpu.memory_space<vmem_shared>>
      tpu.enqueue_indirect_dma source(%dma_start3A_714 : memref<80x64xf32, #tpu.memory_space<vmem>>) target(%dma_start3A_720 : memref<10000x64xf32, #tpu.memory_space<vmem_shared>>) offsets(%dma_start3A_717 : memref<80xi32, #tpu.memory_space<vmem>>) semaphore(%arg24 : memref<!tpu.dma_semaphore, #tpu.memory_space<semaphore_mem>>) {add = true}
      %dma_wait3A_721 = arith.constant 3 : i32
      %dma_wait3A_722 = arith.constant 3 : i32
      %dma_wait3A_723 = arith.constant 0 : i32
      %dma_wait3A_724 = arith.constant 0 : i32
      %dma_wait3A_725 = tpu.memref_slice %arg14[%dma_wait3A_721, %dma_wait3A_723, %dma_wait3A_724] : memref<5x80x64xf32, #tpu.memory_space<vmem>> -> memref<1x80x64xf32, #tpu.memory_space<vmem>>
      %dma_wait3A_726 = tpu.memref_squeeze %dma_wait3A_725 : memref<1x80x64xf32, #tpu.memory_space<vmem>> -> memref<80x64xf32, #tpu.memory_space<vmem>>
      %dma_wait3A_727 = arith.constant 0 : i32
      %dma_wait3A_728 = tpu.memref_slice %arg8[%dma_wait3A_722, %dma_wait3A_727] : memref<5x80xi32, #tpu.memory_space<vmem>> -> memref<1x80xi32, #tpu.memory_space<vmem>>
      %dma_wait3A_729 = tpu.memref_squeeze %dma_wait3A_728 : memref<1x80xi32, #tpu.memory_space<vmem>> -> memref<80xi32, #tpu.memory_space<vmem>>
      %dma_wait3A_730 = arith.constant 0 : i32
      %dma_wait3A_731 = arith.constant 0 : i32
      %dma_wait3A_732 = tpu.memref_slice %arg16[%dma_wait3A_730, %dma_wait3A_731] : memref<10000x64xf32, #tpu.memory_space<vmem_shared>> -> memref<10000x64xf32, #tpu.memory_space<vmem_shared>>
      tpu.wait_indirect_dma semaphore(%arg25 : memref<!tpu.dma_semaphore, #tpu.memory_space<semaphore_mem>>) src(%dma_wait3A_726 : memref<80x64xf32, #tpu.memory_space<vmem>>) dst(%dma_wait3A_732 : memref<10000x64xf32, #tpu.memory_space<vmem_shared>>)
      %dma_wait3A_733 = arith.constant 3 : i32
      %dma_wait3A_734 = arith.constant 3 : i32
      %dma_wait3A_735 = arith.constant 0 : i32
      %dma_wait3A_736 = arith.constant 0 : i32
      %dma_wait3A_737 = tpu.memref_slice %arg13[%dma_wait3A_734, %dma_wait3A_735, %dma_wait3A_736] : memref<5x80x64xbf16, #tpu.memory_space<vmem>> -> memref<1x80x64xbf16, #tpu.memory_space<vmem>>
      %dma_wait3A_738 = tpu.memref_squeeze %dma_wait3A_737 : memref<1x80x64xbf16, #tpu.memory_space<vmem>> -> memref<80x64xbf16, #tpu.memory_space<vmem>>
      %dma_wait3A_739 = arith.constant 0 : i32
      %dma_wait3A_740 = tpu.memref_slice %arg10[%dma_wait3A_733, %dma_wait3A_739] : memref<5x80xi32, #tpu.memory_space<vmem>> -> memref<1x80xi32, #tpu.memory_space<vmem>>
      %dma_wait3A_741 = tpu.memref_squeeze %dma_wait3A_740 : memref<1x80xi32, #tpu.memory_space<vmem>> -> memref<80xi32, #tpu.memory_space<vmem>>
      %dma_wait3A_742 = arith.constant 0 : i32
      %dma_wait3A_743 = arith.constant 0 : i32
      %dma_wait3A_744 = tpu.memref_slice %arg2[%arg0, %dma_wait3A_742, %dma_wait3A_743] : memref<2x10000x64xbf16, #tpu.memory_space<hbm>> -> memref<1x10000x64xbf16, #tpu.memory_space<hbm>>
      %dma_wait3A_745 = tpu.memref_squeeze %dma_wait3A_744 : memref<1x10000x64xbf16, #tpu.memory_space<hbm>> -> memref<10000x64xbf16, #tpu.memory_space<hbm>>
      %dma_wait3A_746 = arith.constant 0 : i32
      %dma_wait3A_747 = arith.constant 0 : i32
      %dma_wait3A_748 = tpu.memref_slice %dma_wait3A_745[%dma_wait3A_746, %dma_wait3A_747] : memref<10000x64xbf16, #tpu.memory_space<hbm>> -> memref<10000x64xbf16, #tpu.memory_space<hbm>>
      tpu.wait_indirect_dma semaphore(%arg20 : memref<!tpu.dma_semaphore, #tpu.memory_space<semaphore_mem>>) src(%dma_wait3A_748 : memref<10000x64xbf16, #tpu.memory_space<hbm>>) dst(%dma_wait3A_738 : memref<80x64xbf16, #tpu.memory_space<vmem>>)
      %broadcast_in_dim3A_749 = arith.constant -65536 : i32
      %broadcast_in_dim3A_750 = vector.broadcast %broadcast_in_dim3A_749 : i32 to vector<16xi32>
      %parallel_loop3A_751 = arith.constant 0 : i32
      %parallel_loop3A_752 = arith.constant 80 : i32
      %parallel_loop3A_753 = arith.constant 1 : i32
      scf.for %parallel_loop3A_826 = %parallel_loop3A_751 to %parallel_loop3A_752 step %parallel_loop3A_753  : i32 {
        %parallel_loop3A_827 = arith.constant 3 : i32
        %parallel_loop3A_828 = arith.index_cast %parallel_loop3A_827 : i32 to index
        %parallel_loop3A_829 = arith.index_cast %parallel_loop3A_826 : i32 to index
        %parallel_loop3A_830 = arith.constant 0 : index
        %parallel_loop3A_831 = tpu.vector_load %arg12[%parallel_loop3A_828, %parallel_loop3A_829, %parallel_loop3A_830] {strides = array<i32>} : memref<5x80x16xf32, #tpu.memory_space<vmem>>, vector<16xf32>,
        %parallel_loop3A_832 = arith.constant 3 : i32
        %parallel_loop3A_833 = arith.index_cast %parallel_loop3A_832 : i32 to index
        %parallel_loop3A_834 = arith.index_cast %parallel_loop3A_826 : i32 to index
        %parallel_loop3A_835 = arith.constant 0 : index
        %parallel_loop3A_836 = tpu.vector_load %arg13[%parallel_loop3A_833, %parallel_loop3A_834, %parallel_loop3A_835] {strides = array<i32>} : memref<5x80x64xbf16, #tpu.memory_space<vmem>>, vector<32xbf16>,
        %parallel_loop3A_837 = vector.bitcast %parallel_loop3A_836 : vector<32xbf16> to vector<16xi32>
        %parallel_loop3A_838 = arith.constant 16 : i32
        %parallel_loop3A_839 = vector.broadcast %parallel_loop3A_838 : i32 to vector<16xi32>
        %parallel_loop3A_840 = arith.shli %parallel_loop3A_837, %parallel_loop3A_839 : vector<16xi32>
        %parallel_loop3A_841 = vector.bitcast %parallel_loop3A_840 : vector<16xi32> to vector<16xf32>
        %parallel_loop3A_842 = arith.andi %parallel_loop3A_837, %broadcast_in_dim3A_750 : vector<16xi32>
        %parallel_loop3A_843 = vector.bitcast %parallel_loop3A_842 : vector<16xi32> to vector<16xf32>
        %parallel_loop3A_844 = arith.mulf %parallel_loop3A_841, %parallel_loop3A_831 : vector<16xf32>
        %parallel_loop3A_845 = arith.constant 3 : i32
        %parallel_loop3A_846 = arith.index_cast %parallel_loop3A_845 : i32 to index
        %parallel_loop3A_847 = arith.index_cast %parallel_loop3A_826 : i32 to index
        %parallel_loop3A_848 = arith.constant 0 : index
        %parallel_loop3A_849 = tpu.vector_load %arg14[%parallel_loop3A_846, %parallel_loop3A_847, %parallel_loop3A_848] {strides = array<i32>} : memref<5x80x64xf32, #tpu.memory_space<vmem>>, vector<16xf32>,
        tpu.vector_store %arg14[%parallel_loop3A_846, %parallel_loop3A_847, %parallel_loop3A_848], %parallel_loop3A_844 {strides = array<i32>} : memref<5x80x64xf32, #tpu.memory_space<vmem>>, vector<16xf32>,
        %parallel_loop3A_850 = arith.mulf %parallel_loop3A_843, %parallel_loop3A_831 : vector<16xf32>
        %parallel_loop3A_851 = arith.constant 3 : i32
        %parallel_loop3A_852 = arith.index_cast %parallel_loop3A_851 : i32 to index
        %parallel_loop3A_853 = arith.index_cast %parallel_loop3A_826 : i32 to index
        %parallel_loop3A_854 = arith.constant 16 : index
        %parallel_loop3A_855 = tpu.vector_load %arg14[%parallel_loop3A_852, %parallel_loop3A_853, %parallel_loop3A_854] {strides = array<i32>} : memref<5x80x64xf32, #tpu.memory_space<vmem>>, vector<16xf32>,
        tpu.vector_store %arg14[%parallel_loop3A_852, %parallel_loop3A_853, %parallel_loop3A_854], %parallel_loop3A_850 {strides = array<i32>} : memref<5x80x64xf32, #tpu.memory_space<vmem>>, vector<16xf32>,
        %parallel_loop3A_856 = arith.constant 3 : i32
        %parallel_loop3A_857 = arith.index_cast %parallel_loop3A_856 : i32 to index
        %parallel_loop3A_858 = arith.index_cast %parallel_loop3A_826 : i32 to index
        %parallel_loop3A_859 = arith.constant 32 : index
        %parallel_loop3A_860 = tpu.vector_load %arg13[%parallel_loop3A_857, %parallel_loop3A_858, %parallel_loop3A_859] {strides = array<i32>} : memref<5x80x64xbf16, #tpu.memory_space<vmem>>, vector<32xbf16>,
        %parallel_loop3A_861 = vector.bitcast %parallel_loop3A_860 : vector<32xbf16> to vector<16xi32>
        %parallel_loop3A_862 = arith.constant 16 : i32
        %parallel_loop3A_863 = vector.broadcast %parallel_loop3A_862 : i32 to vector<16xi32>
        %parallel_loop3A_864 = arith.shli %parallel_loop3A_861, %parallel_loop3A_863 : vector<16xi32>
        %parallel_loop3A_865 = vector.bitcast %parallel_loop3A_864 : vector<16xi32> to vector<16xf32>
        %parallel_loop3A_866 = arith.andi %parallel_loop3A_861, %broadcast_in_dim3A_750 : vector<16xi32>
        %parallel_loop3A_867 = vector.bitcast %parallel_loop3A_866 : vector<16xi32> to vector<16xf32>
        %parallel_loop3A_868 = arith.mulf %parallel_loop3A_865, %parallel_loop3A_831 : vector<16xf32>
        %parallel_loop3A_869 = arith.constant 3 : i32
        %parallel_loop3A_870 = arith.index_cast %parallel_loop3A_869 : i32 to index
        %parallel_loop3A_871 = arith.index_cast %parallel_loop3A_826 : i32 to index
        %parallel_loop3A_872 = arith.constant 32 : index
        %parallel_loop3A_873 = tpu.vector_load %arg14[%parallel_loop3A_870, %parallel_loop3A_871, %parallel_loop3A_872] {strides = array<i32>} : memref<5x80x64xf32, #tpu.memory_space<vmem>>, vector<16xf32>,
        tpu.vector_store %arg14[%parallel_loop3A_870, %parallel_loop3A_871, %parallel_loop3A_872], %parallel_loop3A_868 {strides = array<i32>} : memref<5x80x64xf32, #tpu.memory_space<vmem>>, vector<16xf32>,
        %parallel_loop3A_874 = arith.mulf %parallel_loop3A_867, %parallel_loop3A_831 : vector<16xf32>
        %parallel_loop3A_875 = arith.constant 3 : i32
        %parallel_loop3A_876 = arith.index_cast %parallel_loop3A_875 : i32 to index
        %parallel_loop3A_877 = arith.index_cast %parallel_loop3A_826 : i32 to index
        %parallel_loop3A_878 = arith.constant 48 : index
        %parallel_loop3A_879 = tpu.vector_load %arg14[%parallel_loop3A_876, %parallel_loop3A_877, %parallel_loop3A_878] {strides = array<i32>} : memref<5x80x64xf32, #tpu.memory_space<vmem>>, vector<16xf32>,
        tpu.vector_store %arg14[%parallel_loop3A_876, %parallel_loop3A_877, %parallel_loop3A_878], %parallel_loop3A_874 {strides = array<i32>} : memref<5x80x64xf32, #tpu.memory_space<vmem>>, vector<16xf32>,
      } {sc.loop_unroll_factor = 8 : i64, sc.parallel_access}
      %lt3A_754 = arith.constant 24 : i32
      %lt3A_755 = arith.cmpi slt, %scan3A_232, %lt3A_754 : i32
      %convert_element_type3A_756 = arith.extui %lt3A_755 : i1 to i32
      %cond3A_757 = arith.constant 0 : i32
      %cond3A_758 = arith.cmpi ne, %convert_element_type3A_756, %cond3A_757 : i32
      scf.if %cond3A_758 {
        %dma_start3A_826 = arith.constant 3 : i32
        %dma_start3A_827 = arith.constant 3 : i32
        %dma_start3A_828 = arith.constant 0 : i32
        %dma_start3A_829 = arith.constant 0 : i32
        %dma_start3A_830 = tpu.memref_slice %arg13[%dma_start3A_827, %dma_start3A_828, %dma_start3A_829] : memref<5x80x64xbf16, #tpu.memory_space<vmem>> -> memref<1x80x64xbf16, #tpu.memory_space<vmem>>
        %dma_start3A_831 = tpu.memref_squeeze %dma_start3A_830 : memref<1x80x64xbf16, #tpu.memory_space<vmem>> -> memref<80x64xbf16, #tpu.memory_space<vmem>>
        %dma_start3A_832 = arith.constant 0 : i32
        %dma_start3A_833 = tpu.memref_slice %arg7[%dma_start3A_826, %dma_start3A_832] : memref<5x80xi32, #tpu.memory_space<vmem>> -> memref<1x80xi32, #tpu.memory_space<vmem>>
        %dma_start3A_834 = tpu.memref_squeeze %dma_start3A_833 : memref<1x80xi32, #tpu.memory_space<vmem>> -> memref<80xi32, #tpu.memory_space<vmem>>
        %dma_start3A_835 = arith.constant 0 : i32
        %dma_start3A_836 = arith.constant 0 : i32
        %dma_start3A_837 = tpu.memref_slice %arg2[%arg0, %dma_start3A_835, %dma_start3A_836] : memref<2x10000x64xbf16, #tpu.memory_space<hbm>> -> memref<1x10000x64xbf16, #tpu.memory_space<hbm>>
        %dma_start3A_838 = tpu.memref_squeeze %dma_start3A_837 : memref<1x10000x64xbf16, #tpu.memory_space<hbm>> -> memref<10000x64xbf16, #tpu.memory_space<hbm>>
        %dma_start3A_839 = arith.constant 0 : i32
        %dma_start3A_840 = arith.constant 0 : i32
        %dma_start3A_841 = tpu.memref_slice %dma_start3A_838[%dma_start3A_839, %dma_start3A_840] : memref<10000x64xbf16, #tpu.memory_space<hbm>> -> memref<10000x64xbf16, #tpu.memory_space<hbm>>
        tpu.enqueue_indirect_dma source(%dma_start3A_841 : memref<10000x64xbf16, #tpu.memory_space<hbm>>) target(%dma_start3A_831 : memref<80x64xbf16, #tpu.memory_space<vmem>>) offsets(%dma_start3A_834 : memref<80xi32, #tpu.memory_space<vmem>>) semaphore(%arg20 : memref<!tpu.dma_semaphore, #tpu.memory_space<semaphore_mem>>)
      } else {
      }
      %dma_start3A_759 = arith.constant 3 : i32
      %dma_start3A_760 = arith.constant 3 : i32
      %dma_start3A_761 = arith.constant 0 : i32
      %dma_start3A_762 = arith.constant 0 : i32
      %dma_start3A_763 = tpu.memref_slice %arg14[%dma_start3A_759, %dma_start3A_761, %dma_start3A_762] : memref<5x80x64xf32, #tpu.memory_space<vmem>> -> memref<1x80x64xf32, #tpu.memory_space<vmem>>
      %dma_start3A_764 = tpu.memref_squeeze %dma_start3A_763 : memref<1x80x64xf32, #tpu.memory_space<vmem>> -> memref<80x64xf32, #tpu.memory_space<vmem>>
      %dma_start3A_765 = arith.constant 0 : i32
      %dma_start3A_766 = tpu.memref_slice %arg11[%dma_start3A_760, %dma_start3A_765] : memref<5x80xi32, #tpu.memory_space<vmem>> -> memref<1x80xi32, #tpu.memory_space<vmem>>
      %dma_start3A_767 = tpu.memref_squeeze %dma_start3A_766 : memref<1x80xi32, #tpu.memory_space<vmem>> -> memref<80xi32, #tpu.memory_space<vmem>>
      %dma_start3A_768 = arith.constant 0 : i32
      %dma_start3A_769 = arith.constant 0 : i32
      %dma_start3A_770 = tpu.memref_slice %arg16[%dma_start3A_768, %dma_start3A_769] : memref<10000x64xf32, #tpu.memory_space<vmem_shared>> -> memref<10000x64xf32, #tpu.memory_space<vmem_shared>>
      tpu.enqueue_indirect_dma source(%dma_start3A_764 : memref<80x64xf32, #tpu.memory_space<vmem>>) target(%dma_start3A_770 : memref<10000x64xf32, #tpu.memory_space<vmem_shared>>) offsets(%dma_start3A_767 : memref<80xi32, #tpu.memory_space<vmem>>) semaphore(%arg25 : memref<!tpu.dma_semaphore, #tpu.memory_space<semaphore_mem>>) {add = true}
      %dma_wait3A_771 = arith.constant 4 : i32
      %dma_wait3A_772 = arith.constant 4 : i32
      %dma_wait3A_773 = arith.constant 0 : i32
      %dma_wait3A_774 = arith.constant 0 : i32
      %dma_wait3A_775 = tpu.memref_slice %arg14[%dma_wait3A_771, %dma_wait3A_773, %dma_wait3A_774] : memref<5x80x64xf32, #tpu.memory_space<vmem>> -> memref<1x80x64xf32, #tpu.memory_space<vmem>>
      %dma_wait3A_776 = tpu.memref_squeeze %dma_wait3A_775 : memref<1x80x64xf32, #tpu.memory_space<vmem>> -> memref<80x64xf32, #tpu.memory_space<vmem>>
      %dma_wait3A_777 = arith.constant 0 : i32
      %dma_wait3A_778 = tpu.memref_slice %arg8[%dma_wait3A_772, %dma_wait3A_777] : memref<5x80xi32, #tpu.memory_space<vmem>> -> memref<1x80xi32, #tpu.memory_space<vmem>>
      %dma_wait3A_779 = tpu.memref_squeeze %dma_wait3A_778 : memref<1x80xi32, #tpu.memory_space<vmem>> -> memref<80xi32, #tpu.memory_space<vmem>>
      %dma_wait3A_780 = arith.constant 0 : i32
      %dma_wait3A_781 = arith.constant 0 : i32
      %dma_wait3A_782 = tpu.memref_slice %arg16[%dma_wait3A_780, %dma_wait3A_781] : memref<10000x64xf32, #tpu.memory_space<vmem_shared>> -> memref<10000x64xf32, #tpu.memory_space<vmem_shared>>
      tpu.wait_indirect_dma semaphore(%arg26 : memref<!tpu.dma_semaphore, #tpu.memory_space<semaphore_mem>>) src(%dma_wait3A_776 : memref<80x64xf32, #tpu.memory_space<vmem>>) dst(%dma_wait3A_782 : memref<10000x64xf32, #tpu.memory_space<vmem_shared>>)
      %dma_wait3A_783 = arith.constant 4 : i32
      %dma_wait3A_784 = arith.constant 4 : i32
      %dma_wait3A_785 = arith.constant 0 : i32
      %dma_wait3A_786 = arith.constant 0 : i32
      %dma_wait3A_787 = tpu.memref_slice %arg13[%dma_wait3A_784, %dma_wait3A_785, %dma_wait3A_786] : memref<5x80x64xbf16, #tpu.memory_space<vmem>> -> memref<1x80x64xbf16, #tpu.memory_space<vmem>>
      %dma_wait3A_788 = tpu.memref_squeeze %dma_wait3A_787 : memref<1x80x64xbf16, #tpu.memory_space<vmem>> -> memref<80x64xbf16, #tpu.memory_space<vmem>>
      %dma_wait3A_789 = arith.constant 0 : i32
      %dma_wait3A_790 = tpu.memref_slice %arg10[%dma_wait3A_783, %dma_wait3A_789] : memref<5x80xi32, #tpu.memory_space<vmem>> -> memref<1x80xi32, #tpu.memory_space<vmem>>
      %dma_wait3A_791 = tpu.memref_squeeze %dma_wait3A_790 : memref<1x80xi32, #tpu.memory_space<vmem>> -> memref<80xi32, #tpu.memory_space<vmem>>
      %dma_wait3A_792 = arith.constant 0 : i32
      %dma_wait3A_793 = arith.constant 0 : i32
      %dma_wait3A_794 = tpu.memref_slice %arg2[%arg0, %dma_wait3A_792, %dma_wait3A_793] : memref<2x10000x64xbf16, #tpu.memory_space<hbm>> -> memref<1x10000x64xbf16, #tpu.memory_space<hbm>>
      %dma_wait3A_795 = tpu.memref_squeeze %dma_wait3A_794 : memref<1x10000x64xbf16, #tpu.memory_space<hbm>> -> memref<10000x64xbf16, #tpu.memory_space<hbm>>
      %dma_wait3A_796 = arith.constant 0 : i32
      %dma_wait3A_797 = arith.constant 0 : i32
      %dma_wait3A_798 = tpu.memref_slice %dma_wait3A_795[%dma_wait3A_796, %dma_wait3A_797] : memref<10000x64xbf16, #tpu.memory_space<hbm>> -> memref<10000x64xbf16, #tpu.memory_space<hbm>>
      tpu.wait_indirect_dma semaphore(%arg21 : memref<!tpu.dma_semaphore, #tpu.memory_space<semaphore_mem>>) src(%dma_wait3A_798 : memref<10000x64xbf16, #tpu.memory_space<hbm>>) dst(%dma_wait3A_788 : memref<80x64xbf16, #tpu.memory_space<vmem>>)
      %broadcast_in_dim3A_799 = arith.constant -65536 : i32
      %broadcast_in_dim3A_800 = vector.broadcast %broadcast_in_dim3A_799 : i32 to vector<16xi32>
      %parallel_loop3A_801 = arith.constant 0 : i32
      %parallel_loop3A_802 = arith.constant 80 : i32
      %parallel_loop3A_803 = arith.constant 1 : i32
      scf.for %parallel_loop3A_826 = %parallel_loop3A_801 to %parallel_loop3A_802 step %parallel_loop3A_803  : i32 {
        %parallel_loop3A_827 = arith.constant 4 : i32
        %parallel_loop3A_828 = arith.index_cast %parallel_loop3A_827 : i32 to index
        %parallel_loop3A_829 = arith.index_cast %parallel_loop3A_826 : i32 to index
        %parallel_loop3A_830 = arith.constant 0 : index
        %parallel_loop3A_831 = tpu.vector_load %arg12[%parallel_loop3A_828, %parallel_loop3A_829, %parallel_loop3A_830] {strides = array<i32>} : memref<5x80x16xf32, #tpu.memory_space<vmem>>, vector<16xf32>,
        %parallel_loop3A_832 = arith.constant 4 : i32
        %parallel_loop3A_833 = arith.index_cast %parallel_loop3A_832 : i32 to index
        %parallel_loop3A_834 = arith.index_cast %parallel_loop3A_826 : i32 to index
        %parallel_loop3A_835 = arith.constant 0 : index
        %parallel_loop3A_836 = tpu.vector_load %arg13[%parallel_loop3A_833, %parallel_loop3A_834, %parallel_loop3A_835] {strides = array<i32>} : memref<5x80x64xbf16, #tpu.memory_space<vmem>>, vector<32xbf16>,
        %parallel_loop3A_837 = vector.bitcast %parallel_loop3A_836 : vector<32xbf16> to vector<16xi32>
        %parallel_loop3A_838 = arith.constant 16 : i32
        %parallel_loop3A_839 = vector.broadcast %parallel_loop3A_838 : i32 to vector<16xi32>
        %parallel_loop3A_840 = arith.shli %parallel_loop3A_837, %parallel_loop3A_839 : vector<16xi32>
        %parallel_loop3A_841 = vector.bitcast %parallel_loop3A_840 : vector<16xi32> to vector<16xf32>
        %parallel_loop3A_842 = arith.andi %parallel_loop3A_837, %broadcast_in_dim3A_800 : vector<16xi32>
        %parallel_loop3A_843 = vector.bitcast %parallel_loop3A_842 : vector<16xi32> to vector<16xf32>
        %parallel_loop3A_844 = arith.mulf %parallel_loop3A_841, %parallel_loop3A_831 : vector<16xf32>
        %parallel_loop3A_845 = arith.constant 4 : i32
        %parallel_loop3A_846 = arith.index_cast %parallel_loop3A_845 : i32 to index
        %parallel_loop3A_847 = arith.index_cast %parallel_loop3A_826 : i32 to index
        %parallel_loop3A_848 = arith.constant 0 : index
        %parallel_loop3A_849 = tpu.vector_load %arg14[%parallel_loop3A_846, %parallel_loop3A_847, %parallel_loop3A_848] {strides = array<i32>} : memref<5x80x64xf32, #tpu.memory_space<vmem>>, vector<16xf32>,
        tpu.vector_store %arg14[%parallel_loop3A_846, %parallel_loop3A_847, %parallel_loop3A_848], %parallel_loop3A_844 {strides = array<i32>} : memref<5x80x64xf32, #tpu.memory_space<vmem>>, vector<16xf32>,
        %parallel_loop3A_850 = arith.mulf %parallel_loop3A_843, %parallel_loop3A_831 : vector<16xf32>
        %parallel_loop3A_851 = arith.constant 4 : i32
        %parallel_loop3A_852 = arith.index_cast %parallel_loop3A_851 : i32 to index
        %parallel_loop3A_853 = arith.index_cast %parallel_loop3A_826 : i32 to index
        %parallel_loop3A_854 = arith.constant 16 : index
        %parallel_loop3A_855 = tpu.vector_load %arg14[%parallel_loop3A_852, %parallel_loop3A_853, %parallel_loop3A_854] {strides = array<i32>} : memref<5x80x64xf32, #tpu.memory_space<vmem>>, vector<16xf32>,
        tpu.vector_store %arg14[%parallel_loop3A_852, %parallel_loop3A_853, %parallel_loop3A_854], %parallel_loop3A_850 {strides = array<i32>} : memref<5x80x64xf32, #tpu.memory_space<vmem>>, vector<16xf32>,
        %parallel_loop3A_856 = arith.constant 4 : i32
        %parallel_loop3A_857 = arith.index_cast %parallel_loop3A_856 : i32 to index
        %parallel_loop3A_858 = arith.index_cast %parallel_loop3A_826 : i32 to index
        %parallel_loop3A_859 = arith.constant 32 : index
        %parallel_loop3A_860 = tpu.vector_load %arg13[%parallel_loop3A_857, %parallel_loop3A_858, %parallel_loop3A_859] {strides = array<i32>} : memref<5x80x64xbf16, #tpu.memory_space<vmem>>, vector<32xbf16>,
        %parallel_loop3A_861 = vector.bitcast %parallel_loop3A_860 : vector<32xbf16> to vector<16xi32>
        %parallel_loop3A_862 = arith.constant 16 : i32
        %parallel_loop3A_863 = vector.broadcast %parallel_loop3A_862 : i32 to vector<16xi32>
        %parallel_loop3A_864 = arith.shli %parallel_loop3A_861, %parallel_loop3A_863 : vector<16xi32>
        %parallel_loop3A_865 = vector.bitcast %parallel_loop3A_864 : vector<16xi32> to vector<16xf32>
        %parallel_loop3A_866 = arith.andi %parallel_loop3A_861, %broadcast_in_dim3A_800 : vector<16xi32>
        %parallel_loop3A_867 = vector.bitcast %parallel_loop3A_866 : vector<16xi32> to vector<16xf32>
        %parallel_loop3A_868 = arith.mulf %parallel_loop3A_865, %parallel_loop3A_831 : vector<16xf32>
        %parallel_loop3A_869 = arith.constant 4 : i32
        %parallel_loop3A_870 = arith.index_cast %parallel_loop3A_869 : i32 to index
        %parallel_loop3A_871 = arith.index_cast %parallel_loop3A_826 : i32 to index
        %parallel_loop3A_872 = arith.constant 32 : index
        %parallel_loop3A_873 = tpu.vector_load %arg14[%parallel_loop3A_870, %parallel_loop3A_871, %parallel_loop3A_872] {strides = array<i32>} : memref<5x80x64xf32, #tpu.memory_space<vmem>>, vector<16xf32>,
        tpu.vector_store %arg14[%parallel_loop3A_870, %parallel_loop3A_871, %parallel_loop3A_872], %parallel_loop3A_868 {strides = array<i32>} : memref<5x80x64xf32, #tpu.memory_space<vmem>>, vector<16xf32>,
        %parallel_loop3A_874 = arith.mulf %parallel_loop3A_867, %parallel_loop3A_831 : vector<16xf32>
        %parallel_loop3A_875 = arith.constant 4 : i32
        %parallel_loop3A_876 = arith.index_cast %parallel_loop3A_875 : i32 to index
        %parallel_loop3A_877 = arith.index_cast %parallel_loop3A_826 : i32 to index
        %parallel_loop3A_878 = arith.constant 48 : index
        %parallel_loop3A_879 = tpu.vector_load %arg14[%parallel_loop3A_876, %parallel_loop3A_877, %parallel_loop3A_878] {strides = array<i32>} : memref<5x80x64xf32, #tpu.memory_space<vmem>>, vector<16xf32>,
        tpu.vector_store %arg14[%parallel_loop3A_876, %parallel_loop3A_877, %parallel_loop3A_878], %parallel_loop3A_874 {strides = array<i32>} : memref<5x80x64xf32, #tpu.memory_space<vmem>>, vector<16xf32>,
      } {sc.loop_unroll_factor = 8 : i64, sc.parallel_access}
      %lt3A_804 = arith.constant 24 : i32
      %lt3A_805 = arith.cmpi slt, %scan3A_232, %lt3A_804 : i32
      %convert_element_type3A_806 = arith.extui %lt3A_805 : i1 to i32
      %cond3A_807 = arith.constant 0 : i32
      %cond3A_808 = arith.cmpi ne, %convert_element_type3A_806, %cond3A_807 : i32
      scf.if %cond3A_808 {
        %dma_start3A_826 = arith.constant 4 : i32
        %dma_start3A_827 = arith.constant 4 : i32
        %dma_start3A_828 = arith.constant 0 : i32
        %dma_start3A_829 = arith.constant 0 : i32
        %dma_start3A_830 = tpu.memref_slice %arg13[%dma_start3A_827, %dma_start3A_828, %dma_start3A_829] : memref<5x80x64xbf16, #tpu.memory_space<vmem>> -> memref<1x80x64xbf16, #tpu.memory_space<vmem>>
        %dma_start3A_831 = tpu.memref_squeeze %dma_start3A_830 : memref<1x80x64xbf16, #tpu.memory_space<vmem>> -> memref<80x64xbf16, #tpu.memory_space<vmem>>
        %dma_start3A_832 = arith.constant 0 : i32
        %dma_start3A_833 = tpu.memref_slice %arg7[%dma_start3A_826, %dma_start3A_832] : memref<5x80xi32, #tpu.memory_space<vmem>> -> memref<1x80xi32, #tpu.memory_space<vmem>>
        %dma_start3A_834 = tpu.memref_squeeze %dma_start3A_833 : memref<1x80xi32, #tpu.memory_space<vmem>> -> memref<80xi32, #tpu.memory_space<vmem>>
        %dma_start3A_835 = arith.constant 0 : i32
        %dma_start3A_836 = arith.constant 0 : i32
        %dma_start3A_837 = tpu.memref_slice %arg2[%arg0, %dma_start3A_835, %dma_start3A_836] : memref<2x10000x64xbf16, #tpu.memory_space<hbm>> -> memref<1x10000x64xbf16, #tpu.memory_space<hbm>>
        %dma_start3A_838 = tpu.memref_squeeze %dma_start3A_837 : memref<1x10000x64xbf16, #tpu.memory_space<hbm>> -> memref<10000x64xbf16, #tpu.memory_space<hbm>>
        %dma_start3A_839 = arith.constant 0 : i32
        %dma_start3A_840 = arith.constant 0 : i32
        %dma_start3A_841 = tpu.memref_slice %dma_start3A_838[%dma_start3A_839, %dma_start3A_840] : memref<10000x64xbf16, #tpu.memory_space<hbm>> -> memref<10000x64xbf16, #tpu.memory_space<hbm>>
        tpu.enqueue_indirect_dma source(%dma_start3A_841 : memref<10000x64xbf16, #tpu.memory_space<hbm>>) target(%dma_start3A_831 : memref<80x64xbf16, #tpu.memory_space<vmem>>) offsets(%dma_start3A_834 : memref<80xi32, #tpu.memory_space<vmem>>) semaphore(%arg21 : memref<!tpu.dma_semaphore, #tpu.memory_space<semaphore_mem>>)
      } else {
      }
      %dma_start3A_809 = arith.constant 4 : i32
      %dma_start3A_810 = arith.constant 4 : i32
      %dma_start3A_811 = arith.constant 0 : i32
      %dma_start3A_812 = arith.constant 0 : i32
      %dma_start3A_813 = tpu.memref_slice %arg14[%dma_start3A_809, %dma_start3A_811, %dma_start3A_812] : memref<5x80x64xf32, #tpu.memory_space<vmem>> -> memref<1x80x64xf32, #tpu.memory_space<vmem>>
      %dma_start3A_814 = tpu.memref_squeeze %dma_start3A_813 : memref<1x80x64xf32, #tpu.memory_space<vmem>> -> memref<80x64xf32, #tpu.memory_space<vmem>>
      %dma_start3A_815 = arith.constant 0 : i32
      %dma_start3A_816 = tpu.memref_slice %arg11[%dma_start3A_810, %dma_start3A_815] : memref<5x80xi32, #tpu.memory_space<vmem>> -> memref<1x80xi32, #tpu.memory_space<vmem>>
      %dma_start3A_817 = tpu.memref_squeeze %dma_start3A_816 : memref<1x80xi32, #tpu.memory_space<vmem>> -> memref<80xi32, #tpu.memory_space<vmem>>
      %dma_start3A_818 = arith.constant 0 : i32
      %dma_start3A_819 = arith.constant 0 : i32
      %dma_start3A_820 = tpu.memref_slice %arg16[%dma_start3A_818, %dma_start3A_819] : memref<10000x64xf32, #tpu.memory_space<vmem_shared>> -> memref<10000x64xf32, #tpu.memory_space<vmem_shared>>
      tpu.enqueue_indirect_dma source(%dma_start3A_814 : memref<80x64xf32, #tpu.memory_space<vmem>>) target(%dma_start3A_820 : memref<10000x64xf32, #tpu.memory_space<vmem_shared>>) offsets(%dma_start3A_817 : memref<80xi32, #tpu.memory_space<vmem>>) semaphore(%arg26 : memref<!tpu.dma_semaphore, #tpu.memory_space<semaphore_mem>>) {add = true}
      %lt3A_821 = arith.constant 24 : i32
      %lt3A_822 = arith.cmpi slt, %scan3A_232, %lt3A_821 : i32
      %convert_element_type3A_823 = arith.extui %lt3A_822 : i1 to i32
      %cond3A_824 = arith.constant 0 : i32
      %cond3A_825 = arith.cmpi ne, %convert_element_type3A_823, %cond3A_824 : i32
      scf.if %cond3A_825 {
        %add3A_826 = arith.constant 2 : i32
        %add3A_827 = arith.addi %mul3A_234, %add3A_826 : i32
        %dma_start3A_828 = arith.constant 0 : i32
        %dma_start3A_829 = arith.constant 0 : i32
        %dma_start3A_830 = tpu.memref_slice %arg4[%arg1, %add3A_827, %dma_start3A_828, %dma_start3A_829] : memref<16x50x5x80xi32, #tpu.memory_space<hbm>> -> memref<1x1x5x80xi32, #tpu.memory_space<hbm>>
        %dma_start3A_831 = tpu.memref_squeeze %dma_start3A_830 : memref<1x1x5x80xi32, #tpu.memory_space<hbm>> -> memref<5x80xi32, #tpu.memory_space<hbm>>
        %dma_start3A_832 = arith.constant 0 : i32
        %dma_start3A_833 = arith.constant 0 : i32
        %dma_start3A_834 = tpu.memref_slice %arg4[%arg1, %add3A_827, %dma_start3A_832, %dma_start3A_833] : memref<16x50x5x80xi32, #tpu.memory_space<hbm>> -> memref<1x1x5x80xi32, #tpu.memory_space<hbm>>
        %dma_start3A_835 = tpu.memref_squeeze %dma_start3A_834 : memref<1x1x5x80xi32, #tpu.memory_space<hbm>> -> memref<5x80xi32, #tpu.memory_space<hbm>>
        tpu.enqueue_dma source(%dma_start3A_835 : memref<5x80xi32, #tpu.memory_space<hbm>>) target(%arg8 : memref<5x80xi32, #tpu.memory_space<vmem>>) target_semaphore(%arg28 : memref<!tpu.dma_semaphore, #tpu.memory_space<semaphore_mem>>)
      } else {
      }
    }
    %scan3A_165 = arith.constant 25 : i32
    %dma_wait3A_166 = arith.constant 0 : i32
    %dma_wait3A_167 = arith.constant 0 : i32
    %dma_wait3A_168 = arith.constant 0 : i32
    %dma_wait3A_169 = arith.constant 0 : i32
    %dma_wait3A_170 = tpu.memref_slice %arg14[%dma_wait3A_166, %dma_wait3A_168, %dma_wait3A_169] : memref<5x80x64xf32, #tpu.memory_space<vmem>> -> memref<1x80x64xf32, #tpu.memory_space<vmem>>
    %dma_wait3A_171 = tpu.memref_squeeze %dma_wait3A_170 : memref<1x80x64xf32, #tpu.memory_space<vmem>> -> memref<80x64xf32, #tpu.memory_space<vmem>>
    %dma_wait3A_172 = arith.constant 0 : i32
    %dma_wait3A_173 = tpu.memref_slice %arg8[%dma_wait3A_167, %dma_wait3A_172] : memref<5x80xi32, #tpu.memory_space<vmem>> -> memref<1x80xi32, #tpu.memory_space<vmem>>
    %dma_wait3A_174 = tpu.memref_squeeze %dma_wait3A_173 : memref<1x80xi32, #tpu.memory_space<vmem>> -> memref<80xi32, #tpu.memory_space<vmem>>
    %dma_wait3A_175 = arith.constant 0 : i32
    %dma_wait3A_176 = arith.constant 0 : i32
    %dma_wait3A_177 = tpu.memref_slice %arg16[%dma_wait3A_175, %dma_wait3A_176] : memref<10000x64xf32, #tpu.memory_space<vmem_shared>> -> memref<10000x64xf32, #tpu.memory_space<vmem_shared>>
    tpu.wait_indirect_dma semaphore(%arg22 : memref<!tpu.dma_semaphore, #tpu.memory_space<semaphore_mem>>) src(%dma_wait3A_171 : memref<80x64xf32, #tpu.memory_space<vmem>>) dst(%dma_wait3A_177 : memref<10000x64xf32, #tpu.memory_space<vmem_shared>>)
    %dma_wait3A_178 = arith.constant 1 : i32
    %dma_wait3A_179 = arith.constant 1 : i32
    %dma_wait3A_180 = arith.constant 0 : i32
    %dma_wait3A_181 = arith.constant 0 : i32
    %dma_wait3A_182 = tpu.memref_slice %arg14[%dma_wait3A_178, %dma_wait3A_180, %dma_wait3A_181] : memref<5x80x64xf32, #tpu.memory_space<vmem>> -> memref<1x80x64xf32, #tpu.memory_space<vmem>>
    %dma_wait3A_183 = tpu.memref_squeeze %dma_wait3A_182 : memref<1x80x64xf32, #tpu.memory_space<vmem>> -> memref<80x64xf32, #tpu.memory_space<vmem>>
    %dma_wait3A_184 = arith.constant 0 : i32
    %dma_wait3A_185 = tpu.memref_slice %arg8[%dma_wait3A_179, %dma_wait3A_184] : memref<5x80xi32, #tpu.memory_space<vmem>> -> memref<1x80xi32, #tpu.memory_space<vmem>>
    %dma_wait3A_186 = tpu.memref_squeeze %dma_wait3A_185 : memref<1x80xi32, #tpu.memory_space<vmem>> -> memref<80xi32, #tpu.memory_space<vmem>>
    %dma_wait3A_187 = arith.constant 0 : i32
    %dma_wait3A_188 = arith.constant 0 : i32
    %dma_wait3A_189 = tpu.memref_slice %arg16[%dma_wait3A_187, %dma_wait3A_188] : memref<10000x64xf32, #tpu.memory_space<vmem_shared>> -> memref<10000x64xf32, #tpu.memory_space<vmem_shared>>
    tpu.wait_indirect_dma semaphore(%arg23 : memref<!tpu.dma_semaphore, #tpu.memory_space<semaphore_mem>>) src(%dma_wait3A_183 : memref<80x64xf32, #tpu.memory_space<vmem>>) dst(%dma_wait3A_189 : memref<10000x64xf32, #tpu.memory_space<vmem_shared>>)
    %dma_wait3A_190 = arith.constant 2 : i32
    %dma_wait3A_191 = arith.constant 2 : i32
    %dma_wait3A_192 = arith.constant 0 : i32
    %dma_wait3A_193 = arith.constant 0 : i32
    %dma_wait3A_194 = tpu.memref_slice %arg14[%dma_wait3A_190, %dma_wait3A_192, %dma_wait3A_193] : memref<5x80x64xf32, #tpu.memory_space<vmem>> -> memref<1x80x64xf32, #tpu.memory_space<vmem>>
    %dma_wait3A_195 = tpu.memref_squeeze %dma_wait3A_194 : memref<1x80x64xf32, #tpu.memory_space<vmem>> -> memref<80x64xf32, #tpu.memory_space<vmem>>
    %dma_wait3A_196 = arith.constant 0 : i32
    %dma_wait3A_197 = tpu.memref_slice %arg8[%dma_wait3A_191, %dma_wait3A_196] : memref<5x80xi32, #tpu.memory_space<vmem>> -> memref<1x80xi32, #tpu.memory_space<vmem>>
    %dma_wait3A_198 = tpu.memref_squeeze %dma_wait3A_197 : memref<1x80xi32, #tpu.memory_space<vmem>> -> memref<80xi32, #tpu.memory_space<vmem>>
    %dma_wait3A_199 = arith.constant 0 : i32
    %dma_wait3A_200 = arith.constant 0 : i32
    %dma_wait3A_201 = tpu.memref_slice %arg16[%dma_wait3A_199, %dma_wait3A_200] : memref<10000x64xf32, #tpu.memory_space<vmem_shared>> -> memref<10000x64xf32, #tpu.memory_space<vmem_shared>>
    tpu.wait_indirect_dma semaphore(%arg24 : memref<!tpu.dma_semaphore, #tpu.memory_space<semaphore_mem>>) src(%dma_wait3A_195 : memref<80x64xf32, #tpu.memory_space<vmem>>) dst(%dma_wait3A_201 : memref<10000x64xf32, #tpu.memory_space<vmem_shared>>)
    %dma_wait3A_202 = arith.constant 3 : i32
    %dma_wait3A_203 = arith.constant 3 : i32
    %dma_wait3A_204 = arith.constant 0 : i32
    %dma_wait3A_205 = arith.constant 0 : i32
    %dma_wait3A_206 = tpu.memref_slice %arg14[%dma_wait3A_202, %dma_wait3A_204, %dma_wait3A_205] : memref<5x80x64xf32, #tpu.memory_space<vmem>> -> memref<1x80x64xf32, #tpu.memory_space<vmem>>
    %dma_wait3A_207 = tpu.memref_squeeze %dma_wait3A_206 : memref<1x80x64xf32, #tpu.memory_space<vmem>> -> memref<80x64xf32, #tpu.memory_space<vmem>>
    %dma_wait3A_208 = arith.constant 0 : i32
    %dma_wait3A_209 = tpu.memref_slice %arg8[%dma_wait3A_203, %dma_wait3A_208] : memref<5x80xi32, #tpu.memory_space<vmem>> -> memref<1x80xi32, #tpu.memory_space<vmem>>
    %dma_wait3A_210 = tpu.memref_squeeze %dma_wait3A_209 : memref<1x80xi32, #tpu.memory_space<vmem>> -> memref<80xi32, #tpu.memory_space<vmem>>
    %dma_wait3A_211 = arith.constant 0 : i32
    %dma_wait3A_212 = arith.constant 0 : i32
    %dma_wait3A_213 = tpu.memref_slice %arg16[%dma_wait3A_211, %dma_wait3A_212] : memref<10000x64xf32, #tpu.memory_space<vmem_shared>> -> memref<10000x64xf32, #tpu.memory_space<vmem_shared>>
    tpu.wait_indirect_dma semaphore(%arg25 : memref<!tpu.dma_semaphore, #tpu.memory_space<semaphore_mem>>) src(%dma_wait3A_207 : memref<80x64xf32, #tpu.memory_space<vmem>>) dst(%dma_wait3A_213 : memref<10000x64xf32, #tpu.memory_space<vmem_shared>>)
    %dma_wait3A_214 = arith.constant 4 : i32
    %dma_wait3A_215 = arith.constant 4 : i32
    %dma_wait3A_216 = arith.constant 0 : i32
    %dma_wait3A_217 = arith.constant 0 : i32
    %dma_wait3A_218 = tpu.memref_slice %arg14[%dma_wait3A_214, %dma_wait3A_216, %dma_wait3A_217] : memref<5x80x64xf32, #tpu.memory_space<vmem>> -> memref<1x80x64xf32, #tpu.memory_space<vmem>>
    %dma_wait3A_219 = tpu.memref_squeeze %dma_wait3A_218 : memref<1x80x64xf32, #tpu.memory_space<vmem>> -> memref<80x64xf32, #tpu.memory_space<vmem>>
    %dma_wait3A_220 = arith.constant 0 : i32
    %dma_wait3A_221 = tpu.memref_slice %arg8[%dma_wait3A_215, %dma_wait3A_220] : memref<5x80xi32, #tpu.memory_space<vmem>> -> memref<1x80xi32, #tpu.memory_space<vmem>>
    %dma_wait3A_222 = tpu.memref_squeeze %dma_wait3A_221 : memref<1x80xi32, #tpu.memory_space<vmem>> -> memref<80xi32, #tpu.memory_space<vmem>>
    %dma_wait3A_223 = arith.constant 0 : i32
    %dma_wait3A_224 = arith.constant 0 : i32
    %dma_wait3A_225 = tpu.memref_slice %arg16[%dma_wait3A_223, %dma_wait3A_224] : memref<10000x64xf32, #tpu.memory_space<vmem_shared>> -> memref<10000x64xf32, #tpu.memory_space<vmem_shared>>
    tpu.wait_indirect_dma semaphore(%arg26 : memref<!tpu.dma_semaphore, #tpu.memory_space<semaphore_mem>>) src(%dma_wait3A_219 : memref<80x64xf32, #tpu.memory_space<vmem>>) dst(%dma_wait3A_225 : memref<10000x64xf32, #tpu.memory_space<vmem_shared>>)
    %barrier3A_226 = arith.constant 0 : index
    tpu.barrier barrier_id(%barrier3A_226)
    "tpu.region"() ({
      %run_scoped3A = tpu.sem_alloc : memref<!tpu.dma_semaphore, #tpu.memory_space<semaphore_mem>>
      %dma_start3A_232 = arith.constant 0 : i32
      %dma_start3A_233 = arith.constant 0 : i32
      %dma_start3A_234 = tpu.memref_slice %arg6[%arg0, %dma_start3A_232, %dma_start3A_233] : memref<2x10000x64xf32, #tpu.memory_space<hbm>> -> memref<1x10000x64xf32, #tpu.memory_space<hbm>>
      %dma_start3A_235 = tpu.memref_squeeze %dma_start3A_234 : memref<1x10000x64xf32, #tpu.memory_space<hbm>> -> memref<10000x64xf32, #tpu.memory_space<hbm>>
      %dma_start3A_236 = arith.constant 0 : i32
      %dma_start3A_237 = tpu.memref_slice %dma_start3A_235[%mul3A_142, %dma_start3A_236] : memref<10000x64xf32, #tpu.memory_space<hbm>> -> memref<624x64xf32, #tpu.memory_space<hbm>>
      %dma_start3A_238 = arith.constant 0 : i32
      %dma_start3A_239 = tpu.memref_slice %arg16[%mul3A_142, %dma_start3A_238] : memref<10000x64xf32, #tpu.memory_space<vmem_shared>> -> memref<624x64xf32, #tpu.memory_space<vmem_shared>>
      tpu.enqueue_dma source(%dma_start3A_239 : memref<624x64xf32, #tpu.memory_space<vmem_shared>>) target(%dma_start3A_237 : memref<624x64xf32, #tpu.memory_space<hbm>>) target_semaphore(%run_scoped3A : memref<!tpu.dma_semaphore, #tpu.memory_space<semaphore_mem>>)
      %dma_wait3A_240 = arith.constant 0 : i32
      %dma_wait3A_241 = arith.constant 0 : i32
      %dma_wait3A_242 = tpu.memref_slice %arg6[%arg0, %dma_wait3A_240, %dma_wait3A_241] : memref<2x10000x64xf32, #tpu.memory_space<hbm>> -> memref<1x10000x64xf32, #tpu.memory_space<hbm>>
      %dma_wait3A_243 = tpu.memref_squeeze %dma_wait3A_242 : memref<1x10000x64xf32, #tpu.memory_space<hbm>> -> memref<10000x64xf32, #tpu.memory_space<hbm>>
      %dma_wait3A_244 = arith.constant 0 : i32
      %dma_wait3A_245 = tpu.memref_slice %dma_wait3A_243[%mul3A_142, %dma_wait3A_244] : memref<10000x64xf32, #tpu.memory_space<hbm>> -> memref<624x64xf32, #tpu.memory_space<hbm>>
      %dma_wait3A_246 = arith.constant 0 : i32
      %dma_wait3A_247 = tpu.memref_slice %arg16[%mul3A_142, %dma_wait3A_246] : memref<10000x64xf32, #tpu.memory_space<vmem_shared>> -> memref<624x64xf32, #tpu.memory_space<vmem_shared>>
      tpu.wait_dma2 semaphore(%run_scoped3A : memref<!tpu.dma_semaphore, #tpu.memory_space<semaphore_mem>>) src(%dma_wait3A_247 : memref<624x64xf32, #tpu.memory_space<vmem_shared>>) dst(%dma_wait3A_245 : memref<624x64xf32, #tpu.memory_space<hbm>>)
      tpu.yield
    }) : () -> ()
    %eq3A_227 = arith.constant 15 : i32
    %eq3A_228 = arith.cmpi eq, %arg1, %eq3A_227 : i32
    %convert_element_type3A_229 = arith.extui %eq3A_228 : i1 to i32
    %cond3A_230 = arith.constant 0 : i32
    %cond3A_231 = arith.cmpi ne, %convert_element_type3A_229, %cond3A_230 : i32
    scf.if %cond3A_231 {
      "tpu.region"() ({
        %run_scoped3A = tpu.sem_alloc : memref<!tpu.dma_semaphore, #tpu.memory_space<semaphore_mem>>
        %dma_start3A_232 = arith.constant 0 : i32
        %dma_start3A_233 = arith.constant 0 : i32
        %dma_start3A_234 = tpu.memref_slice %arg6[%arg0, %dma_start3A_232, %dma_start3A_233] : memref<2x10000x64xf32, #tpu.memory_space<hbm>> -> memref<1x10000x64xf32, #tpu.memory_space<hbm>>
        %dma_start3A_235 = tpu.memref_squeeze %dma_start3A_234 : memref<1x10000x64xf32, #tpu.memory_space<hbm>> -> memref<10000x64xf32, #tpu.memory_space<hbm>>
        %dma_start3A_236 = arith.constant 9984 : i32
        %dma_start3A_237 = arith.constant 0 : i32
        %dma_start3A_238 = tpu.memref_slice %dma_start3A_235[%dma_start3A_236, %dma_start3A_237] : memref<10000x64xf32, #tpu.memory_space<hbm>> -> memref<16x64xf32, #tpu.memory_space<hbm>>
        %dma_start3A_239 = arith.constant 9984 : i32
        %dma_start3A_240 = arith.constant 0 : i32
        %dma_start3A_241 = tpu.memref_slice %arg16[%dma_start3A_239, %dma_start3A_240] : memref<10000x64xf32, #tpu.memory_space<vmem_shared>> -> memref<16x64xf32, #tpu.memory_space<vmem_shared>>
        tpu.enqueue_dma source(%dma_start3A_241 : memref<16x64xf32, #tpu.memory_space<vmem_shared>>) target(%dma_start3A_238 : memref<16x64xf32, #tpu.memory_space<hbm>>) target_semaphore(%run_scoped3A : memref<!tpu.dma_semaphore, #tpu.memory_space<semaphore_mem>>)
        %dma_wait3A_242 = arith.constant 0 : i32
        %dma_wait3A_243 = arith.constant 0 : i32
        %dma_wait3A_244 = tpu.memref_slice %arg6[%arg0, %dma_wait3A_242, %dma_wait3A_243] : memref<2x10000x64xf32, #tpu.memory_space<hbm>> -> memref<1x10000x64xf32, #tpu.memory_space<hbm>>
        %dma_wait3A_245 = tpu.memref_squeeze %dma_wait3A_244 : memref<1x10000x64xf32, #tpu.memory_space<hbm>> -> memref<10000x64xf32, #tpu.memory_space<hbm>>
        %dma_wait3A_246 = arith.constant 9984 : i32
        %dma_wait3A_247 = arith.constant 0 : i32
        %dma_wait3A_248 = tpu.memref_slice %dma_wait3A_245[%dma_wait3A_246, %dma_wait3A_247] : memref<10000x64xf32, #tpu.memory_space<hbm>> -> memref<16x64xf32, #tpu.memory_space<hbm>>
        %dma_wait3A_249 = arith.constant 9984 : i32
        %dma_wait3A_250 = arith.constant 0 : i32
        %dma_wait3A_251 = tpu.memref_slice %arg16[%dma_wait3A_249, %dma_wait3A_250] : memref<10000x64xf32, #tpu.memory_space<vmem_shared>> -> memref<16x64xf32, #tpu.memory_space<vmem_shared>>
        tpu.wait_dma2 semaphore(%run_scoped3A : memref<!tpu.dma_semaphore, #tpu.memory_space<semaphore_mem>>) src(%dma_wait3A_251 : memref<16x64xf32, #tpu.memory_space<vmem_shared>>) dst(%dma_wait3A_248 : memref<16x64xf32, #tpu.memory_space<hbm>>)
        tpu.yield
      }) : () -> ()
    } else {
    }
    return
  }
}

module attributes {stable_mosaic.version = 14 : i64} {
  func.func @_linear_body(%arg0: i32, %arg1: memref<1x1000x64xf32, #tpu.memory_space<vmem>>, %arg2: memref<1x1000x64xf32, #tpu.memory_space<vmem>>, %arg3: memref<128x128xf32, #tpu.memory_space<vmem>>, %arg4: memref<1x128xf32, #tpu.memory_space<vmem>>, %arg5: memref<1000x128xf32, #tpu.memory_space<vmem>>) attributes {dimension_semantics = [#tpu.dimension_semantics<arbitrary>], iteration_bounds = array<i64: 10>, scalar_prefetch = 0 : i64, scratch_operands = 0 : i64, tpu.core_type = #tpu.core_type<tc>, window_params = [{transform_indices = @transform_0, window_bounds = array<i64: 1, 1000, 64>}, {transform_indices = @transform_1, window_bounds = array<i64: 1, 1000, 64>}, {pipeline_mode = #tpu.pipeline_mode<synchronous>, transform_indices = @transform_2, window_bounds = array<i64: 128, 128>}, {pipeline_mode = #tpu.pipeline_mode<synchronous>, transform_indices = @transform_3, window_bounds = array<i64: 1, 128>}, {transform_indices = @transform_4, window_bounds = array<i64: 1000, 128>}]} {
    %get3A = arith.constant 0 : index
    %get3A_0 = arith.constant 0 : index
    %get3A_1 = arith.constant 0 : index
    %get3A_2 = vector.load %arg1[%get3A, %get3A_0, %get3A_1] : memref<1x1000x64xf32, #tpu.memory_space<vmem>>, vector<1x1000x64xf32>
    %get3A_3 = vector.shape_cast %get3A_2 : vector<1x1000x64xf32> to vector<1000x64xf32>
    %get3A_4 = arith.constant 0 : index
    %get3A_5 = arith.constant 0 : index
    %get3A_6 = arith.constant 0 : index
    %get3A_7 = vector.load %arg2[%get3A_4, %get3A_5, %get3A_6] : memref<1x1000x64xf32, #tpu.memory_space<vmem>>, vector<1x1000x64xf32>
    %get3A_8 = vector.shape_cast %get3A_7 : vector<1x1000x64xf32> to vector<1000x64xf32>
    %concatenate3A = tpu.concatenate %get3A_3, %get3A_8 in 1 : vector<1000x64xf32>, vector<1000x64xf32> -> vector<1000x128xf32>
    %get3A_9 = arith.constant 0 : index
    %get3A_10 = arith.constant 0 : index
    %get3A_11 = vector.load %arg3[%get3A_9, %get3A_10] : memref<128x128xf32, #tpu.memory_space<vmem>>, vector<128x128xf32>
    %dot_general3A = arith.constant dense<0.000000e+00> : vector<1000x128xf32>
    %dot_general3A_12 = tpu.matmul %concatenate3A, %get3A_11, %dot_general3A {dimension_numbers = #tpu.dot_dimension_numbers<[1], [0], [0], [1], [0, 0, 1, 1], [], []>, transpose_lhs_hint = false} : vector<1000x128xf32>, vector<128x128xf32>, vector<1000x128xf32> -> vector<1000x128xf32>
    %get3A_13 = arith.constant 0 : index
    %get3A_14 = arith.constant 0 : index
    %get3A_15 = vector.load %arg4[%get3A_13, %get3A_14] : memref<1x128xf32, #tpu.memory_space<vmem>>, vector<1x128xf32>
    %add3A = vector.broadcast %get3A_15 : vector<1x128xf32> to vector<1000x128xf32>
    %add3A_16 = arith.addf %dot_general3A_12, %add3A : vector<1000x128xf32>
    %max3A = arith.constant 0.000000e+00 : f32
    %max3A_17 = vector.broadcast %max3A : f32 to vector<1000x128xf32>
    %max3A_18 = arith.maximumf %add3A_16, %max3A_17 : vector<1000x128xf32>
    %swap3A = arith.constant 0 : index
    %swap3A_19 = arith.constant 0 : index
    %swap3A_20 = vector.load %arg5[%swap3A, %swap3A_19] : memref<1000x128xf32, #tpu.memory_space<vmem>>, vector<1000x128xf32>
    tpu.vector_store %arg5[%swap3A, %swap3A_19], %max3A_18 {strides = array<i32>} : memref<1000x128xf32, #tpu.memory_space<vmem>>, vector<1000x128xf32>,
    return
  }
  func.func @transform_0(%arg0: i32) -> (i32, i32, i32) {
    %c0_i32 = arith.constant 0 : i32
    %c0_i32_0 = arith.constant 0 : i32
    %c0_i32_1 = arith.constant 0 : i32
    return %c0_i32, %arg0, %c0_i32_0 : i32, i32, i32
  }
  func.func @transform_1(%arg0: i32) -> (i32, i32, i32) {
    %c1_i32 = arith.constant 1 : i32
    %c0_i32 = arith.constant 0 : i32
    %c0_i32_0 = arith.constant 0 : i32
    return %c1_i32, %arg0, %c0_i32 : i32, i32, i32
  }
  func.func @transform_2(%arg0: i32) -> (i32, i32) {
    %c0_i32 = arith.constant 0 : i32
    %c0_i32_0 = arith.constant 0 : i32
    %c0_i32_1 = arith.constant 0 : i32
    return %c0_i32, %c0_i32_0 : i32, i32
  }
  func.func @transform_3(%arg0: i32) -> (i32, i32) {
    %c0_i32 = arith.constant 0 : i32
    %c0_i32_0 = arith.constant 0 : i32
    %c0_i32_1 = arith.constant 0 : i32
    return %c0_i32, %c0_i32_0 : i32, i32
  }
  func.func @transform_4(%arg0: i32) -> (i32, i32) {
    %c0_i32 = arith.constant 0 : i32
    %c0_i32_0 = arith.constant 0 : i32
    return %arg0, %c0_i32 : i32, i32
  }
}

</mosaic_0001>

<sc_bundles>
// kernel: kernel.4.cloned.1.call-start
scs
__scs_entry_jumppad:
0x0: {  	(pc) =	sbr.rel $0x88, $3  }
0x1: {  	(tag) =	ssettag $0x0;
	lr =	simm.s32 $0x1  }
0x2: {  	[smem:$0x3F9C] =	sst lr;
	_ =	strace $0xD0000000  }
0x3: {  	_ = 	snop  }
0x4: {  	_ = 	snop  }
0x5: {  	_ = 	snop  }
0x6: {  	_ = 	snop  }
0x7: {  	_ = 	snop  }
__scs_overlays_trampoline_lowered:
0x8: {  	[smem:$0x3FAB] =	sst s0  }
0x9: {  	[smem:$0x3FAC] =	sst s1  }
0xa: {  	[smem:$0x3FAD] =	sst s2  }
0xb: {  	[smem:$0x3FAE] =	sst s3  }
0xc: {  	[smem:$0x3FAF] =	sst s4  }
0xd: {  	[smem:$0x3FB0] =	sst s5  }
0xe: {  	[smem:$0x3FB1] =	sst s6  }
0xf: {  	[smem:$0x3FB2] =	sst s7  }
0x10: {  	[smem:$0x3FB3] =	sst s8  }
0x11: {  	[smem:$0x3FB4] =	sst s9;
	s0 =	simm.s32 @!p0 $0x0  }
0x12: {  	s1 =	sld [smem:$0x3F9A];
	s0 =	simm.s32 @p0 $0x1  }
0x13: {  	[smem:$0x3FB5] =	sst s0;
	s0 =	simm.s32 @!p1 $0x0  }
0x14: {  	s2 =	sld [smem:$0x3F99];
	s0 =	simm.s32 @p1 $0x1  }
0x15: {  	[smem:$0x3FB6] =	sst s0;
	s0 =	simm.s32 @!p2 $0x0  }
0x16: {  	s3 =	sld [smem:$0x3FDB];
	s0 =	simm.s32 @p2 $0x1  }
0x17: {  	s4 =	simm.s32 $0x1BF5;
	[smem:$0x3FB8] =	sst s0  }
0x18: {  	s0 =	sld [smem:$0x3F9B];
	_ =	swait.ge [sflag:s4], $0x0  }
0x19: {  	s7 =	sld [smem:$0x3F9C]  }
0x1a: {  	s8 =	sadd.s32 $0xFFFFE003, lr  }
0x1b: {  	s9 =	sadd.s32 $0xFFFFFEF7, lr;
	s5 =	simm.s32 $0xFFFFFFFF;
	p2 =	slt.u32 s8, $0xFFFFF086  }
0x1c: {  	p1 =	slt.u32 s9, $0xF7A;
	s5 =	simm.s32 @!p2 $0x0  }
0x1d: {  	s5 =	simm.s32 @p1 $0x1;
	p0 =	seq.s32 s7, s2  }
0x1e: {  	s7 =	smul.u32 @!p0 $0xF7A, s2;
	p2 =	seq.s32 @!p0 s5, $0x0  }
0x1f: {  	s9 =	smul.u32 $0xF7A, s1;
	s8 =	simm.s32 @!p0 $0x1BF5;
	p2 =	por !p2, p0  }
0x20: {  	[sflag:s8] =	ssyncset.s32 @!p0 $0xFFFFF086;
	s6 =	sadd.s32 @!p0 s3, s7;
	s7 =	simm.s32 @!p0 $0x108  }
0x21: {  	s3 =	sadd.s32 s3, s9;
	s6 =	sadd.s32 @!p0 $0x88, s6;
	s7 =	simm.s32 @p2 $0x1082  }
0x22: {  	[simem:s7], [sflag:s8] =	dma.local @!p0 [hbm:s6], $0xF7A  }
0x23: {  	s9 =	sor.u32 $0xD0000000, s2;
	s6 =	simm.s32 $0x108;
	_ =	swait.ge @!p0 [sflag:s8], $0x0  }
0x24: {  	s3 =	sadd.s32 $0x88, s3;
	s6 =	simm.s32 @!p1 $0x1082;
	[sflag:s4] =	ssyncset.s32 $0xFFFFF086  }
0x25: {  	[simem:s6], [sflag:s4] =	dma.local [hbm:s3], $0xF7A  }
0x26: {  	[smem:$0x3F9C] =	sst s1;
	(tag) =	ssettag s2;
	_ =	strace s9  }
0x27: {  	s1 =	sld [smem:$0x3FAC]  }
0x28: {  	s2 =	sld [smem:$0x3FAD]  }
0x29: {  	s4 =	sld [smem:$0x3FAF]  }
0x2a: {  	p0 =	seq.s32 s5, $0x0;
	s5 =	sld [smem:$0x3FB0]  }
0x2b: {  	s6 =	sld [smem:$0x3FB1]  }
0x2c: {  	s7 =	sld [smem:$0x3FB2]  }
0x2d: {  	s3 =	simm.s32 $0x108;
	s8 =	sld [smem:$0x3FB3]  }
0x2e: {  	s3 =	simm.s32 @!p0 $0x1082;
	s9 =	sld [smem:$0x3FB4]  }
0x2f: {  	lr =	sadd.s32 s0, s3;
	s0 =	sld [smem:$0x3FAB]  }
0x30: {  	s3 =	sld [smem:$0x3FAE]  }
0x31: {  	[smem:$0x3FB7] =	sst s10  }
0x32: {  	s10 =	sld [smem:$0x3FB5];
	_ =	sdelay $0x3  }
0x33: {  	p0 =	seq.s32 s10, $0x1;
	s10 =	sld [smem:$0x3FB7];
	_ =	sdelay $0x3  }
0x34: {  	[smem:$0x3FB7] =	sst s10  }
0x35: {  	s10 =	sld [smem:$0x3FB6];
	_ =	sdelay $0x3  }
0x36: {  	p1 =	seq.s32 s10, $0x1;
	s10 =	sld [smem:$0x3FB7];
	_ =	sdelay $0x3  }
0x37: {  	[smem:$0x3FB7] =	sst s10  }
0x38: {  	s10 =	sld [smem:$0x3FB8]  }
0x39: {  	_ = 	snop;
	(pc) =	sbr.ind lr, $3  }
0x3a: {  	_ = 	snop  }
0x3b: {  	_ = 	snop  }
0x3c: {  	p2 =	seq.s32 s10, $0x1;
	s10 =	sld [smem:$0x3FB7]  }
0x3d: {  	_ =	shalt  }
0x3e: {  	_ =	shalt  }
0x3f: {  	_ =	shalt  }
0x40: {  	_ =	shalt  }
0x41: {  	_ =	shalt  }
0x42: {  	_ =	shalt  }
0x43: {  	_ =	shalt  }
0x44: {  	_ =	shalt  }
0x45: {  	_ =	shalt  }
0x46: {  	_ =	shalt  }
0x47: {  	_ =	shalt  }
0x48: {  	_ =	shalt  }
0x49: {  	_ =	shalt  }
0x4a: {  	_ =	shalt  }
0x4b: {  	_ =	shalt  }
0x4c: {  	_ =	shalt  }
0x4d: {  	_ =	shalt  }
0x4e: {  	_ =	shalt  }
0x4f: {  	_ =	shalt  }
0x50: {  	_ =	shalt  }
0x51: {  	_ =	shalt  }
0x52: {  	_ =	shalt  }
0x53: {  	_ =	shalt  }
0x54: {  	_ =	shalt  }
0x55: {  	_ =	shalt  }
0x56: {  	_ =	shalt  }
0x57: {  	_ =	shalt  }
0x58: {  	_ =	shalt  }
0x59: {  	_ =	shalt  }
0x5a: {  	_ =	shalt  }
0x5b: {  	_ =	shalt  }
0x5c: {  	_ =	shalt  }
0x5d: {  	_ =	shalt  }
0x5e: {  	_ =	shalt  }
0x5f: {  	_ =	shalt  }
0x60: {  	_ =	shalt  }
0x61: {  	_ =	shalt  }
0x62: {  	_ =	shalt  }
0x63: {  	_ =	shalt  }
0x64: {  	_ =	shalt  }
0x65: {  	_ =	shalt  }
0x66: {  	_ =	shalt  }
0x67: {  	_ =	shalt  }
0x68: {  	_ =	shalt  }
0x69: {  	_ =	shalt  }
0x6a: {  	_ =	shalt  }
0x6b: {  	_ =	shalt  }
0x6c: {  	_ =	shalt  }
0x6d: {  	_ =	shalt  }
0x6e: {  	_ =	shalt  }
0x6f: {  	_ =	shalt  }
0x70: {  	_ =	shalt  }
0x71: {  	_ =	shalt  }
0x72: {  	_ =	shalt  }
0x73: {  	_ =	shalt  }
0x74: {  	_ =	shalt  }
0x75: {  	_ =	shalt  }
0x76: {  	_ =	shalt  }
0x77: {  	_ =	shalt  }
0x78: {  	_ =	shalt  }
0x79: {  	_ =	shalt  }
0x7a: {  	_ =	shalt  }
0x7b: {  	_ =	shalt  }
0x7c: {  	_ =	shalt  }
0x7d: {  	_ =	shalt  }
0x7e: {  	_ =	shalt  }
0x7f: {  	_ =	shalt  }
0x80: {  	_ =	shalt  }
0x81: {  	_ =	shalt  }
0x82: {  	_ =	shalt  }
0x83: {  	_ =	shalt  }
0x84: {  	_ =	shalt  }
0x85: {  	_ =	shalt  }
0x86: {  	_ =	shalt  }
0x87: {  	_ =	shalt  }
.Lfunc_end0:
.L_simem_size_0:
called_computation_lowered:
.L_overlay_start_0:
0x88: {  	s2 =	sld [smem:$0x3FD9]  }
0x89: {  	s3 =	sld [smem:$0x3FFE];
	_ =	sdelay $0x1  }
0x8a: {  	s1 =	srdreg.scid  }
0x8b: {  	s0 =	sand.u32 $0x1, s1  }
0x8c: {  	s17 =	sshll.u32 s0, $0xA;
	s2 =	sadd.s32 s3, s2  }
0x8d: {  	s2 =	sadd.s32 s2, s17  }
0x8e: {  	[smem:$0x3FC3] =	sst s2  }
0x8f: {  	_ = 	snop  }
0x90: {  	s2 =	sld [smem:$0x3FD0];
	(tm) =	ssettm $0x1  }
0x91: {  	s18 =	sld [smem:$0x3FFB];
	_ =	sdelay $0x3  }
0x92: {  	_ =	strace s18  }
0x93: {  	s3 =	sld [smem:$0x3FFC];
	_ =	sdelay $0x3  }
0x94: {  	_ =	strace s3  }
0x95: {  	s3 =	sld [smem:$0x3FFD];
	_ =	sdelay $0x3  }
0x96: {  	_ =	strace s3  }
0x97: {  	_ =	strace $0x8FFFFFFF  }
0x98: {  	s19 =	sld [smem:$0x3FDB];
	_ =	sdelay $0x1  }
0x99: {  	s4 =	simm.s32 $_scs_section_size  }
0x9a: {  	s5 =	simm.s32 $_size__tile_overlayer_lowered;
	s6 =	simm.s32 $_tile_overlayer_lowered  }
0x9b: {  	s22 =	simm.s32 $0x1BFF;
	s21 =	sshll.u32 s6, $0x1;
	s3 =	sadd.s32 s4, s19  }
0x9c: {  	s7 =	simm.s32 $0x0;
	s20 =	sshll.u32 s5, $0x1;
	s5 =	sadd.s32 s21, s3  }
0x9d: {  	[timem:s7], [sflag:s22] =	dma.local [hbm:s5], s20  }
0x9e: {  	_ =	swait.ge [sflag:s22], s20  }
0x9f: {  	s4 =	ssub.s32 $0x0, s20;
	[sflag:s22] =	ssyncset.done $0x0  }
0xa0: {  	[sflag:s22] =	ssyncadd.s32 s4;
	_ =	sdelay $0x1  }
0xa1: {  	s23 =	simm.s32 $0x1B8B  }
0xa2: {  	_ =	swait.ge [sflag:s23], $0x1  }
0xa3: {  	[sflag:s23] =	ssyncset.done $0x0  }
0xa4: {  	s25 =	simm.s32 $0x1B8E;
	s24 =	sld [smem:$0x3FFE];
	[sflag:s23] =	ssyncadd.s32 $0xFFFFFFFF  }
0xa5: {  	s26 =	simm.s32 $execute0_lowered;
	[smem:$0x3FD2] =	sst s25  }
0xa6: {  	s5 =	sshll.u32 s26, $0x1;
	_ =	strace $0x80000046;
	[dreg:$0x1] =	wrdreg $0xFFFFFFFF  }
0xa7: {  	s28 =	simm.s32 $_size_execute0_lowered;
	s3 =	sadd.s32 s3, s5;
	[dreg:$0x0] =	wrdreg $0x0  }
0xa8: {  	s5 =	sshll.u32 s28, $0x1;
	[dreg:$0x2] =	wrdreg s3  }
0xa9: {  	[dreg:$0x3] =	wrdreg s5  }
0xaa: {  	[dreg:$0x4] =	wrdreg $0xC0  }
0xab: {  	_ =	task [dreg:s7], $0x5FFFF  }
0xac: {  	[dreg:$0x1] =	wrdreg $0xFFFFFFFF  }
0xad: {  	[dreg:$0x0] =	wrdreg $0x60  }
0xae: {  	[dreg:$0x2] =	wrdreg s24  }
0xaf: {  	[dreg:$0x3] =	wrdreg s2  }
0xb0: {  	[dreg:$0x4] =	wrdreg $0xE1C00  }
0xb1: {  	[dreg:$0x5] =	wrdreg $0x9  }
0xb2: {  	_ =	task.clear_ibuf [dreg:s7], $0x6FFFF;
	_ =	strace $0x90000046  }
0xb3: {  	s29 =	simm.s32 $0x9;
	_ =	strace $0x80000048  }
0xb4: {  	_ =	swait.ge [sflag:s29], $0x1  }
0xb5: {  	[sflag:s29] =	ssyncadd.s32 $0xFFFFFFFF  }
0xb6: {  	_ =	strace $0x90000048  }
0xb7: {  	_ =	sfence  }
0xb8: {  	s30 =	sld [smem:$0x0];
	_ =	sdelay $0x2  }
0xb9: {  	s31 =	sshll.u32 s1, $0xD;
	s1 =	sshrl.u32 s1, $0x2  }
0xba: {  	s3 =	sand.u32 $0x4000, s31;
	s1 =	sadd.s32 s1, s30  }
0xbb: {  	s0 =	sor.u32 s3, s0;
	s1 =	sshll.u32 s1, $0x11  }
0xbc: {  	s0 =	sor.u32 s1, s0  }
0xbd: {  	s0 =	sadd.s32 $0x8F2B, s0  }
0xbe: {  	[sflag:s0] =	ssyncadd.remote.s32 $0x1  }
0xbf: {  	_ =	sfence.sel $0xFFFF  }
0xc0: {  	[dreg:$0x0] =	wrdreg $0xFFFFFFFF;
	(pc) =	sbr.abs _section_cstart, $3  }
0xc1: {  	[dreg:$0x1] =	wrdreg $0xFFFFFFFF  }
0xc2: {  	_ =	task.clear_ibuf [dreg:s7], $0x2FFFF;
	_ =	strace $0x9FFFFFFF  }
0xc3: {  	(tm) =	ssettm $0x7FFFFFFF  }
tec
execute0_lowered:
.L_overlay_start_1:
0x0: {  	(tag) =	ssettag $0x1  }
0x1: {  	s0 =	rddreg [dreg:$0x0]  }
0x2: {  	s3 =	rddreg [dreg:$0x1];
	s2 =	srdreg.scid  }
0x3: {  	s1 =	rddreg [dreg:$0x2];
	s15 =	stileid.u32;
	s31 =	simm.s32 $0x50  }
0x4: {  	s30 =	simm.s32 $0x6040;
	s29 =	simm.s32 $0xE;
	s8 =	smul.u32 $0x4E200, s15  }
0x5: {  	s6 =	sand.u32 $0x1, s2;
	s2 =	simm.s32 $0x0;
	s12 =	smul.u32 $0x27000, s15  }
0x6: {  	s5 =	sadd.s32 $0x14200, s0;
	s7 =	sadd.s32 $0x509E00, s0;
	s14 =	smul.u32 $0x9C00, s15  }
0x7: {  	p0 =	sne.s32 s15, $0xF;
	s9 =	smul.u32 $0x9C400, s6;
	[smem:$0x7FF] =	sst s2  }
0x8: {  	s11 =	ssub.s32 $0x2, s6;
	s6 =	smul.u32 $0x4E20, s15;
	s15 =	simm.s32 $0x4  }
0x9: {  	_ =	strace $0x80000047;
	s26 =	sshrl.u32 s11, $0x1;
	s16 =	sshrl.u32 s8, $0x3  }
0xa: {  	s17 =	sshrl.u32 s12, $0x2;
	s20 =	sadd.s32 s14, s1;
	s4 =	sshrl.u32 s9, $0x4  }
0xb: {  	s28 =	sshrl.u32 s6, $0x3;
	s18 =	sadd.s32 s17, s1;
	s9 =	sshrl.u32 s9, $0x3  }
0xc: {  	s25 =	sadd.s32 $0x320, s6;
	s17 =	simm.s32 $0x1DB0;
	[dreg:$0x7] =	wrdreg s20  }
0xd: {  	s10 =	sadd.s32 s4, s0;
	s4 =	sadd.s32 $0x1E000, s0;
	s0 =	ssub.s32 s11, s26  }
0xe: {  	s11 =	sadd.s32 s5, s28;
	s19 =	sadd.s32 $0x2700, s18;
	[dreg:$0x11] =	wrdreg s25  }
0xf: {  	s21 =	sadd.s32 $0x3A80, s18;
	s22 =	sadd.s32 $0x4E00, s18;
	[dreg:$0x6] =	wrdreg s11  }
0x10: {  	s23 =	sadd.s32 $0x6180, s18;
	s24 =	sadd.s32 $0x7500, s18;
	[dreg:$0x9] =	wrdreg s19  }
0x11: {  	s9 =	sadd.s32 s3, s9;
	s26 =	sshrl.u32 s14, $0x3;
	[dreg:$0xa] =	wrdreg s21  }
0x12: {  	s25 =	simm.s32 $0xF;
	s3 =	simm.s32 $0x9;
	[dreg:$0xb] =	wrdreg s22  }
0x13: {  	s13 =	sadd.s32 s4, s28;
	s12 =	sadd.s32 $0x800, s10;
	[dreg:$0xc] =	wrdreg s23  }
0x14: {  	s11 =	sadd.s32 $0x1380, s18;
	[dreg:$0xd] =	wrdreg s24;
	s10 =	sadd.s32 $0x8880, s18  }
0x15: {  	s23 =	sadd.s32 $0x9C000, s1;
	s0 =	smax.u32 s0, $0x1;
	[dreg:$0x10] =	wrdreg s9  }
0x16: {  	s28 =	sadd.s32 s26, s9;
	s18 =	simm.s32 $0x1;
	[dreg:$0x4] =	wrdreg s13  }
0x17: {  	s19 =	simm.s32 $0xD;
	s24 =	simm.s32 $0x2;
	[dreg:$0x8] =	wrdreg s11  }
.Ltmp0:
0x18: {  	s22 =	simm.s32 $0x5;
	[dreg:$0xe] =	wrdreg s10;
	(pc) =	sbr.rel .LBB2_1-.Ltmp0, $4  }
0x19: {  	s21 =	simm.s32 $0x6;
	s26 =	simm.s32 $0x8;
	[dreg:$0x12] =	wrdreg s0  }
0x1a: {  	s9 =	simm.s32 $0xA;
	s13 =	sadd.s32 s7, s16;
	[dreg:$0x13] =	wrdreg s28  }
0x1b: {  	s10 =	simm.s32 $0xBA40;
	s0 =	simm.s32 $0x7;
	[dreg:$0xf] =	wrdreg s23  }
0x1c: {  	v0 =	vimm.f32 $0.0e+00;
	s16 =	simm.s32 $0x0;
	[dreg:$0x5] =	wrdreg s13;
	s13 =	simm.s32 $0x3  }
.LBB2_26:
0x1d: {  	s11 =	simm.s32 $0x1EF0  }
0x1e: {  	[spmem:s1] =	stream.indirect.scatter.add.f32 [tilespmem:s10], [sflag:$0xA], $0x40, s11, s31, $0xb8;
	[tilespmem:$0x17E00] =	vst v63  }
0x1f: {  	_ =	swait.ge [sflag:s21], $0x1400  }
0x20: {  	[sflag:s21] =	ssyncset.done $0x0  }
0x21: {  	[sflag:s21] =	ssyncadd.s32 $0xFFFFEC00  }
0x22: {  	_ =	swait.ge [sflag:s0], $0x1400  }
0x23: {  	[sflag:s0] =	ssyncset.done $0x0  }
0x24: {  	[sflag:s0] =	ssyncadd.s32 $0xFFFFEC00  }
0x25: {  	_ =	swait.ge [sflag:s26], $0x1400  }
0x26: {  	[sflag:s26] =	ssyncset.done $0x0  }
0x27: {  	[sflag:s26] =	ssyncadd.s32 $0xFFFFEC00  }
0x28: {  	_ =	swait.ge [sflag:s3], $0x1400  }
0x29: {  	[sflag:s3] =	ssyncset.done $0x0  }
0x2a: {  	[sflag:s3] =	ssyncadd.s32 $0xFFFFEC00  }
0x2b: {  	_ =	swait.ge [sflag:s9], $0x1400  }
0x2c: {  	[sflag:s9] =	ssyncset.done $0x0  }
0x2d: {  	[sflag:s9] =	ssyncadd.s32 $0xFFFFEC00  }
0x2e: {  	s28 =	stileid.u32;
	[bflag:$0x0] =	sbarrier.arrive $0xFFFF  }
0x2f: {  	s25 =	simm.s32 $0xF;
	s11 =	sshll.u32 s28, $0x6;
	s20 =	rddreg [dreg:$0x7]  }
0x30: {  	s11 =	sor.u32 $0x1C0F, s11;
	s16 =	rddreg [dreg:$0x13];
	s14 =	sshrl.u32 s20, $0x3  }
0x31: {  	[hbm:s16], [sflag:s11] =	dma.local [spmem:s14], $0x1380  }
0x32: {  	_ =	swait.ge [sflag:s25], $0x1380  }
0x33: {  	s14 =	rddreg [dreg:$0x10]  }
0x34: {  	[sflag:s25] =	ssyncset.done $0x0;
	s23 =	rddreg [dreg:$0xf]  }
0x35: {  	[sflag:s25] =	ssyncadd.s32 $0xFFFFEC80;
	s14 =	sadd.s32 @!p0 $0x13800, s14;
	s16 =	sshrl.u32 @!p0 s23, $0x3  }
0x36: {  	[hbm:s14], [sflag:s11] =	dma.local @!p0 [spmem:s16], $0x80  }
0x37: {  	s11 =	simm.s32 @!p0 $0xF  }
0x38: {  	_ =	swait.ge @!p0 [sflag:s11], $0x80  }
0x39: {  	s14 =	rddreg [dreg:$0x14]  }
0x3a: {  	s28 =	rddreg [dreg:$0x12];
	s16 =	sadd.s32 $0x1, s14  }
0x3b: {  	p1 =	sne.s32 s16, s28  }
.Ltmp1:
0x3c: {  	_ = 	snop;
	(pc) =	sbr.rel @!p1 .LBB2_27-.Ltmp1, $3  }
0x3d: {  	_ =	sdelay $0x1  }
0x3e: {  	[sflag:s11] =	ssyncset.done @!p0 $0x0  }
0x3f: {  	[sflag:s11] =	ssyncadd.s32 @!p0 $0xFFFFFF80  }
.LBB2_1:
0x40: {  	[dreg:$0x14] =	wrdreg s16  }
0x41: {  	s11 =	rddreg [dreg:$0x4]  }
0x42: {  	[tilespmem:s2], [sflag:$0xB] =	stream.linear.gather [hbm4b:s11+s2], $0x190, $0x38;
	[tilespmem:$0x17E00] =	vst v63  }
0x43: {  	s28 =	rddreg [dreg:$0x5];
	s14 =	simm.s32 $0x320  }
0x44: {  	[tilespmem:s14], [sflag:$0xB] =	stream.linear.gather [hbm4b:s28+s2], $0x1900, $0x38;
	[tilespmem:$0x17E00] =	vst v63  }
0x45: {  	s16 =	rddreg [dreg:$0x6];
	s28 =	simm.s32 $0x190;
	s14 =	simm.s32 $0xB  }
0x46: {  	[tilespmem:s28], [sflag:$0xC] =	stream.linear.gather [hbm4b:s16+s2], $0x190, $0x38;
	[tilespmem:$0x17E00] =	vst v63  }
0x47: {  	_ =	swait.ge [sflag:s14], $0x190  }
0x48: {  	[sflag:s14] =	ssyncset.done $0x0  }
0x49: {  	[sflag:s14] =	ssyncadd.s32 $0xFFFFFE70  }
0x4a: {  	_ =	swait.ge [sflag:s14], $0x1900  }
0x4b: {  	[sflag:s14] =	ssyncset.done $0x0  }
0x4c: {  	s16 =	simm.s32 $0xC;
	[sflag:s14] =	ssyncadd.s32 $0xFFFFE700  }
0x4d: {  	_ =	swait.ge [sflag:s16], $0x190  }
0x4e: {  	[sflag:s16] =	ssyncset.done $0x0  }
0x4f: {  	s28 =	simm.s32 $0x3840;
	[sflag:s16] =	ssyncadd.s32 $0xFFFFFE70  }
0x50: {  	[tilespmem:s28], [sflag:$0x1] =	stream.indirect.gather [hbm4b:s12+s31], $0x20, s2, s31, $0xb8;
	[tilespmem:$0x17E00] =	vst v63  }
0x51: {  	s14 =	simm.s32 $0x4240  }
0x52: {  	[tilespmem:s14], [sflag:$0x2] =	stream.indirect.gather [hbm4b:s12+s31], $0x20, s31, s31, $0xb8;
	[tilespmem:$0x17E00] =	vst v63  }
0x53: {  	s16 =	simm.s32 $0xA0;
	s28 =	simm.s32 $0x4C40  }
0x54: {  	[tilespmem:s28], [sflag:$0x3] =	stream.indirect.gather [hbm4b:s12+s31], $0x20, s16, s31, $0xb8;
	[tilespmem:$0x17E00] =	vst v63  }
0x55: {  	s14 =	simm.s32 $0xF0;
	s16 =	simm.s32 $0x5640  }
0x56: {  	[tilespmem:s16], [sflag:$0x4] =	stream.indirect.gather [hbm4b:s12+s31], $0x20, s14, s31, $0xb8;
	[tilespmem:$0x17E00] =	vst v63  }
0x57: {  	s11 =	simm.s32 $0x0;
	s28 =	simm.s32 $0x140;
	s14 =	simm.s32 $0x100  }
0x58: {  	[tilespmem:s30], [sflag:$0x5] =	stream.indirect.gather [hbm4b:s12+s31], $0x20, s28, s31, $0xb8;
	[tilespmem:$0x17E00] =	vst v63  }
.LBB2_2:
0x59: {  	p1 =	sne.s32 s14, $0x4D00;
	[tilespmem:s11+$0xCE70] =	vst v0;
	s16 =	smov.u32 s14;
	s14 =	sadd.s32 $0x100, s14  }
.Ltmp2:
0x5a: {  	[tilespmem:s11+$0xCE60] =	vst v0;
	(pc) =	sbr.rel @p1 .LBB2_2-.Ltmp2, $3  }
0x5b: {  	[tilespmem:s11+$0xCE40] =	vst v0  }
0x5c: {  	[tilespmem:s11+$0xCE50] =	vst v0;
	_ =	sdelay $0x1  }
0x5d: {  	s11 =	sshra.s32 s16, $0x2  }
0x5e: {  	[tilespmem:s11+$0xCE70] =	vst v0  }
0x5f: {  	[tilespmem:s11+$0xCE60] =	vst v0  }
0x60: {  	[tilespmem:s11+$0xCE40] =	vst v0  }
0x61: {  	[tilespmem:s11+$0xCE50] =	vst v0;
	s14 =	simm.s32 $0xCE40  }
0x62: {  	[spmem:s20] =	stream.linear.scatter [tilespmem:s14], [sflag:$0xF], $0x1380, $0x38;
	[tilespmem:$0x17E00] =	vst v63  }
0x63: {  	_ =	swait.ge [sflag:s25], $0x1380  }
0x64: {  	[sflag:s25] =	ssyncset.done $0x0  }
0x65: {  	s20 =	rddreg [dreg:$0x8];
	[sflag:s25] =	ssyncadd.s32 $0xFFFFEC80  }
0x66: {  	[spmem:s20] =	stream.linear.scatter [tilespmem:s14], [sflag:$0xF], $0x1380, $0x38;
	[tilespmem:$0x17E00] =	vst v63  }
0x67: {  	_ =	swait.ge [sflag:s25], $0x1380  }
0x68: {  	[sflag:s25] =	ssyncset.done $0x0  }
0x69: {  	s28 =	rddreg [dreg:$0x9];
	[sflag:s25] =	ssyncadd.s32 $0xFFFFEC80  }
0x6a: {  	[spmem:s28] =	stream.linear.scatter [tilespmem:s14], [sflag:$0xF], $0x1380, $0x38;
	[tilespmem:$0x17E00] =	vst v63  }
0x6b: {  	_ =	swait.ge [sflag:s25], $0x1380  }
0x6c: {  	[sflag:s25] =	ssyncset.done $0x0  }
0x6d: {  	s30 =	rddreg [dreg:$0xa];
	[sflag:s25] =	ssyncadd.s32 $0xFFFFEC80  }
0x6e: {  	[spmem:s30] =	stream.linear.scatter [tilespmem:s14], [sflag:$0xF], $0x1380, $0x38;
	[tilespmem:$0x17E00] =	vst v63  }
0x6f: {  	_ =	swait.ge [sflag:s25], $0x1380  }
0x70: {  	[sflag:s25] =	ssyncset.done $0x0  }
0x71: {  	s16 =	rddreg [dreg:$0xb];
	[sflag:s25] =	ssyncadd.s32 $0xFFFFEC80  }
0x72: {  	[spmem:s16] =	stream.linear.scatter [tilespmem:s14], [sflag:$0xF], $0x1380, $0x38;
	[tilespmem:$0x17E00] =	vst v63  }
0x73: {  	_ =	swait.ge [sflag:s25], $0x1380  }
0x74: {  	[sflag:s25] =	ssyncset.done $0x0  }
0x75: {  	s20 =	rddreg [dreg:$0xc];
	[sflag:s25] =	ssyncadd.s32 $0xFFFFEC80  }
0x76: {  	[spmem:s20] =	stream.linear.scatter [tilespmem:s14], [sflag:$0xF], $0x1380, $0x38;
	[tilespmem:$0x17E00] =	vst v63  }
0x77: {  	_ =	swait.ge [sflag:s25], $0x1380  }
0x78: {  	[sflag:s25] =	ssyncset.done $0x0  }
0x79: {  	s28 =	rddreg [dreg:$0xd];
	[sflag:s25] =	ssyncadd.s32 $0xFFFFEC80  }
0x7a: {  	[spmem:s28] =	stream.linear.scatter [tilespmem:s14], [sflag:$0xF], $0x1380, $0x38;
	[tilespmem:$0x17E00] =	vst v63  }
0x7b: {  	_ =	swait.ge [sflag:s25], $0x1380  }
0x7c: {  	[sflag:s25] =	ssyncset.done $0x0  }
0x7d: {  	s30 =	rddreg [dreg:$0xe];
	[sflag:s25] =	ssyncadd.s32 $0xFFFFEC80  }
0x7e: {  	[spmem:s30] =	stream.linear.scatter [tilespmem:s14], [sflag:$0xF], $0x1380, $0x38;
	[tilespmem:$0x17E00] =	vst v63  }
0x7f: {  	_ =	swait.ge [sflag:s25], $0x1380  }
0x80: {  	[sflag:s25] =	ssyncset.done $0x0  }
0x81: {  	s11 =	simm.s32 @!p0 $0xCE40;
	[sflag:s25] =	ssyncadd.s32 $0xFFFFEC80  }
0x82: {  	[spmem:s23] =	stream.linear.scatter @!p0 [tilespmem:s11], [sflag:$0xF], $0x400, $0x38;
	[tilespmem:$0x17E00] =	vst v63  }
0x83: {  	s11 =	simm.s32 @!p0 $0xF  }
0x84: {  	_ =	swait.ge @!p0 [sflag:s11], $0x400  }
0x85: {  	[sflag:s11] =	ssyncset.done @!p0 $0x0  }
0x86: {  	[sflag:s11] =	ssyncadd.s32 @!p0 $0xFFFFFC00  }
0x87: {  	s23 =	simm.s32 $0x0;
	[bflag:$0x0] =	sbarrier.arrive $0xFFFF  }
.LBB2_4:
0x88: {  	s11 =	sshllo.u32 s23, $0x1  }
0x89: {  	s14 =	smul.u32 $0x190, s11  }
0x8a: {  	s11 =	smul.u32 $0x1900, s11  }
0x8b: {  	s14 =	sadd.s32 s6, s14  }
0x8c: {  	s11 =	sadd.s32 s8, s11;
	s28 =	sshrl.u32 s14, $0x3  }
0x8d: {  	s16 =	simm.s32 $0x1C20;
	s11 =	sshrl.u32 s11, $0x3;
	s14 =	sadd.s32 s4, s28  }
0x8e: {  	[tilespmem:s16], [sflag:$0xD] =	stream.linear.gather [hbm4b:s14+s2], $0x190, $0x38;
	[tilespmem:$0x17E00] =	vst v63  }
0x8f: {  	s25 =	simm.s32 $0x1F40;
	p1 =	seq.s32 s23, $0x0;
	s11 =	sadd.s32 s7, s11  }
0x90: {  	[tilespmem:s25], [sflag:$0xD] =	stream.linear.gather [hbm4b:s11+s2], $0x1900, $0x38;
	[tilespmem:$0x17E00] =	vst v63  }
0x91: {  	s11 =	simm.s32 @!p1 $0xC  }
0x92: {  	_ =	swait.ge @!p1 [sflag:s11], $0x190  }
0x93: {  	[sflag:s11] =	ssyncset.done @!p1 $0x0  }
0x94: {  	[sflag:s11] =	ssyncadd.s32 @!p1 $0xFFFFFE70;
	s11 =	simm.s32 @!p1 $0x6  }
0x95: {  	_ =	swait.ge @!p1 [sflag:s11], $0x1400  }
0x96: {  	[sflag:s11] =	ssyncset.done @!p1 $0x0  }
0x97: {  	[sflag:s11] =	ssyncadd.s32 @!p1 $0xFFFFEC00  }
0x98: {  	_ =	swait.ge [sflag:s18], $0xA00  }
0x99: {  	[sflag:s18] =	ssyncset.done $0x0  }
0x9a: {  	s25 =	simm.s32 $0x38C0;
	[sflag:s18] =	ssyncadd.s32 $0xFFFFF600  }
0x9b: {  	s20 =	simm.s32 $0x360;
	v1 =	vld [tilespmem:s25+$0x60]  }
0x9c: {  	v2 =	vld [tilespmem:s20+$0x30];
	_ =	sdelay $0x2  }
0x9d: {  	v4 =	vld [tilespmem:s25+$0xFFFFFFA0]  }
0x9e: {  	v6 =	vld [tilespmem:s25+$0xFFFFFFC0];
	v3 =	vshll.u32 v1, $0x10  }
0x9f: {  	v10 =	vld [tilespmem:s20+$0xFFFFFFE0];
	v1 =	vand.u32 $0xFFFF0000, v1;
	v3 =	vmul.f32 v3, v2  }
0xa0: {  	s16 =	simm.s32 $0x6B40;
	v7 =	vld [tilespmem:s20+$0xFFFFFFD0];
	v1 =	vmul.f32 v1, v2  }
0xa1: {  	v5 =	vld [tilespmem:s25+$0xFFFFFF80];
	[tilespmem:s16+$0xC0] =	vst v3  }
0xa2: {  	v15 =	vld [tilespmem:s20+$0xFFFFFFC0];
	[tilespmem:s16+$0xD0] =	vst v1  }
0xa3: {  	v14 =	vshll.u32 v6, $0x10;
	v8 =	vld [tilespmem:s25+$0x70]  }
0xa4: {  	v14 =	vmul.f32 v14, v10;
	v1 =	vld [tilespmem:s25+$0xFFFFFFE0];
	v3 =	vshll.u32 v4, $0x10  }
0xa5: {  	v11 =	vld [tilespmem:s20+$0xFFFFFFF0];
	v4 =	vand.u32 $0xFFFF0000, v4;
	v3 =	vmul.f32 v3, v7  }
0xa6: {  	v12 =	vld [tilespmem:s25+$0x20];
	v6 =	vand.u32 $0xFFFF0000, v6;
	[tilespmem:s16+$0xFFFFFF80] =	vst v14;
	v4 =	vmul.f32 v4, v7  }
0xa7: {  	v9 =	vld [tilespmem:s25+$0x0];
	v6 =	vmul.f32 v6, v10;
	v14 =	vshll.u32 v5, $0x10;
	v5 =	vand.u32 $0xFFFF0000, v5;
	[tilespmem:s16+$0xFFFFFF40] =	vst v3  }
0xa8: {  	v5 =	vmul.f32 v5, v15;
	[tilespmem:s16+$0xFFFFFF50] =	vst v4;
	v4 =	vld [tilespmem:s20+$0x0];
	v13 =	vand.u32 $0xFFFF0000, v8  }
0xa9: {  	[tilespmem:s16+$0xFFFFFF90] =	vst v6;
	v18 =	vld [tilespmem:s25+$0xFFFFFFB0];
	v16 =	vshll.u32 v1, $0x10;
	v3 =	vmul.f32 v13, v2  }
0xaa: {  	v19 =	vld [tilespmem:s25+$0xFFFFFFD0];
	[tilespmem:s16+$0xFFFFFF10] =	vst v5;
	v17 =	vand.u32 $0xFFFF0000, v1;
	v16 =	vmul.f32 v16, v11  }
0xab: {  	v60 =	vshll.u32 v12, $0x10;
	v17 =	vmul.f32 v17, v11;
	[tilespmem:s16+$0xF0] =	vst v3;
	v3 =	vld [tilespmem:s20+$0x10]  }
0xac: {  	v12 =	vand.u32 $0xFFFF0000, v12;
	v6 =	vshll.u32 v9, $0x10;
	v14 =	vmul.f32 v14, v15;
	v13 =	vld [tilespmem:s25+$0x40];
	[tilespmem:s16+$0xFFFFFFC0] =	vst v16  }
0xad: {  	v9 =	vand.u32 $0xFFFF0000, v9;
	v1 =	vld [tilespmem:s20+$0x20];
	v5 =	vshll.u32 v8, $0x10;
	[tilespmem:s16+$0xFFFFFFD0] =	vst v17;
	v6 =	vmul.f32 v6, v4  }
0xae: {  	[tilespmem:s16+$0xFFFFFF00] =	vst v14;
	v2 =	vmul.f32 v5, v2;
	v9 =	vmul.f32 v9, v4;
	v14 =	vld [tilespmem:s25+$0xFFFFFFF0];
	v5 =	vshll.u32 v18, $0x10  }
0xaf: {  	[tilespmem:s16+$0x0] =	vst v6;
	v6 =	vand.u32 $0xFFFF0000, v18;
	v62 =	vmul.f32 v5, v7;
	v5 =	vshll.u32 v19, $0x10  }
0xb0: {  	v20 =	vld [tilespmem:s25+$0xFFFFFF90];
	[tilespmem:s16+$0x10] =	vst v9;
	v9 =	vmul.f32 v6, v7;
	v6 =	vand.u32 $0xFFFF0000, v19;
	v12 =	vmul.f32 v12, v3  }
0xb1: {  	v8 =	vmul.f32 v5, v10;
	v61 =	vshll.u32 v13, $0x10;
	v16 =	vmul.f32 v60, v3  }
0xb2: {  	v13 =	vand.u32 $0xFFFF0000, v13;
	v6 =	vmul.f32 v6, v10;
	v17 =	vmul.f32 v61, v1;
	[tilespmem:s16+$0x50] =	vst v12;
	v12 =	vld [tilespmem:s25+$0x10]  }
0xb3: {  	v13 =	vmul.f32 v13, v1;
	v5 =	vshll.u32 v14, $0x10;
	v10 =	vand.u32 $0xFFFF0000, v14;
	[tilespmem:s16+$0x40] =	vst v16  }
0xb4: {  	v7 =	vmul.f32 v5, v11;
	[tilespmem:s16+$0x80] =	vst v17;
	v5 =	vmul.f32 v10, v11;
	v10 =	vld [tilespmem:s25+$0x30]  }
0xb5: {  	s30 =	simm.s32 $0x6B40;
	v63 =	vand.u32 $0xFFFF0000, v20;
	v11 =	vshll.u32 v20, $0x10;
	[tilespmem:s16+$0x90] =	vst v13  }
0xb6: {  	s14 =	simm.s32 $0x0;
	s11 =	sshll.u32 s23, $0x1;
	[tilespmem:s16+$0xFFFFFF60] =	vst v62;
	v13 =	vmul.f32 v63, v15;
	v14 =	vmul.f32 v11, v15;
	v11 =	vld [tilespmem:s25+$0x50];
	s25 =	simm.s32 $0x39C0  }
.LBB2_5:
0xb7: {  	v15 =	vld [tilespmem:s25+$0x60];
	[tilespmem:s16+$0xFFFFFF70] =	vst v9;
	v9 =	vshll.u32 v12, $0x10;
	v12 =	vand.u32 $0xFFFF0000, v12;
	s20 =	sadd.s32 $0x80, s20  }
0xb8: {  	s14 =	sadd.s32 $0x8, s14;
	v16 =	vld [tilespmem:s20+$0x30];
	[tilespmem:s16+$0xFFFFFF20] =	vst v14;
	v9 =	vmul.f32 v9, v4;
	v4 =	vmul.f32 v12, v4  }
0xb9: {  	p2 =	slt.u32 s14, $0x48;
	v12 =	vld [tilespmem:s25+$0xFFFFFF80];
	[tilespmem:s16+$0xFFFFFF30] =	vst v13;
	v13 =	vshll.u32 v10, $0x10;
	v10 =	vand.u32 $0xFFFF0000, v10  }
0xba: {  	v14 =	vld [tilespmem:s25+$0xFFFFFFA0];
	[tilespmem:s16+$0xFFFFFFA0] =	vst v8;
	v8 =	vmul.f32 v13, v3;
	v3 =	vmul.f32 v10, v3  }
0xbb: {  	v10 =	vld [tilespmem:s25+$0xFFFFFFC0];
	[tilespmem:s16+$0xFFFFFFB0] =	vst v6;
	v6 =	vshll.u32 v11, $0x10;
	v11 =	vand.u32 $0xFFFF0000, v11  }
0xbc: {  	v13 =	vld [tilespmem:s25+$0xFFFFFFE0];
	v17 =	vshll.u32 v15, $0x10;
	[tilespmem:s16+$0xFFFFFFE0] =	vst v7;
	v6 =	vmul.f32 v6, v1;
	v1 =	vmul.f32 v11, v1  }
0xbd: {  	v11 =	vand.u32 $0xFFFF0000, v15;
	v7 =	vld [tilespmem:s25+$0x0];
	v15 =	vmul.f32 v17, v16;
	[tilespmem:s16+$0xFFFFFFF0] =	vst v5  }
0xbe: {  	v11 =	vmul.f32 v11, v16;
	s16 =	sadd.s32 $0x200, s16;
	v5 =	vshll.u32 v12, $0x10;
	v12 =	vand.u32 $0xFFFF0000, v12;
	v17 =	vld [tilespmem:s25+$0x20];
	[tilespmem:s30+$0x20] =	vst v9  }
0xbf: {  	v9 =	vshll.u32 v14, $0x10;
	v14 =	vand.u32 $0xFFFF0000, v14;
	v18 =	vld [tilespmem:s25+$0x40];
	[tilespmem:s16+$0xC0] =	vst v15  }
0xc0: {  	v15 =	vld [tilespmem:s20+$0xFFFFFFD0];
	v19 =	vshll.u32 v10, $0x10;
	v10 =	vand.u32 $0xFFFF0000, v10;
	[tilespmem:s16+$0xD0] =	vst v11  }
0xc1: {  	v11 =	vshll.u32 v13, $0x10;
	v13 =	vand.u32 $0xFFFF0000, v13;
	v20 =	vld [tilespmem:s25+$0x70];
	[tilespmem:s30+$0x30] =	vst v4  }
0xc2: {  	v21 =	vld [tilespmem:s20+$0xFFFFFFE0];
	v22 =	vshll.u32 v7, $0x10;
	v7 =	vand.u32 $0xFFFF0000, v7;
	[tilespmem:s30+$0x60] =	vst v8  }
0xc3: {  	v23 =	vld [tilespmem:s20+$0xFFFFFFF0];
	v8 =	vshll.u32 v17, $0x10;
	v17 =	vand.u32 $0xFFFF0000, v17;
	[tilespmem:s30+$0x70] =	vst v3  }
0xc4: {  	v4 =	vld [tilespmem:s20+$0x0];
	v24 =	vshll.u32 v18, $0x10;
	v18 =	vand.u32 $0xFFFF0000, v18;
	[tilespmem:s30+$0xA0] =	vst v6  }
0xc5: {  	v6 =	vmul.f32 v9, v15;
	v9 =	vmul.f32 v14, v15;
	v3 =	vld [tilespmem:s20+$0x10];
	[tilespmem:s30+$0xB0] =	vst v1  }
0xc6: {  	v1 =	vld [tilespmem:s20+$0x20];
	v14 =	vshll.u32 v20, $0x10;
	v20 =	vand.u32 $0xFFFF0000, v20;
	[tilespmem:s30+$0xE0] =	vst v2;
	s30 =	smov.u32 s16  }
0xc7: {  	v25 =	vld [tilespmem:s20+$0xFFFFFFC0];
	[tilespmem:s16+$0xFFFFFF40] =	vst v6;
	v2 =	vmul.f32 v19, v21;
	v6 =	vmul.f32 v20, v16  }
0xc8: {  	[tilespmem:s16+$0xFFFFFF50] =	vst v9;
	v9 =	vmul.f32 v10, v21;
	v10 =	vmul.f32 v11, v23  }
0xc9: {  	v13 =	vmul.f32 v13, v23;
	v11 =	vld [tilespmem:s25+$0xFFFFFFB0];
	v19 =	vmul.f32 v22, v4;
	[tilespmem:s16+$0xF0] =	vst v6  }
0xca: {  	v6 =	vmul.f32 v7, v4;
	[tilespmem:s16+$0xFFFFFF80] =	vst v2;
	v7 =	vmul.f32 v8, v3  }
0xcb: {  	v17 =	vmul.f32 v17, v3;
	[tilespmem:s16+$0xFFFFFF90] =	vst v9;
	v20 =	vmul.f32 v24, v1  }
0xcc: {  	v5 =	vmul.f32 v5, v25;
	v8 =	vmul.f32 v12, v25;
	v12 =	vld [tilespmem:s25+$0xFFFFFFD0];
	[tilespmem:s16+$0xFFFFFFC0] =	vst v10  }
0xcd: {  	v2 =	vmul.f32 v14, v16;
	[tilespmem:s16+$0xFFFFFFD0] =	vst v13;
	v13 =	vmul.f32 v18, v1  }
0xce: {  	[tilespmem:s16+$0xFFFFFF00] =	vst v5;
	v5 =	vshll.u32 v11, $0x10;
	v9 =	vand.u32 $0xFFFF0000, v11;
	v10 =	vld [tilespmem:s25+$0xFFFFFFF0]  }
0xcf: {  	[tilespmem:s16+$0xFFFFFF10] =	vst v8;
	v11 =	vmul.f32 v5, v15;
	v9 =	vmul.f32 v9, v15  }
0xd0: {  	v14 =	vld [tilespmem:s25+$0xFFFFFF90];
	[tilespmem:s16+$0x0] =	vst v19  }
0xd1: {  	v5 =	vshll.u32 v12, $0x10;
	v12 =	vand.u32 $0xFFFF0000, v12;
	[tilespmem:s16+$0x10] =	vst v6  }
.Ltmp3:
0xd2: {  	v8 =	vmul.f32 v5, v21;
	v6 =	vmul.f32 v12, v21;
	v12 =	vld [tilespmem:s25+$0x10];
	[tilespmem:s16+$0x40] =	vst v7;
	(pc) =	sbr.rel @p2 .LBB2_5-.Ltmp3, $4  }
0xd3: {  	v5 =	vshll.u32 v10, $0x10;
	v10 =	vand.u32 $0xFFFF0000, v10;
	[tilespmem:s16+$0x50] =	vst v17  }
0xd4: {  	v7 =	vmul.f32 v5, v23;
	v5 =	vmul.f32 v10, v23;
	v10 =	vld [tilespmem:s25+$0x30];
	[tilespmem:s16+$0x80] =	vst v20  }
0xd5: {  	v15 =	vshll.u32 v14, $0x10;
	v16 =	vand.u32 $0xFFFF0000, v14;
	[tilespmem:s16+$0x90] =	vst v13  }
0xd6: {  	v14 =	vmul.f32 v15, v25;
	v13 =	vmul.f32 v16, v25;
	[tilespmem:s16+$0xFFFFFF60] =	vst v11;
	v11 =	vld [tilespmem:s25+$0x50];
	s25 =	sadd.s32 $0x100, s25  }
0xd7: {  	[tilespmem:s16+$0xFFFFFF70] =	vst v9  }
0xd8: {  	[tilespmem:s16+$0xFFFFFFA0] =	vst v8  }
0xd9: {  	[tilespmem:s16+$0xFFFFFFB0] =	vst v6  }
0xda: {  	[tilespmem:s16+$0xFFFFFFE0] =	vst v7  }
0xdb: {  	[tilespmem:s16+$0xFFFFFFF0] =	vst v5  }
0xdc: {  	v8 =	vshll.u32 v12, $0x10;
	[tilespmem:s30+$0xE0] =	vst v2  }
0xdd: {  	v6 =	vand.u32 $0xFFFF0000, v12;
	[tilespmem:s16+$0xFFFFFF20] =	vst v14;
	v8 =	vmul.f32 v8, v4  }
0xde: {  	[tilespmem:s16+$0xFFFFFF30] =	vst v13;
	v4 =	vmul.f32 v6, v4;
	v6 =	vshll.u32 v10, $0x10  }
0xdf: {  	v5 =	vand.u32 $0xFFFF0000, v10;
	v6 =	vmul.f32 v6, v3;
	[tilespmem:s30+$0x20] =	vst v8  }
0xe0: {  	v3 =	vmul.f32 v5, v3;
	[tilespmem:s30+$0x30] =	vst v4;
	v5 =	vshll.u32 v11, $0x10  }
0xe1: {  	v4 =	vand.u32 $0xFFFF0000, v11;
	v5 =	vmul.f32 v5, v1;
	[tilespmem:s30+$0x60] =	vst v6  }
0xe2: {  	v1 =	vmul.f32 v4, v1;
	[tilespmem:s30+$0x70] =	vst v3  }
0xe3: {  	[tilespmem:s30+$0xA0] =	vst v5  }
0xe4: {  	[tilespmem:s30+$0xB0] =	vst v1  }
0xe5: {  	_ =	swait.ge [sflag:s19], $0x190  }
0xe6: {  	[sflag:s19] =	ssyncset.done $0x0  }
0xe7: {  	[sflag:s19] =	ssyncadd.s32 $0xFFFFFE70  }
0xe8: {  	_ =	swait.ge [sflag:s19], $0x1900  }
0xe9: {  	[sflag:s19] =	ssyncset.done $0x0  }
0xea: {  	s14 =	simm.s32 $0x3840;
	s25 =	simm.s32 $0x1C20;
	[sflag:s19] =	ssyncadd.s32 $0xFFFFE700  }
0xeb: {  	[tilespmem:s14], [sflag:$0x1] =	stream.indirect.gather [hbm4b:s12+s31], $0x20, s25, s31, $0xb8;
	[tilespmem:$0x17E00] =	vst v63  }
0xec: {  	s20 =	simm.s32 $0x190;
	s25 =	simm.s32 $0x6A40;
	s14 =	simm.s32 @!p1 $0x7  }
0xed: {  	[spmem:s1] =	stream.indirect.scatter.add.f32 [tilespmem:s25], [sflag:$0x6], $0x40, s20, s31, $0xb8;
	[tilespmem:$0x17E00] =	vst v63  }
0xee: {  	_ =	swait.ge @!p1 [sflag:s14], $0x1400  }
0xef: {  	[sflag:s14] =	ssyncset.done @!p1 $0x0  }
0xf0: {  	[sflag:s14] =	ssyncadd.s32 @!p1 $0xFFFFEC00  }
0xf1: {  	_ =	swait.ge [sflag:s24], $0xA00  }
0xf2: {  	[sflag:s24] =	ssyncset.done $0x0  }
0xf3: {  	s25 =	simm.s32 $0x4330;
	[sflag:s24] =	ssyncadd.s32 $0xFFFFF600  }
0xf4: {  	s20 =	simm.s32 $0x890;
	v1 =	vld [tilespmem:s25+$0xFFFFFFF0]  }
0xf5: {  	v2 =	vld [tilespmem:s20+$0x0];
	_ =	sdelay $0x2  }
0xf6: {  	v4 =	vld [tilespmem:s25+$0xFFFFFF30]  }
0xf7: {  	v6 =	vld [tilespmem:s25+$0xFFFFFF50];
	v3 =	vshll.u32 v1, $0x10  }
0xf8: {  	v10 =	vld [tilespmem:s20+$0xFFFFFFB0];
	v1 =	vand.u32 $0xFFFF0000, v1;
	v3 =	vmul.f32 v3, v2  }
0xf9: {  	s16 =	simm.s32 $0x8030;
	v7 =	vld [tilespmem:s20+$0xFFFFFFA0];
	v1 =	vmul.f32 v1, v2  }
0xfa: {  	v5 =	vld [tilespmem:s25+$0xFFFFFF10];
	[tilespmem:s16+$0xFFFFFFD0] =	vst v3  }
0xfb: {  	v15 =	vld [tilespmem:s20+$0xFFFFFF90];
	[tilespmem:s16+$0xFFFFFFE0] =	vst v1  }
0xfc: {  	v14 =	vshll.u32 v6, $0x10;
	v8 =	vld [tilespmem:s25+$0x0]  }
0xfd: {  	v14 =	vmul.f32 v14, v10;
	v1 =	vld [tilespmem:s25+$0xFFFFFF70];
	v3 =	vshll.u32 v4, $0x10  }
0xfe: {  	v11 =	vld [tilespmem:s20+$0xFFFFFFC0];
	v4 =	vand.u32 $0xFFFF0000, v4;
	v3 =	vmul.f32 v3, v7  }
0xff: {  	v12 =	vld [tilespmem:s25+$0xFFFFFFB0];
	v6 =	vand.u32 $0xFFFF0000, v6;
	[tilespmem:s16+$0xFFFFFE90] =	vst v14;
	v4 =	vmul.f32 v4, v7  }
0x100: {  	v9 =	vld [tilespmem:s25+$0xFFFFFF90];
	v6 =	vmul.f32 v6, v10;
	v14 =	vshll.u32 v5, $0x10;
	v5 =	vand.u32 $0xFFFF0000, v5;
	[tilespmem:s16+$0xFFFFFE50] =	vst v3  }
0x101: {  	v5 =	vmul.f32 v5, v15;
	[tilespmem:s16+$0xFFFFFE60] =	vst v4;
	v4 =	vld [tilespmem:s20+$0xFFFFFFD0];
	v13 =	vand.u32 $0xFFFF0000, v8  }
0x102: {  	[tilespmem:s16+$0xFFFFFEA0] =	vst v6;
	v18 =	vld [tilespmem:s25+$0xFFFFFF40];
	v16 =	vshll.u32 v1, $0x10;
	v3 =	vmul.f32 v13, v2  }
0x103: {  	v19 =	vld [tilespmem:s25+$0xFFFFFF60];
	[tilespmem:s16+$0xFFFFFE20] =	vst v5;
	v17 =	vand.u32 $0xFFFF0000, v1;
	v16 =	vmul.f32 v16, v11  }
0x104: {  	v60 =	vshll.u32 v12, $0x10;
	v17 =	vmul.f32 v17, v11;
	[tilespmem:s16+$0x0] =	vst v3;
	v3 =	vld [tilespmem:s20+$0xFFFFFFE0]  }
0x105: {  	v12 =	vand.u32 $0xFFFF0000, v12;
	v6 =	vshll.u32 v9, $0x10;
	v14 =	vmul.f32 v14, v15;
	v13 =	vld [tilespmem:s25+$0xFFFFFFD0];
	[tilespmem:s16+$0xFFFFFED0] =	vst v16  }
0x106: {  	v9 =	vand.u32 $0xFFFF0000, v9;
	v1 =	vld [tilespmem:s20+$0xFFFFFFF0];
	v5 =	vshll.u32 v8, $0x10;
	[tilespmem:s16+$0xFFFFFEE0] =	vst v17;
	v6 =	vmul.f32 v6, v4  }
0x107: {  	[tilespmem:s16+$0xFFFFFE10] =	vst v14;
	v2 =	vmul.f32 v5, v2;
	v9 =	vmul.f32 v9, v4;
	v14 =	vld [tilespmem:s25+$0xFFFFFF80];
	v5 =	vshll.u32 v18, $0x10  }
0x108: {  	[tilespmem:s16+$0xFFFFFF10] =	vst v6;
	v6 =	vand.u32 $0xFFFF0000, v18;
	v62 =	vmul.f32 v5, v7;
	v5 =	vshll.u32 v19, $0x10  }
0x109: {  	v20 =	vld [tilespmem:s25+$0xFFFFFF20];
	[tilespmem:s16+$0xFFFFFF20] =	vst v9;
	v9 =	vmul.f32 v6, v7;
	v6 =	vand.u32 $0xFFFF0000, v19;
	v12 =	vmul.f32 v12, v3  }
0x10a: {  	v8 =	vmul.f32 v5, v10;
	v61 =	vshll.u32 v13, $0x10;
	v16 =	vmul.f32 v60, v3  }
0x10b: {  	v13 =	vand.u32 $0xFFFF0000, v13;
	v6 =	vmul.f32 v6, v10;
	v17 =	vmul.f32 v61, v1;
	[tilespmem:s16+$0xFFFFFF60] =	vst v12;
	v12 =	vld [tilespmem:s25+$0xFFFFFFA0]  }
0x10c: {  	v13 =	vmul.f32 v13, v1;
	v5 =	vshll.u32 v14, $0x10;
	v10 =	vand.u32 $0xFFFF0000, v14;
	[tilespmem:s16+$0xFFFFFF50] =	vst v16  }
0x10d: {  	v7 =	vmul.f32 v5, v11;
	[tilespmem:s16+$0xFFFFFF90] =	vst v17;
	v5 =	vmul.f32 v10, v11;
	v10 =	vld [tilespmem:s25+$0xFFFFFFC0]  }
0x10e: {  	v63 =	vand.u32 $0xFFFF0000, v20;
	v11 =	vshll.u32 v20, $0x10;
	[tilespmem:s16+$0xFFFFFFA0] =	vst v13  }
0x10f: {  	s30 =	simm.s32 $0x8030;
	s14 =	simm.s32 $0x0;
	[tilespmem:s16+$0xFFFFFE70] =	vst v62;
	v13 =	vmul.f32 v63, v15;
	v14 =	vmul.f32 v11, v15;
	v11 =	vld [tilespmem:s25+$0xFFFFFFE0];
	s25 =	simm.s32 $0x4430  }
.LBB2_7:
0x110: {  	v15 =	vld [tilespmem:s25+$0xFFFFFFF0];
	[tilespmem:s16+$0xFFFFFE80] =	vst v9;
	v9 =	vshll.u32 v12, $0x10;
	v12 =	vand.u32 $0xFFFF0000, v12;
	s20 =	sadd.s32 $0x80, s20  }
0x111: {  	s14 =	sadd.s32 $0x8, s14;
	v16 =	vld [tilespmem:s20+$0x0];
	[tilespmem:s16+$0xFFFFFE30] =	vst v14;
	v9 =	vmul.f32 v9, v4;
	v4 =	vmul.f32 v12, v4  }
0x112: {  	p2 =	slt.u32 s14, $0x48;
	v12 =	vld [tilespmem:s25+$0xFFFFFF10];
	[tilespmem:s16+$0xFFFFFE40] =	vst v13;
	v13 =	vshll.u32 v10, $0x10;
	v10 =	vand.u32 $0xFFFF0000, v10  }
0x113: {  	v14 =	vld [tilespmem:s25+$0xFFFFFF30];
	[tilespmem:s16+$0xFFFFFEB0] =	vst v8;
	v8 =	vmul.f32 v13, v3;
	v3 =	vmul.f32 v10, v3  }
0x114: {  	v10 =	vld [tilespmem:s25+$0xFFFFFF50];
	[tilespmem:s16+$0xFFFFFEC0] =	vst v6;
	v6 =	vshll.u32 v11, $0x10;
	v11 =	vand.u32 $0xFFFF0000, v11  }
0x115: {  	v13 =	vld [tilespmem:s25+$0xFFFFFF70];
	v17 =	vshll.u32 v15, $0x10;
	[tilespmem:s16+$0xFFFFFEF0] =	vst v7;
	v6 =	vmul.f32 v6, v1;
	v1 =	vmul.f32 v11, v1  }
0x116: {  	v11 =	vand.u32 $0xFFFF0000, v15;
	v7 =	vld [tilespmem:s25+$0xFFFFFF90];
	v15 =	vmul.f32 v17, v16;
	[tilespmem:s16+$0xFFFFFF00] =	vst v5  }
0x117: {  	v11 =	vmul.f32 v11, v16;
	s16 =	sadd.s32 $0x200, s16;
	v5 =	vshll.u32 v12, $0x10;
	v12 =	vand.u32 $0xFFFF0000, v12;
	v17 =	vld [tilespmem:s25+$0xFFFFFFB0];
	[tilespmem:s30+$0xFFFFFF30] =	vst v9  }
0x118: {  	v9 =	vshll.u32 v14, $0x10;
	v14 =	vand.u32 $0xFFFF0000, v14;
	v18 =	vld [tilespmem:s25+$0xFFFFFFD0];
	[tilespmem:s16+$0xFFFFFFD0] =	vst v15  }
0x119: {  	v15 =	vld [tilespmem:s20+$0xFFFFFFA0];
	v19 =	vshll.u32 v10, $0x10;
	v10 =	vand.u32 $0xFFFF0000, v10;
	[tilespmem:s16+$0xFFFFFFE0] =	vst v11  }
0x11a: {  	v11 =	vshll.u32 v13, $0x10;
	v13 =	vand.u32 $0xFFFF0000, v13;
	v20 =	vld [tilespmem:s25+$0x0];
	[tilespmem:s30+$0xFFFFFF40] =	vst v4  }
0x11b: {  	v21 =	vld [tilespmem:s20+$0xFFFFFFB0];
	v22 =	vshll.u32 v7, $0x10;
	v7 =	vand.u32 $0xFFFF0000, v7;
	[tilespmem:s30+$0xFFFFFF70] =	vst v8  }
0x11c: {  	v23 =	vld [tilespmem:s20+$0xFFFFFFC0];
	v8 =	vshll.u32 v17, $0x10;
	v17 =	vand.u32 $0xFFFF0000, v17;
	[tilespmem:s30+$0xFFFFFF80] =	vst v3  }
0x11d: {  	v4 =	vld [tilespmem:s20+$0xFFFFFFD0];
	v24 =	vshll.u32 v18, $0x10;
	v18 =	vand.u32 $0xFFFF0000, v18;
	[tilespmem:s30+$0xFFFFFFB0] =	vst v6  }
0x11e: {  	v6 =	vmul.f32 v9, v15;
	v9 =	vmul.f32 v14, v15;
	v3 =	vld [tilespmem:s20+$0xFFFFFFE0];
	[tilespmem:s30+$0xFFFFFFC0] =	vst v1  }
0x11f: {  	v1 =	vld [tilespmem:s20+$0xFFFFFFF0];
	v14 =	vshll.u32 v20, $0x10;
	v20 =	vand.u32 $0xFFFF0000, v20;
	[tilespmem:s30+$0xFFFFFFF0] =	vst v2;
	s30 =	smov.u32 s16  }
0x120: {  	v25 =	vld [tilespmem:s20+$0xFFFFFF90];
	[tilespmem:s16+$0xFFFFFE50] =	vst v6;
	v2 =	vmul.f32 v19, v21;
	v6 =	vmul.f32 v20, v16  }
0x121: {  	[tilespmem:s16+$0xFFFFFE60] =	vst v9;
	v9 =	vmul.f32 v10, v21;
	v10 =	vmul.f32 v11, v23  }
0x122: {  	v13 =	vmul.f32 v13, v23;
	v11 =	vld [tilespmem:s25+$0xFFFFFF40];
	v19 =	vmul.f32 v22, v4;
	[tilespmem:s16+$0x0] =	vst v6  }
0x123: {  	v6 =	vmul.f32 v7, v4;
	[tilespmem:s16+$0xFFFFFE90] =	vst v2;
	v7 =	vmul.f32 v8, v3  }
0x124: {  	v17 =	vmul.f32 v17, v3;
	[tilespmem:s16+$0xFFFFFEA0] =	vst v9;
	v20 =	vmul.f32 v24, v1  }
0x125: {  	v5 =	vmul.f32 v5, v25;
	v8 =	vmul.f32 v12, v25;
	v12 =	vld [tilespmem:s25+$0xFFFFFF60];
	[tilespmem:s16+$0xFFFFFED0] =	vst v10  }
0x126: {  	v2 =	vmul.f32 v14, v16;
	[tilespmem:s16+$0xFFFFFEE0] =	vst v13;
	v13 =	vmul.f32 v18, v1  }
0x127: {  	[tilespmem:s16+$0xFFFFFE10] =	vst v5;
	v5 =	vshll.u32 v11, $0x10;
	v9 =	vand.u32 $0xFFFF0000, v11;
	v10 =	vld [tilespmem:s25+$0xFFFFFF80]  }
0x128: {  	[tilespmem:s16+$0xFFFFFE20] =	vst v8;
	v11 =	vmul.f32 v5, v15;
	v9 =	vmul.f32 v9, v15  }
0x129: {  	v14 =	vld [tilespmem:s25+$0xFFFFFF20];
	[tilespmem:s16+$0xFFFFFF10] =	vst v19  }
0x12a: {  	v5 =	vshll.u32 v12, $0x10;
	v12 =	vand.u32 $0xFFFF0000, v12;
	[tilespmem:s16+$0xFFFFFF20] =	vst v6  }
.Ltmp4:
0x12b: {  	v8 =	vmul.f32 v5, v21;
	v6 =	vmul.f32 v12, v21;
	v12 =	vld [tilespmem:s25+$0xFFFFFFA0];
	[tilespmem:s16+$0xFFFFFF50] =	vst v7;
	(pc) =	sbr.rel @p2 .LBB2_7-.Ltmp4, $4  }
0x12c: {  	v5 =	vshll.u32 v10, $0x10;
	v10 =	vand.u32 $0xFFFF0000, v10;
	[tilespmem:s16+$0xFFFFFF60] =	vst v17  }
0x12d: {  	v7 =	vmul.f32 v5, v23;
	v5 =	vmul.f32 v10, v23;
	v10 =	vld [tilespmem:s25+$0xFFFFFFC0];
	[tilespmem:s16+$0xFFFFFF90] =	vst v20  }
0x12e: {  	v15 =	vshll.u32 v14, $0x10;
	v16 =	vand.u32 $0xFFFF0000, v14;
	[tilespmem:s16+$0xFFFFFFA0] =	vst v13  }
0x12f: {  	v14 =	vmul.f32 v15, v25;
	v13 =	vmul.f32 v16, v25;
	[tilespmem:s16+$0xFFFFFE70] =	vst v11;
	v11 =	vld [tilespmem:s25+$0xFFFFFFE0];
	s25 =	sadd.s32 $0x100, s25  }
0x130: {  	[tilespmem:s16+$0xFFFFFE80] =	vst v9  }
0x131: {  	[tilespmem:s16+$0xFFFFFEB0] =	vst v8  }
0x132: {  	[tilespmem:s16+$0xFFFFFEC0] =	vst v6  }
0x133: {  	[tilespmem:s16+$0xFFFFFEF0] =	vst v7  }
0x134: {  	[tilespmem:s16+$0xFFFFFF00] =	vst v5  }
0x135: {  	v8 =	vshll.u32 v12, $0x10;
	[tilespmem:s30+$0xFFFFFFF0] =	vst v2  }
0x136: {  	v6 =	vand.u32 $0xFFFF0000, v12;
	[tilespmem:s16+$0xFFFFFE30] =	vst v14;
	v8 =	vmul.f32 v8, v4  }
0x137: {  	[tilespmem:s16+$0xFFFFFE40] =	vst v13;
	v4 =	vmul.f32 v6, v4;
	v6 =	vshll.u32 v10, $0x10  }
0x138: {  	v5 =	vand.u32 $0xFFFF0000, v10;
	v6 =	vmul.f32 v6, v3;
	[tilespmem:s30+$0xFFFFFF30] =	vst v8  }
0x139: {  	v3 =	vmul.f32 v5, v3;
	[tilespmem:s30+$0xFFFFFF40] =	vst v4;
	v5 =	vshll.u32 v11, $0x10  }
0x13a: {  	v4 =	vand.u32 $0xFFFF0000, v11;
	v5 =	vmul.f32 v5, v1;
	[tilespmem:s30+$0xFFFFFF70] =	vst v6  }
0x13b: {  	v1 =	vmul.f32 v4, v1;
	[tilespmem:s30+$0xFFFFFF80] =	vst v3  }
0x13c: {  	[tilespmem:s30+$0xFFFFFFB0] =	vst v5  }
0x13d: {  	s14 =	simm.s32 $0x4240;
	s25 =	simm.s32 $0x1C70;
	[tilespmem:s30+$0xFFFFFFC0] =	vst v1  }
0x13e: {  	[tilespmem:s14], [sflag:$0x2] =	stream.indirect.gather [hbm4b:s12+s31], $0x20, s25, s31, $0xb8;
	[tilespmem:$0x17E00] =	vst v63  }
0x13f: {  	s20 =	simm.s32 $0x1E0;
	s25 =	simm.s32 $0x7E40;
	s14 =	simm.s32 @!p1 $0x8  }
0x140: {  	[spmem:s1] =	stream.indirect.scatter.add.f32 [tilespmem:s25], [sflag:$0x7], $0x40, s20, s31, $0xb8;
	[tilespmem:$0x17E00] =	vst v63  }
0x141: {  	_ =	swait.ge @!p1 [sflag:s14], $0x1400  }
0x142: {  	[sflag:s14] =	ssyncset.done @!p1 $0x0  }
0x143: {  	[sflag:s14] =	ssyncadd.s32 @!p1 $0xFFFFEC00  }
0x144: {  	_ =	swait.ge [sflag:s13], $0xA00  }
0x145: {  	[sflag:s13] =	ssyncset.done $0x0  }
0x146: {  	s25 =	simm.s32 $0x4D30;
	[sflag:s13] =	ssyncadd.s32 $0xFFFFF600  }
0x147: {  	s20 =	simm.s32 $0xD90;
	v1 =	vld [tilespmem:s25+$0xFFFFFFF0]  }
0x148: {  	v2 =	vld [tilespmem:s20+$0x0];
	_ =	sdelay $0x2  }
0x149: {  	v4 =	vld [tilespmem:s25+$0xFFFFFF30]  }
0x14a: {  	v6 =	vld [tilespmem:s25+$0xFFFFFF50];
	v3 =	vshll.u32 v1, $0x10  }
0x14b: {  	v10 =	vld [tilespmem:s20+$0xFFFFFFB0];
	v1 =	vand.u32 $0xFFFF0000, v1;
	v3 =	vmul.f32 v3, v2  }
0x14c: {  	s16 =	simm.s32 $0x9430;
	v7 =	vld [tilespmem:s20+$0xFFFFFFA0];
	v1 =	vmul.f32 v1, v2  }
0x14d: {  	v5 =	vld [tilespmem:s25+$0xFFFFFF10];
	[tilespmem:s16+$0xFFFFFFD0] =	vst v3  }
0x14e: {  	v15 =	vld [tilespmem:s20+$0xFFFFFF90];
	[tilespmem:s16+$0xFFFFFFE0] =	vst v1  }
0x14f: {  	v14 =	vshll.u32 v6, $0x10;
	v8 =	vld [tilespmem:s25+$0x0]  }
0x150: {  	v14 =	vmul.f32 v14, v10;
	v1 =	vld [tilespmem:s25+$0xFFFFFF70];
	v3 =	vshll.u32 v4, $0x10  }
0x151: {  	v11 =	vld [tilespmem:s20+$0xFFFFFFC0];
	v4 =	vand.u32 $0xFFFF0000, v4;
	v3 =	vmul.f32 v3, v7  }
0x152: {  	v12 =	vld [tilespmem:s25+$0xFFFFFFB0];
	v6 =	vand.u32 $0xFFFF0000, v6;
	[tilespmem:s16+$0xFFFFFE90] =	vst v14;
	v4 =	vmul.f32 v4, v7  }
0x153: {  	v9 =	vld [tilespmem:s25+$0xFFFFFF90];
	v6 =	vmul.f32 v6, v10;
	v14 =	vshll.u32 v5, $0x10;
	v5 =	vand.u32 $0xFFFF0000, v5;
	[tilespmem:s16+$0xFFFFFE50] =	vst v3  }
0x154: {  	v5 =	vmul.f32 v5, v15;
	[tilespmem:s16+$0xFFFFFE60] =	vst v4;
	v4 =	vld [tilespmem:s20+$0xFFFFFFD0];
	v13 =	vand.u32 $0xFFFF0000, v8  }
0x155: {  	[tilespmem:s16+$0xFFFFFEA0] =	vst v6;
	v18 =	vld [tilespmem:s25+$0xFFFFFF40];
	v16 =	vshll.u32 v1, $0x10;
	v3 =	vmul.f32 v13, v2  }
0x156: {  	v19 =	vld [tilespmem:s25+$0xFFFFFF60];
	[tilespmem:s16+$0xFFFFFE20] =	vst v5;
	v17 =	vand.u32 $0xFFFF0000, v1;
	v16 =	vmul.f32 v16, v11  }
0x157: {  	v60 =	vshll.u32 v12, $0x10;
	v17 =	vmul.f32 v17, v11;
	[tilespmem:s16+$0x0] =	vst v3;
	v3 =	vld [tilespmem:s20+$0xFFFFFFE0]  }
0x158: {  	v12 =	vand.u32 $0xFFFF0000, v12;
	v6 =	vshll.u32 v9, $0x10;
	v14 =	vmul.f32 v14, v15;
	v13 =	vld [tilespmem:s25+$0xFFFFFFD0];
	[tilespmem:s16+$0xFFFFFED0] =	vst v16  }
0x159: {  	v9 =	vand.u32 $0xFFFF0000, v9;
	v1 =	vld [tilespmem:s20+$0xFFFFFFF0];
	v5 =	vshll.u32 v8, $0x10;
	[tilespmem:s16+$0xFFFFFEE0] =	vst v17;
	v6 =	vmul.f32 v6, v4  }
0x15a: {  	[tilespmem:s16+$0xFFFFFE10] =	vst v14;
	v2 =	vmul.f32 v5, v2;
	v9 =	vmul.f32 v9, v4;
	v14 =	vld [tilespmem:s25+$0xFFFFFF80];
	v5 =	vshll.u32 v18, $0x10  }
0x15b: {  	[tilespmem:s16+$0xFFFFFF10] =	vst v6;
	v6 =	vand.u32 $0xFFFF0000, v18;
	v62 =	vmul.f32 v5, v7;
	v5 =	vshll.u32 v19, $0x10  }
0x15c: {  	v20 =	vld [tilespmem:s25+$0xFFFFFF20];
	[tilespmem:s16+$0xFFFFFF20] =	vst v9;
	v9 =	vmul.f32 v6, v7;
	v6 =	vand.u32 $0xFFFF0000, v19;
	v12 =	vmul.f32 v12, v3  }
0x15d: {  	v8 =	vmul.f32 v5, v10;
	v61 =	vshll.u32 v13, $0x10;
	v16 =	vmul.f32 v60, v3  }
0x15e: {  	v13 =	vand.u32 $0xFFFF0000, v13;
	v6 =	vmul.f32 v6, v10;
	v17 =	vmul.f32 v61, v1;
	[tilespmem:s16+$0xFFFFFF60] =	vst v12;
	v12 =	vld [tilespmem:s25+$0xFFFFFFA0]  }
0x15f: {  	v13 =	vmul.f32 v13, v1;
	v5 =	vshll.u32 v14, $0x10;
	v10 =	vand.u32 $0xFFFF0000, v14;
	[tilespmem:s16+$0xFFFFFF50] =	vst v16  }
0x160: {  	v7 =	vmul.f32 v5, v11;
	[tilespmem:s16+$0xFFFFFF90] =	vst v17;
	v5 =	vmul.f32 v10, v11;
	v10 =	vld [tilespmem:s25+$0xFFFFFFC0]  }
0x161: {  	v63 =	vand.u32 $0xFFFF0000, v20;
	v11 =	vshll.u32 v20, $0x10;
	[tilespmem:s16+$0xFFFFFFA0] =	vst v13  }
0x162: {  	s30 =	simm.s32 $0x9430;
	s14 =	simm.s32 $0x0;
	[tilespmem:s16+$0xFFFFFE70] =	vst v62;
	v13 =	vmul.f32 v63, v15;
	v14 =	vmul.f32 v11, v15;
	v11 =	vld [tilespmem:s25+$0xFFFFFFE0];
	s25 =	simm.s32 $0x4E30  }
.LBB2_9:
0x163: {  	v15 =	vld [tilespmem:s25+$0xFFFFFFF0];
	[tilespmem:s16+$0xFFFFFE80] =	vst v9;
	v9 =	vshll.u32 v12, $0x10;
	v12 =	vand.u32 $0xFFFF0000, v12;
	s20 =	sadd.s32 $0x80, s20  }
0x164: {  	s14 =	sadd.s32 $0x8, s14;
	v16 =	vld [tilespmem:s20+$0x0];
	[tilespmem:s16+$0xFFFFFE30] =	vst v14;
	v9 =	vmul.f32 v9, v4;
	v4 =	vmul.f32 v12, v4  }
0x165: {  	p2 =	slt.u32 s14, $0x48;
	v12 =	vld [tilespmem:s25+$0xFFFFFF10];
	[tilespmem:s16+$0xFFFFFE40] =	vst v13;
	v13 =	vshll.u32 v10, $0x10;
	v10 =	vand.u32 $0xFFFF0000, v10  }
0x166: {  	v14 =	vld [tilespmem:s25+$0xFFFFFF30];
	[tilespmem:s16+$0xFFFFFEB0] =	vst v8;
	v8 =	vmul.f32 v13, v3;
	v3 =	vmul.f32 v10, v3  }
0x167: {  	v10 =	vld [tilespmem:s25+$0xFFFFFF50];
	[tilespmem:s16+$0xFFFFFEC0] =	vst v6;
	v6 =	vshll.u32 v11, $0x10;
	v11 =	vand.u32 $0xFFFF0000, v11  }
0x168: {  	v13 =	vld [tilespmem:s25+$0xFFFFFF70];
	v17 =	vshll.u32 v15, $0x10;
	[tilespmem:s16+$0xFFFFFEF0] =	vst v7;
	v6 =	vmul.f32 v6, v1;
	v1 =	vmul.f32 v11, v1  }
0x169: {  	v11 =	vand.u32 $0xFFFF0000, v15;
	v7 =	vld [tilespmem:s25+$0xFFFFFF90];
	v15 =	vmul.f32 v17, v16;
	[tilespmem:s16+$0xFFFFFF00] =	vst v5  }
0x16a: {  	v11 =	vmul.f32 v11, v16;
	s16 =	sadd.s32 $0x200, s16;
	v5 =	vshll.u32 v12, $0x10;
	v12 =	vand.u32 $0xFFFF0000, v12;
	v17 =	vld [tilespmem:s25+$0xFFFFFFB0];
	[tilespmem:s30+$0xFFFFFF30] =	vst v9  }
0x16b: {  	v9 =	vshll.u32 v14, $0x10;
	v14 =	vand.u32 $0xFFFF0000, v14;
	v18 =	vld [tilespmem:s25+$0xFFFFFFD0];
	[tilespmem:s16+$0xFFFFFFD0] =	vst v15  }
0x16c: {  	v15 =	vld [tilespmem:s20+$0xFFFFFFA0];
	v19 =	vshll.u32 v10, $0x10;
	v10 =	vand.u32 $0xFFFF0000, v10;
	[tilespmem:s16+$0xFFFFFFE0] =	vst v11  }
0x16d: {  	v11 =	vshll.u32 v13, $0x10;
	v13 =	vand.u32 $0xFFFF0000, v13;
	v20 =	vld [tilespmem:s25+$0x0];
	[tilespmem:s30+$0xFFFFFF40] =	vst v4  }
0x16e: {  	v21 =	vld [tilespmem:s20+$0xFFFFFFB0];
	v22 =	vshll.u32 v7, $0x10;
	v7 =	vand.u32 $0xFFFF0000, v7;
	[tilespmem:s30+$0xFFFFFF70] =	vst v8  }
0x16f: {  	v23 =	vld [tilespmem:s20+$0xFFFFFFC0];
	v8 =	vshll.u32 v17, $0x10;
	v17 =	vand.u32 $0xFFFF0000, v17;
	[tilespmem:s30+$0xFFFFFF80] =	vst v3  }
0x170: {  	v4 =	vld [tilespmem:s20+$0xFFFFFFD0];
	v24 =	vshll.u32 v18, $0x10;
	v18 =	vand.u32 $0xFFFF0000, v18;
	[tilespmem:s30+$0xFFFFFFB0] =	vst v6  }
0x171: {  	v6 =	vmul.f32 v9, v15;
	v9 =	vmul.f32 v14, v15;
	v3 =	vld [tilespmem:s20+$0xFFFFFFE0];
	[tilespmem:s30+$0xFFFFFFC0] =	vst v1  }
0x172: {  	v1 =	vld [tilespmem:s20+$0xFFFFFFF0];
	v14 =	vshll.u32 v20, $0x10;
	v20 =	vand.u32 $0xFFFF0000, v20;
	[tilespmem:s30+$0xFFFFFFF0] =	vst v2;
	s30 =	smov.u32 s16  }
0x173: {  	v25 =	vld [tilespmem:s20+$0xFFFFFF90];
	[tilespmem:s16+$0xFFFFFE50] =	vst v6;
	v2 =	vmul.f32 v19, v21;
	v6 =	vmul.f32 v20, v16  }
0x174: {  	[tilespmem:s16+$0xFFFFFE60] =	vst v9;
	v9 =	vmul.f32 v10, v21;
	v10 =	vmul.f32 v11, v23  }
0x175: {  	v13 =	vmul.f32 v13, v23;
	v11 =	vld [tilespmem:s25+$0xFFFFFF40];
	v19 =	vmul.f32 v22, v4;
	[tilespmem:s16+$0x0] =	vst v6  }
0x176: {  	v6 =	vmul.f32 v7, v4;
	[tilespmem:s16+$0xFFFFFE90] =	vst v2;
	v7 =	vmul.f32 v8, v3  }
0x177: {  	v17 =	vmul.f32 v17, v3;
	[tilespmem:s16+$0xFFFFFEA0] =	vst v9;
	v20 =	vmul.f32 v24, v1  }
0x178: {  	v5 =	vmul.f32 v5, v25;
	v8 =	vmul.f32 v12, v25;
	v12 =	vld [tilespmem:s25+$0xFFFFFF60];
	[tilespmem:s16+$0xFFFFFED0] =	vst v10  }
0x179: {  	v2 =	vmul.f32 v14, v16;
	[tilespmem:s16+$0xFFFFFEE0] =	vst v13;
	v13 =	vmul.f32 v18, v1  }
0x17a: {  	[tilespmem:s16+$0xFFFFFE10] =	vst v5;
	v5 =	vshll.u32 v11, $0x10;
	v9 =	vand.u32 $0xFFFF0000, v11;
	v10 =	vld [tilespmem:s25+$0xFFFFFF80]  }
0x17b: {  	[tilespmem:s16+$0xFFFFFE20] =	vst v8;
	v11 =	vmul.f32 v5, v15;
	v9 =	vmul.f32 v9, v15  }
0x17c: {  	v14 =	vld [tilespmem:s25+$0xFFFFFF20];
	[tilespmem:s16+$0xFFFFFF10] =	vst v19  }
0x17d: {  	v5 =	vshll.u32 v12, $0x10;
	v12 =	vand.u32 $0xFFFF0000, v12;
	[tilespmem:s16+$0xFFFFFF20] =	vst v6  }
.Ltmp5:
0x17e: {  	v8 =	vmul.f32 v5, v21;
	v6 =	vmul.f32 v12, v21;
	v12 =	vld [tilespmem:s25+$0xFFFFFFA0];
	[tilespmem:s16+$0xFFFFFF50] =	vst v7;
	(pc) =	sbr.rel @p2 .LBB2_9-.Ltmp5, $4  }
0x17f: {  	v5 =	vshll.u32 v10, $0x10;
	v10 =	vand.u32 $0xFFFF0000, v10;
	[tilespmem:s16+$0xFFFFFF60] =	vst v17  }
0x180: {  	v7 =	vmul.f32 v5, v23;
	v5 =	vmul.f32 v10, v23;
	v10 =	vld [tilespmem:s25+$0xFFFFFFC0];
	[tilespmem:s16+$0xFFFFFF90] =	vst v20  }
0x181: {  	v15 =	vshll.u32 v14, $0x10;
	v16 =	vand.u32 $0xFFFF0000, v14;
	[tilespmem:s16+$0xFFFFFFA0] =	vst v13  }
0x182: {  	v14 =	vmul.f32 v15, v25;
	v13 =	vmul.f32 v16, v25;
	[tilespmem:s16+$0xFFFFFE70] =	vst v11;
	v11 =	vld [tilespmem:s25+$0xFFFFFFE0];
	s25 =	sadd.s32 $0x100, s25  }
0x183: {  	[tilespmem:s16+$0xFFFFFE80] =	vst v9  }
0x184: {  	[tilespmem:s16+$0xFFFFFEB0] =	vst v8  }
0x185: {  	[tilespmem:s16+$0xFFFFFEC0] =	vst v6  }
0x186: {  	[tilespmem:s16+$0xFFFFFEF0] =	vst v7  }
0x187: {  	[tilespmem:s16+$0xFFFFFF00] =	vst v5  }
0x188: {  	v8 =	vshll.u32 v12, $0x10;
	[tilespmem:s30+$0xFFFFFFF0] =	vst v2  }
0x189: {  	v6 =	vand.u32 $0xFFFF0000, v12;
	[tilespmem:s16+$0xFFFFFE30] =	vst v14;
	v8 =	vmul.f32 v8, v4  }
0x18a: {  	[tilespmem:s16+$0xFFFFFE40] =	vst v13;
	v4 =	vmul.f32 v6, v4;
	v6 =	vshll.u32 v10, $0x10  }
0x18b: {  	v5 =	vand.u32 $0xFFFF0000, v10;
	v6 =	vmul.f32 v6, v3;
	[tilespmem:s30+$0xFFFFFF30] =	vst v8  }
0x18c: {  	v3 =	vmul.f32 v5, v3;
	[tilespmem:s30+$0xFFFFFF40] =	vst v4;
	v5 =	vshll.u32 v11, $0x10  }
0x18d: {  	v4 =	vand.u32 $0xFFFF0000, v11;
	v5 =	vmul.f32 v5, v1;
	[tilespmem:s30+$0xFFFFFF70] =	vst v6  }
0x18e: {  	v1 =	vmul.f32 v4, v1;
	[tilespmem:s30+$0xFFFFFF80] =	vst v3  }
0x18f: {  	[tilespmem:s30+$0xFFFFFFB0] =	vst v5  }
0x190: {  	s14 =	simm.s32 $0x4C40;
	s25 =	simm.s32 $0x1CC0;
	[tilespmem:s30+$0xFFFFFFC0] =	vst v1  }
0x191: {  	[tilespmem:s14], [sflag:$0x3] =	stream.indirect.gather [hbm4b:s12+s31], $0x20, s25, s31, $0xb8;
	[tilespmem:$0x17E00] =	vst v63  }
0x192: {  	s20 =	simm.s32 $0x230;
	s25 =	simm.s32 $0x9240;
	s14 =	simm.s32 @!p1 $0x9  }
0x193: {  	[spmem:s1] =	stream.indirect.scatter.add.f32 [tilespmem:s25], [sflag:$0x8], $0x40, s20, s31, $0xb8;
	[tilespmem:$0x17E00] =	vst v63  }
0x194: {  	_ =	swait.ge @!p1 [sflag:s14], $0x1400  }
0x195: {  	[sflag:s14] =	ssyncset.done @!p1 $0x0  }
0x196: {  	[sflag:s14] =	ssyncadd.s32 @!p1 $0xFFFFEC00  }
0x197: {  	_ =	swait.ge [sflag:s15], $0xA00  }
0x198: {  	[sflag:s15] =	ssyncset.done $0x0  }
0x199: {  	s25 =	simm.s32 $0x5730;
	[sflag:s15] =	ssyncadd.s32 $0xFFFFF600  }
0x19a: {  	s20 =	simm.s32 $0x1290;
	v1 =	vld [tilespmem:s25+$0xFFFFFFF0]  }
0x19b: {  	v2 =	vld [tilespmem:s20+$0x0];
	_ =	sdelay $0x2  }
0x19c: {  	v4 =	vld [tilespmem:s25+$0xFFFFFF30]  }
0x19d: {  	v6 =	vld [tilespmem:s25+$0xFFFFFF50];
	v3 =	vshll.u32 v1, $0x10  }
0x19e: {  	v10 =	vld [tilespmem:s20+$0xFFFFFFB0];
	v1 =	vand.u32 $0xFFFF0000, v1;
	v3 =	vmul.f32 v3, v2  }
0x19f: {  	s16 =	simm.s32 $0xA830;
	v7 =	vld [tilespmem:s20+$0xFFFFFFA0];
	v1 =	vmul.f32 v1, v2  }
0x1a0: {  	v5 =	vld [tilespmem:s25+$0xFFFFFF10];
	[tilespmem:s16+$0xFFFFFFD0] =	vst v3  }
0x1a1: {  	v15 =	vld [tilespmem:s20+$0xFFFFFF90];
	[tilespmem:s16+$0xFFFFFFE0] =	vst v1  }
0x1a2: {  	v14 =	vshll.u32 v6, $0x10;
	v8 =	vld [tilespmem:s25+$0x0]  }
0x1a3: {  	v14 =	vmul.f32 v14, v10;
	v1 =	vld [tilespmem:s25+$0xFFFFFF70];
	v3 =	vshll.u32 v4, $0x10  }
0x1a4: {  	v11 =	vld [tilespmem:s20+$0xFFFFFFC0];
	v4 =	vand.u32 $0xFFFF0000, v4;
	v3 =	vmul.f32 v3, v7  }
0x1a5: {  	v12 =	vld [tilespmem:s25+$0xFFFFFFB0];
	v6 =	vand.u32 $0xFFFF0000, v6;
	[tilespmem:s16+$0xFFFFFE90] =	vst v14;
	v4 =	vmul.f32 v4, v7  }
0x1a6: {  	v9 =	vld [tilespmem:s25+$0xFFFFFF90];
	v6 =	vmul.f32 v6, v10;
	v14 =	vshll.u32 v5, $0x10;
	v5 =	vand.u32 $0xFFFF0000, v5;
	[tilespmem:s16+$0xFFFFFE50] =	vst v3  }
0x1a7: {  	v5 =	vmul.f32 v5, v15;
	[tilespmem:s16+$0xFFFFFE60] =	vst v4;
	v4 =	vld [tilespmem:s20+$0xFFFFFFD0];
	v13 =	vand.u32 $0xFFFF0000, v8  }
0x1a8: {  	[tilespmem:s16+$0xFFFFFEA0] =	vst v6;
	v18 =	vld [tilespmem:s25+$0xFFFFFF40];
	v16 =	vshll.u32 v1, $0x10;
	v3 =	vmul.f32 v13, v2  }
0x1a9: {  	v19 =	vld [tilespmem:s25+$0xFFFFFF60];
	[tilespmem:s16+$0xFFFFFE20] =	vst v5;
	v17 =	vand.u32 $0xFFFF0000, v1;
	v16 =	vmul.f32 v16, v11  }
0x1aa: {  	v60 =	vshll.u32 v12, $0x10;
	v17 =	vmul.f32 v17, v11;
	[tilespmem:s16+$0x0] =	vst v3;
	v3 =	vld [tilespmem:s20+$0xFFFFFFE0]  }
0x1ab: {  	v12 =	vand.u32 $0xFFFF0000, v12;
	v6 =	vshll.u32 v9, $0x10;
	v14 =	vmul.f32 v14, v15;
	v13 =	vld [tilespmem:s25+$0xFFFFFFD0];
	[tilespmem:s16+$0xFFFFFED0] =	vst v16  }
0x1ac: {  	v9 =	vand.u32 $0xFFFF0000, v9;
	v1 =	vld [tilespmem:s20+$0xFFFFFFF0];
	v5 =	vshll.u32 v8, $0x10;
	[tilespmem:s16+$0xFFFFFEE0] =	vst v17;
	v6 =	vmul.f32 v6, v4  }
0x1ad: {  	[tilespmem:s16+$0xFFFFFE10] =	vst v14;
	v2 =	vmul.f32 v5, v2;
	v9 =	vmul.f32 v9, v4;
	v14 =	vld [tilespmem:s25+$0xFFFFFF80];
	v5 =	vshll.u32 v18, $0x10  }
0x1ae: {  	[tilespmem:s16+$0xFFFFFF10] =	vst v6;
	v6 =	vand.u32 $0xFFFF0000, v18;
	v62 =	vmul.f32 v5, v7;
	v5 =	vshll.u32 v19, $0x10  }
0x1af: {  	v20 =	vld [tilespmem:s25+$0xFFFFFF20];
	[tilespmem:s16+$0xFFFFFF20] =	vst v9;
	v9 =	vmul.f32 v6, v7;
	v6 =	vand.u32 $0xFFFF0000, v19;
	v12 =	vmul.f32 v12, v3  }
0x1b0: {  	v8 =	vmul.f32 v5, v10;
	v61 =	vshll.u32 v13, $0x10;
	v16 =	vmul.f32 v60, v3  }
0x1b1: {  	v13 =	vand.u32 $0xFFFF0000, v13;
	v6 =	vmul.f32 v6, v10;
	v17 =	vmul.f32 v61, v1;
	[tilespmem:s16+$0xFFFFFF60] =	vst v12;
	v12 =	vld [tilespmem:s25+$0xFFFFFFA0]  }
0x1b2: {  	v13 =	vmul.f32 v13, v1;
	v5 =	vshll.u32 v14, $0x10;
	v10 =	vand.u32 $0xFFFF0000, v14;
	[tilespmem:s16+$0xFFFFFF50] =	vst v16  }
0x1b3: {  	v7 =	vmul.f32 v5, v11;
	[tilespmem:s16+$0xFFFFFF90] =	vst v17;
	v5 =	vmul.f32 v10, v11;
	v10 =	vld [tilespmem:s25+$0xFFFFFFC0]  }
0x1b4: {  	v63 =	vand.u32 $0xFFFF0000, v20;
	v11 =	vshll.u32 v20, $0x10;
	[tilespmem:s16+$0xFFFFFFA0] =	vst v13  }
0x1b5: {  	s30 =	simm.s32 $0xA830;
	s14 =	simm.s32 $0x0;
	[tilespmem:s16+$0xFFFFFE70] =	vst v62;
	v13 =	vmul.f32 v63, v15;
	v14 =	vmul.f32 v11, v15;
	v11 =	vld [tilespmem:s25+$0xFFFFFFE0];
	s25 =	simm.s32 $0x5830  }
.LBB2_11:
0x1b6: {  	v15 =	vld [tilespmem:s25+$0xFFFFFFF0];
	[tilespmem:s16+$0xFFFFFE80] =	vst v9;
	v9 =	vshll.u32 v12, $0x10;
	v12 =	vand.u32 $0xFFFF0000, v12;
	s20 =	sadd.s32 $0x80, s20  }
0x1b7: {  	s14 =	sadd.s32 $0x8, s14;
	v16 =	vld [tilespmem:s20+$0x0];
	[tilespmem:s16+$0xFFFFFE30] =	vst v14;
	v9 =	vmul.f32 v9, v4;
	v4 =	vmul.f32 v12, v4  }
0x1b8: {  	p2 =	slt.u32 s14, $0x48;
	v12 =	vld [tilespmem:s25+$0xFFFFFF10];
	[tilespmem:s16+$0xFFFFFE40] =	vst v13;
	v13 =	vshll.u32 v10, $0x10;
	v10 =	vand.u32 $0xFFFF0000, v10  }
0x1b9: {  	v14 =	vld [tilespmem:s25+$0xFFFFFF30];
	[tilespmem:s16+$0xFFFFFEB0] =	vst v8;
	v8 =	vmul.f32 v13, v3;
	v3 =	vmul.f32 v10, v3  }
0x1ba: {  	v10 =	vld [tilespmem:s25+$0xFFFFFF50];
	[tilespmem:s16+$0xFFFFFEC0] =	vst v6;
	v6 =	vshll.u32 v11, $0x10;
	v11 =	vand.u32 $0xFFFF0000, v11  }
0x1bb: {  	v13 =	vld [tilespmem:s25+$0xFFFFFF70];
	v17 =	vshll.u32 v15, $0x10;
	[tilespmem:s16+$0xFFFFFEF0] =	vst v7;
	v6 =	vmul.f32 v6, v1;
	v1 =	vmul.f32 v11, v1  }
0x1bc: {  	v11 =	vand.u32 $0xFFFF0000, v15;
	v7 =	vld [tilespmem:s25+$0xFFFFFF90];
	v15 =	vmul.f32 v17, v16;
	[tilespmem:s16+$0xFFFFFF00] =	vst v5  }
0x1bd: {  	v11 =	vmul.f32 v11, v16;
	s16 =	sadd.s32 $0x200, s16;
	v5 =	vshll.u32 v12, $0x10;
	v12 =	vand.u32 $0xFFFF0000, v12;
	v17 =	vld [tilespmem:s25+$0xFFFFFFB0];
	[tilespmem:s30+$0xFFFFFF30] =	vst v9  }
0x1be: {  	v9 =	vshll.u32 v14, $0x10;
	v14 =	vand.u32 $0xFFFF0000, v14;
	v18 =	vld [tilespmem:s25+$0xFFFFFFD0];
	[tilespmem:s16+$0xFFFFFFD0] =	vst v15  }
0x1bf: {  	v15 =	vld [tilespmem:s20+$0xFFFFFFA0];
	v19 =	vshll.u32 v10, $0x10;
	v10 =	vand.u32 $0xFFFF0000, v10;
	[tilespmem:s16+$0xFFFFFFE0] =	vst v11  }
0x1c0: {  	v11 =	vshll.u32 v13, $0x10;
	v13 =	vand.u32 $0xFFFF0000, v13;
	v20 =	vld [tilespmem:s25+$0x0];
	[tilespmem:s30+$0xFFFFFF40] =	vst v4  }
0x1c1: {  	v21 =	vld [tilespmem:s20+$0xFFFFFFB0];
	v22 =	vshll.u32 v7, $0x10;
	v7 =	vand.u32 $0xFFFF0000, v7;
	[tilespmem:s30+$0xFFFFFF70] =	vst v8  }
0x1c2: {  	v23 =	vld [tilespmem:s20+$0xFFFFFFC0];
	v8 =	vshll.u32 v17, $0x10;
	v17 =	vand.u32 $0xFFFF0000, v17;
	[tilespmem:s30+$0xFFFFFF80] =	vst v3  }
0x1c3: {  	v4 =	vld [tilespmem:s20+$0xFFFFFFD0];
	v24 =	vshll.u32 v18, $0x10;
	v18 =	vand.u32 $0xFFFF0000, v18;
	[tilespmem:s30+$0xFFFFFFB0] =	vst v6  }
0x1c4: {  	v6 =	vmul.f32 v9, v15;
	v9 =	vmul.f32 v14, v15;
	v3 =	vld [tilespmem:s20+$0xFFFFFFE0];
	[tilespmem:s30+$0xFFFFFFC0] =	vst v1  }
0x1c5: {  	v1 =	vld [tilespmem:s20+$0xFFFFFFF0];
	v14 =	vshll.u32 v20, $0x10;
	v20 =	vand.u32 $0xFFFF0000, v20;
	[tilespmem:s30+$0xFFFFFFF0] =	vst v2;
	s30 =	smov.u32 s16  }
0x1c6: {  	v25 =	vld [tilespmem:s20+$0xFFFFFF90];
	[tilespmem:s16+$0xFFFFFE50] =	vst v6;
	v2 =	vmul.f32 v19, v21;
	v6 =	vmul.f32 v20, v16  }
0x1c7: {  	[tilespmem:s16+$0xFFFFFE60] =	vst v9;
	v9 =	vmul.f32 v10, v21;
	v10 =	vmul.f32 v11, v23  }
0x1c8: {  	v13 =	vmul.f32 v13, v23;
	v11 =	vld [tilespmem:s25+$0xFFFFFF40];
	v19 =	vmul.f32 v22, v4;
	[tilespmem:s16+$0x0] =	vst v6  }
0x1c9: {  	v6 =	vmul.f32 v7, v4;
	[tilespmem:s16+$0xFFFFFE90] =	vst v2;
	v7 =	vmul.f32 v8, v3  }
0x1ca: {  	v17 =	vmul.f32 v17, v3;
	[tilespmem:s16+$0xFFFFFEA0] =	vst v9;
	v20 =	vmul.f32 v24, v1  }
0x1cb: {  	v5 =	vmul.f32 v5, v25;
	v8 =	vmul.f32 v12, v25;
	v12 =	vld [tilespmem:s25+$0xFFFFFF60];
	[tilespmem:s16+$0xFFFFFED0] =	vst v10  }
0x1cc: {  	v2 =	vmul.f32 v14, v16;
	[tilespmem:s16+$0xFFFFFEE0] =	vst v13;
	v13 =	vmul.f32 v18, v1  }
0x1cd: {  	[tilespmem:s16+$0xFFFFFE10] =	vst v5;
	v5 =	vshll.u32 v11, $0x10;
	v9 =	vand.u32 $0xFFFF0000, v11;
	v10 =	vld [tilespmem:s25+$0xFFFFFF80]  }
0x1ce: {  	[tilespmem:s16+$0xFFFFFE20] =	vst v8;
	v11 =	vmul.f32 v5, v15;
	v9 =	vmul.f32 v9, v15  }
0x1cf: {  	v14 =	vld [tilespmem:s25+$0xFFFFFF20];
	[tilespmem:s16+$0xFFFFFF10] =	vst v19  }
0x1d0: {  	v5 =	vshll.u32 v12, $0x10;
	v12 =	vand.u32 $0xFFFF0000, v12;
	[tilespmem:s16+$0xFFFFFF20] =	vst v6  }
.Ltmp6:
0x1d1: {  	v8 =	vmul.f32 v5, v21;
	v6 =	vmul.f32 v12, v21;
	v12 =	vld [tilespmem:s25+$0xFFFFFFA0];
	[tilespmem:s16+$0xFFFFFF50] =	vst v7;
	(pc) =	sbr.rel @p2 .LBB2_11-.Ltmp6, $4  }
0x1d2: {  	v5 =	vshll.u32 v10, $0x10;
	v10 =	vand.u32 $0xFFFF0000, v10;
	[tilespmem:s16+$0xFFFFFF60] =	vst v17  }
0x1d3: {  	v7 =	vmul.f32 v5, v23;
	v5 =	vmul.f32 v10, v23;
	v10 =	vld [tilespmem:s25+$0xFFFFFFC0];
	[tilespmem:s16+$0xFFFFFF90] =	vst v20  }
0x1d4: {  	v15 =	vshll.u32 v14, $0x10;
	v16 =	vand.u32 $0xFFFF0000, v14;
	[tilespmem:s16+$0xFFFFFFA0] =	vst v13  }
0x1d5: {  	v14 =	vmul.f32 v15, v25;
	v13 =	vmul.f32 v16, v25;
	[tilespmem:s16+$0xFFFFFE70] =	vst v11;
	v11 =	vld [tilespmem:s25+$0xFFFFFFE0];
	s25 =	sadd.s32 $0x100, s25  }
0x1d6: {  	[tilespmem:s16+$0xFFFFFE80] =	vst v9  }
0x1d7: {  	[tilespmem:s16+$0xFFFFFEB0] =	vst v8  }
0x1d8: {  	[tilespmem:s16+$0xFFFFFEC0] =	vst v6  }
0x1d9: {  	[tilespmem:s16+$0xFFFFFEF0] =	vst v7  }
0x1da: {  	[tilespmem:s16+$0xFFFFFF00] =	vst v5  }
0x1db: {  	v8 =	vshll.u32 v12, $0x10;
	[tilespmem:s30+$0xFFFFFFF0] =	vst v2  }
0x1dc: {  	v6 =	vand.u32 $0xFFFF0000, v12;
	[tilespmem:s16+$0xFFFFFE30] =	vst v14;
	v8 =	vmul.f32 v8, v4  }
0x1dd: {  	[tilespmem:s16+$0xFFFFFE40] =	vst v13;
	v4 =	vmul.f32 v6, v4;
	v6 =	vshll.u32 v10, $0x10  }
0x1de: {  	v5 =	vand.u32 $0xFFFF0000, v10;
	v6 =	vmul.f32 v6, v3;
	[tilespmem:s30+$0xFFFFFF30] =	vst v8  }
0x1df: {  	v3 =	vmul.f32 v5, v3;
	[tilespmem:s30+$0xFFFFFF40] =	vst v4;
	v5 =	vshll.u32 v11, $0x10  }
0x1e0: {  	v4 =	vand.u32 $0xFFFF0000, v11;
	v5 =	vmul.f32 v5, v1;
	[tilespmem:s30+$0xFFFFFF70] =	vst v6  }
0x1e1: {  	v1 =	vmul.f32 v4, v1;
	[tilespmem:s30+$0xFFFFFF80] =	vst v3  }
0x1e2: {  	[tilespmem:s30+$0xFFFFFFB0] =	vst v5  }
0x1e3: {  	s14 =	simm.s32 $0x5640;
	s25 =	simm.s32 $0x1D10;
	[tilespmem:s30+$0xFFFFFFC0] =	vst v1  }
0x1e4: {  	[tilespmem:s14], [sflag:$0x4] =	stream.indirect.gather [hbm4b:s12+s31], $0x20, s25, s31, $0xb8;
	[tilespmem:$0x17E00] =	vst v63  }
0x1e5: {  	s20 =	simm.s32 $0x280;
	s25 =	simm.s32 $0xA640;
	s14 =	simm.s32 @!p1 $0xA  }
0x1e6: {  	[spmem:s1] =	stream.indirect.scatter.add.f32 [tilespmem:s25], [sflag:$0x9], $0x40, s20, s31, $0xb8;
	[tilespmem:$0x17E00] =	vst v63  }
0x1e7: {  	_ =	swait.ge @!p1 [sflag:s14], $0x1400  }
0x1e8: {  	[sflag:s14] =	ssyncset.done @!p1 $0x0  }
0x1e9: {  	[sflag:s14] =	ssyncadd.s32 @!p1 $0xFFFFEC00  }
0x1ea: {  	_ =	swait.ge [sflag:s22], $0xA00  }
0x1eb: {  	[sflag:s22] =	ssyncset.done $0x0  }
0x1ec: {  	s25 =	simm.s32 $0x6130;
	[sflag:s22] =	ssyncadd.s32 $0xFFFFF600  }
0x1ed: {  	s20 =	simm.s32 $0x1790;
	v1 =	vld [tilespmem:s25+$0xFFFFFFF0]  }
0x1ee: {  	v2 =	vld [tilespmem:s20+$0x0];
	_ =	sdelay $0x2  }
0x1ef: {  	v4 =	vld [tilespmem:s25+$0xFFFFFF30]  }
0x1f0: {  	v6 =	vld [tilespmem:s25+$0xFFFFFF50];
	v3 =	vshll.u32 v1, $0x10  }
0x1f1: {  	v10 =	vld [tilespmem:s20+$0xFFFFFFB0];
	v1 =	vand.u32 $0xFFFF0000, v1;
	v3 =	vmul.f32 v3, v2  }
0x1f2: {  	s16 =	simm.s32 $0xBC30;
	v7 =	vld [tilespmem:s20+$0xFFFFFFA0];
	v1 =	vmul.f32 v1, v2  }
0x1f3: {  	v5 =	vld [tilespmem:s25+$0xFFFFFF10];
	[tilespmem:s16+$0xFFFFFFD0] =	vst v3  }
0x1f4: {  	v15 =	vld [tilespmem:s20+$0xFFFFFF90];
	[tilespmem:s16+$0xFFFFFFE0] =	vst v1  }
0x1f5: {  	v14 =	vshll.u32 v6, $0x10;
	v8 =	vld [tilespmem:s25+$0x0]  }
0x1f6: {  	v14 =	vmul.f32 v14, v10;
	v1 =	vld [tilespmem:s25+$0xFFFFFF70];
	v3 =	vshll.u32 v4, $0x10  }
0x1f7: {  	v11 =	vld [tilespmem:s20+$0xFFFFFFC0];
	v4 =	vand.u32 $0xFFFF0000, v4;
	v3 =	vmul.f32 v3, v7  }
0x1f8: {  	v12 =	vld [tilespmem:s25+$0xFFFFFFB0];
	v6 =	vand.u32 $0xFFFF0000, v6;
	[tilespmem:s16+$0xFFFFFE90] =	vst v14;
	v4 =	vmul.f32 v4, v7  }
0x1f9: {  	v9 =	vld [tilespmem:s25+$0xFFFFFF90];
	v6 =	vmul.f32 v6, v10;
	v14 =	vshll.u32 v5, $0x10;
	v5 =	vand.u32 $0xFFFF0000, v5;
	[tilespmem:s16+$0xFFFFFE50] =	vst v3  }
0x1fa: {  	v5 =	vmul.f32 v5, v15;
	[tilespmem:s16+$0xFFFFFE60] =	vst v4;
	v4 =	vld [tilespmem:s20+$0xFFFFFFD0];
	v13 =	vand.u32 $0xFFFF0000, v8  }
0x1fb: {  	[tilespmem:s16+$0xFFFFFEA0] =	vst v6;
	v18 =	vld [tilespmem:s25+$0xFFFFFF40];
	v16 =	vshll.u32 v1, $0x10;
	v3 =	vmul.f32 v13, v2  }
0x1fc: {  	v19 =	vld [tilespmem:s25+$0xFFFFFF60];
	[tilespmem:s16+$0xFFFFFE20] =	vst v5;
	v17 =	vand.u32 $0xFFFF0000, v1;
	v16 =	vmul.f32 v16, v11  }
0x1fd: {  	v60 =	vshll.u32 v12, $0x10;
	v17 =	vmul.f32 v17, v11;
	[tilespmem:s16+$0x0] =	vst v3;
	v3 =	vld [tilespmem:s20+$0xFFFFFFE0]  }
0x1fe: {  	v12 =	vand.u32 $0xFFFF0000, v12;
	v6 =	vshll.u32 v9, $0x10;
	v14 =	vmul.f32 v14, v15;
	v13 =	vld [tilespmem:s25+$0xFFFFFFD0];
	[tilespmem:s16+$0xFFFFFED0] =	vst v16  }
0x1ff: {  	v9 =	vand.u32 $0xFFFF0000, v9;
	v1 =	vld [tilespmem:s20+$0xFFFFFFF0];
	v5 =	vshll.u32 v8, $0x10;
	[tilespmem:s16+$0xFFFFFEE0] =	vst v17;
	v6 =	vmul.f32 v6, v4  }
0x200: {  	[tilespmem:s16+$0xFFFFFE10] =	vst v14;
	v2 =	vmul.f32 v5, v2;
	v9 =	vmul.f32 v9, v4;
	v14 =	vld [tilespmem:s25+$0xFFFFFF80];
	v5 =	vshll.u32 v18, $0x10  }
0x201: {  	[tilespmem:s16+$0xFFFFFF10] =	vst v6;
	v6 =	vand.u32 $0xFFFF0000, v18;
	v62 =	vmul.f32 v5, v7;
	v5 =	vshll.u32 v19, $0x10  }
0x202: {  	v20 =	vld [tilespmem:s25+$0xFFFFFF20];
	[tilespmem:s16+$0xFFFFFF20] =	vst v9;
	v9 =	vmul.f32 v6, v7;
	v6 =	vand.u32 $0xFFFF0000, v19;
	v12 =	vmul.f32 v12, v3  }
0x203: {  	v8 =	vmul.f32 v5, v10;
	v61 =	vshll.u32 v13, $0x10;
	v16 =	vmul.f32 v60, v3  }
0x204: {  	v13 =	vand.u32 $0xFFFF0000, v13;
	v6 =	vmul.f32 v6, v10;
	v17 =	vmul.f32 v61, v1;
	[tilespmem:s16+$0xFFFFFF60] =	vst v12;
	v12 =	vld [tilespmem:s25+$0xFFFFFFA0]  }
0x205: {  	v13 =	vmul.f32 v13, v1;
	v5 =	vshll.u32 v14, $0x10;
	v10 =	vand.u32 $0xFFFF0000, v14;
	[tilespmem:s16+$0xFFFFFF50] =	vst v16  }
0x206: {  	v7 =	vmul.f32 v5, v11;
	[tilespmem:s16+$0xFFFFFF90] =	vst v17;
	v5 =	vmul.f32 v10, v11;
	v10 =	vld [tilespmem:s25+$0xFFFFFFC0]  }
0x207: {  	v63 =	vand.u32 $0xFFFF0000, v20;
	v11 =	vshll.u32 v20, $0x10;
	[tilespmem:s16+$0xFFFFFFA0] =	vst v13  }
0x208: {  	s30 =	simm.s32 $0xBC30;
	s14 =	simm.s32 $0x0;
	[tilespmem:s16+$0xFFFFFE70] =	vst v62;
	v13 =	vmul.f32 v63, v15;
	v14 =	vmul.f32 v11, v15;
	v11 =	vld [tilespmem:s25+$0xFFFFFFE0];
	s25 =	simm.s32 $0x6230  }
.LBB2_13:
0x209: {  	v15 =	vld [tilespmem:s25+$0xFFFFFFF0];
	[tilespmem:s16+$0xFFFFFE80] =	vst v9;
	v9 =	vshll.u32 v12, $0x10;
	v12 =	vand.u32 $0xFFFF0000, v12;
	s20 =	sadd.s32 $0x80, s20  }
0x20a: {  	s14 =	sadd.s32 $0x8, s14;
	v16 =	vld [tilespmem:s20+$0x0];
	[tilespmem:s16+$0xFFFFFE30] =	vst v14;
	v9 =	vmul.f32 v9, v4;
	v4 =	vmul.f32 v12, v4  }
0x20b: {  	p1 =	slt.u32 s14, $0x48;
	v12 =	vld [tilespmem:s25+$0xFFFFFF10];
	[tilespmem:s16+$0xFFFFFE40] =	vst v13;
	v13 =	vshll.u32 v10, $0x10;
	v10 =	vand.u32 $0xFFFF0000, v10  }
0x20c: {  	v14 =	vld [tilespmem:s25+$0xFFFFFF30];
	[tilespmem:s16+$0xFFFFFEB0] =	vst v8;
	v8 =	vmul.f32 v13, v3;
	v3 =	vmul.f32 v10, v3  }
0x20d: {  	v10 =	vld [tilespmem:s25+$0xFFFFFF50];
	[tilespmem:s16+$0xFFFFFEC0] =	vst v6;
	v6 =	vshll.u32 v11, $0x10;
	v11 =	vand.u32 $0xFFFF0000, v11  }
0x20e: {  	v13 =	vld [tilespmem:s25+$0xFFFFFF70];
	v17 =	vshll.u32 v15, $0x10;
	[tilespmem:s16+$0xFFFFFEF0] =	vst v7;
	v6 =	vmul.f32 v6, v1;
	v1 =	vmul.f32 v11, v1  }
0x20f: {  	v11 =	vand.u32 $0xFFFF0000, v15;
	v7 =	vld [tilespmem:s25+$0xFFFFFF90];
	v15 =	vmul.f32 v17, v16;
	[tilespmem:s16+$0xFFFFFF00] =	vst v5  }
0x210: {  	v11 =	vmul.f32 v11, v16;
	s16 =	sadd.s32 $0x200, s16;
	v5 =	vshll.u32 v12, $0x10;
	v12 =	vand.u32 $0xFFFF0000, v12;
	v17 =	vld [tilespmem:s25+$0xFFFFFFB0];
	[tilespmem:s30+$0xFFFFFF30] =	vst v9  }
0x211: {  	v9 =	vshll.u32 v14, $0x10;
	v14 =	vand.u32 $0xFFFF0000, v14;
	v18 =	vld [tilespmem:s25+$0xFFFFFFD0];
	[tilespmem:s16+$0xFFFFFFD0] =	vst v15  }
0x212: {  	v15 =	vld [tilespmem:s20+$0xFFFFFFA0];
	v19 =	vshll.u32 v10, $0x10;
	v10 =	vand.u32 $0xFFFF0000, v10;
	[tilespmem:s16+$0xFFFFFFE0] =	vst v11  }
0x213: {  	v11 =	vshll.u32 v13, $0x10;
	v13 =	vand.u32 $0xFFFF0000, v13;
	v20 =	vld [tilespmem:s25+$0x0];
	[tilespmem:s30+$0xFFFFFF40] =	vst v4  }
0x214: {  	v21 =	vld [tilespmem:s20+$0xFFFFFFB0];
	v22 =	vshll.u32 v7, $0x10;
	v7 =	vand.u32 $0xFFFF0000, v7;
	[tilespmem:s30+$0xFFFFFF70] =	vst v8  }
0x215: {  	v23 =	vld [tilespmem:s20+$0xFFFFFFC0];
	v8 =	vshll.u32 v17, $0x10;
	v17 =	vand.u32 $0xFFFF0000, v17;
	[tilespmem:s30+$0xFFFFFF80] =	vst v3  }
0x216: {  	v4 =	vld [tilespmem:s20+$0xFFFFFFD0];
	v24 =	vshll.u32 v18, $0x10;
	v18 =	vand.u32 $0xFFFF0000, v18;
	[tilespmem:s30+$0xFFFFFFB0] =	vst v6  }
0x217: {  	v6 =	vmul.f32 v9, v15;
	v9 =	vmul.f32 v14, v15;
	v3 =	vld [tilespmem:s20+$0xFFFFFFE0];
	[tilespmem:s30+$0xFFFFFFC0] =	vst v1  }
0x218: {  	v1 =	vld [tilespmem:s20+$0xFFFFFFF0];
	v14 =	vshll.u32 v20, $0x10;
	v20 =	vand.u32 $0xFFFF0000, v20;
	[tilespmem:s30+$0xFFFFFFF0] =	vst v2;
	s30 =	smov.u32 s16  }
0x219: {  	v25 =	vld [tilespmem:s20+$0xFFFFFF90];
	[tilespmem:s16+$0xFFFFFE50] =	vst v6;
	v2 =	vmul.f32 v19, v21;
	v6 =	vmul.f32 v20, v16  }
0x21a: {  	[tilespmem:s16+$0xFFFFFE60] =	vst v9;
	v9 =	vmul.f32 v10, v21;
	v10 =	vmul.f32 v11, v23  }
0x21b: {  	v13 =	vmul.f32 v13, v23;
	v11 =	vld [tilespmem:s25+$0xFFFFFF40];
	v19 =	vmul.f32 v22, v4;
	[tilespmem:s16+$0x0] =	vst v6  }
0x21c: {  	v6 =	vmul.f32 v7, v4;
	[tilespmem:s16+$0xFFFFFE90] =	vst v2;
	v7 =	vmul.f32 v8, v3  }
0x21d: {  	v17 =	vmul.f32 v17, v3;
	[tilespmem:s16+$0xFFFFFEA0] =	vst v9;
	v20 =	vmul.f32 v24, v1  }
0x21e: {  	v5 =	vmul.f32 v5, v25;
	v8 =	vmul.f32 v12, v25;
	v12 =	vld [tilespmem:s25+$0xFFFFFF60];
	[tilespmem:s16+$0xFFFFFED0] =	vst v10  }
0x21f: {  	v2 =	vmul.f32 v14, v16;
	[tilespmem:s16+$0xFFFFFEE0] =	vst v13;
	v13 =	vmul.f32 v18, v1  }
0x220: {  	[tilespmem:s16+$0xFFFFFE10] =	vst v5;
	v5 =	vshll.u32 v11, $0x10;
	v9 =	vand.u32 $0xFFFF0000, v11;
	v10 =	vld [tilespmem:s25+$0xFFFFFF80]  }
0x221: {  	[tilespmem:s16+$0xFFFFFE20] =	vst v8;
	v11 =	vmul.f32 v5, v15;
	v9 =	vmul.f32 v9, v15  }
0x222: {  	v14 =	vld [tilespmem:s25+$0xFFFFFF20];
	[tilespmem:s16+$0xFFFFFF10] =	vst v19  }
0x223: {  	v5 =	vshll.u32 v12, $0x10;
	v12 =	vand.u32 $0xFFFF0000, v12;
	[tilespmem:s16+$0xFFFFFF20] =	vst v6  }
.Ltmp7:
0x224: {  	v8 =	vmul.f32 v5, v21;
	v6 =	vmul.f32 v12, v21;
	v12 =	vld [tilespmem:s25+$0xFFFFFFA0];
	[tilespmem:s16+$0xFFFFFF50] =	vst v7;
	(pc) =	sbr.rel @p1 .LBB2_13-.Ltmp7, $4  }
0x225: {  	v5 =	vshll.u32 v10, $0x10;
	v10 =	vand.u32 $0xFFFF0000, v10;
	[tilespmem:s16+$0xFFFFFF60] =	vst v17  }
0x226: {  	v7 =	vmul.f32 v5, v23;
	v5 =	vmul.f32 v10, v23;
	v10 =	vld [tilespmem:s25+$0xFFFFFFC0];
	[tilespmem:s16+$0xFFFFFF90] =	vst v20  }
0x227: {  	v15 =	vshll.u32 v14, $0x10;
	v16 =	vand.u32 $0xFFFF0000, v14;
	[tilespmem:s16+$0xFFFFFFA0] =	vst v13  }
0x228: {  	v14 =	vmul.f32 v15, v25;
	v13 =	vmul.f32 v16, v25;
	[tilespmem:s16+$0xFFFFFE70] =	vst v11;
	v11 =	vld [tilespmem:s25+$0xFFFFFFE0];
	s25 =	sadd.s32 $0x100, s25  }
0x229: {  	[tilespmem:s16+$0xFFFFFE80] =	vst v9  }
0x22a: {  	[tilespmem:s16+$0xFFFFFEB0] =	vst v8  }
0x22b: {  	[tilespmem:s16+$0xFFFFFEC0] =	vst v6  }
0x22c: {  	[tilespmem:s16+$0xFFFFFEF0] =	vst v7  }
0x22d: {  	[tilespmem:s16+$0xFFFFFF00] =	vst v5  }
0x22e: {  	v8 =	vshll.u32 v12, $0x10;
	[tilespmem:s30+$0xFFFFFFF0] =	vst v2  }
0x22f: {  	v6 =	vand.u32 $0xFFFF0000, v12;
	[tilespmem:s16+$0xFFFFFE30] =	vst v14;
	v8 =	vmul.f32 v8, v4  }
0x230: {  	[tilespmem:s16+$0xFFFFFE40] =	vst v13;
	v4 =	vmul.f32 v6, v4;
	v6 =	vshll.u32 v10, $0x10  }
0x231: {  	v5 =	vand.u32 $0xFFFF0000, v10;
	v6 =	vmul.f32 v6, v3;
	[tilespmem:s30+$0xFFFFFF30] =	vst v8  }
0x232: {  	v3 =	vmul.f32 v5, v3;
	[tilespmem:s30+$0xFFFFFF40] =	vst v4;
	v5 =	vshll.u32 v11, $0x10  }
0x233: {  	v4 =	vand.u32 $0xFFFF0000, v11;
	v5 =	vmul.f32 v5, v1;
	[tilespmem:s30+$0xFFFFFF70] =	vst v6  }
0x234: {  	p1 =	seq.s32 s23, $0x18;
	v1 =	vmul.f32 v4, v1;
	[tilespmem:s30+$0xFFFFFF80] =	vst v3  }
0x235: {  	s11 =	sadd.s32 @!p1 $0x2, s11;
	[tilespmem:s30+$0xFFFFFFB0] =	vst v5  }
0x236: {  	s14 =	simm.s32 $0x1D60;
	s16 =	smul.u32 @!p1 $0x190, s11;
	[tilespmem:s30+$0xFFFFFFC0] =	vst v1;
	s30 =	simm.s32 $0x6040  }
0x237: {  	[tilespmem:s30], [sflag:$0x5] =	stream.indirect.gather [hbm4b:s12+s31], $0x20, s14, s31, $0xb8;
	[tilespmem:$0x17E00] =	vst v63  }
0x238: {  	s25 =	simm.s32 $0x2D0;
	s11 =	smul.u32 @!p1 $0x1900, s11;
	s14 =	sadd.s32 @!p1 s6, s16  }
0x239: {  	[spmem:s1] =	stream.indirect.scatter.add.f32 [tilespmem:s10], [sflag:$0xA], $0x40, s25, s31, $0xb8;
	[tilespmem:$0x17E00] =	vst v63  }
0x23a: {  	s28 =	sadd.s32 s5, s28;
	s11 =	sadd.s32 @!p1 s8, s11;
	s14 =	sshrl.u32 @!p1 s14, $0x3  }
0x23b: {  	[tilespmem:s17], [sflag:$0xE] =	stream.linear.gather [hbm4b:s28+s2], $0x190, $0x38;
	[tilespmem:$0x17E00] =	vst v63  }
0x23c: {  	s11 =	sshrl.u32 @!p1 s11, $0x3;
	s16 =	simm.s32 @!p1 $0x0;
	s14 =	sadd.s32 @!p1 s4, s14  }
0x23d: {  	[tilespmem:s16], [sflag:$0xB] =	stream.linear.gather @!p1 [hbm4b:s14+s16], $0x190, $0x38;
	[tilespmem:$0x17E00] =	vst v63  }
0x23e: {  	s11 =	sadd.s32 @!p1 s7, s11;
	s14 =	simm.s32 @!p1 $0x320  }
0x23f: {  	[tilespmem:s14], [sflag:$0xB] =	stream.linear.gather @!p1 [hbm4b:s11+s16], $0x1900, $0x38;
	[tilespmem:$0x17E00] =	vst v63  }
0x240: {  	_ =	swait.ge [sflag:s21], $0x1400  }
0x241: {  	[sflag:s21] =	ssyncset.done $0x0  }
0x242: {  	[sflag:s21] =	ssyncadd.s32 $0xFFFFEC00  }
0x243: {  	_ =	swait.ge [sflag:s18], $0xA00  }
0x244: {  	[sflag:s18] =	ssyncset.done $0x0  }
0x245: {  	s20 =	simm.s32 $0x38C0;
	[sflag:s18] =	ssyncadd.s32 $0xFFFFF600  }
0x246: {  	s16 =	simm.s32 $0x1F80;
	v1 =	vld [tilespmem:s20+$0x60]  }
0x247: {  	v2 =	vld [tilespmem:s16+$0x30];
	_ =	sdelay $0x2  }
0x248: {  	v4 =	vld [tilespmem:s20+$0xFFFFFFA0]  }
0x249: {  	v6 =	vld [tilespmem:s20+$0xFFFFFFC0];
	v3 =	vshll.u32 v1, $0x10  }
0x24a: {  	v10 =	vld [tilespmem:s16+$0xFFFFFFE0];
	v1 =	vand.u32 $0xFFFF0000, v1;
	v3 =	vmul.f32 v3, v2  }
0x24b: {  	s11 =	simm.s32 $0x6B40;
	v7 =	vld [tilespmem:s16+$0xFFFFFFD0];
	v1 =	vmul.f32 v1, v2  }
0x24c: {  	v5 =	vld [tilespmem:s20+$0xFFFFFF80];
	[tilespmem:s11+$0xC0] =	vst v3  }
0x24d: {  	v15 =	vld [tilespmem:s16+$0xFFFFFFC0];
	[tilespmem:s11+$0xD0] =	vst v1  }
0x24e: {  	v14 =	vshll.u32 v6, $0x10;
	v8 =	vld [tilespmem:s20+$0x70]  }
0x24f: {  	v14 =	vmul.f32 v14, v10;
	v1 =	vld [tilespmem:s20+$0xFFFFFFE0];
	v3 =	vshll.u32 v4, $0x10  }
0x250: {  	v11 =	vld [tilespmem:s16+$0xFFFFFFF0];
	v4 =	vand.u32 $0xFFFF0000, v4;
	v3 =	vmul.f32 v3, v7  }
0x251: {  	v12 =	vld [tilespmem:s20+$0x20];
	v6 =	vand.u32 $0xFFFF0000, v6;
	[tilespmem:s11+$0xFFFFFF80] =	vst v14;
	v4 =	vmul.f32 v4, v7  }
0x252: {  	v9 =	vld [tilespmem:s20+$0x0];
	v6 =	vmul.f32 v6, v10;
	v14 =	vshll.u32 v5, $0x10;
	v5 =	vand.u32 $0xFFFF0000, v5;
	[tilespmem:s11+$0xFFFFFF40] =	vst v3  }
0x253: {  	v5 =	vmul.f32 v5, v15;
	[tilespmem:s11+$0xFFFFFF50] =	vst v4;
	v4 =	vld [tilespmem:s16+$0x0];
	v13 =	vand.u32 $0xFFFF0000, v8  }
0x254: {  	[tilespmem:s11+$0xFFFFFF90] =	vst v6;
	v18 =	vld [tilespmem:s20+$0xFFFFFFB0];
	v16 =	vshll.u32 v1, $0x10;
	v3 =	vmul.f32 v13, v2  }
0x255: {  	v19 =	vld [tilespmem:s20+$0xFFFFFFD0];
	[tilespmem:s11+$0xFFFFFF10] =	vst v5;
	v17 =	vand.u32 $0xFFFF0000, v1;
	v16 =	vmul.f32 v16, v11  }
0x256: {  	v60 =	vshll.u32 v12, $0x10;
	v17 =	vmul.f32 v17, v11;
	[tilespmem:s11+$0xF0] =	vst v3;
	v3 =	vld [tilespmem:s16+$0x10]  }
0x257: {  	v12 =	vand.u32 $0xFFFF0000, v12;
	v6 =	vshll.u32 v9, $0x10;
	v14 =	vmul.f32 v14, v15;
	v13 =	vld [tilespmem:s20+$0x40];
	[tilespmem:s11+$0xFFFFFFC0] =	vst v16  }
0x258: {  	v9 =	vand.u32 $0xFFFF0000, v9;
	v1 =	vld [tilespmem:s16+$0x20];
	v5 =	vshll.u32 v8, $0x10;
	[tilespmem:s11+$0xFFFFFFD0] =	vst v17;
	v6 =	vmul.f32 v6, v4  }
0x259: {  	[tilespmem:s11+$0xFFFFFF00] =	vst v14;
	v2 =	vmul.f32 v5, v2;
	v9 =	vmul.f32 v9, v4;
	v14 =	vld [tilespmem:s20+$0xFFFFFFF0];
	v5 =	vshll.u32 v18, $0x10  }
0x25a: {  	[tilespmem:s11+$0x0] =	vst v6;
	v6 =	vand.u32 $0xFFFF0000, v18;
	v62 =	vmul.f32 v5, v7;
	v5 =	vshll.u32 v19, $0x10  }
0x25b: {  	v20 =	vld [tilespmem:s20+$0xFFFFFF90];
	[tilespmem:s11+$0x10] =	vst v9;
	v9 =	vmul.f32 v6, v7;
	v6 =	vand.u32 $0xFFFF0000, v19;
	v12 =	vmul.f32 v12, v3  }
0x25c: {  	v8 =	vmul.f32 v5, v10;
	v61 =	vshll.u32 v13, $0x10;
	v16 =	vmul.f32 v60, v3  }
0x25d: {  	v13 =	vand.u32 $0xFFFF0000, v13;
	v6 =	vmul.f32 v6, v10;
	v17 =	vmul.f32 v61, v1;
	[tilespmem:s11+$0x50] =	vst v12;
	v12 =	vld [tilespmem:s20+$0x10]  }
0x25e: {  	v13 =	vmul.f32 v13, v1;
	v5 =	vshll.u32 v14, $0x10;
	v10 =	vand.u32 $0xFFFF0000, v14;
	[tilespmem:s11+$0x40] =	vst v16  }
0x25f: {  	v7 =	vmul.f32 v5, v11;
	[tilespmem:s11+$0x80] =	vst v17;
	v5 =	vmul.f32 v10, v11;
	v10 =	vld [tilespmem:s20+$0x30]  }
0x260: {  	v63 =	vand.u32 $0xFFFF0000, v20;
	v11 =	vshll.u32 v20, $0x10;
	[tilespmem:s11+$0x90] =	vst v13  }
0x261: {  	s25 =	simm.s32 $0x39C0;
	s14 =	simm.s32 $0x0;
	[tilespmem:s11+$0xFFFFFF60] =	vst v62;
	v13 =	vmul.f32 v63, v15;
	v14 =	vmul.f32 v11, v15;
	v11 =	vld [tilespmem:s20+$0x50];
	s20 =	simm.s32 $0x6B40  }
.LBB2_15:
0x262: {  	v15 =	vld [tilespmem:s25+$0x60];
	[tilespmem:s11+$0xFFFFFF70] =	vst v9;
	v9 =	vshll.u32 v12, $0x10;
	v12 =	vand.u32 $0xFFFF0000, v12;
	s16 =	sadd.s32 $0x80, s16  }
0x263: {  	s14 =	sadd.s32 $0x8, s14;
	v16 =	vld [tilespmem:s16+$0x30];
	[tilespmem:s11+$0xFFFFFF20] =	vst v14;
	v9 =	vmul.f32 v9, v4;
	v4 =	vmul.f32 v12, v4  }
0x264: {  	p2 =	slt.u32 s14, $0x48;
	v12 =	vld [tilespmem:s25+$0xFFFFFF80];
	[tilespmem:s11+$0xFFFFFF30] =	vst v13;
	v13 =	vshll.u32 v10, $0x10;
	v10 =	vand.u32 $0xFFFF0000, v10  }
0x265: {  	v14 =	vld [tilespmem:s25+$0xFFFFFFA0];
	[tilespmem:s11+$0xFFFFFFA0] =	vst v8;
	v8 =	vmul.f32 v13, v3;
	v3 =	vmul.f32 v10, v3  }
0x266: {  	v10 =	vld [tilespmem:s25+$0xFFFFFFC0];
	[tilespmem:s11+$0xFFFFFFB0] =	vst v6;
	v6 =	vshll.u32 v11, $0x10;
	v11 =	vand.u32 $0xFFFF0000, v11  }
0x267: {  	v13 =	vld [tilespmem:s25+$0xFFFFFFE0];
	v17 =	vshll.u32 v15, $0x10;
	[tilespmem:s11+$0xFFFFFFE0] =	vst v7;
	v6 =	vmul.f32 v6, v1;
	v1 =	vmul.f32 v11, v1  }
0x268: {  	v11 =	vand.u32 $0xFFFF0000, v15;
	v7 =	vld [tilespmem:s25+$0x0];
	v15 =	vmul.f32 v17, v16;
	[tilespmem:s11+$0xFFFFFFF0] =	vst v5  }
0x269: {  	v11 =	vmul.f32 v11, v16;
	s11 =	sadd.s32 $0x200, s11;
	v5 =	vshll.u32 v12, $0x10;
	v12 =	vand.u32 $0xFFFF0000, v12;
	v17 =	vld [tilespmem:s25+$0x20];
	[tilespmem:s20+$0x20] =	vst v9  }
0x26a: {  	v9 =	vshll.u32 v14, $0x10;
	v14 =	vand.u32 $0xFFFF0000, v14;
	v18 =	vld [tilespmem:s25+$0x40];
	[tilespmem:s11+$0xC0] =	vst v15  }
0x26b: {  	v15 =	vld [tilespmem:s16+$0xFFFFFFD0];
	v19 =	vshll.u32 v10, $0x10;
	v10 =	vand.u32 $0xFFFF0000, v10;
	[tilespmem:s11+$0xD0] =	vst v11  }
0x26c: {  	v11 =	vshll.u32 v13, $0x10;
	v13 =	vand.u32 $0xFFFF0000, v13;
	v20 =	vld [tilespmem:s25+$0x70];
	[tilespmem:s20+$0x30] =	vst v4  }
0x26d: {  	v21 =	vld [tilespmem:s16+$0xFFFFFFE0];
	v22 =	vshll.u32 v7, $0x10;
	v7 =	vand.u32 $0xFFFF0000, v7;
	[tilespmem:s20+$0x60] =	vst v8  }
0x26e: {  	v23 =	vld [tilespmem:s16+$0xFFFFFFF0];
	v8 =	vshll.u32 v17, $0x10;
	v17 =	vand.u32 $0xFFFF0000, v17;
	[tilespmem:s20+$0x70] =	vst v3  }
0x26f: {  	v4 =	vld [tilespmem:s16+$0x0];
	v24 =	vshll.u32 v18, $0x10;
	v18 =	vand.u32 $0xFFFF0000, v18;
	[tilespmem:s20+$0xA0] =	vst v6  }
0x270: {  	v6 =	vmul.f32 v9, v15;
	v9 =	vmul.f32 v14, v15;
	v3 =	vld [tilespmem:s16+$0x10];
	[tilespmem:s20+$0xB0] =	vst v1  }
0x271: {  	v1 =	vld [tilespmem:s16+$0x20];
	v14 =	vshll.u32 v20, $0x10;
	v20 =	vand.u32 $0xFFFF0000, v20;
	[tilespmem:s20+$0xE0] =	vst v2;
	s20 =	smov.u32 s11  }
0x272: {  	v25 =	vld [tilespmem:s16+$0xFFFFFFC0];
	[tilespmem:s11+$0xFFFFFF40] =	vst v6;
	v2 =	vmul.f32 v19, v21;
	v6 =	vmul.f32 v20, v16  }
0x273: {  	[tilespmem:s11+$0xFFFFFF50] =	vst v9;
	v9 =	vmul.f32 v10, v21;
	v10 =	vmul.f32 v11, v23  }
0x274: {  	v13 =	vmul.f32 v13, v23;
	v11 =	vld [tilespmem:s25+$0xFFFFFFB0];
	v19 =	vmul.f32 v22, v4;
	[tilespmem:s11+$0xF0] =	vst v6  }
0x275: {  	v6 =	vmul.f32 v7, v4;
	[tilespmem:s11+$0xFFFFFF80] =	vst v2;
	v7 =	vmul.f32 v8, v3  }
0x276: {  	v17 =	vmul.f32 v17, v3;
	[tilespmem:s11+$0xFFFFFF90] =	vst v9;
	v20 =	vmul.f32 v24, v1  }
0x277: {  	v5 =	vmul.f32 v5, v25;
	v8 =	vmul.f32 v12, v25;
	v12 =	vld [tilespmem:s25+$0xFFFFFFD0];
	[tilespmem:s11+$0xFFFFFFC0] =	vst v10  }
0x278: {  	v2 =	vmul.f32 v14, v16;
	[tilespmem:s11+$0xFFFFFFD0] =	vst v13;
	v13 =	vmul.f32 v18, v1  }
0x279: {  	[tilespmem:s11+$0xFFFFFF00] =	vst v5;
	v5 =	vshll.u32 v11, $0x10;
	v9 =	vand.u32 $0xFFFF0000, v11;
	v10 =	vld [tilespmem:s25+$0xFFFFFFF0]  }
0x27a: {  	[tilespmem:s11+$0xFFFFFF10] =	vst v8;
	v11 =	vmul.f32 v5, v15;
	v9 =	vmul.f32 v9, v15  }
0x27b: {  	v14 =	vld [tilespmem:s25+$0xFFFFFF90];
	[tilespmem:s11+$0x0] =	vst v19  }
0x27c: {  	v5 =	vshll.u32 v12, $0x10;
	v12 =	vand.u32 $0xFFFF0000, v12;
	[tilespmem:s11+$0x10] =	vst v6  }
.Ltmp8:
0x27d: {  	v8 =	vmul.f32 v5, v21;
	v6 =	vmul.f32 v12, v21;
	v12 =	vld [tilespmem:s25+$0x10];
	[tilespmem:s11+$0x40] =	vst v7;
	(pc) =	sbr.rel @p2 .LBB2_15-.Ltmp8, $4  }
0x27e: {  	v5 =	vshll.u32 v10, $0x10;
	v10 =	vand.u32 $0xFFFF0000, v10;
	[tilespmem:s11+$0x50] =	vst v17  }
0x27f: {  	v7 =	vmul.f32 v5, v23;
	v5 =	vmul.f32 v10, v23;
	v10 =	vld [tilespmem:s25+$0x30];
	[tilespmem:s11+$0x80] =	vst v20  }
0x280: {  	v15 =	vshll.u32 v14, $0x10;
	v16 =	vand.u32 $0xFFFF0000, v14;
	[tilespmem:s11+$0x90] =	vst v13  }
0x281: {  	v14 =	vmul.f32 v15, v25;
	v13 =	vmul.f32 v16, v25;
	[tilespmem:s11+$0xFFFFFF60] =	vst v11;
	v11 =	vld [tilespmem:s25+$0x50];
	s25 =	sadd.s32 $0x100, s25  }
0x282: {  	[tilespmem:s11+$0xFFFFFF70] =	vst v9  }
0x283: {  	[tilespmem:s11+$0xFFFFFFA0] =	vst v8  }
0x284: {  	[tilespmem:s11+$0xFFFFFFB0] =	vst v6  }
0x285: {  	[tilespmem:s11+$0xFFFFFFE0] =	vst v7  }
0x286: {  	[tilespmem:s11+$0xFFFFFFF0] =	vst v5  }
0x287: {  	v8 =	vshll.u32 v12, $0x10;
	[tilespmem:s20+$0xE0] =	vst v2  }
0x288: {  	v6 =	vand.u32 $0xFFFF0000, v12;
	[tilespmem:s11+$0xFFFFFF20] =	vst v14;
	v8 =	vmul.f32 v8, v4  }
0x289: {  	[tilespmem:s11+$0xFFFFFF30] =	vst v13;
	v4 =	vmul.f32 v6, v4;
	v6 =	vshll.u32 v10, $0x10  }
0x28a: {  	v5 =	vand.u32 $0xFFFF0000, v10;
	v6 =	vmul.f32 v6, v3;
	[tilespmem:s20+$0x20] =	vst v8  }
0x28b: {  	v3 =	vmul.f32 v5, v3;
	[tilespmem:s20+$0x30] =	vst v4;
	v5 =	vshll.u32 v11, $0x10  }
0x28c: {  	v4 =	vand.u32 $0xFFFF0000, v11;
	v5 =	vmul.f32 v5, v1;
	[tilespmem:s20+$0x60] =	vst v6  }
0x28d: {  	v1 =	vmul.f32 v4, v1;
	[tilespmem:s20+$0x70] =	vst v3  }
0x28e: {  	[tilespmem:s20+$0xA0] =	vst v5  }
0x28f: {  	[tilespmem:s20+$0xB0] =	vst v1  }
0x290: {  	_ =	swait.ge [sflag:s29], $0x190  }
0x291: {  	[sflag:s29] =	ssyncset.done $0x0  }
0x292: {  	s11 =	simm.s32 @!p1 $0xB;
	[sflag:s29] =	ssyncadd.s32 $0xFFFFFE70  }
0x293: {  	_ =	swait.ge @!p1 [sflag:s11], $0x190  }
0x294: {  	[sflag:s11] =	ssyncset.done @!p1 $0x0  }
0x295: {  	[sflag:s11] =	ssyncadd.s32 @!p1 $0xFFFFFE70  }
0x296: {  	_ =	swait.ge @!p1 [sflag:s11], $0x1900  }
0x297: {  	s14 =	simm.s32 @!p1 $0x0;
	[sflag:s11] =	ssyncset.done @!p1 $0x0  }
0x298: {  	s16 =	simm.s32 @!p1 $0x3840;
	[sflag:s11] =	ssyncadd.s32 @!p1 $0xFFFFE700;
	s11 =	simm.s32 @!p1 $0x50  }
0x299: {  	[tilespmem:s16], [sflag:$0x1] =	stream.indirect.gather @!p1 [hbm4b:s12+s11], $0x20, s14, s11, $0xb8;
	[tilespmem:$0x17E00] =	vst v63  }
0x29a: {  	s25 =	simm.s32 $0x6A40  }
0x29b: {  	[spmem:s1] =	stream.indirect.scatter.add.f32 [tilespmem:s25], [sflag:$0x6], $0x40, s17, s31, $0xb8;
	[tilespmem:$0x17E00] =	vst v63  }
0x29c: {  	_ =	swait.ge [sflag:s0], $0x1400  }
0x29d: {  	[sflag:s0] =	ssyncset.done $0x0  }
0x29e: {  	[sflag:s0] =	ssyncadd.s32 $0xFFFFEC00  }
0x29f: {  	_ =	swait.ge [sflag:s24], $0xA00  }
0x2a0: {  	[sflag:s24] =	ssyncset.done $0x0  }
0x2a1: {  	s28 =	simm.s32 $0x4330;
	[sflag:s24] =	ssyncadd.s32 $0xFFFFF600  }
0x2a2: {  	s16 =	simm.s32 $0x24B0;
	v1 =	vld [tilespmem:s28+$0xFFFFFFF0]  }
0x2a3: {  	v2 =	vld [tilespmem:s16+$0x0];
	_ =	sdelay $0x2  }
0x2a4: {  	v4 =	vld [tilespmem:s28+$0xFFFFFF30]  }
0x2a5: {  	v6 =	vld [tilespmem:s28+$0xFFFFFF50];
	v3 =	vshll.u32 v1, $0x10  }
0x2a6: {  	v10 =	vld [tilespmem:s16+$0xFFFFFFB0];
	v1 =	vand.u32 $0xFFFF0000, v1;
	v3 =	vmul.f32 v3, v2  }
0x2a7: {  	s11 =	simm.s32 $0x8030;
	v7 =	vld [tilespmem:s16+$0xFFFFFFA0];
	v1 =	vmul.f32 v1, v2  }
0x2a8: {  	v5 =	vld [tilespmem:s28+$0xFFFFFF10];
	[tilespmem:s11+$0xFFFFFFD0] =	vst v3  }
0x2a9: {  	v15 =	vld [tilespmem:s16+$0xFFFFFF90];
	[tilespmem:s11+$0xFFFFFFE0] =	vst v1  }
0x2aa: {  	v14 =	vshll.u32 v6, $0x10;
	v8 =	vld [tilespmem:s28+$0x0]  }
0x2ab: {  	v14 =	vmul.f32 v14, v10;
	v1 =	vld [tilespmem:s28+$0xFFFFFF70];
	v3 =	vshll.u32 v4, $0x10  }
0x2ac: {  	v11 =	vld [tilespmem:s16+$0xFFFFFFC0];
	v4 =	vand.u32 $0xFFFF0000, v4;
	v3 =	vmul.f32 v3, v7  }
0x2ad: {  	v12 =	vld [tilespmem:s28+$0xFFFFFFB0];
	v6 =	vand.u32 $0xFFFF0000, v6;
	[tilespmem:s11+$0xFFFFFE90] =	vst v14;
	v4 =	vmul.f32 v4, v7  }
0x2ae: {  	v9 =	vld [tilespmem:s28+$0xFFFFFF90];
	v6 =	vmul.f32 v6, v10;
	v14 =	vshll.u32 v5, $0x10;
	v5 =	vand.u32 $0xFFFF0000, v5;
	[tilespmem:s11+$0xFFFFFE50] =	vst v3  }
0x2af: {  	v5 =	vmul.f32 v5, v15;
	[tilespmem:s11+$0xFFFFFE60] =	vst v4;
	v4 =	vld [tilespmem:s16+$0xFFFFFFD0];
	v13 =	vand.u32 $0xFFFF0000, v8  }
0x2b0: {  	[tilespmem:s11+$0xFFFFFEA0] =	vst v6;
	v18 =	vld [tilespmem:s28+$0xFFFFFF40];
	v16 =	vshll.u32 v1, $0x10;
	v3 =	vmul.f32 v13, v2  }
0x2b1: {  	v19 =	vld [tilespmem:s28+$0xFFFFFF60];
	[tilespmem:s11+$0xFFFFFE20] =	vst v5;
	v17 =	vand.u32 $0xFFFF0000, v1;
	v16 =	vmul.f32 v16, v11  }
0x2b2: {  	v60 =	vshll.u32 v12, $0x10;
	v17 =	vmul.f32 v17, v11;
	[tilespmem:s11+$0x0] =	vst v3;
	v3 =	vld [tilespmem:s16+$0xFFFFFFE0]  }
0x2b3: {  	v12 =	vand.u32 $0xFFFF0000, v12;
	v6 =	vshll.u32 v9, $0x10;
	v14 =	vmul.f32 v14, v15;
	v13 =	vld [tilespmem:s28+$0xFFFFFFD0];
	[tilespmem:s11+$0xFFFFFED0] =	vst v16  }
0x2b4: {  	v9 =	vand.u32 $0xFFFF0000, v9;
	v1 =	vld [tilespmem:s16+$0xFFFFFFF0];
	v5 =	vshll.u32 v8, $0x10;
	[tilespmem:s11+$0xFFFFFEE0] =	vst v17;
	v6 =	vmul.f32 v6, v4  }
0x2b5: {  	[tilespmem:s11+$0xFFFFFE10] =	vst v14;
	v2 =	vmul.f32 v5, v2;
	v9 =	vmul.f32 v9, v4;
	v14 =	vld [tilespmem:s28+$0xFFFFFF80];
	v5 =	vshll.u32 v18, $0x10  }
0x2b6: {  	[tilespmem:s11+$0xFFFFFF10] =	vst v6;
	v6 =	vand.u32 $0xFFFF0000, v18;
	v62 =	vmul.f32 v5, v7;
	v5 =	vshll.u32 v19, $0x10  }
0x2b7: {  	v20 =	vld [tilespmem:s28+$0xFFFFFF20];
	[tilespmem:s11+$0xFFFFFF20] =	vst v9;
	v9 =	vmul.f32 v6, v7;
	v6 =	vand.u32 $0xFFFF0000, v19;
	v12 =	vmul.f32 v12, v3  }
0x2b8: {  	v8 =	vmul.f32 v5, v10;
	v61 =	vshll.u32 v13, $0x10;
	v16 =	vmul.f32 v60, v3  }
0x2b9: {  	v13 =	vand.u32 $0xFFFF0000, v13;
	v6 =	vmul.f32 v6, v10;
	v17 =	vmul.f32 v61, v1;
	[tilespmem:s11+$0xFFFFFF60] =	vst v12;
	v12 =	vld [tilespmem:s28+$0xFFFFFFA0]  }
0x2ba: {  	v13 =	vmul.f32 v13, v1;
	v5 =	vshll.u32 v14, $0x10;
	v10 =	vand.u32 $0xFFFF0000, v14;
	[tilespmem:s11+$0xFFFFFF50] =	vst v16  }
0x2bb: {  	v7 =	vmul.f32 v5, v11;
	[tilespmem:s11+$0xFFFFFF90] =	vst v17;
	v5 =	vmul.f32 v10, v11;
	v10 =	vld [tilespmem:s28+$0xFFFFFFC0]  }
0x2bc: {  	v63 =	vand.u32 $0xFFFF0000, v20;
	v11 =	vshll.u32 v20, $0x10;
	[tilespmem:s11+$0xFFFFFFA0] =	vst v13  }
0x2bd: {  	s20 =	simm.s32 $0x8030;
	s14 =	simm.s32 $0x0;
	s25 =	simm.s32 $0x4430;
	[tilespmem:s11+$0xFFFFFE70] =	vst v62;
	v13 =	vmul.f32 v63, v15;
	v14 =	vmul.f32 v11, v15;
	v11 =	vld [tilespmem:s28+$0xFFFFFFE0]  }
.LBB2_17:
0x2be: {  	v15 =	vld [tilespmem:s25+$0xFFFFFFF0];
	[tilespmem:s11+$0xFFFFFE80] =	vst v9;
	v9 =	vshll.u32 v12, $0x10;
	v12 =	vand.u32 $0xFFFF0000, v12;
	s16 =	sadd.s32 $0x80, s16  }
0x2bf: {  	s14 =	sadd.s32 $0x8, s14;
	v16 =	vld [tilespmem:s16+$0x0];
	[tilespmem:s11+$0xFFFFFE30] =	vst v14;
	v9 =	vmul.f32 v9, v4;
	v4 =	vmul.f32 v12, v4  }
0x2c0: {  	p2 =	slt.u32 s14, $0x48;
	v12 =	vld [tilespmem:s25+$0xFFFFFF10];
	[tilespmem:s11+$0xFFFFFE40] =	vst v13;
	v13 =	vshll.u32 v10, $0x10;
	v10 =	vand.u32 $0xFFFF0000, v10  }
0x2c1: {  	v14 =	vld [tilespmem:s25+$0xFFFFFF30];
	[tilespmem:s11+$0xFFFFFEB0] =	vst v8;
	v8 =	vmul.f32 v13, v3;
	v3 =	vmul.f32 v10, v3  }
0x2c2: {  	v10 =	vld [tilespmem:s25+$0xFFFFFF50];
	[tilespmem:s11+$0xFFFFFEC0] =	vst v6;
	v6 =	vshll.u32 v11, $0x10;
	v11 =	vand.u32 $0xFFFF0000, v11  }
0x2c3: {  	v13 =	vld [tilespmem:s25+$0xFFFFFF70];
	v17 =	vshll.u32 v15, $0x10;
	[tilespmem:s11+$0xFFFFFEF0] =	vst v7;
	v6 =	vmul.f32 v6, v1;
	v1 =	vmul.f32 v11, v1  }
0x2c4: {  	v11 =	vand.u32 $0xFFFF0000, v15;
	v7 =	vld [tilespmem:s25+$0xFFFFFF90];
	v15 =	vmul.f32 v17, v16;
	[tilespmem:s11+$0xFFFFFF00] =	vst v5  }
0x2c5: {  	v11 =	vmul.f32 v11, v16;
	s11 =	sadd.s32 $0x200, s11;
	v5 =	vshll.u32 v12, $0x10;
	v12 =	vand.u32 $0xFFFF0000, v12;
	v17 =	vld [tilespmem:s25+$0xFFFFFFB0];
	[tilespmem:s20+$0xFFFFFF30] =	vst v9  }
0x2c6: {  	v9 =	vshll.u32 v14, $0x10;
	v14 =	vand.u32 $0xFFFF0000, v14;
	v18 =	vld [tilespmem:s25+$0xFFFFFFD0];
	[tilespmem:s11+$0xFFFFFFD0] =	vst v15  }
0x2c7: {  	v15 =	vld [tilespmem:s16+$0xFFFFFFA0];
	v19 =	vshll.u32 v10, $0x10;
	v10 =	vand.u32 $0xFFFF0000, v10;
	[tilespmem:s11+$0xFFFFFFE0] =	vst v11  }
0x2c8: {  	v11 =	vshll.u32 v13, $0x10;
	v13 =	vand.u32 $0xFFFF0000, v13;
	v20 =	vld [tilespmem:s25+$0x0];
	[tilespmem:s20+$0xFFFFFF40] =	vst v4  }
0x2c9: {  	v21 =	vld [tilespmem:s16+$0xFFFFFFB0];
	v22 =	vshll.u32 v7, $0x10;
	v7 =	vand.u32 $0xFFFF0000, v7;
	[tilespmem:s20+$0xFFFFFF70] =	vst v8  }
0x2ca: {  	v23 =	vld [tilespmem:s16+$0xFFFFFFC0];
	v8 =	vshll.u32 v17, $0x10;
	v17 =	vand.u32 $0xFFFF0000, v17;
	[tilespmem:s20+$0xFFFFFF80] =	vst v3  }
0x2cb: {  	v4 =	vld [tilespmem:s16+$0xFFFFFFD0];
	v24 =	vshll.u32 v18, $0x10;
	v18 =	vand.u32 $0xFFFF0000, v18;
	[tilespmem:s20+$0xFFFFFFB0] =	vst v6  }
0x2cc: {  	v6 =	vmul.f32 v9, v15;
	v9 =	vmul.f32 v14, v15;
	v3 =	vld [tilespmem:s16+$0xFFFFFFE0];
	[tilespmem:s20+$0xFFFFFFC0] =	vst v1  }
0x2cd: {  	v1 =	vld [tilespmem:s16+$0xFFFFFFF0];
	v14 =	vshll.u32 v20, $0x10;
	v20 =	vand.u32 $0xFFFF0000, v20;
	[tilespmem:s20+$0xFFFFFFF0] =	vst v2;
	s20 =	smov.u32 s11  }
0x2ce: {  	v25 =	vld [tilespmem:s16+$0xFFFFFF90];
	[tilespmem:s11+$0xFFFFFE50] =	vst v6;
	v2 =	vmul.f32 v19, v21;
	v6 =	vmul.f32 v20, v16  }
0x2cf: {  	[tilespmem:s11+$0xFFFFFE60] =	vst v9;
	v9 =	vmul.f32 v10, v21;
	v10 =	vmul.f32 v11, v23  }
0x2d0: {  	v13 =	vmul.f32 v13, v23;
	v11 =	vld [tilespmem:s25+$0xFFFFFF40];
	v19 =	vmul.f32 v22, v4;
	[tilespmem:s11+$0x0] =	vst v6  }
0x2d1: {  	v6 =	vmul.f32 v7, v4;
	[tilespmem:s11+$0xFFFFFE90] =	vst v2;
	v7 =	vmul.f32 v8, v3  }
0x2d2: {  	v17 =	vmul.f32 v17, v3;
	[tilespmem:s11+$0xFFFFFEA0] =	vst v9;
	v20 =	vmul.f32 v24, v1  }
0x2d3: {  	v5 =	vmul.f32 v5, v25;
	v8 =	vmul.f32 v12, v25;
	v12 =	vld [tilespmem:s25+$0xFFFFFF60];
	[tilespmem:s11+$0xFFFFFED0] =	vst v10  }
0x2d4: {  	v2 =	vmul.f32 v14, v16;
	[tilespmem:s11+$0xFFFFFEE0] =	vst v13;
	v13 =	vmul.f32 v18, v1  }
0x2d5: {  	[tilespmem:s11+$0xFFFFFE10] =	vst v5;
	v5 =	vshll.u32 v11, $0x10;
	v9 =	vand.u32 $0xFFFF0000, v11;
	v10 =	vld [tilespmem:s25+$0xFFFFFF80]  }
0x2d6: {  	[tilespmem:s11+$0xFFFFFE20] =	vst v8;
	v11 =	vmul.f32 v5, v15;
	v9 =	vmul.f32 v9, v15  }
0x2d7: {  	v14 =	vld [tilespmem:s25+$0xFFFFFF20];
	[tilespmem:s11+$0xFFFFFF10] =	vst v19  }
0x2d8: {  	v5 =	vshll.u32 v12, $0x10;
	v12 =	vand.u32 $0xFFFF0000, v12;
	[tilespmem:s11+$0xFFFFFF20] =	vst v6  }
.Ltmp9:
0x2d9: {  	v8 =	vmul.f32 v5, v21;
	v6 =	vmul.f32 v12, v21;
	v12 =	vld [tilespmem:s25+$0xFFFFFFA0];
	[tilespmem:s11+$0xFFFFFF50] =	vst v7;
	(pc) =	sbr.rel @p2 .LBB2_17-.Ltmp9, $4  }
0x2da: {  	v5 =	vshll.u32 v10, $0x10;
	v10 =	vand.u32 $0xFFFF0000, v10;
	[tilespmem:s11+$0xFFFFFF60] =	vst v17  }
0x2db: {  	v7 =	vmul.f32 v5, v23;
	v5 =	vmul.f32 v10, v23;
	v10 =	vld [tilespmem:s25+$0xFFFFFFC0];
	[tilespmem:s11+$0xFFFFFF90] =	vst v20  }
0x2dc: {  	v15 =	vshll.u32 v14, $0x10;
	v16 =	vand.u32 $0xFFFF0000, v14;
	[tilespmem:s11+$0xFFFFFFA0] =	vst v13  }
0x2dd: {  	v14 =	vmul.f32 v15, v25;
	v13 =	vmul.f32 v16, v25;
	[tilespmem:s11+$0xFFFFFE70] =	vst v11;
	v11 =	vld [tilespmem:s25+$0xFFFFFFE0];
	s25 =	sadd.s32 $0x100, s25  }
0x2de: {  	[tilespmem:s11+$0xFFFFFE80] =	vst v9  }
0x2df: {  	[tilespmem:s11+$0xFFFFFEB0] =	vst v8  }
0x2e0: {  	[tilespmem:s11+$0xFFFFFEC0] =	vst v6  }
0x2e1: {  	[tilespmem:s11+$0xFFFFFEF0] =	vst v7  }
0x2e2: {  	[tilespmem:s11+$0xFFFFFF00] =	vst v5  }
0x2e3: {  	v8 =	vshll.u32 v12, $0x10;
	[tilespmem:s20+$0xFFFFFFF0] =	vst v2  }
0x2e4: {  	v6 =	vand.u32 $0xFFFF0000, v12;
	[tilespmem:s11+$0xFFFFFE30] =	vst v14;
	v8 =	vmul.f32 v8, v4  }
0x2e5: {  	[tilespmem:s11+$0xFFFFFE40] =	vst v13;
	v4 =	vmul.f32 v6, v4;
	v6 =	vshll.u32 v10, $0x10  }
0x2e6: {  	v5 =	vand.u32 $0xFFFF0000, v10;
	v6 =	vmul.f32 v6, v3;
	[tilespmem:s20+$0xFFFFFF30] =	vst v8  }
0x2e7: {  	v3 =	vmul.f32 v5, v3;
	[tilespmem:s20+$0xFFFFFF40] =	vst v4;
	v5 =	vshll.u32 v11, $0x10  }
0x2e8: {  	v4 =	vand.u32 $0xFFFF0000, v11;
	v5 =	vmul.f32 v5, v1;
	[tilespmem:s20+$0xFFFFFF70] =	vst v6  }
0x2e9: {  	v1 =	vmul.f32 v4, v1;
	[tilespmem:s20+$0xFFFFFF80] =	vst v3  }
0x2ea: {  	[tilespmem:s20+$0xFFFFFFB0] =	vst v5  }
0x2eb: {  	s14 =	simm.s32 @!p1 $0x4240;
	s11 =	simm.s32 @!p1 $0x50;
	[tilespmem:s20+$0xFFFFFFC0] =	vst v1  }
0x2ec: {  	[tilespmem:s14], [sflag:$0x2] =	stream.indirect.gather @!p1 [hbm4b:s12+s11], $0x20, s11, s11, $0xb8;
	[tilespmem:$0x17E00] =	vst v63  }
0x2ed: {  	s25 =	simm.s32 $0x1E00;
	s20 =	simm.s32 $0x7E40  }
0x2ee: {  	[spmem:s1] =	stream.indirect.scatter.add.f32 [tilespmem:s20], [sflag:$0x7], $0x40, s25, s31, $0xb8;
	[tilespmem:$0x17E00] =	vst v63  }
0x2ef: {  	_ =	swait.ge [sflag:s26], $0x1400  }
0x2f0: {  	[sflag:s26] =	ssyncset.done $0x0  }
0x2f1: {  	[sflag:s26] =	ssyncadd.s32 $0xFFFFEC00  }
0x2f2: {  	_ =	swait.ge [sflag:s13], $0xA00  }
0x2f3: {  	[sflag:s13] =	ssyncset.done $0x0  }
0x2f4: {  	s28 =	simm.s32 $0x4D30;
	[sflag:s13] =	ssyncadd.s32 $0xFFFFF600  }
0x2f5: {  	s16 =	simm.s32 $0x29B0;
	v1 =	vld [tilespmem:s28+$0xFFFFFFF0]  }
0x2f6: {  	v2 =	vld [tilespmem:s16+$0x0];
	_ =	sdelay $0x2  }
0x2f7: {  	v4 =	vld [tilespmem:s28+$0xFFFFFF30]  }
0x2f8: {  	v6 =	vld [tilespmem:s28+$0xFFFFFF50];
	v3 =	vshll.u32 v1, $0x10  }
0x2f9: {  	v10 =	vld [tilespmem:s16+$0xFFFFFFB0];
	v1 =	vand.u32 $0xFFFF0000, v1;
	v3 =	vmul.f32 v3, v2  }
0x2fa: {  	s11 =	simm.s32 $0x9430;
	v7 =	vld [tilespmem:s16+$0xFFFFFFA0];
	v1 =	vmul.f32 v1, v2  }
0x2fb: {  	v5 =	vld [tilespmem:s28+$0xFFFFFF10];
	[tilespmem:s11+$0xFFFFFFD0] =	vst v3  }
0x2fc: {  	v15 =	vld [tilespmem:s16+$0xFFFFFF90];
	[tilespmem:s11+$0xFFFFFFE0] =	vst v1  }
0x2fd: {  	v14 =	vshll.u32 v6, $0x10;
	v8 =	vld [tilespmem:s28+$0x0]  }
0x2fe: {  	v14 =	vmul.f32 v14, v10;
	v1 =	vld [tilespmem:s28+$0xFFFFFF70];
	v3 =	vshll.u32 v4, $0x10  }
0x2ff: {  	v11 =	vld [tilespmem:s16+$0xFFFFFFC0];
	v4 =	vand.u32 $0xFFFF0000, v4;
	v3 =	vmul.f32 v3, v7  }
0x300: {  	v12 =	vld [tilespmem:s28+$0xFFFFFFB0];
	v6 =	vand.u32 $0xFFFF0000, v6;
	[tilespmem:s11+$0xFFFFFE90] =	vst v14;
	v4 =	vmul.f32 v4, v7  }
0x301: {  	v9 =	vld [tilespmem:s28+$0xFFFFFF90];
	v6 =	vmul.f32 v6, v10;
	v14 =	vshll.u32 v5, $0x10;
	v5 =	vand.u32 $0xFFFF0000, v5;
	[tilespmem:s11+$0xFFFFFE50] =	vst v3  }
0x302: {  	v5 =	vmul.f32 v5, v15;
	[tilespmem:s11+$0xFFFFFE60] =	vst v4;
	v4 =	vld [tilespmem:s16+$0xFFFFFFD0];
	v13 =	vand.u32 $0xFFFF0000, v8  }
0x303: {  	[tilespmem:s11+$0xFFFFFEA0] =	vst v6;
	v18 =	vld [tilespmem:s28+$0xFFFFFF40];
	v16 =	vshll.u32 v1, $0x10;
	v3 =	vmul.f32 v13, v2  }
0x304: {  	v19 =	vld [tilespmem:s28+$0xFFFFFF60];
	[tilespmem:s11+$0xFFFFFE20] =	vst v5;
	v17 =	vand.u32 $0xFFFF0000, v1;
	v16 =	vmul.f32 v16, v11  }
0x305: {  	v60 =	vshll.u32 v12, $0x10;
	v17 =	vmul.f32 v17, v11;
	[tilespmem:s11+$0x0] =	vst v3;
	v3 =	vld [tilespmem:s16+$0xFFFFFFE0]  }
0x306: {  	v12 =	vand.u32 $0xFFFF0000, v12;
	v6 =	vshll.u32 v9, $0x10;
	v14 =	vmul.f32 v14, v15;
	v13 =	vld [tilespmem:s28+$0xFFFFFFD0];
	[tilespmem:s11+$0xFFFFFED0] =	vst v16  }
0x307: {  	v9 =	vand.u32 $0xFFFF0000, v9;
	v1 =	vld [tilespmem:s16+$0xFFFFFFF0];
	v5 =	vshll.u32 v8, $0x10;
	[tilespmem:s11+$0xFFFFFEE0] =	vst v17;
	v6 =	vmul.f32 v6, v4  }
0x308: {  	[tilespmem:s11+$0xFFFFFE10] =	vst v14;
	v2 =	vmul.f32 v5, v2;
	v9 =	vmul.f32 v9, v4;
	v14 =	vld [tilespmem:s28+$0xFFFFFF80];
	v5 =	vshll.u32 v18, $0x10  }
0x309: {  	[tilespmem:s11+$0xFFFFFF10] =	vst v6;
	v6 =	vand.u32 $0xFFFF0000, v18;
	v62 =	vmul.f32 v5, v7;
	v5 =	vshll.u32 v19, $0x10  }
0x30a: {  	v20 =	vld [tilespmem:s28+$0xFFFFFF20];
	[tilespmem:s11+$0xFFFFFF20] =	vst v9;
	v9 =	vmul.f32 v6, v7;
	v6 =	vand.u32 $0xFFFF0000, v19;
	v12 =	vmul.f32 v12, v3  }
0x30b: {  	v8 =	vmul.f32 v5, v10;
	v61 =	vshll.u32 v13, $0x10;
	v16 =	vmul.f32 v60, v3  }
0x30c: {  	v13 =	vand.u32 $0xFFFF0000, v13;
	v6 =	vmul.f32 v6, v10;
	v17 =	vmul.f32 v61, v1;
	[tilespmem:s11+$0xFFFFFF60] =	vst v12;
	v12 =	vld [tilespmem:s28+$0xFFFFFFA0]  }
0x30d: {  	v13 =	vmul.f32 v13, v1;
	v5 =	vshll.u32 v14, $0x10;
	v10 =	vand.u32 $0xFFFF0000, v14;
	[tilespmem:s11+$0xFFFFFF50] =	vst v16  }
0x30e: {  	v7 =	vmul.f32 v5, v11;
	[tilespmem:s11+$0xFFFFFF90] =	vst v17;
	v5 =	vmul.f32 v10, v11;
	v10 =	vld [tilespmem:s28+$0xFFFFFFC0]  }
0x30f: {  	v63 =	vand.u32 $0xFFFF0000, v20;
	v11 =	vshll.u32 v20, $0x10;
	[tilespmem:s11+$0xFFFFFFA0] =	vst v13  }
0x310: {  	s14 =	simm.s32 $0x0;
	s25 =	simm.s32 $0x4E30;
	s20 =	simm.s32 $0x9430;
	[tilespmem:s11+$0xFFFFFE70] =	vst v62;
	v13 =	vmul.f32 v63, v15;
	v14 =	vmul.f32 v11, v15;
	v11 =	vld [tilespmem:s28+$0xFFFFFFE0]  }
.LBB2_19:
0x311: {  	v15 =	vld [tilespmem:s25+$0xFFFFFFF0];
	[tilespmem:s11+$0xFFFFFE80] =	vst v9;
	v9 =	vshll.u32 v12, $0x10;
	v12 =	vand.u32 $0xFFFF0000, v12;
	s16 =	sadd.s32 $0x80, s16  }
0x312: {  	s14 =	sadd.s32 $0x8, s14;
	v16 =	vld [tilespmem:s16+$0x0];
	[tilespmem:s11+$0xFFFFFE30] =	vst v14;
	v9 =	vmul.f32 v9, v4;
	v4 =	vmul.f32 v12, v4  }
0x313: {  	p2 =	slt.u32 s14, $0x48;
	v12 =	vld [tilespmem:s25+$0xFFFFFF10];
	[tilespmem:s11+$0xFFFFFE40] =	vst v13;
	v13 =	vshll.u32 v10, $0x10;
	v10 =	vand.u32 $0xFFFF0000, v10  }
0x314: {  	v14 =	vld [tilespmem:s25+$0xFFFFFF30];
	[tilespmem:s11+$0xFFFFFEB0] =	vst v8;
	v8 =	vmul.f32 v13, v3;
	v3 =	vmul.f32 v10, v3  }
0x315: {  	v10 =	vld [tilespmem:s25+$0xFFFFFF50];
	[tilespmem:s11+$0xFFFFFEC0] =	vst v6;
	v6 =	vshll.u32 v11, $0x10;
	v11 =	vand.u32 $0xFFFF0000, v11  }
0x316: {  	v13 =	vld [tilespmem:s25+$0xFFFFFF70];
	v17 =	vshll.u32 v15, $0x10;
	[tilespmem:s11+$0xFFFFFEF0] =	vst v7;
	v6 =	vmul.f32 v6, v1;
	v1 =	vmul.f32 v11, v1  }
0x317: {  	v11 =	vand.u32 $0xFFFF0000, v15;
	v7 =	vld [tilespmem:s25+$0xFFFFFF90];
	v15 =	vmul.f32 v17, v16;
	[tilespmem:s11+$0xFFFFFF00] =	vst v5  }
0x318: {  	v11 =	vmul.f32 v11, v16;
	s11 =	sadd.s32 $0x200, s11;
	v5 =	vshll.u32 v12, $0x10;
	v12 =	vand.u32 $0xFFFF0000, v12;
	v17 =	vld [tilespmem:s25+$0xFFFFFFB0];
	[tilespmem:s20+$0xFFFFFF30] =	vst v9  }
0x319: {  	v9 =	vshll.u32 v14, $0x10;
	v14 =	vand.u32 $0xFFFF0000, v14;
	v18 =	vld [tilespmem:s25+$0xFFFFFFD0];
	[tilespmem:s11+$0xFFFFFFD0] =	vst v15  }
0x31a: {  	v15 =	vld [tilespmem:s16+$0xFFFFFFA0];
	v19 =	vshll.u32 v10, $0x10;
	v10 =	vand.u32 $0xFFFF0000, v10;
	[tilespmem:s11+$0xFFFFFFE0] =	vst v11  }
0x31b: {  	v11 =	vshll.u32 v13, $0x10;
	v13 =	vand.u32 $0xFFFF0000, v13;
	v20 =	vld [tilespmem:s25+$0x0];
	[tilespmem:s20+$0xFFFFFF40] =	vst v4  }
0x31c: {  	v21 =	vld [tilespmem:s16+$0xFFFFFFB0];
	v22 =	vshll.u32 v7, $0x10;
	v7 =	vand.u32 $0xFFFF0000, v7;
	[tilespmem:s20+$0xFFFFFF70] =	vst v8  }
0x31d: {  	v23 =	vld [tilespmem:s16+$0xFFFFFFC0];
	v8 =	vshll.u32 v17, $0x10;
	v17 =	vand.u32 $0xFFFF0000, v17;
	[tilespmem:s20+$0xFFFFFF80] =	vst v3  }
0x31e: {  	v4 =	vld [tilespmem:s16+$0xFFFFFFD0];
	v24 =	vshll.u32 v18, $0x10;
	v18 =	vand.u32 $0xFFFF0000, v18;
	[tilespmem:s20+$0xFFFFFFB0] =	vst v6  }
0x31f: {  	v6 =	vmul.f32 v9, v15;
	v9 =	vmul.f32 v14, v15;
	v3 =	vld [tilespmem:s16+$0xFFFFFFE0];
	[tilespmem:s20+$0xFFFFFFC0] =	vst v1  }
0x320: {  	v1 =	vld [tilespmem:s16+$0xFFFFFFF0];
	v14 =	vshll.u32 v20, $0x10;
	v20 =	vand.u32 $0xFFFF0000, v20;
	[tilespmem:s20+$0xFFFFFFF0] =	vst v2;
	s20 =	smov.u32 s11  }
0x321: {  	v25 =	vld [tilespmem:s16+$0xFFFFFF90];
	[tilespmem:s11+$0xFFFFFE50] =	vst v6;
	v2 =	vmul.f32 v19, v21;
	v6 =	vmul.f32 v20, v16  }
0x322: {  	[tilespmem:s11+$0xFFFFFE60] =	vst v9;
	v9 =	vmul.f32 v10, v21;
	v10 =	vmul.f32 v11, v23  }
0x323: {  	v13 =	vmul.f32 v13, v23;
	v11 =	vld [tilespmem:s25+$0xFFFFFF40];
	v19 =	vmul.f32 v22, v4;
	[tilespmem:s11+$0x0] =	vst v6  }
0x324: {  	v6 =	vmul.f32 v7, v4;
	[tilespmem:s11+$0xFFFFFE90] =	vst v2;
	v7 =	vmul.f32 v8, v3  }
0x325: {  	v17 =	vmul.f32 v17, v3;
	[tilespmem:s11+$0xFFFFFEA0] =	vst v9;
	v20 =	vmul.f32 v24, v1  }
0x326: {  	v5 =	vmul.f32 v5, v25;
	v8 =	vmul.f32 v12, v25;
	v12 =	vld [tilespmem:s25+$0xFFFFFF60];
	[tilespmem:s11+$0xFFFFFED0] =	vst v10  }
0x327: {  	v2 =	vmul.f32 v14, v16;
	[tilespmem:s11+$0xFFFFFEE0] =	vst v13;
	v13 =	vmul.f32 v18, v1  }
0x328: {  	[tilespmem:s11+$0xFFFFFE10] =	vst v5;
	v5 =	vshll.u32 v11, $0x10;
	v9 =	vand.u32 $0xFFFF0000, v11;
	v10 =	vld [tilespmem:s25+$0xFFFFFF80]  }
0x329: {  	[tilespmem:s11+$0xFFFFFE20] =	vst v8;
	v11 =	vmul.f32 v5, v15;
	v9 =	vmul.f32 v9, v15  }
0x32a: {  	v14 =	vld [tilespmem:s25+$0xFFFFFF20];
	[tilespmem:s11+$0xFFFFFF10] =	vst v19  }
0x32b: {  	v5 =	vshll.u32 v12, $0x10;
	v12 =	vand.u32 $0xFFFF0000, v12;
	[tilespmem:s11+$0xFFFFFF20] =	vst v6  }
.Ltmp10:
0x32c: {  	v8 =	vmul.f32 v5, v21;
	v6 =	vmul.f32 v12, v21;
	v12 =	vld [tilespmem:s25+$0xFFFFFFA0];
	[tilespmem:s11+$0xFFFFFF50] =	vst v7;
	(pc) =	sbr.rel @p2 .LBB2_19-.Ltmp10, $4  }
0x32d: {  	v5 =	vshll.u32 v10, $0x10;
	v10 =	vand.u32 $0xFFFF0000, v10;
	[tilespmem:s11+$0xFFFFFF60] =	vst v17  }
0x32e: {  	v7 =	vmul.f32 v5, v23;
	v5 =	vmul.f32 v10, v23;
	v10 =	vld [tilespmem:s25+$0xFFFFFFC0];
	[tilespmem:s11+$0xFFFFFF90] =	vst v20  }
0x32f: {  	v15 =	vshll.u32 v14, $0x10;
	v16 =	vand.u32 $0xFFFF0000, v14;
	[tilespmem:s11+$0xFFFFFFA0] =	vst v13  }
0x330: {  	v14 =	vmul.f32 v15, v25;
	v13 =	vmul.f32 v16, v25;
	[tilespmem:s11+$0xFFFFFE70] =	vst v11;
	v11 =	vld [tilespmem:s25+$0xFFFFFFE0];
	s25 =	sadd.s32 $0x100, s25  }
0x331: {  	[tilespmem:s11+$0xFFFFFE80] =	vst v9  }
0x332: {  	[tilespmem:s11+$0xFFFFFEB0] =	vst v8  }
0x333: {  	[tilespmem:s11+$0xFFFFFEC0] =	vst v6  }
0x334: {  	[tilespmem:s11+$0xFFFFFEF0] =	vst v7  }
0x335: {  	[tilespmem:s11+$0xFFFFFF00] =	vst v5  }
0x336: {  	v8 =	vshll.u32 v12, $0x10;
	[tilespmem:s20+$0xFFFFFFF0] =	vst v2  }
0x337: {  	v6 =	vand.u32 $0xFFFF0000, v12;
	[tilespmem:s11+$0xFFFFFE30] =	vst v14;
	v8 =	vmul.f32 v8, v4  }
0x338: {  	[tilespmem:s11+$0xFFFFFE40] =	vst v13;
	v4 =	vmul.f32 v6, v4;
	v6 =	vshll.u32 v10, $0x10  }
0x339: {  	v5 =	vand.u32 $0xFFFF0000, v10;
	v6 =	vmul.f32 v6, v3;
	[tilespmem:s20+$0xFFFFFF30] =	vst v8  }
0x33a: {  	v3 =	vmul.f32 v5, v3;
	[tilespmem:s20+$0xFFFFFF40] =	vst v4;
	v5 =	vshll.u32 v11, $0x10  }
0x33b: {  	v4 =	vand.u32 $0xFFFF0000, v11;
	v5 =	vmul.f32 v5, v1;
	[tilespmem:s20+$0xFFFFFF70] =	vst v6  }
0x33c: {  	v1 =	vmul.f32 v4, v1;
	[tilespmem:s20+$0xFFFFFF80] =	vst v3  }
0x33d: {  	[tilespmem:s20+$0xFFFFFFB0] =	vst v5  }
0x33e: {  	s14 =	simm.s32 @!p1 $0xA0;
	s16 =	simm.s32 @!p1 $0x4C40;
	s11 =	simm.s32 @!p1 $0x50;
	[tilespmem:s20+$0xFFFFFFC0] =	vst v1  }
0x33f: {  	[tilespmem:s16], [sflag:$0x3] =	stream.indirect.gather @!p1 [hbm4b:s12+s11], $0x20, s14, s11, $0xb8;
	[tilespmem:$0x17E00] =	vst v63  }
0x340: {  	s25 =	simm.s32 $0x1E50;
	s20 =	simm.s32 $0x9240  }
0x341: {  	[spmem:s1] =	stream.indirect.scatter.add.f32 [tilespmem:s20], [sflag:$0x8], $0x40, s25, s31, $0xb8;
	[tilespmem:$0x17E00] =	vst v63  }
0x342: {  	_ =	swait.ge [sflag:s3], $0x1400  }
0x343: {  	[sflag:s3] =	ssyncset.done $0x0  }
0x344: {  	[sflag:s3] =	ssyncadd.s32 $0xFFFFEC00  }
0x345: {  	_ =	swait.ge [sflag:s15], $0xA00  }
0x346: {  	[sflag:s15] =	ssyncset.done $0x0  }
0x347: {  	s28 =	simm.s32 $0x5730;
	[sflag:s15] =	ssyncadd.s32 $0xFFFFF600  }
0x348: {  	s16 =	simm.s32 $0x2EB0;
	v1 =	vld [tilespmem:s28+$0xFFFFFFF0]  }
0x349: {  	v2 =	vld [tilespmem:s16+$0x0];
	_ =	sdelay $0x2  }
0x34a: {  	v4 =	vld [tilespmem:s28+$0xFFFFFF30]  }
0x34b: {  	v6 =	vld [tilespmem:s28+$0xFFFFFF50];
	v3 =	vshll.u32 v1, $0x10  }
0x34c: {  	v10 =	vld [tilespmem:s16+$0xFFFFFFB0];
	v1 =	vand.u32 $0xFFFF0000, v1;
	v3 =	vmul.f32 v3, v2  }
0x34d: {  	s11 =	simm.s32 $0xA830;
	v7 =	vld [tilespmem:s16+$0xFFFFFFA0];
	v1 =	vmul.f32 v1, v2  }
0x34e: {  	v5 =	vld [tilespmem:s28+$0xFFFFFF10];
	[tilespmem:s11+$0xFFFFFFD0] =	vst v3  }
0x34f: {  	v15 =	vld [tilespmem:s16+$0xFFFFFF90];
	[tilespmem:s11+$0xFFFFFFE0] =	vst v1  }
0x350: {  	v14 =	vshll.u32 v6, $0x10;
	v8 =	vld [tilespmem:s28+$0x0]  }
0x351: {  	v14 =	vmul.f32 v14, v10;
	v1 =	vld [tilespmem:s28+$0xFFFFFF70];
	v3 =	vshll.u32 v4, $0x10  }
0x352: {  	v11 =	vld [tilespmem:s16+$0xFFFFFFC0];
	v4 =	vand.u32 $0xFFFF0000, v4;
	v3 =	vmul.f32 v3, v7  }
0x353: {  	v12 =	vld [tilespmem:s28+$0xFFFFFFB0];
	v6 =	vand.u32 $0xFFFF0000, v6;
	[tilespmem:s11+$0xFFFFFE90] =	vst v14;
	v4 =	vmul.f32 v4, v7  }
0x354: {  	v9 =	vld [tilespmem:s28+$0xFFFFFF90];
	v6 =	vmul.f32 v6, v10;
	v14 =	vshll.u32 v5, $0x10;
	v5 =	vand.u32 $0xFFFF0000, v5;
	[tilespmem:s11+$0xFFFFFE50] =	vst v3  }
0x355: {  	v5 =	vmul.f32 v5, v15;
	[tilespmem:s11+$0xFFFFFE60] =	vst v4;
	v4 =	vld [tilespmem:s16+$0xFFFFFFD0];
	v13 =	vand.u32 $0xFFFF0000, v8  }
0x356: {  	[tilespmem:s11+$0xFFFFFEA0] =	vst v6;
	v18 =	vld [tilespmem:s28+$0xFFFFFF40];
	v16 =	vshll.u32 v1, $0x10;
	v3 =	vmul.f32 v13, v2  }
0x357: {  	v19 =	vld [tilespmem:s28+$0xFFFFFF60];
	[tilespmem:s11+$0xFFFFFE20] =	vst v5;
	v17 =	vand.u32 $0xFFFF0000, v1;
	v16 =	vmul.f32 v16, v11  }
0x358: {  	v60 =	vshll.u32 v12, $0x10;
	v17 =	vmul.f32 v17, v11;
	[tilespmem:s11+$0x0] =	vst v3;
	v3 =	vld [tilespmem:s16+$0xFFFFFFE0]  }
0x359: {  	v12 =	vand.u32 $0xFFFF0000, v12;
	v6 =	vshll.u32 v9, $0x10;
	v14 =	vmul.f32 v14, v15;
	v13 =	vld [tilespmem:s28+$0xFFFFFFD0];
	[tilespmem:s11+$0xFFFFFED0] =	vst v16  }
0x35a: {  	v9 =	vand.u32 $0xFFFF0000, v9;
	v1 =	vld [tilespmem:s16+$0xFFFFFFF0];
	v5 =	vshll.u32 v8, $0x10;
	[tilespmem:s11+$0xFFFFFEE0] =	vst v17;
	v6 =	vmul.f32 v6, v4  }
0x35b: {  	[tilespmem:s11+$0xFFFFFE10] =	vst v14;
	v2 =	vmul.f32 v5, v2;
	v9 =	vmul.f32 v9, v4;
	v14 =	vld [tilespmem:s28+$0xFFFFFF80];
	v5 =	vshll.u32 v18, $0x10  }
0x35c: {  	[tilespmem:s11+$0xFFFFFF10] =	vst v6;
	v6 =	vand.u32 $0xFFFF0000, v18;
	v62 =	vmul.f32 v5, v7;
	v5 =	vshll.u32 v19, $0x10  }
0x35d: {  	v20 =	vld [tilespmem:s28+$0xFFFFFF20];
	[tilespmem:s11+$0xFFFFFF20] =	vst v9;
	v9 =	vmul.f32 v6, v7;
	v6 =	vand.u32 $0xFFFF0000, v19;
	v12 =	vmul.f32 v12, v3  }
0x35e: {  	v8 =	vmul.f32 v5, v10;
	v61 =	vshll.u32 v13, $0x10;
	v16 =	vmul.f32 v60, v3  }
0x35f: {  	v13 =	vand.u32 $0xFFFF0000, v13;
	v6 =	vmul.f32 v6, v10;
	v17 =	vmul.f32 v61, v1;
	[tilespmem:s11+$0xFFFFFF60] =	vst v12;
	v12 =	vld [tilespmem:s28+$0xFFFFFFA0]  }
0x360: {  	v13 =	vmul.f32 v13, v1;
	v5 =	vshll.u32 v14, $0x10;
	v10 =	vand.u32 $0xFFFF0000, v14;
	[tilespmem:s11+$0xFFFFFF50] =	vst v16  }
0x361: {  	v7 =	vmul.f32 v5, v11;
	[tilespmem:s11+$0xFFFFFF90] =	vst v17;
	v5 =	vmul.f32 v10, v11;
	v10 =	vld [tilespmem:s28+$0xFFFFFFC0]  }
0x362: {  	v63 =	vand.u32 $0xFFFF0000, v20;
	v11 =	vshll.u32 v20, $0x10;
	[tilespmem:s11+$0xFFFFFFA0] =	vst v13  }
0x363: {  	s14 =	simm.s32 $0x0;
	s25 =	simm.s32 $0x5830;
	s20 =	simm.s32 $0xA830;
	[tilespmem:s11+$0xFFFFFE70] =	vst v62;
	v13 =	vmul.f32 v63, v15;
	v14 =	vmul.f32 v11, v15;
	v11 =	vld [tilespmem:s28+$0xFFFFFFE0]  }
.LBB2_21:
0x364: {  	v15 =	vld [tilespmem:s25+$0xFFFFFFF0];
	[tilespmem:s11+$0xFFFFFE80] =	vst v9;
	v9 =	vshll.u32 v12, $0x10;
	v12 =	vand.u32 $0xFFFF0000, v12;
	s16 =	sadd.s32 $0x80, s16  }
0x365: {  	s14 =	sadd.s32 $0x8, s14;
	v16 =	vld [tilespmem:s16+$0x0];
	[tilespmem:s11+$0xFFFFFE30] =	vst v14;
	v9 =	vmul.f32 v9, v4;
	v4 =	vmul.f32 v12, v4  }
0x366: {  	p2 =	slt.u32 s14, $0x48;
	v12 =	vld [tilespmem:s25+$0xFFFFFF10];
	[tilespmem:s11+$0xFFFFFE40] =	vst v13;
	v13 =	vshll.u32 v10, $0x10;
	v10 =	vand.u32 $0xFFFF0000, v10  }
0x367: {  	v14 =	vld [tilespmem:s25+$0xFFFFFF30];
	[tilespmem:s11+$0xFFFFFEB0] =	vst v8;
	v8 =	vmul.f32 v13, v3;
	v3 =	vmul.f32 v10, v3  }
0x368: {  	v10 =	vld [tilespmem:s25+$0xFFFFFF50];
	[tilespmem:s11+$0xFFFFFEC0] =	vst v6;
	v6 =	vshll.u32 v11, $0x10;
	v11 =	vand.u32 $0xFFFF0000, v11  }
0x369: {  	v13 =	vld [tilespmem:s25+$0xFFFFFF70];
	v17 =	vshll.u32 v15, $0x10;
	[tilespmem:s11+$0xFFFFFEF0] =	vst v7;
	v6 =	vmul.f32 v6, v1;
	v1 =	vmul.f32 v11, v1  }
0x36a: {  	v11 =	vand.u32 $0xFFFF0000, v15;
	v7 =	vld [tilespmem:s25+$0xFFFFFF90];
	v15 =	vmul.f32 v17, v16;
	[tilespmem:s11+$0xFFFFFF00] =	vst v5  }
0x36b: {  	v11 =	vmul.f32 v11, v16;
	s11 =	sadd.s32 $0x200, s11;
	v5 =	vshll.u32 v12, $0x10;
	v12 =	vand.u32 $0xFFFF0000, v12;
	v17 =	vld [tilespmem:s25+$0xFFFFFFB0];
	[tilespmem:s20+$0xFFFFFF30] =	vst v9  }
0x36c: {  	v9 =	vshll.u32 v14, $0x10;
	v14 =	vand.u32 $0xFFFF0000, v14;
	v18 =	vld [tilespmem:s25+$0xFFFFFFD0];
	[tilespmem:s11+$0xFFFFFFD0] =	vst v15  }
0x36d: {  	v15 =	vld [tilespmem:s16+$0xFFFFFFA0];
	v19 =	vshll.u32 v10, $0x10;
	v10 =	vand.u32 $0xFFFF0000, v10;
	[tilespmem:s11+$0xFFFFFFE0] =	vst v11  }
0x36e: {  	v11 =	vshll.u32 v13, $0x10;
	v13 =	vand.u32 $0xFFFF0000, v13;
	v20 =	vld [tilespmem:s25+$0x0];
	[tilespmem:s20+$0xFFFFFF40] =	vst v4  }
0x36f: {  	v21 =	vld [tilespmem:s16+$0xFFFFFFB0];
	v22 =	vshll.u32 v7, $0x10;
	v7 =	vand.u32 $0xFFFF0000, v7;
	[tilespmem:s20+$0xFFFFFF70] =	vst v8  }
0x370: {  	v23 =	vld [tilespmem:s16+$0xFFFFFFC0];
	v8 =	vshll.u32 v17, $0x10;
	v17 =	vand.u32 $0xFFFF0000, v17;
	[tilespmem:s20+$0xFFFFFF80] =	vst v3  }
0x371: {  	v4 =	vld [tilespmem:s16+$0xFFFFFFD0];
	v24 =	vshll.u32 v18, $0x10;
	v18 =	vand.u32 $0xFFFF0000, v18;
	[tilespmem:s20+$0xFFFFFFB0] =	vst v6  }
0x372: {  	v6 =	vmul.f32 v9, v15;
	v9 =	vmul.f32 v14, v15;
	v3 =	vld [tilespmem:s16+$0xFFFFFFE0];
	[tilespmem:s20+$0xFFFFFFC0] =	vst v1  }
0x373: {  	v1 =	vld [tilespmem:s16+$0xFFFFFFF0];
	v14 =	vshll.u32 v20, $0x10;
	v20 =	vand.u32 $0xFFFF0000, v20;
	[tilespmem:s20+$0xFFFFFFF0] =	vst v2;
	s20 =	smov.u32 s11  }
0x374: {  	v25 =	vld [tilespmem:s16+$0xFFFFFF90];
	[tilespmem:s11+$0xFFFFFE50] =	vst v6;
	v2 =	vmul.f32 v19, v21;
	v6 =	vmul.f32 v20, v16  }
0x375: {  	[tilespmem:s11+$0xFFFFFE60] =	vst v9;
	v9 =	vmul.f32 v10, v21;
	v10 =	vmul.f32 v11, v23  }
0x376: {  	v13 =	vmul.f32 v13, v23;
	v11 =	vld [tilespmem:s25+$0xFFFFFF40];
	v19 =	vmul.f32 v22, v4;
	[tilespmem:s11+$0x0] =	vst v6  }
0x377: {  	v6 =	vmul.f32 v7, v4;
	[tilespmem:s11+$0xFFFFFE90] =	vst v2;
	v7 =	vmul.f32 v8, v3  }
0x378: {  	v17 =	vmul.f32 v17, v3;
	[tilespmem:s11+$0xFFFFFEA0] =	vst v9;
	v20 =	vmul.f32 v24, v1  }
0x379: {  	v5 =	vmul.f32 v5, v25;
	v8 =	vmul.f32 v12, v25;
	v12 =	vld [tilespmem:s25+$0xFFFFFF60];
	[tilespmem:s11+$0xFFFFFED0] =	vst v10  }
0x37a: {  	v2 =	vmul.f32 v14, v16;
	[tilespmem:s11+$0xFFFFFEE0] =	vst v13;
	v13 =	vmul.f32 v18, v1  }
0x37b: {  	[tilespmem:s11+$0xFFFFFE10] =	vst v5;
	v5 =	vshll.u32 v11, $0x10;
	v9 =	vand.u32 $0xFFFF0000, v11;
	v10 =	vld [tilespmem:s25+$0xFFFFFF80]  }
0x37c: {  	[tilespmem:s11+$0xFFFFFE20] =	vst v8;
	v11 =	vmul.f32 v5, v15;
	v9 =	vmul.f32 v9, v15  }
0x37d: {  	v14 =	vld [tilespmem:s25+$0xFFFFFF20];
	[tilespmem:s11+$0xFFFFFF10] =	vst v19  }
0x37e: {  	v5 =	vshll.u32 v12, $0x10;
	v12 =	vand.u32 $0xFFFF0000, v12;
	[tilespmem:s11+$0xFFFFFF20] =	vst v6  }
.Ltmp11:
0x37f: {  	v8 =	vmul.f32 v5, v21;
	v6 =	vmul.f32 v12, v21;
	v12 =	vld [tilespmem:s25+$0xFFFFFFA0];
	[tilespmem:s11+$0xFFFFFF50] =	vst v7;
	(pc) =	sbr.rel @p2 .LBB2_21-.Ltmp11, $4  }
0x380: {  	v5 =	vshll.u32 v10, $0x10;
	v10 =	vand.u32 $0xFFFF0000, v10;
	[tilespmem:s11+$0xFFFFFF60] =	vst v17  }
0x381: {  	v7 =	vmul.f32 v5, v23;
	v5 =	vmul.f32 v10, v23;
	v10 =	vld [tilespmem:s25+$0xFFFFFFC0];
	[tilespmem:s11+$0xFFFFFF90] =	vst v20  }
0x382: {  	v15 =	vshll.u32 v14, $0x10;
	v16 =	vand.u32 $0xFFFF0000, v14;
	[tilespmem:s11+$0xFFFFFFA0] =	vst v13  }
0x383: {  	v14 =	vmul.f32 v15, v25;
	v13 =	vmul.f32 v16, v25;
	[tilespmem:s11+$0xFFFFFE70] =	vst v11;
	v11 =	vld [tilespmem:s25+$0xFFFFFFE0];
	s25 =	sadd.s32 $0x100, s25  }
0x384: {  	[tilespmem:s11+$0xFFFFFE80] =	vst v9  }
0x385: {  	[tilespmem:s11+$0xFFFFFEB0] =	vst v8  }
0x386: {  	[tilespmem:s11+$0xFFFFFEC0] =	vst v6  }
0x387: {  	[tilespmem:s11+$0xFFFFFEF0] =	vst v7  }
0x388: {  	[tilespmem:s11+$0xFFFFFF00] =	vst v5  }
0x389: {  	v8 =	vshll.u32 v12, $0x10;
	[tilespmem:s20+$0xFFFFFFF0] =	vst v2  }
0x38a: {  	v6 =	vand.u32 $0xFFFF0000, v12;
	[tilespmem:s11+$0xFFFFFE30] =	vst v14;
	v8 =	vmul.f32 v8, v4  }
0x38b: {  	[tilespmem:s11+$0xFFFFFE40] =	vst v13;
	v4 =	vmul.f32 v6, v4;
	v6 =	vshll.u32 v10, $0x10  }
0x38c: {  	v5 =	vand.u32 $0xFFFF0000, v10;
	v6 =	vmul.f32 v6, v3;
	[tilespmem:s20+$0xFFFFFF30] =	vst v8  }
0x38d: {  	v3 =	vmul.f32 v5, v3;
	[tilespmem:s20+$0xFFFFFF40] =	vst v4;
	v5 =	vshll.u32 v11, $0x10  }
0x38e: {  	v4 =	vand.u32 $0xFFFF0000, v11;
	v5 =	vmul.f32 v5, v1;
	[tilespmem:s20+$0xFFFFFF70] =	vst v6  }
0x38f: {  	v1 =	vmul.f32 v4, v1;
	[tilespmem:s20+$0xFFFFFF80] =	vst v3  }
0x390: {  	[tilespmem:s20+$0xFFFFFFB0] =	vst v5  }
0x391: {  	s14 =	simm.s32 @!p1 $0xF0;
	s16 =	simm.s32 @!p1 $0x5640;
	s11 =	simm.s32 @!p1 $0x50;
	[tilespmem:s20+$0xFFFFFFC0] =	vst v1  }
0x392: {  	[tilespmem:s16], [sflag:$0x4] =	stream.indirect.gather @!p1 [hbm4b:s12+s11], $0x20, s14, s11, $0xb8;
	[tilespmem:$0x17E00] =	vst v63  }
0x393: {  	s25 =	simm.s32 $0x1EA0;
	s20 =	simm.s32 $0xA640  }
0x394: {  	[spmem:s1] =	stream.indirect.scatter.add.f32 [tilespmem:s20], [sflag:$0x9], $0x40, s25, s31, $0xb8;
	[tilespmem:$0x17E00] =	vst v63  }
0x395: {  	_ =	swait.ge [sflag:s9], $0x1400  }
0x396: {  	[sflag:s9] =	ssyncset.done $0x0  }
0x397: {  	[sflag:s9] =	ssyncadd.s32 $0xFFFFEC00  }
0x398: {  	_ =	swait.ge [sflag:s22], $0xA00  }
0x399: {  	[sflag:s22] =	ssyncset.done $0x0  }
0x39a: {  	s28 =	simm.s32 $0x6130;
	[sflag:s22] =	ssyncadd.s32 $0xFFFFF600  }
0x39b: {  	s16 =	simm.s32 $0x33B0;
	v1 =	vld [tilespmem:s28+$0xFFFFFFF0]  }
0x39c: {  	v2 =	vld [tilespmem:s16+$0x0];
	_ =	sdelay $0x2  }
0x39d: {  	v4 =	vld [tilespmem:s28+$0xFFFFFF30]  }
0x39e: {  	v6 =	vld [tilespmem:s28+$0xFFFFFF50];
	v3 =	vshll.u32 v1, $0x10  }
0x39f: {  	v10 =	vld [tilespmem:s16+$0xFFFFFFB0];
	v1 =	vand.u32 $0xFFFF0000, v1;
	v3 =	vmul.f32 v3, v2  }
0x3a0: {  	s11 =	simm.s32 $0xBC30;
	v7 =	vld [tilespmem:s16+$0xFFFFFFA0];
	v1 =	vmul.f32 v1, v2  }
0x3a1: {  	v5 =	vld [tilespmem:s28+$0xFFFFFF10];
	[tilespmem:s11+$0xFFFFFFD0] =	vst v3  }
0x3a2: {  	v15 =	vld [tilespmem:s16+$0xFFFFFF90];
	[tilespmem:s11+$0xFFFFFFE0] =	vst v1  }
0x3a3: {  	v14 =	vshll.u32 v6, $0x10;
	v8 =	vld [tilespmem:s28+$0x0]  }
0x3a4: {  	v14 =	vmul.f32 v14, v10;
	v1 =	vld [tilespmem:s28+$0xFFFFFF70];
	v3 =	vshll.u32 v4, $0x10  }
0x3a5: {  	v11 =	vld [tilespmem:s16+$0xFFFFFFC0];
	v4 =	vand.u32 $0xFFFF0000, v4;
	v3 =	vmul.f32 v3, v7  }
0x3a6: {  	v12 =	vld [tilespmem:s28+$0xFFFFFFB0];
	v6 =	vand.u32 $0xFFFF0000, v6;
	[tilespmem:s11+$0xFFFFFE90] =	vst v14;
	v4 =	vmul.f32 v4, v7  }
0x3a7: {  	v9 =	vld [tilespmem:s28+$0xFFFFFF90];
	v6 =	vmul.f32 v6, v10;
	v14 =	vshll.u32 v5, $0x10;
	v5 =	vand.u32 $0xFFFF0000, v5;
	[tilespmem:s11+$0xFFFFFE50] =	vst v3  }
0x3a8: {  	v5 =	vmul.f32 v5, v15;
	[tilespmem:s11+$0xFFFFFE60] =	vst v4;
	v4 =	vld [tilespmem:s16+$0xFFFFFFD0];
	v13 =	vand.u32 $0xFFFF0000, v8  }
0x3a9: {  	[tilespmem:s11+$0xFFFFFEA0] =	vst v6;
	v18 =	vld [tilespmem:s28+$0xFFFFFF40];
	v16 =	vshll.u32 v1, $0x10;
	v3 =	vmul.f32 v13, v2  }
0x3aa: {  	v19 =	vld [tilespmem:s28+$0xFFFFFF60];
	[tilespmem:s11+$0xFFFFFE20] =	vst v5;
	v17 =	vand.u32 $0xFFFF0000, v1;
	v16 =	vmul.f32 v16, v11  }
0x3ab: {  	v60 =	vshll.u32 v12, $0x10;
	v17 =	vmul.f32 v17, v11;
	[tilespmem:s11+$0x0] =	vst v3;
	v3 =	vld [tilespmem:s16+$0xFFFFFFE0]  }
0x3ac: {  	v12 =	vand.u32 $0xFFFF0000, v12;
	v6 =	vshll.u32 v9, $0x10;
	v14 =	vmul.f32 v14, v15;
	v13 =	vld [tilespmem:s28+$0xFFFFFFD0];
	[tilespmem:s11+$0xFFFFFED0] =	vst v16  }
0x3ad: {  	v9 =	vand.u32 $0xFFFF0000, v9;
	v1 =	vld [tilespmem:s16+$0xFFFFFFF0];
	v5 =	vshll.u32 v8, $0x10;
	[tilespmem:s11+$0xFFFFFEE0] =	vst v17;
	v6 =	vmul.f32 v6, v4  }
0x3ae: {  	[tilespmem:s11+$0xFFFFFE10] =	vst v14;
	v2 =	vmul.f32 v5, v2;
	v9 =	vmul.f32 v9, v4;
	v14 =	vld [tilespmem:s28+$0xFFFFFF80];
	v5 =	vshll.u32 v18, $0x10  }
0x3af: {  	[tilespmem:s11+$0xFFFFFF10] =	vst v6;
	v6 =	vand.u32 $0xFFFF0000, v18;
	v62 =	vmul.f32 v5, v7;
	v5 =	vshll.u32 v19, $0x10  }
0x3b0: {  	v20 =	vld [tilespmem:s28+$0xFFFFFF20];
	[tilespmem:s11+$0xFFFFFF20] =	vst v9;
	v9 =	vmul.f32 v6, v7;
	v6 =	vand.u32 $0xFFFF0000, v19;
	v12 =	vmul.f32 v12, v3  }
0x3b1: {  	v8 =	vmul.f32 v5, v10;
	v61 =	vshll.u32 v13, $0x10;
	v16 =	vmul.f32 v60, v3  }
0x3b2: {  	v13 =	vand.u32 $0xFFFF0000, v13;
	v6 =	vmul.f32 v6, v10;
	v17 =	vmul.f32 v61, v1;
	[tilespmem:s11+$0xFFFFFF60] =	vst v12;
	v12 =	vld [tilespmem:s28+$0xFFFFFFA0]  }
0x3b3: {  	v13 =	vmul.f32 v13, v1;
	v5 =	vshll.u32 v14, $0x10;
	v10 =	vand.u32 $0xFFFF0000, v14;
	[tilespmem:s11+$0xFFFFFF50] =	vst v16  }
0x3b4: {  	v7 =	vmul.f32 v5, v11;
	[tilespmem:s11+$0xFFFFFF90] =	vst v17;
	v5 =	vmul.f32 v10, v11;
	v10 =	vld [tilespmem:s28+$0xFFFFFFC0]  }
0x3b5: {  	v63 =	vand.u32 $0xFFFF0000, v20;
	v11 =	vshll.u32 v20, $0x10;
	[tilespmem:s11+$0xFFFFFFA0] =	vst v13  }
0x3b6: {  	s14 =	simm.s32 $0x0;
	s25 =	simm.s32 $0x6230;
	s20 =	simm.s32 $0xBC30;
	[tilespmem:s11+$0xFFFFFE70] =	vst v62;
	v13 =	vmul.f32 v63, v15;
	v14 =	vmul.f32 v11, v15;
	v11 =	vld [tilespmem:s28+$0xFFFFFFE0]  }
.LBB2_23:
0x3b7: {  	v15 =	vld [tilespmem:s25+$0xFFFFFFF0];
	[tilespmem:s11+$0xFFFFFE80] =	vst v9;
	v9 =	vshll.u32 v12, $0x10;
	v12 =	vand.u32 $0xFFFF0000, v12;
	s16 =	sadd.s32 $0x80, s16  }
0x3b8: {  	s14 =	sadd.s32 $0x8, s14;
	v16 =	vld [tilespmem:s16+$0x0];
	[tilespmem:s11+$0xFFFFFE30] =	vst v14;
	v9 =	vmul.f32 v9, v4;
	v4 =	vmul.f32 v12, v4  }
0x3b9: {  	p2 =	slt.u32 s14, $0x48;
	v12 =	vld [tilespmem:s25+$0xFFFFFF10];
	[tilespmem:s11+$0xFFFFFE40] =	vst v13;
	v13 =	vshll.u32 v10, $0x10;
	v10 =	vand.u32 $0xFFFF0000, v10  }
0x3ba: {  	v14 =	vld [tilespmem:s25+$0xFFFFFF30];
	[tilespmem:s11+$0xFFFFFEB0] =	vst v8;
	v8 =	vmul.f32 v13, v3;
	v3 =	vmul.f32 v10, v3  }
0x3bb: {  	v10 =	vld [tilespmem:s25+$0xFFFFFF50];
	[tilespmem:s11+$0xFFFFFEC0] =	vst v6;
	v6 =	vshll.u32 v11, $0x10;
	v11 =	vand.u32 $0xFFFF0000, v11  }
0x3bc: {  	v13 =	vld [tilespmem:s25+$0xFFFFFF70];
	v17 =	vshll.u32 v15, $0x10;
	[tilespmem:s11+$0xFFFFFEF0] =	vst v7;
	v6 =	vmul.f32 v6, v1;
	v1 =	vmul.f32 v11, v1  }
0x3bd: {  	v11 =	vand.u32 $0xFFFF0000, v15;
	v7 =	vld [tilespmem:s25+$0xFFFFFF90];
	v15 =	vmul.f32 v17, v16;
	[tilespmem:s11+$0xFFFFFF00] =	vst v5  }
0x3be: {  	v11 =	vmul.f32 v11, v16;
	s11 =	sadd.s32 $0x200, s11;
	v5 =	vshll.u32 v12, $0x10;
	v12 =	vand.u32 $0xFFFF0000, v12;
	v17 =	vld [tilespmem:s25+$0xFFFFFFB0];
	[tilespmem:s20+$0xFFFFFF30] =	vst v9  }
0x3bf: {  	v9 =	vshll.u32 v14, $0x10;
	v14 =	vand.u32 $0xFFFF0000, v14;
	v18 =	vld [tilespmem:s25+$0xFFFFFFD0];
	[tilespmem:s11+$0xFFFFFFD0] =	vst v15  }
0x3c0: {  	v15 =	vld [tilespmem:s16+$0xFFFFFFA0];
	v19 =	vshll.u32 v10, $0x10;
	v10 =	vand.u32 $0xFFFF0000, v10;
	[tilespmem:s11+$0xFFFFFFE0] =	vst v11  }
0x3c1: {  	v11 =	vshll.u32 v13, $0x10;
	v13 =	vand.u32 $0xFFFF0000, v13;
	v20 =	vld [tilespmem:s25+$0x0];
	[tilespmem:s20+$0xFFFFFF40] =	vst v4  }
0x3c2: {  	v21 =	vld [tilespmem:s16+$0xFFFFFFB0];
	v22 =	vshll.u32 v7, $0x10;
	v7 =	vand.u32 $0xFFFF0000, v7;
	[tilespmem:s20+$0xFFFFFF70] =	vst v8  }
0x3c3: {  	v23 =	vld [tilespmem:s16+$0xFFFFFFC0];
	v8 =	vshll.u32 v17, $0x10;
	v17 =	vand.u32 $0xFFFF0000, v17;
	[tilespmem:s20+$0xFFFFFF80] =	vst v3  }
0x3c4: {  	v4 =	vld [tilespmem:s16+$0xFFFFFFD0];
	v24 =	vshll.u32 v18, $0x10;
	v18 =	vand.u32 $0xFFFF0000, v18;
	[tilespmem:s20+$0xFFFFFFB0] =	vst v6  }
0x3c5: {  	v6 =	vmul.f32 v9, v15;
	v9 =	vmul.f32 v14, v15;
	v3 =	vld [tilespmem:s16+$0xFFFFFFE0];
	[tilespmem:s20+$0xFFFFFFC0] =	vst v1  }
0x3c6: {  	v1 =	vld [tilespmem:s16+$0xFFFFFFF0];
	v14 =	vshll.u32 v20, $0x10;
	v20 =	vand.u32 $0xFFFF0000, v20;
	[tilespmem:s20+$0xFFFFFFF0] =	vst v2;
	s20 =	smov.u32 s11  }
0x3c7: {  	v25 =	vld [tilespmem:s16+$0xFFFFFF90];
	[tilespmem:s11+$0xFFFFFE50] =	vst v6;
	v2 =	vmul.f32 v19, v21;
	v6 =	vmul.f32 v20, v16  }
0x3c8: {  	[tilespmem:s11+$0xFFFFFE60] =	vst v9;
	v9 =	vmul.f32 v10, v21;
	v10 =	vmul.f32 v11, v23  }
0x3c9: {  	v13 =	vmul.f32 v13, v23;
	v11 =	vld [tilespmem:s25+$0xFFFFFF40];
	v19 =	vmul.f32 v22, v4;
	[tilespmem:s11+$0x0] =	vst v6  }
0x3ca: {  	v6 =	vmul.f32 v7, v4;
	[tilespmem:s11+$0xFFFFFE90] =	vst v2;
	v7 =	vmul.f32 v8, v3  }
0x3cb: {  	v17 =	vmul.f32 v17, v3;
	[tilespmem:s11+$0xFFFFFEA0] =	vst v9;
	v20 =	vmul.f32 v24, v1  }
0x3cc: {  	v5 =	vmul.f32 v5, v25;
	v8 =	vmul.f32 v12, v25;
	v12 =	vld [tilespmem:s25+$0xFFFFFF60];
	[tilespmem:s11+$0xFFFFFED0] =	vst v10  }
0x3cd: {  	v2 =	vmul.f32 v14, v16;
	[tilespmem:s11+$0xFFFFFEE0] =	vst v13;
	v13 =	vmul.f32 v18, v1  }
0x3ce: {  	[tilespmem:s11+$0xFFFFFE10] =	vst v5;
	v5 =	vshll.u32 v11, $0x10;
	v9 =	vand.u32 $0xFFFF0000, v11;
	v10 =	vld [tilespmem:s25+$0xFFFFFF80]  }
0x3cf: {  	[tilespmem:s11+$0xFFFFFE20] =	vst v8;
	v11 =	vmul.f32 v5, v15;
	v9 =	vmul.f32 v9, v15  }
0x3d0: {  	v14 =	vld [tilespmem:s25+$0xFFFFFF20];
	[tilespmem:s11+$0xFFFFFF10] =	vst v19  }
0x3d1: {  	v5 =	vshll.u32 v12, $0x10;
	v12 =	vand.u32 $0xFFFF0000, v12;
	[tilespmem:s11+$0xFFFFFF20] =	vst v6  }
.Ltmp12:
0x3d2: {  	v8 =	vmul.f32 v5, v21;
	v6 =	vmul.f32 v12, v21;
	v12 =	vld [tilespmem:s25+$0xFFFFFFA0];
	[tilespmem:s11+$0xFFFFFF50] =	vst v7;
	(pc) =	sbr.rel @p2 .LBB2_23-.Ltmp12, $4  }
0x3d3: {  	v5 =	vshll.u32 v10, $0x10;
	v10 =	vand.u32 $0xFFFF0000, v10;
	[tilespmem:s11+$0xFFFFFF60] =	vst v17  }
0x3d4: {  	v7 =	vmul.f32 v5, v23;
	v5 =	vmul.f32 v10, v23;
	v10 =	vld [tilespmem:s25+$0xFFFFFFC0];
	[tilespmem:s11+$0xFFFFFF90] =	vst v20  }
0x3d5: {  	v15 =	vshll.u32 v14, $0x10;
	v16 =	vand.u32 $0xFFFF0000, v14;
	[tilespmem:s11+$0xFFFFFFA0] =	vst v13  }
0x3d6: {  	v14 =	vmul.f32 v15, v25;
	v13 =	vmul.f32 v16, v25;
	[tilespmem:s11+$0xFFFFFE70] =	vst v11;
	v11 =	vld [tilespmem:s25+$0xFFFFFFE0];
	s25 =	sadd.s32 $0x100, s25  }
0x3d7: {  	[tilespmem:s11+$0xFFFFFE80] =	vst v9  }
0x3d8: {  	[tilespmem:s11+$0xFFFFFEB0] =	vst v8  }
0x3d9: {  	[tilespmem:s11+$0xFFFFFEC0] =	vst v6  }
0x3da: {  	[tilespmem:s11+$0xFFFFFEF0] =	vst v7  }
0x3db: {  	[tilespmem:s11+$0xFFFFFF00] =	vst v5  }
0x3dc: {  	v57 =	vshll.u32 v12, $0x10;
	[tilespmem:s20+$0xFFFFFFF0] =	vst v2  }
0x3dd: {  	v58 =	vand.u32 $0xFFFF0000, v12;
	[tilespmem:s11+$0xFFFFFE30] =	vst v14;
	v8 =	vmul.f32 v57, v4  }
0x3de: {  	[tilespmem:s11+$0xFFFFFE40] =	vst v13;
	v59 =	vmul.f32 v58, v4;
	v60 =	vshll.u32 v10, $0x10  }
0x3df: {  	v61 =	vand.u32 $0xFFFF0000, v10;
	v6 =	vmul.f32 v60, v3;
	[tilespmem:s20+$0xFFFFFF30] =	vst v8  }
.Ltmp13:
0x3e0: {  	v3 =	vmul.f32 v61, v3;
	[tilespmem:s20+$0xFFFFFF40] =	vst v59;
	v62 =	vshll.u32 v11, $0x10;
	(pc) =	sbr.rel @p1 .LBB2_26-.Ltmp13, $4  }
0x3e1: {  	v63 =	vand.u32 $0xFFFF0000, v11;
	v5 =	vmul.f32 v62, v1;
	[tilespmem:s20+$0xFFFFFF70] =	vst v6  }
0x3e2: {  	v1 =	vmul.f32 v63, v1;
	[tilespmem:s20+$0xFFFFFF80] =	vst v3  }
0x3e3: {  	[tilespmem:s20+$0xFFFFFFB0] =	vst v5  }
0x3e4: {  	[tilespmem:s20+$0xFFFFFFC0] =	vst v1  }
0x3e5: {  	s11 =	simm.s32 $0x140;
	s25 =	smul.u32 $0x320, s23;
	s28 =	rddreg [dreg:$0x11]  }
0x3e6: {  	[tilespmem:s30], [sflag:$0x5] =	stream.indirect.gather [hbm4b:s12+s31], $0x20, s11, s31, $0xb8;
	[tilespmem:$0x17E00] =	vst v63  }
.Ltmp14:
0x3e7: {  	s14 =	simm.s32 $0x1EF0;
	s11 =	sadd.s32 s25, s28;
	(pc) =	sbr.rel .LBB2_4-.Ltmp14, $4  }
0x3e8: {  	[spmem:s1] =	stream.indirect.scatter.add.f32 [tilespmem:s10], [sflag:$0xA], $0x40, s14, s31, $0xb8;
	[tilespmem:$0x17E00] =	vst v63  }
0x3e9: {  	s11 =	sshrl.u32 s11, $0x3  }
0x3ea: {  	s23 =	sadd.s32 $0x1, s23;
	s30 =	simm.s32 $0x190;
	s11 =	sadd.s32 s5, s11  }
0x3eb: {  	[tilespmem:s30], [sflag:$0xC] =	stream.linear.gather [hbm4b:s11+s2], $0x190, $0x38;
	[tilespmem:$0x17E00] =	vst v63  }
.LBB2_27:
0x3ec: {  	_ =	sfence.sel $0x180000  }
0x3ed: {  	[bflag:$0x0] =	sbarrier.arrive $0xFFFF  }
0x3ee: {  	_ =	strace $0x90000047  }
0x3ef: {  	s0 =	stileid.u32;
	[bflag:$0x2] =	sbarrier.arrive $0xFFFF  }
0x3f0: {  	p0 =	sne.s32 s0, $0x0;
	s0 =	rddreg [dreg:$0x3]  }
0x3f1: {  	s0 =	sadd.s32 @!p0 $0x100000, s0  }
0x3f2: {  	[sflag:s0] =	ssyncadd.tile.s32 @!p0 $0x1;
	_ =	shalt  }
.Lfunc_end2:
_tile_overlayer_lowered:
.L_overlay_start_2:
0x3f3: {  	(tag) =	ssettag $0x2  }
0x3f4: {  	s0 =	rddreg [dreg:$0x0];
	s2 =	stileid.u32  }
0x3f5: {  	s1 =	rddreg [dreg:$0x1];
	p0 =	sne.s32 s2, $0x0  }
0x3f6: {  	s3 =	rddreg [dreg:$0x2];
	[bflag:$0x3] =	sbarrier.arrive $0xFFFF;
	s2 =	simm.s32 @!p0 $0x1C0F  }
0x3f7: {  	[timem:s3], [sflag:s2] =	dma.local @!p0 [hbm:s0], s1  }
0x3f8: {  	s0 =	simm.s32 @!p0 $0xF  }
0x3f9: {  	_ =	swait.ge @!p0 [sflag:s0], s1  }
0x3fa: {  	s1 =	ssub.s32 @!p0 $0x0, s1;
	[sflag:s0] =	ssyncset.done @!p0 $0x0  }
0x3fb: {  	[sflag:s0] =	ssyncadd.s32 @!p0 s1  }
0x3fc: {  	[bflag:$0x3] =	sbarrier.arrive $0xFFFF  }
0x3fd: {  	_ =	shalt  }

</sc_bundles>
